<compile_context>
chip_gen: v7x
topology: tpu7x:2x2x1
jax: 0.10.2.dev20260603
libtpu: 0.0.44.dev20260713+nightly
codegen_flags: <defaults>
</compile_context>

<pallas_src>
import jax
import jax.numpy as jnp
from jax import lax
from jax.experimental import pallas as pl
from jax.experimental.pallas import tpu as pltpu
from jax.experimental.pallas import tpu_sc as plsc

BATCH = 16384
D = 32
NW = 32
RPW = BATCH // NW


DEPTH = 6
OCOLS = 128


def _sc_gather_body(uidx_hbm, iidx_hbm, tumf, timf, tumlp, timlp,
                    out_umf, out_imf, out_umlp, out_imlp,
                    uidx_v, iidx_v, stage, obufs,
                    sem0, sem1, sem2, sem3, sem4, sem5):
    c = lax.axis_index("c")
    s = lax.axis_index("s")
    wid = s * 2 + c
    wbase = wid * RPW
    pltpu.sync_copy(uidx_hbm.at[pl.ds(wbase, RPW)], uidx_v)
    pltpu.sync_copy(iidx_hbm.at[pl.ds(wbase, RPW)], iidx_v)
    tables = (tumf, timf, tumlp, timlp)
    outs = (out_umf, out_imf, out_umlp, out_imlp)
    sems = (sem0, sem1, sem2, sem3, sem4, sem5)
    iota = lax.iota(jnp.int32, 16)
    iota16 = iota + 16

    def splat_at(idx_v, i):
        return plsc.load_gather(idx_v, [jnp.full((16,), i, jnp.int32)])

    def issue(i, q):
        ru = jnp.max(splat_at(uidx_v, i))
        ri = jnp.max(splat_at(iidx_v, i))
        su = pl.multiple_of(ru & -128, 128)
        si = pl.multiple_of(ri & -128, 128)
        for t, tab in enumerate(tables):
            st = su if t in (0, 2) else si
            pltpu.async_copy(tab.at[:, pl.ds(st, 128)], stage.at[q, t],
                             sems[q])

    def drain(q):
        for t in range(4):
            pltpu.make_async_copy(tumf.at[:, pl.ds(0, 128)],
                                  stage.at[q, t], sems[q]).wait()

    def extract(i, q):
        cu = splat_at(uidx_v, i) & 127
        ci = splat_at(iidx_v, i) & 127
        col = jnp.full((16,), i & (OCOLS - 1), jnp.int32)
        for t in range(4):
            cc = cu if t in (0, 2) else ci
            v0 = plsc.load_gather(stage.at[q, t], [iota, cc])
            v1 = plsc.load_gather(stage.at[q, t], [iota16, cc])
            plsc.store_scatter(obufs.at[t], [iota, col], v0)
            plsc.store_scatter(obufs.at[t], [iota16, col], v1)

    def loop_body(ss, carry):
        for q in range(DEPTH):
            i = ss * DEPTH + q
            pos = i - DEPTH

            @pl.when((i >= DEPTH) & (pos < RPW))
            def _():
                drain(q)
                extract(pos, q)

            @pl.when(i < RPW)
            def _():
                issue(i, q)

            @pl.when((pos >= 0) & (pos < RPW) & ((pos & (OCOLS - 1)) == OCOLS - 1))
            def _():
                blk = pl.multiple_of(wbase + (pos - (OCOLS - 1)), OCOLS)
                for t in range(4):
                    pltpu.sync_copy(obufs.at[t],
                                    outs[t].at[:, pl.ds(blk, OCOLS)])
        return carry

    lax.fori_loop(0, (RPW + DEPTH + DEPTH - 1) // DEPTH, loop_body, 0)


def _sc_gather(uidx, iidx, tumf, timf, tumlp, timlp):
    out = jax.ShapeDtypeStruct((D, BATCH), jnp.float32)
    mesh = plsc.VectorSubcoreMesh(core_axis_name="c", subcore_axis_name="s")
    fn = pl.kernel(
        _sc_gather_body,
        out_type=(out, out, out, out),
        mesh=mesh,
        scratch_types=[
            pltpu.VMEM((RPW,), jnp.int32),
            pltpu.VMEM((RPW,), jnp.int32),
            pltpu.VMEM((DEPTH, 4, D, 128), jnp.float32),
            pltpu.VMEM((4, D, OCOLS), jnp.float32),
            pltpu.SemaphoreType.DMA,
            pltpu.SemaphoreType.DMA,
            pltpu.SemaphoreType.DMA,
            pltpu.SemaphoreType.DMA,
            pltpu.SemaphoreType.DMA,
            pltpu.SemaphoreType.DMA,
        ],
        compiler_params=pltpu.CompilerParams(needs_layout_passes=False),
    )
    return fn(uidx, iidx, tumf, timf, tumlp, timlp)


def _tc_dense_body(umlp_ref, imlp_ref, umf_ref, imf_ref,
                   w1u_ref, w1i_ref, b1_ref, w2_ref, b2_ref,
                   wl1_ref, wl2_ref, bl_ref, out_ref):
    h1 = jnp.dot(w1u_ref[...], umlp_ref[...],
                 preferred_element_type=jnp.float32)
    h1 = h1 + jnp.dot(w1i_ref[...], imlp_ref[...],
                      preferred_element_type=jnp.float32)
    h1 = jnp.maximum(h1 + b1_ref[...], 0.0)
    h2 = jnp.dot(w2_ref[...], h1, preferred_element_type=jnp.float32)
    h2 = jnp.maximum(h2 + b2_ref[...], 0.0)
    mf = umf_ref[...] * imf_ref[...]
    logit = (jnp.sum(h2 * wl1_ref[...], axis=0, keepdims=True)
             + jnp.sum(mf * wl2_ref[...], axis=0, keepdims=True)
             + bl_ref[0, 0])
    scaled = 2.5 * (jnp.tanh(logit) + 1.0)
    acc = jnp.zeros_like(scaled)
    for n in range(5):
        acc = acc + jax.nn.sigmoid(10.0 * (scaled - (0.5 + n)))
    out_ref[...] = acc


def _tc_dense(umlp, imlp, umf, imf,
              W1uT, W1iT, b1c, W2T, b2c, wl1c, wl2c, bl, *,
              bm=4096, interpret=False):
    nblk = BATCH // bm
    row_spec = pl.BlockSpec((D, bm), lambda i: (0, i))

    def wspec(shape):
        return pl.BlockSpec(shape, lambda i: (0, 0))

    return pl.pallas_call(
        _tc_dense_body,
        grid=(nblk,),
        in_specs=[
            row_spec, row_spec, row_spec, row_spec,
            wspec((D, D)), wspec((D, D)), wspec((D, 1)),
            wspec((16, D)), wspec((16, 1)),
            wspec((16, 1)), wspec((D, 1)), wspec((1, 1)),
        ],
        out_specs=pl.BlockSpec((1, bm), lambda i: (0, i)),
        out_shape=jax.ShapeDtypeStruct((1, BATCH), jnp.float32),
        compiler_params=pltpu.CompilerParams(
            dimension_semantics=("parallel",)),
        interpret=interpret,
    )(umlp, imlp, umf, imf, W1uT, W1iT, b1c, W2T, b2c, wl1c, wl2c, bl)


def kernel(user_indices, item_indices, U_mf, I_mf, U_mlp, I_mlp,
           W1, b1, W2, b2, Wl, bl):
    uidx = user_indices.astype(jnp.int32)
    iidx = item_indices.astype(jnp.int32)
    g_umf, g_imf, g_umlp, g_imlp = _sc_gather(
        uidx, iidx, U_mf.T, I_mf.T, U_mlp.T, I_mlp.T)
    W1uT = W1[:D].T
    W1iT = W1[D:].T
    b1c = b1.reshape(D, 1)
    b2c = b2.reshape(16, 1)
    wl1c = Wl[:16, 0].reshape(16, 1)
    wl2c = Wl[16:, 0].reshape(D, 1)
    blr = bl.reshape(1, 1)
    out = _tc_dense(g_umlp, g_imlp, g_umf, g_imf,
                    W1uT, W1iT, b1c, W2.T, b2c, wl1c, wl2c, blr)
    return out.reshape(BATCH, 1)

# --- scband reference (transcript-rebuilt; emitter-appended) ---
"""Pipeline reference for scband-neu-mf-6451040878772 (READ-ONLY COPY).

The authoritative reference and input builder live on the scoring server;
editing this copy changes nothing except your own understanding.
"""

import jax, jax.numpy as jnp
import numpy as np

NUM_USERS = 1000000
NUM_ITEMS = 1000000
D_MF = 32
D_MLP = 32
BATCH = 16384


def setup_inputs(seed: int = 0) -> dict:
    key = jax.random.key(seed)
    ks = jax.random.split(key, 12)
    user_indices = jax.random.randint(ks[0], (BATCH,), 0, NUM_USERS, dtype=jnp.int64 if jax.config.jax_enable_x64 else jnp.int32)
    item_indices = jax.random.randint(ks[1], (BATCH,), 0, NUM_ITEMS, dtype=jnp.int64 if jax.config.jax_enable_x64 else jnp.int32)
    U_mf = jax.random.normal(ks[2], (NUM_USERS, D_MF), dtype=jnp.float32) * 0.01
    I_mf = jax.random.normal(ks[3], (NUM_ITEMS, D_MF), dtype=jnp.float32) * 0.01
    U_mlp = jax.random.normal(ks[4], (NUM_USERS, D_MLP), dtype=jnp.float32) * 0.01
    I_mlp = jax.random.normal(ks[5], (NUM_ITEMS, D_MLP), dtype=jnp.float32) * 0.01
    # fc layers: [64 -> 32, 32 -> 16]
    W1 = jax.random.normal(ks[6], (64, 32), dtype=jnp.float32) * (1.0 / np.sqrt(64))
    b1 = jnp.zeros((32,), dtype=jnp.float32)
    W2 = jax.random.normal(ks[7], (32, 16), dtype=jnp.float32) * (1.0 / np.sqrt(32))
    b2 = jnp.zeros((16,), dtype=jnp.float32)
    # logits: Linear(16 + 32, 1)
    Wl = jax.random.normal(ks[8], (48, 1), dtype=jnp.float32) * (1.0 / np.sqrt(48))
    bl = jnp.zeros((1,), dtype=jnp.float32)
    return {"user_indices": user_indices, "item_indices": item_indices,
            "U_mf": U_mf, "I_mf": I_mf, "U_mlp": U_mlp, "I_mlp": I_mlp,
            "W1": W1, "b1": b1, "W2": W2, "b2": b2, "Wl": Wl, "bl": bl}


def sigmoid_approx(x, steps=5, k=10.0):
    approximation = jnp.zeros_like(x)
    for n in range(steps):
        x_n = 0.5 + n
        approximation = approximation + jax.nn.sigmoid(k * (x - x_n))
    return approximation


def reference(user_indices, item_indices, U_mf, I_mf, U_mlp, I_mlp, W1, b1, W2, b2, Wl, bl):
    user_embedding_mlp = jnp.take(U_mlp, user_indices, axis=0)
    item_embedding_mlp = jnp.take(I_mlp, item_indices, axis=0)
    user_embedding_mf = jnp.take(U_mf, user_indices, axis=0)
    item_embedding_mf = jnp.take(I_mf, item_indices, axis=0)
    mf_vector = user_embedding_mf * item_embedding_mf
    # dropout_rate_mf = 0.0 -> identity
    mlp_vector = jnp.concatenate([user_embedding_mlp, item_embedding_mlp], axis=-1)
    mlp_vector = jax.nn.relu(mlp_vector @ W1 + b1)
    mlp_vector = jax.nn.relu(mlp_vector @ W2 + b2)
    # dropout_rate_mlp = 0.0 -> identity
    vector = jnp.concatenate([mlp_vector, mf_vector], axis=-1)
    logits = vector @ Wl + bl
    scaled_logits = 2.5 * (jnp.tanh(logits) + 1.0)
    rounded_output = sigmoid_approx(scaled_logits, steps=5, k=10.0)
    return rounded_output

if __name__ == "__main__":
    import jax
    _d = setup_inputs()
    print(jax.jit(kernel)(*tuple(_d.values())))

</pallas_src>

<mosaic_0001>
#map = affine_map<(d0, d1) -> (0)>
#map1 = affine_map<(d0, d1) -> (0, 0)>
module attributes {stable_mosaic.version = 14 : i64} {
  func.func @_sc_gather_body(%arg0: i32, %arg1: i32, %arg2: memref<16384xi32, #tpu.memory_space<hbm>>, %arg3: memref<16384xi32, #tpu.memory_space<hbm>>, %arg4: memref<32x1000000xf32, #tpu.memory_space<hbm>>, %arg5: memref<32x1000000xf32, #tpu.memory_space<hbm>>, %arg6: memref<32x1000000xf32, #tpu.memory_space<hbm>>, %arg7: memref<32x1000000xf32, #tpu.memory_space<hbm>>, %arg8: memref<32x16384xf32, #tpu.memory_space<hbm>>, %arg9: memref<32x16384xf32, #tpu.memory_space<hbm>>, %arg10: memref<32x16384xf32, #tpu.memory_space<hbm>>, %arg11: memref<32x16384xf32, #tpu.memory_space<hbm>>, %arg12: memref<512xi32, #tpu.memory_space<vmem>>, %arg13: memref<512xi32, #tpu.memory_space<vmem>>, %arg14: memref<6x4x32x128xf32, #tpu.memory_space<vmem>>, %arg15: memref<4x32x128xf32, #tpu.memory_space<vmem>>, %arg16: memref<!tpu.dma_semaphore, #tpu.memory_space<semaphore_mem>>, %arg17: memref<!tpu.dma_semaphore, #tpu.memory_space<semaphore_mem>>, %arg18: memref<!tpu.dma_semaphore, #tpu.memory_space<semaphore_mem>>, %arg19: memref<!tpu.dma_semaphore, #tpu.memory_space<semaphore_mem>>, %arg20: memref<!tpu.dma_semaphore, #tpu.memory_space<semaphore_mem>>, %arg21: memref<!tpu.dma_semaphore, #tpu.memory_space<semaphore_mem>>) attributes {dimension_semantics = [#tpu.dimension_semantics<core_parallel>, #tpu.dimension_semantics<subcore_parallel>], iteration_bounds = array<i64: 2, 16>, scalar_prefetch = 0 : i64, scratch_operands = 10 : i64, tpu.core_type = #tpu.core_type<sc_vector_subcore>, window_params = [{transform_indices = #map}, {transform_indices = #map}, {transform_indices = #map1}, {transform_indices = #map1}, {transform_indices = #map1}, {transform_indices = #map1}, {transform_indices = #map1}, {transform_indices = #map1}, {transform_indices = #map1}, {transform_indices = #map1}]} {
    %mul3A = arith.constant 2 : i32
    %mul3A_0 = arith.muli %arg1, %mul3A : i32
    %add3A = arith.addi %mul3A_0, %arg0 : i32
    %mul3A_1 = arith.constant 512 : i32
    %mul3A_2 = arith.muli %add3A, %mul3A_1 : i32
    "tpu.region"() ({
      %run_scoped3A = tpu.sem_alloc : memref<!tpu.dma_semaphore, #tpu.memory_space<semaphore_mem>>
      %dma_start3A = tpu.memref_slice %arg2[%mul3A_2] : memref<16384xi32, #tpu.memory_space<hbm>> -> memref<512xi32, #tpu.memory_space<hbm>>
      %dma_start3A_11 = tpu.memref_slice %arg2[%mul3A_2] : memref<16384xi32, #tpu.memory_space<hbm>> -> memref<512xi32, #tpu.memory_space<hbm>>
      tpu.enqueue_dma source(%dma_start3A_11 : memref<512xi32, #tpu.memory_space<hbm>>) target(%arg12 : memref<512xi32, #tpu.memory_space<vmem>>) target_semaphore(%run_scoped3A : memref<!tpu.dma_semaphore, #tpu.memory_space<semaphore_mem>>)
      %dma_wait3A = tpu.memref_slice %arg2[%mul3A_2] : memref<16384xi32, #tpu.memory_space<hbm>> -> memref<512xi32, #tpu.memory_space<hbm>>
      %dma_wait3A_12 = tpu.memref_slice %arg2[%mul3A_2] : memref<16384xi32, #tpu.memory_space<hbm>> -> memref<512xi32, #tpu.memory_space<hbm>>
      tpu.wait_dma2 semaphore(%run_scoped3A : memref<!tpu.dma_semaphore, #tpu.memory_space<semaphore_mem>>) src(%dma_wait3A_12 : memref<512xi32, #tpu.memory_space<hbm>>) dst(%arg12 : memref<512xi32, #tpu.memory_space<vmem>>)
      tpu.yield
    }) : () -> ()
    "tpu.region"() ({
      %run_scoped3A = tpu.sem_alloc : memref<!tpu.dma_semaphore, #tpu.memory_space<semaphore_mem>>
      %dma_start3A = tpu.memref_slice %arg3[%mul3A_2] : memref<16384xi32, #tpu.memory_space<hbm>> -> memref<512xi32, #tpu.memory_space<hbm>>
      %dma_start3A_11 = tpu.memref_slice %arg3[%mul3A_2] : memref<16384xi32, #tpu.memory_space<hbm>> -> memref<512xi32, #tpu.memory_space<hbm>>
      tpu.enqueue_dma source(%dma_start3A_11 : memref<512xi32, #tpu.memory_space<hbm>>) target(%arg13 : memref<512xi32, #tpu.memory_space<vmem>>) target_semaphore(%run_scoped3A : memref<!tpu.dma_semaphore, #tpu.memory_space<semaphore_mem>>)
      %dma_wait3A = tpu.memref_slice %arg3[%mul3A_2] : memref<16384xi32, #tpu.memory_space<hbm>> -> memref<512xi32, #tpu.memory_space<hbm>>
      %dma_wait3A_12 = tpu.memref_slice %arg3[%mul3A_2] : memref<16384xi32, #tpu.memory_space<hbm>> -> memref<512xi32, #tpu.memory_space<hbm>>
      tpu.wait_dma2 semaphore(%run_scoped3A : memref<!tpu.dma_semaphore, #tpu.memory_space<semaphore_mem>>) src(%dma_wait3A_12 : memref<512xi32, #tpu.memory_space<hbm>>) dst(%arg13 : memref<512xi32, #tpu.memory_space<vmem>>)
      tpu.yield
    }) : () -> ()
    %iota3A = tpu.iota {dimensions = array<i32: 0>} : vector<16xi32>
    %add3A_3 = arith.constant 16 : i32
    %add3A_4 = vector.broadcast %add3A_3 : i32 to vector<16xi32>
    %add3A_5 = arith.addi %iota3A, %add3A_4 : vector<16xi32>
    %scan3A = arith.constant 0 : i32
    %scan3A_6 = arith.constant 0 : i32
    %scan3A_7 = arith.constant 87 : i32
    %scan3A_8 = arith.addi %scan3A_6, %scan3A_7 : i32
    %scan3A_9 = arith.constant 1 : i32
    scf.for %scan3A_11 = %scan3A_6 to %scan3A_8 step %scan3A_9  : i32 {
      %mul3A_12 = arith.constant 6 : i32
      %mul3A_13 = arith.muli %scan3A_11, %mul3A_12 : i32
      %add3A_14 = arith.constant 0 : i32
      %add3A_15 = arith.addi %mul3A_13, %add3A_14 : i32
      %sub3A = arith.constant 6 : i32
      %sub3A_16 = arith.subi %add3A_15, %sub3A : i32
      %ge3A = arith.constant 6 : i32
      %ge3A_17 = arith.cmpi sge, %add3A_15, %ge3A : i32
      %lt3A = arith.constant 512 : i32
      %lt3A_18 = arith.cmpi slt, %sub3A_16, %lt3A : i32
      %and3A = arith.andi %ge3A_17, %lt3A_18 : i1
      %convert_element_type3A = arith.extui %and3A : i1 to i32
      %cond3A = arith.constant 0 : i32
      %cond3A_19 = arith.cmpi ne, %convert_element_type3A, %cond3A : i32
      scf.if %cond3A_19 {
        %dma_wait3A = arith.constant 0 : i32
        %dma_wait3A_197 = arith.constant 0 : i32
        %dma_wait3A_198 = arith.constant 0 : i32
        %dma_wait3A_199 = arith.constant 0 : i32
        %dma_wait3A_200 = tpu.memref_slice %arg14[%dma_wait3A, %dma_wait3A_197, %dma_wait3A_198, %dma_wait3A_199] : memref<6x4x32x128xf32, #tpu.memory_space<vmem>> -> memref<1x1x32x128xf32, #tpu.memory_space<vmem>>
        %dma_wait3A_201 = tpu.memref_squeeze %dma_wait3A_200 : memref<1x1x32x128xf32, #tpu.memory_space<vmem>> -> memref<32x128xf32, #tpu.memory_space<vmem>>
        %dma_wait3A_202 = arith.constant 0 : i32
        %dma_wait3A_203 = arith.constant 0 : i32
        %dma_wait3A_204 = tpu.memref_slice %arg4[%dma_wait3A_202, %dma_wait3A_203] : memref<32x1000000xf32, #tpu.memory_space<hbm>> -> memref<32x128xf32, #tpu.memory_space<hbm>>
        %dma_wait3A_205 = arith.constant 0 : i32
        %dma_wait3A_206 = arith.constant 0 : i32
        %dma_wait3A_207 = tpu.memref_slice %arg14[%dma_wait3A, %dma_wait3A_197, %dma_wait3A_205, %dma_wait3A_206] : memref<6x4x32x128xf32, #tpu.memory_space<vmem>> -> memref<1x1x32x128xf32, #tpu.memory_space<vmem>>
        %dma_wait3A_208 = tpu.memref_squeeze %dma_wait3A_207 : memref<1x1x32x128xf32, #tpu.memory_space<vmem>> -> memref<32x128xf32, #tpu.memory_space<vmem>>
        %dma_wait3A_209 = arith.constant 0 : i32
        %dma_wait3A_210 = arith.constant 0 : i32
        %dma_wait3A_211 = tpu.memref_slice %arg4[%dma_wait3A_209, %dma_wait3A_210] : memref<32x1000000xf32, #tpu.memory_space<hbm>> -> memref<32x128xf32, #tpu.memory_space<hbm>>
        tpu.wait_dma2 semaphore(%arg16 : memref<!tpu.dma_semaphore, #tpu.memory_space<semaphore_mem>>) src(%dma_wait3A_211 : memref<32x128xf32, #tpu.memory_space<hbm>>) dst(%dma_wait3A_208 : memref<32x128xf32, #tpu.memory_space<vmem>>)
        %dma_wait3A_212 = arith.constant 0 : i32
        %dma_wait3A_213 = arith.constant 1 : i32
        %dma_wait3A_214 = arith.constant 0 : i32
        %dma_wait3A_215 = arith.constant 0 : i32
        %dma_wait3A_216 = tpu.memref_slice %arg14[%dma_wait3A_212, %dma_wait3A_213, %dma_wait3A_214, %dma_wait3A_215] : memref<6x4x32x128xf32, #tpu.memory_space<vmem>> -> memref<1x1x32x128xf32, #tpu.memory_space<vmem>>
        %dma_wait3A_217 = tpu.memref_squeeze %dma_wait3A_216 : memref<1x1x32x128xf32, #tpu.memory_space<vmem>> -> memref<32x128xf32, #tpu.memory_space<vmem>>
        %dma_wait3A_218 = arith.constant 0 : i32
        %dma_wait3A_219 = arith.constant 0 : i32
        %dma_wait3A_220 = tpu.memref_slice %arg4[%dma_wait3A_218, %dma_wait3A_219] : memref<32x1000000xf32, #tpu.memory_space<hbm>> -> memref<32x128xf32, #tpu.memory_space<hbm>>
        %dma_wait3A_221 = arith.constant 0 : i32
        %dma_wait3A_222 = arith.constant 0 : i32
        %dma_wait3A_223 = tpu.memref_slice %arg14[%dma_wait3A_212, %dma_wait3A_213, %dma_wait3A_221, %dma_wait3A_222] : memref<6x4x32x128xf32, #tpu.memory_space<vmem>> -> memref<1x1x32x128xf32, #tpu.memory_space<vmem>>
        %dma_wait3A_224 = tpu.memref_squeeze %dma_wait3A_223 : memref<1x1x32x128xf32, #tpu.memory_space<vmem>> -> memref<32x128xf32, #tpu.memory_space<vmem>>
        %dma_wait3A_225 = arith.constant 0 : i32
        %dma_wait3A_226 = arith.constant 0 : i32
        %dma_wait3A_227 = tpu.memref_slice %arg4[%dma_wait3A_225, %dma_wait3A_226] : memref<32x1000000xf32, #tpu.memory_space<hbm>> -> memref<32x128xf32, #tpu.memory_space<hbm>>
        tpu.wait_dma2 semaphore(%arg16 : memref<!tpu.dma_semaphore, #tpu.memory_space<semaphore_mem>>) src(%dma_wait3A_227 : memref<32x128xf32, #tpu.memory_space<hbm>>) dst(%dma_wait3A_224 : memref<32x128xf32, #tpu.memory_space<vmem>>)
        %dma_wait3A_228 = arith.constant 0 : i32
        %dma_wait3A_229 = arith.constant 2 : i32
        %dma_wait3A_230 = arith.constant 0 : i32
        %dma_wait3A_231 = arith.constant 0 : i32
        %dma_wait3A_232 = tpu.memref_slice %arg14[%dma_wait3A_228, %dma_wait3A_229, %dma_wait3A_230, %dma_wait3A_231] : memref<6x4x32x128xf32, #tpu.memory_space<vmem>> -> memref<1x1x32x128xf32, #tpu.memory_space<vmem>>
        %dma_wait3A_233 = tpu.memref_squeeze %dma_wait3A_232 : memref<1x1x32x128xf32, #tpu.memory_space<vmem>> -> memref<32x128xf32, #tpu.memory_space<vmem>>
        %dma_wait3A_234 = arith.constant 0 : i32
        %dma_wait3A_235 = arith.constant 0 : i32
        %dma_wait3A_236 = tpu.memref_slice %arg4[%dma_wait3A_234, %dma_wait3A_235] : memref<32x1000000xf32, #tpu.memory_space<hbm>> -> memref<32x128xf32, #tpu.memory_space<hbm>>
        %dma_wait3A_237 = arith.constant 0 : i32
        %dma_wait3A_238 = arith.constant 0 : i32
        %dma_wait3A_239 = tpu.memref_slice %arg14[%dma_wait3A_228, %dma_wait3A_229, %dma_wait3A_237, %dma_wait3A_238] : memref<6x4x32x128xf32, #tpu.memory_space<vmem>> -> memref<1x1x32x128xf32, #tpu.memory_space<vmem>>
        %dma_wait3A_240 = tpu.memref_squeeze %dma_wait3A_239 : memref<1x1x32x128xf32, #tpu.memory_space<vmem>> -> memref<32x128xf32, #tpu.memory_space<vmem>>
        %dma_wait3A_241 = arith.constant 0 : i32
        %dma_wait3A_242 = arith.constant 0 : i32
        %dma_wait3A_243 = tpu.memref_slice %arg4[%dma_wait3A_241, %dma_wait3A_242] : memref<32x1000000xf32, #tpu.memory_space<hbm>> -> memref<32x128xf32, #tpu.memory_space<hbm>>
        tpu.wait_dma2 semaphore(%arg16 : memref<!tpu.dma_semaphore, #tpu.memory_space<semaphore_mem>>) src(%dma_wait3A_243 : memref<32x128xf32, #tpu.memory_space<hbm>>) dst(%dma_wait3A_240 : memref<32x128xf32, #tpu.memory_space<vmem>>)
        %dma_wait3A_244 = arith.constant 0 : i32
        %dma_wait3A_245 = arith.constant 3 : i32
        %dma_wait3A_246 = arith.constant 0 : i32
        %dma_wait3A_247 = arith.constant 0 : i32
        %dma_wait3A_248 = tpu.memref_slice %arg14[%dma_wait3A_244, %dma_wait3A_245, %dma_wait3A_246, %dma_wait3A_247] : memref<6x4x32x128xf32, #tpu.memory_space<vmem>> -> memref<1x1x32x128xf32, #tpu.memory_space<vmem>>
        %dma_wait3A_249 = tpu.memref_squeeze %dma_wait3A_248 : memref<1x1x32x128xf32, #tpu.memory_space<vmem>> -> memref<32x128xf32, #tpu.memory_space<vmem>>
        %dma_wait3A_250 = arith.constant 0 : i32
        %dma_wait3A_251 = arith.constant 0 : i32
        %dma_wait3A_252 = tpu.memref_slice %arg4[%dma_wait3A_250, %dma_wait3A_251] : memref<32x1000000xf32, #tpu.memory_space<hbm>> -> memref<32x128xf32, #tpu.memory_space<hbm>>
        %dma_wait3A_253 = arith.constant 0 : i32
        %dma_wait3A_254 = arith.constant 0 : i32
        %dma_wait3A_255 = tpu.memref_slice %arg14[%dma_wait3A_244, %dma_wait3A_245, %dma_wait3A_253, %dma_wait3A_254] : memref<6x4x32x128xf32, #tpu.memory_space<vmem>> -> memref<1x1x32x128xf32, #tpu.memory_space<vmem>>
        %dma_wait3A_256 = tpu.memref_squeeze %dma_wait3A_255 : memref<1x1x32x128xf32, #tpu.memory_space<vmem>> -> memref<32x128xf32, #tpu.memory_space<vmem>>
        %dma_wait3A_257 = arith.constant 0 : i32
        %dma_wait3A_258 = arith.constant 0 : i32
        %dma_wait3A_259 = tpu.memref_slice %arg4[%dma_wait3A_257, %dma_wait3A_258] : memref<32x1000000xf32, #tpu.memory_space<hbm>> -> memref<32x128xf32, #tpu.memory_space<hbm>>
        tpu.wait_dma2 semaphore(%arg16 : memref<!tpu.dma_semaphore, #tpu.memory_space<semaphore_mem>>) src(%dma_wait3A_259 : memref<32x128xf32, #tpu.memory_space<hbm>>) dst(%dma_wait3A_256 : memref<32x128xf32, #tpu.memory_space<vmem>>)
        %broadcast_in_dim3A = vector.broadcast %sub3A_16 : i32 to vector<16xi32>
        %gather3A = tpu.vector_load_idx %arg12[%broadcast_in_dim3A] : memref<512xi32, #tpu.memory_space<vmem>>[vector<16xi32>], vector<16xi32>,
        %and3A_260 = arith.constant 127 : i32
        %and3A_261 = vector.broadcast %and3A_260 : i32 to vector<16xi32>
        %and3A_262 = arith.andi %gather3A, %and3A_261 : vector<16xi32>
        %broadcast_in_dim3A_263 = vector.broadcast %sub3A_16 : i32 to vector<16xi32>
        %gather3A_264 = tpu.vector_load_idx %arg13[%broadcast_in_dim3A_263] : memref<512xi32, #tpu.memory_space<vmem>>[vector<16xi32>], vector<16xi32>,
        %and3A_265 = arith.constant 127 : i32
        %and3A_266 = vector.broadcast %and3A_265 : i32 to vector<16xi32>
        %and3A_267 = arith.andi %gather3A_264, %and3A_266 : vector<16xi32>
        %and3A_268 = arith.constant 127 : i32
        %and3A_269 = arith.andi %sub3A_16, %and3A_268 : i32
        %broadcast_in_dim3A_270 = vector.broadcast %and3A_269 : i32 to vector<16xi32>
        %gather3A_271 = arith.constant 0 : i32
        %gather3A_272 = arith.constant 0 : i32
        %gather3A_273 = arith.constant 0 : i32
        %gather3A_274 = arith.constant 0 : i32
        %gather3A_275 = tpu.memref_slice %arg14[%gather3A_271, %gather3A_272, %gather3A_273, %gather3A_274] : memref<6x4x32x128xf32, #tpu.memory_space<vmem>> -> memref<1x1x32x128xf32, #tpu.memory_space<vmem>>
        %gather3A_276 = tpu.memref_squeeze %gather3A_275 : memref<1x1x32x128xf32, #tpu.memory_space<vmem>> -> memref<32x128xf32, #tpu.memory_space<vmem>>
        %gather3A_277 = tpu.vector_load_idx %gather3A_276[%iota3A, %and3A_262] : memref<32x128xf32, #tpu.memory_space<vmem>>[vector<16xi32>, vector<16xi32>], vector<16xf32>,
        %gather3A_278 = arith.constant 0 : i32
        %gather3A_279 = arith.constant 0 : i32
        %gather3A_280 = arith.constant 0 : i32
        %gather3A_281 = arith.constant 0 : i32
        %gather3A_282 = tpu.memref_slice %arg14[%gather3A_278, %gather3A_279, %gather3A_280, %gather3A_281] : memref<6x4x32x128xf32, #tpu.memory_space<vmem>> -> memref<1x1x32x128xf32, #tpu.memory_space<vmem>>
        %gather3A_283 = tpu.memref_squeeze %gather3A_282 : memref<1x1x32x128xf32, #tpu.memory_space<vmem>> -> memref<32x128xf32, #tpu.memory_space<vmem>>
        %gather3A_284 = tpu.vector_load_idx %gather3A_283[%add3A_5, %and3A_262] : memref<32x128xf32, #tpu.memory_space<vmem>>[vector<16xi32>, vector<16xi32>], vector<16xf32>,
        %scatter3A = arith.constant 0 : i32
        %scatter3A_285 = arith.constant 0 : i32
        %scatter3A_286 = arith.constant 0 : i32
        %scatter3A_287 = tpu.memref_slice %arg15[%scatter3A, %scatter3A_285, %scatter3A_286] : memref<4x32x128xf32, #tpu.memory_space<vmem>> -> memref<1x32x128xf32, #tpu.memory_space<vmem>>
        %scatter3A_288 = tpu.memref_squeeze %scatter3A_287 : memref<1x32x128xf32, #tpu.memory_space<vmem>> -> memref<32x128xf32, #tpu.memory_space<vmem>>
        tpu.vector_store_idx %scatter3A_288[%iota3A, %broadcast_in_dim3A_270], %gather3A_277 : memref<32x128xf32, #tpu.memory_space<vmem>>[vector<16xi32>, vector<16xi32>], vector<16xf32>,
        %scatter3A_289 = arith.constant 0 : i32
        %scatter3A_290 = arith.constant 0 : i32
        %scatter3A_291 = arith.constant 0 : i32
        %scatter3A_292 = tpu.memref_slice %arg15[%scatter3A_289, %scatter3A_290, %scatter3A_291] : memref<4x32x128xf32, #tpu.memory_space<vmem>> -> memref<1x32x128xf32, #tpu.memory_space<vmem>>
        %scatter3A_293 = tpu.memref_squeeze %scatter3A_292 : memref<1x32x128xf32, #tpu.memory_space<vmem>> -> memref<32x128xf32, #tpu.memory_space<vmem>>
        tpu.vector_store_idx %scatter3A_293[%add3A_5, %broadcast_in_dim3A_270], %gather3A_284 : memref<32x128xf32, #tpu.memory_space<vmem>>[vector<16xi32>, vector<16xi32>], vector<16xf32>,
        %gather3A_294 = arith.constant 0 : i32
        %gather3A_295 = arith.constant 1 : i32
        %gather3A_296 = arith.constant 0 : i32
        %gather3A_297 = arith.constant 0 : i32
        %gather3A_298 = tpu.memref_slice %arg14[%gather3A_294, %gather3A_295, %gather3A_296, %gather3A_297] : memref<6x4x32x128xf32, #tpu.memory_space<vmem>> -> memref<1x1x32x128xf32, #tpu.memory_space<vmem>>
        %gather3A_299 = tpu.memref_squeeze %gather3A_298 : memref<1x1x32x128xf32, #tpu.memory_space<vmem>> -> memref<32x128xf32, #tpu.memory_space<vmem>>
        %gather3A_300 = tpu.vector_load_idx %gather3A_299[%iota3A, %and3A_267] : memref<32x128xf32, #tpu.memory_space<vmem>>[vector<16xi32>, vector<16xi32>], vector<16xf32>,
        %gather3A_301 = arith.constant 0 : i32
        %gather3A_302 = arith.constant 1 : i32
        %gather3A_303 = arith.constant 0 : i32
        %gather3A_304 = arith.constant 0 : i32
        %gather3A_305 = tpu.memref_slice %arg14[%gather3A_301, %gather3A_302, %gather3A_303, %gather3A_304] : memref<6x4x32x128xf32, #tpu.memory_space<vmem>> -> memref<1x1x32x128xf32, #tpu.memory_space<vmem>>
        %gather3A_306 = tpu.memref_squeeze %gather3A_305 : memref<1x1x32x128xf32, #tpu.memory_space<vmem>> -> memref<32x128xf32, #tpu.memory_space<vmem>>
        %gather3A_307 = tpu.vector_load_idx %gather3A_306[%add3A_5, %and3A_267] : memref<32x128xf32, #tpu.memory_space<vmem>>[vector<16xi32>, vector<16xi32>], vector<16xf32>,
        %scatter3A_308 = arith.constant 1 : i32
        %scatter3A_309 = arith.constant 0 : i32
        %scatter3A_310 = arith.constant 0 : i32
        %scatter3A_311 = tpu.memref_slice %arg15[%scatter3A_308, %scatter3A_309, %scatter3A_310] : memref<4x32x128xf32, #tpu.memory_space<vmem>> -> memref<1x32x128xf32, #tpu.memory_space<vmem>>
        %scatter3A_312 = tpu.memref_squeeze %scatter3A_311 : memref<1x32x128xf32, #tpu.memory_space<vmem>> -> memref<32x128xf32, #tpu.memory_space<vmem>>
        tpu.vector_store_idx %scatter3A_312[%iota3A, %broadcast_in_dim3A_270], %gather3A_300 : memref<32x128xf32, #tpu.memory_space<vmem>>[vector<16xi32>, vector<16xi32>], vector<16xf32>,
        %scatter3A_313 = arith.constant 1 : i32
        %scatter3A_314 = arith.constant 0 : i32
        %scatter3A_315 = arith.constant 0 : i32
        %scatter3A_316 = tpu.memref_slice %arg15[%scatter3A_313, %scatter3A_314, %scatter3A_315] : memref<4x32x128xf32, #tpu.memory_space<vmem>> -> memref<1x32x128xf32, #tpu.memory_space<vmem>>
        %scatter3A_317 = tpu.memref_squeeze %scatter3A_316 : memref<1x32x128xf32, #tpu.memory_space<vmem>> -> memref<32x128xf32, #tpu.memory_space<vmem>>
        tpu.vector_store_idx %scatter3A_317[%add3A_5, %broadcast_in_dim3A_270], %gather3A_307 : memref<32x128xf32, #tpu.memory_space<vmem>>[vector<16xi32>, vector<16xi32>], vector<16xf32>,
        %gather3A_318 = arith.constant 0 : i32
        %gather3A_319 = arith.constant 2 : i32
        %gather3A_320 = arith.constant 0 : i32
        %gather3A_321 = arith.constant 0 : i32
        %gather3A_322 = tpu.memref_slice %arg14[%gather3A_318, %gather3A_319, %gather3A_320, %gather3A_321] : memref<6x4x32x128xf32, #tpu.memory_space<vmem>> -> memref<1x1x32x128xf32, #tpu.memory_space<vmem>>
        %gather3A_323 = tpu.memref_squeeze %gather3A_322 : memref<1x1x32x128xf32, #tpu.memory_space<vmem>> -> memref<32x128xf32, #tpu.memory_space<vmem>>
        %gather3A_324 = tpu.vector_load_idx %gather3A_323[%iota3A, %and3A_262] : memref<32x128xf32, #tpu.memory_space<vmem>>[vector<16xi32>, vector<16xi32>], vector<16xf32>,
        %gather3A_325 = arith.constant 0 : i32
        %gather3A_326 = arith.constant 2 : i32
        %gather3A_327 = arith.constant 0 : i32
        %gather3A_328 = arith.constant 0 : i32
        %gather3A_329 = tpu.memref_slice %arg14[%gather3A_325, %gather3A_326, %gather3A_327, %gather3A_328] : memref<6x4x32x128xf32, #tpu.memory_space<vmem>> -> memref<1x1x32x128xf32, #tpu.memory_space<vmem>>
        %gather3A_330 = tpu.memref_squeeze %gather3A_329 : memref<1x1x32x128xf32, #tpu.memory_space<vmem>> -> memref<32x128xf32, #tpu.memory_space<vmem>>
        %gather3A_331 = tpu.vector_load_idx %gather3A_330[%add3A_5, %and3A_262] : memref<32x128xf32, #tpu.memory_space<vmem>>[vector<16xi32>, vector<16xi32>], vector<16xf32>,
        %scatter3A_332 = arith.constant 2 : i32
        %scatter3A_333 = arith.constant 0 : i32
        %scatter3A_334 = arith.constant 0 : i32
        %scatter3A_335 = tpu.memref_slice %arg15[%scatter3A_332, %scatter3A_333, %scatter3A_334] : memref<4x32x128xf32, #tpu.memory_space<vmem>> -> memref<1x32x128xf32, #tpu.memory_space<vmem>>
        %scatter3A_336 = tpu.memref_squeeze %scatter3A_335 : memref<1x32x128xf32, #tpu.memory_space<vmem>> -> memref<32x128xf32, #tpu.memory_space<vmem>>
        tpu.vector_store_idx %scatter3A_336[%iota3A, %broadcast_in_dim3A_270], %gather3A_324 : memref<32x128xf32, #tpu.memory_space<vmem>>[vector<16xi32>, vector<16xi32>], vector<16xf32>,
        %scatter3A_337 = arith.constant 2 : i32
        %scatter3A_338 = arith.constant 0 : i32
        %scatter3A_339 = arith.constant 0 : i32
        %scatter3A_340 = tpu.memref_slice %arg15[%scatter3A_337, %scatter3A_338, %scatter3A_339] : memref<4x32x128xf32, #tpu.memory_space<vmem>> -> memref<1x32x128xf32, #tpu.memory_space<vmem>>
        %scatter3A_341 = tpu.memref_squeeze %scatter3A_340 : memref<1x32x128xf32, #tpu.memory_space<vmem>> -> memref<32x128xf32, #tpu.memory_space<vmem>>
        tpu.vector_store_idx %scatter3A_341[%add3A_5, %broadcast_in_dim3A_270], %gather3A_331 : memref<32x128xf32, #tpu.memory_space<vmem>>[vector<16xi32>, vector<16xi32>], vector<16xf32>,
        %gather3A_342 = arith.constant 0 : i32
        %gather3A_343 = arith.constant 3 : i32
        %gather3A_344 = arith.constant 0 : i32
        %gather3A_345 = arith.constant 0 : i32
        %gather3A_346 = tpu.memref_slice %arg14[%gather3A_342, %gather3A_343, %gather3A_344, %gather3A_345] : memref<6x4x32x128xf32, #tpu.memory_space<vmem>> -> memref<1x1x32x128xf32, #tpu.memory_space<vmem>>
        %gather3A_347 = tpu.memref_squeeze %gather3A_346 : memref<1x1x32x128xf32, #tpu.memory_space<vmem>> -> memref<32x128xf32, #tpu.memory_space<vmem>>
        %gather3A_348 = tpu.vector_load_idx %gather3A_347[%iota3A, %and3A_267] : memref<32x128xf32, #tpu.memory_space<vmem>>[vector<16xi32>, vector<16xi32>], vector<16xf32>,
        %gather3A_349 = arith.constant 0 : i32
        %gather3A_350 = arith.constant 3 : i32
        %gather3A_351 = arith.constant 0 : i32
        %gather3A_352 = arith.constant 0 : i32
        %gather3A_353 = tpu.memref_slice %arg14[%gather3A_349, %gather3A_350, %gather3A_351, %gather3A_352] : memref<6x4x32x128xf32, #tpu.memory_space<vmem>> -> memref<1x1x32x128xf32, #tpu.memory_space<vmem>>
        %gather3A_354 = tpu.memref_squeeze %gather3A_353 : memref<1x1x32x128xf32, #tpu.memory_space<vmem>> -> memref<32x128xf32, #tpu.memory_space<vmem>>
        %gather3A_355 = tpu.vector_load_idx %gather3A_354[%add3A_5, %and3A_267] : memref<32x128xf32, #tpu.memory_space<vmem>>[vector<16xi32>, vector<16xi32>], vector<16xf32>,
        %scatter3A_356 = arith.constant 3 : i32
        %scatter3A_357 = arith.constant 0 : i32
        %scatter3A_358 = arith.constant 0 : i32
        %scatter3A_359 = tpu.memref_slice %arg15[%scatter3A_356, %scatter3A_357, %scatter3A_358] : memref<4x32x128xf32, #tpu.memory_space<vmem>> -> memref<1x32x128xf32, #tpu.memory_space<vmem>>
        %scatter3A_360 = tpu.memref_squeeze %scatter3A_359 : memref<1x32x128xf32, #tpu.memory_space<vmem>> -> memref<32x128xf32, #tpu.memory_space<vmem>>
        tpu.vector_store_idx %scatter3A_360[%iota3A, %broadcast_in_dim3A_270], %gather3A_348 : memref<32x128xf32, #tpu.memory_space<vmem>>[vector<16xi32>, vector<16xi32>], vector<16xf32>,
        %scatter3A_361 = arith.constant 3 : i32
        %scatter3A_362 = arith.constant 0 : i32
        %scatter3A_363 = arith.constant 0 : i32
        %scatter3A_364 = tpu.memref_slice %arg15[%scatter3A_361, %scatter3A_362, %scatter3A_363] : memref<4x32x128xf32, #tpu.memory_space<vmem>> -> memref<1x32x128xf32, #tpu.memory_space<vmem>>
        %scatter3A_365 = tpu.memref_squeeze %scatter3A_364 : memref<1x32x128xf32, #tpu.memory_space<vmem>> -> memref<32x128xf32, #tpu.memory_space<vmem>>
        tpu.vector_store_idx %scatter3A_365[%add3A_5, %broadcast_in_dim3A_270], %gather3A_355 : memref<32x128xf32, #tpu.memory_space<vmem>>[vector<16xi32>, vector<16xi32>], vector<16xf32>,
      } else {
      }
      %lt3A_20 = arith.constant 512 : i32
      %lt3A_21 = arith.cmpi slt, %add3A_15, %lt3A_20 : i32
      %convert_element_type3A_22 = arith.extui %lt3A_21 : i1 to i32
      %cond3A_23 = arith.constant 0 : i32
      %cond3A_24 = arith.cmpi ne, %convert_element_type3A_22, %cond3A_23 : i32
      scf.if %cond3A_24 {
        %broadcast_in_dim3A = vector.broadcast %add3A_15 : i32 to vector<16xi32>
        %gather3A = tpu.vector_load_idx %arg12[%broadcast_in_dim3A] : memref<512xi32, #tpu.memory_space<vmem>>[vector<16xi32>], vector<16xi32>,
        %reduce_max3A = arith.constant true
        %reduce_max3A_197 = vector.broadcast %reduce_max3A : i1 to vector<16xi1>
        %reduce_max3A_198 = arith.constant -2147483648 : i32
        %reduce_max3A_199 = vector.broadcast %reduce_max3A_198 : i32 to vector<16xi32>
        %reduce_max3A_200 = arith.xori %gather3A, %reduce_max3A_199 : vector<16xi32>
        %reduce_max3A_201 = tpu.scan <max>, %reduce_max3A_200 masked %reduce_max3A_197 : vector<16xi32>, vector<16xi1> -> vector<16xi32>
        %reduce_max3A_202 = arith.xori %reduce_max3A_201, %reduce_max3A_199 : vector<16xi32>
        %reduce_max3A_203 = vector.extract %reduce_max3A_202[15] : i32 from vector<16xi32>
        %broadcast_in_dim3A_204 = vector.broadcast %add3A_15 : i32 to vector<16xi32>
        %gather3A_205 = tpu.vector_load_idx %arg13[%broadcast_in_dim3A_204] : memref<512xi32, #tpu.memory_space<vmem>>[vector<16xi32>], vector<16xi32>,
        %reduce_max3A_206 = arith.constant true
        %reduce_max3A_207 = vector.broadcast %reduce_max3A_206 : i1 to vector<16xi1>
        %reduce_max3A_208 = arith.constant -2147483648 : i32
        %reduce_max3A_209 = vector.broadcast %reduce_max3A_208 : i32 to vector<16xi32>
        %reduce_max3A_210 = arith.xori %gather3A_205, %reduce_max3A_209 : vector<16xi32>
        %reduce_max3A_211 = tpu.scan <max>, %reduce_max3A_210 masked %reduce_max3A_207 : vector<16xi32>, vector<16xi1> -> vector<16xi32>
        %reduce_max3A_212 = arith.xori %reduce_max3A_211, %reduce_max3A_209 : vector<16xi32>
        %reduce_max3A_213 = vector.extract %reduce_max3A_212[15] : i32 from vector<16xi32>
        %and3A_214 = arith.constant -128 : i32
        %and3A_215 = arith.andi %reduce_max3A_203, %and3A_214 : i32
        %multiple_of3A = tpu.assume_multiple %and3A_215, 128 : i32
        %and3A_216 = arith.constant -128 : i32
        %and3A_217 = arith.andi %reduce_max3A_213, %and3A_216 : i32
        %multiple_of3A_218 = tpu.assume_multiple %and3A_217, 128 : i32
        %dma_start3A = arith.constant 0 : i32
        %dma_start3A_219 = arith.constant 0 : i32
        %dma_start3A_220 = arith.constant 0 : i32
        %dma_start3A_221 = arith.constant 0 : i32
        %dma_start3A_222 = tpu.memref_slice %arg14[%dma_start3A, %dma_start3A_219, %dma_start3A_220, %dma_start3A_221] : memref<6x4x32x128xf32, #tpu.memory_space<vmem>> -> memref<1x1x32x128xf32, #tpu.memory_space<vmem>>
        %dma_start3A_223 = tpu.memref_squeeze %dma_start3A_222 : memref<1x1x32x128xf32, #tpu.memory_space<vmem>> -> memref<32x128xf32, #tpu.memory_space<vmem>>
        %dma_start3A_224 = arith.constant 0 : i32
        %dma_start3A_225 = tpu.memref_slice %arg4[%dma_start3A_224, %multiple_of3A] : memref<32x1000000xf32, #tpu.memory_space<hbm>> -> memref<32x128xf32, #tpu.memory_space<hbm>>
        %dma_start3A_226 = arith.constant 0 : i32
        %dma_start3A_227 = arith.constant 0 : i32
        %dma_start3A_228 = tpu.memref_slice %arg14[%dma_start3A, %dma_start3A_219, %dma_start3A_226, %dma_start3A_227] : memref<6x4x32x128xf32, #tpu.memory_space<vmem>> -> memref<1x1x32x128xf32, #tpu.memory_space<vmem>>
        %dma_start3A_229 = tpu.memref_squeeze %dma_start3A_228 : memref<1x1x32x128xf32, #tpu.memory_space<vmem>> -> memref<32x128xf32, #tpu.memory_space<vmem>>
        %dma_start3A_230 = arith.constant 0 : i32
        %dma_start3A_231 = tpu.memref_slice %arg4[%dma_start3A_230, %multiple_of3A] : memref<32x1000000xf32, #tpu.memory_space<hbm>> -> memref<32x128xf32, #tpu.memory_space<hbm>>
        tpu.enqueue_dma source(%dma_start3A_231 : memref<32x128xf32, #tpu.memory_space<hbm>>) target(%dma_start3A_229 : memref<32x128xf32, #tpu.memory_space<vmem>>) target_semaphore(%arg16 : memref<!tpu.dma_semaphore, #tpu.memory_space<semaphore_mem>>)
        %dma_start3A_232 = arith.constant 0 : i32
        %dma_start3A_233 = arith.constant 1 : i32
        %dma_start3A_234 = arith.constant 0 : i32
        %dma_start3A_235 = arith.constant 0 : i32
        %dma_start3A_236 = tpu.memref_slice %arg14[%dma_start3A_232, %dma_start3A_233, %dma_start3A_234, %dma_start3A_235] : memref<6x4x32x128xf32, #tpu.memory_space<vmem>> -> memref<1x1x32x128xf32, #tpu.memory_space<vmem>>
        %dma_start3A_237 = tpu.memref_squeeze %dma_start3A_236 : memref<1x1x32x128xf32, #tpu.memory_space<vmem>> -> memref<32x128xf32, #tpu.memory_space<vmem>>
        %dma_start3A_238 = arith.constant 0 : i32
        %dma_start3A_239 = tpu.memref_slice %arg5[%dma_start3A_238, %multiple_of3A_218] : memref<32x1000000xf32, #tpu.memory_space<hbm>> -> memref<32x128xf32, #tpu.memory_space<hbm>>
        %dma_start3A_240 = arith.constant 0 : i32
        %dma_start3A_241 = arith.constant 0 : i32
        %dma_start3A_242 = tpu.memref_slice %arg14[%dma_start3A_232, %dma_start3A_233, %dma_start3A_240, %dma_start3A_241] : memref<6x4x32x128xf32, #tpu.memory_space<vmem>> -> memref<1x1x32x128xf32, #tpu.memory_space<vmem>>
        %dma_start3A_243 = tpu.memref_squeeze %dma_start3A_242 : memref<1x1x32x128xf32, #tpu.memory_space<vmem>> -> memref<32x128xf32, #tpu.memory_space<vmem>>
        %dma_start3A_244 = arith.constant 0 : i32
        %dma_start3A_245 = tpu.memref_slice %arg5[%dma_start3A_244, %multiple_of3A_218] : memref<32x1000000xf32, #tpu.memory_space<hbm>> -> memref<32x128xf32, #tpu.memory_space<hbm>>
        tpu.enqueue_dma source(%dma_start3A_245 : memref<32x128xf32, #tpu.memory_space<hbm>>) target(%dma_start3A_243 : memref<32x128xf32, #tpu.memory_space<vmem>>) target_semaphore(%arg16 : memref<!tpu.dma_semaphore, #tpu.memory_space<semaphore_mem>>)
        %dma_start3A_246 = arith.constant 0 : i32
        %dma_start3A_247 = arith.constant 2 : i32
        %dma_start3A_248 = arith.constant 0 : i32
        %dma_start3A_249 = arith.constant 0 : i32
        %dma_start3A_250 = tpu.memref_slice %arg14[%dma_start3A_246, %dma_start3A_247, %dma_start3A_248, %dma_start3A_249] : memref<6x4x32x128xf32, #tpu.memory_space<vmem>> -> memref<1x1x32x128xf32, #tpu.memory_space<vmem>>
        %dma_start3A_251 = tpu.memref_squeeze %dma_start3A_250 : memref<1x1x32x128xf32, #tpu.memory_space<vmem>> -> memref<32x128xf32, #tpu.memory_space<vmem>>
        %dma_start3A_252 = arith.constant 0 : i32
        %dma_start3A_253 = tpu.memref_slice %arg6[%dma_start3A_252, %multiple_of3A] : memref<32x1000000xf32, #tpu.memory_space<hbm>> -> memref<32x128xf32, #tpu.memory_space<hbm>>
        %dma_start3A_254 = arith.constant 0 : i32
        %dma_start3A_255 = arith.constant 0 : i32
        %dma_start3A_256 = tpu.memref_slice %arg14[%dma_start3A_246, %dma_start3A_247, %dma_start3A_254, %dma_start3A_255] : memref<6x4x32x128xf32, #tpu.memory_space<vmem>> -> memref<1x1x32x128xf32, #tpu.memory_space<vmem>>
        %dma_start3A_257 = tpu.memref_squeeze %dma_start3A_256 : memref<1x1x32x128xf32, #tpu.memory_space<vmem>> -> memref<32x128xf32, #tpu.memory_space<vmem>>
        %dma_start3A_258 = arith.constant 0 : i32
        %dma_start3A_259 = tpu.memref_slice %arg6[%dma_start3A_258, %multiple_of3A] : memref<32x1000000xf32, #tpu.memory_space<hbm>> -> memref<32x128xf32, #tpu.memory_space<hbm>>
        tpu.enqueue_dma source(%dma_start3A_259 : memref<32x128xf32, #tpu.memory_space<hbm>>) target(%dma_start3A_257 : memref<32x128xf32, #tpu.memory_space<vmem>>) target_semaphore(%arg16 : memref<!tpu.dma_semaphore, #tpu.memory_space<semaphore_mem>>)
        %dma_start3A_260 = arith.constant 0 : i32
        %dma_start3A_261 = arith.constant 3 : i32
        %dma_start3A_262 = arith.constant 0 : i32
        %dma_start3A_263 = arith.constant 0 : i32
        %dma_start3A_264 = tpu.memref_slice %arg14[%dma_start3A_260, %dma_start3A_261, %dma_start3A_262, %dma_start3A_263] : memref<6x4x32x128xf32, #tpu.memory_space<vmem>> -> memref<1x1x32x128xf32, #tpu.memory_space<vmem>>
        %dma_start3A_265 = tpu.memref_squeeze %dma_start3A_264 : memref<1x1x32x128xf32, #tpu.memory_space<vmem>> -> memref<32x128xf32, #tpu.memory_space<vmem>>
        %dma_start3A_266 = arith.constant 0 : i32
        %dma_start3A_267 = tpu.memref_slice %arg7[%dma_start3A_266, %multiple_of3A_218] : memref<32x1000000xf32, #tpu.memory_space<hbm>> -> memref<32x128xf32, #tpu.memory_space<hbm>>
        %dma_start3A_268 = arith.constant 0 : i32
        %dma_start3A_269 = arith.constant 0 : i32
        %dma_start3A_270 = tpu.memref_slice %arg14[%dma_start3A_260, %dma_start3A_261, %dma_start3A_268, %dma_start3A_269] : memref<6x4x32x128xf32, #tpu.memory_space<vmem>> -> memref<1x1x32x128xf32, #tpu.memory_space<vmem>>
        %dma_start3A_271 = tpu.memref_squeeze %dma_start3A_270 : memref<1x1x32x128xf32, #tpu.memory_space<vmem>> -> memref<32x128xf32, #tpu.memory_space<vmem>>
        %dma_start3A_272 = arith.constant 0 : i32
        %dma_start3A_273 = tpu.memref_slice %arg7[%dma_start3A_272, %multiple_of3A_218] : memref<32x1000000xf32, #tpu.memory_space<hbm>> -> memref<32x128xf32, #tpu.memory_space<hbm>>
        tpu.enqueue_dma source(%dma_start3A_273 : memref<32x128xf32, #tpu.memory_space<hbm>>) target(%dma_start3A_271 : memref<32x128xf32, #tpu.memory_space<vmem>>) target_semaphore(%arg16 : memref<!tpu.dma_semaphore, #tpu.memory_space<semaphore_mem>>)
      } else {
      }
      %ge3A_25 = arith.constant 0 : i32
      %ge3A_26 = arith.cmpi sge, %sub3A_16, %ge3A_25 : i32
      %lt3A_27 = arith.constant 512 : i32
      %lt3A_28 = arith.cmpi slt, %sub3A_16, %lt3A_27 : i32
      %and3A_29 = arith.andi %ge3A_26, %lt3A_28 : i1
      %and3A_30 = arith.constant 127 : i32
      %and3A_31 = arith.andi %sub3A_16, %and3A_30 : i32
      %eq3A = arith.constant 127 : i32
      %eq3A_32 = arith.cmpi eq, %and3A_31, %eq3A : i32
      %and3A_33 = arith.andi %and3A_29, %eq3A_32 : i1
      %convert_element_type3A_34 = arith.extui %and3A_33 : i1 to i32
      %cond3A_35 = arith.constant 0 : i32
      %cond3A_36 = arith.cmpi ne, %convert_element_type3A_34, %cond3A_35 : i32
      scf.if %cond3A_36 {
        %sub3A_197 = arith.constant 127 : i32
        %sub3A_198 = arith.subi %sub3A_16, %sub3A_197 : i32
        %add3A_199 = arith.addi %mul3A_2, %sub3A_198 : i32
        %multiple_of3A = tpu.assume_multiple %add3A_199, 128 : i32
        %run_scoped3A = arith.constant 0 : i32
        "tpu.region"() ({
          %run_scoped3A_203 = tpu.sem_alloc : memref<!tpu.dma_semaphore, #tpu.memory_space<semaphore_mem>>
          %dma_start3A = arith.constant 0 : i32
          %dma_start3A_204 = arith.constant 0 : i32
          %dma_start3A_205 = tpu.memref_slice %arg15[%run_scoped3A, %dma_start3A, %dma_start3A_204] : memref<4x32x128xf32, #tpu.memory_space<vmem>> -> memref<1x32x128xf32, #tpu.memory_space<vmem>>
          %dma_start3A_206 = tpu.memref_squeeze %dma_start3A_205 : memref<1x32x128xf32, #tpu.memory_space<vmem>> -> memref<32x128xf32, #tpu.memory_space<vmem>>
          %dma_start3A_207 = arith.constant 0 : i32
          %dma_start3A_208 = tpu.memref_slice %arg8[%dma_start3A_207, %multiple_of3A] : memref<32x16384xf32, #tpu.memory_space<hbm>> -> memref<32x128xf32, #tpu.memory_space<hbm>>
          %dma_start3A_209 = arith.constant 0 : i32
          %dma_start3A_210 = tpu.memref_slice %arg8[%dma_start3A_209, %multiple_of3A] : memref<32x16384xf32, #tpu.memory_space<hbm>> -> memref<32x128xf32, #tpu.memory_space<hbm>>
          %dma_start3A_211 = arith.constant 0 : i32
          %dma_start3A_212 = arith.constant 0 : i32
          %dma_start3A_213 = tpu.memref_slice %arg15[%run_scoped3A, %dma_start3A_211, %dma_start3A_212] : memref<4x32x128xf32, #tpu.memory_space<vmem>> -> memref<1x32x128xf32, #tpu.memory_space<vmem>>
          %dma_start3A_214 = tpu.memref_squeeze %dma_start3A_213 : memref<1x32x128xf32, #tpu.memory_space<vmem>> -> memref<32x128xf32, #tpu.memory_space<vmem>>
          tpu.enqueue_dma source(%dma_start3A_214 : memref<32x128xf32, #tpu.memory_space<vmem>>) target(%dma_start3A_210 : memref<32x128xf32, #tpu.memory_space<hbm>>) target_semaphore(%run_scoped3A_203 : memref<!tpu.dma_semaphore, #tpu.memory_space<semaphore_mem>>)
          %dma_wait3A = arith.constant 0 : i32
          %dma_wait3A_215 = arith.constant 0 : i32
          %dma_wait3A_216 = tpu.memref_slice %arg15[%run_scoped3A, %dma_wait3A, %dma_wait3A_215] : memref<4x32x128xf32, #tpu.memory_space<vmem>> -> memref<1x32x128xf32, #tpu.memory_space<vmem>>
          %dma_wait3A_217 = tpu.memref_squeeze %dma_wait3A_216 : memref<1x32x128xf32, #tpu.memory_space<vmem>> -> memref<32x128xf32, #tpu.memory_space<vmem>>
          %dma_wait3A_218 = arith.constant 0 : i32
          %dma_wait3A_219 = tpu.memref_slice %arg8[%dma_wait3A_218, %multiple_of3A] : memref<32x16384xf32, #tpu.memory_space<hbm>> -> memref<32x128xf32, #tpu.memory_space<hbm>>
          %dma_wait3A_220 = arith.constant 0 : i32
          %dma_wait3A_221 = tpu.memref_slice %arg8[%dma_wait3A_220, %multiple_of3A] : memref<32x16384xf32, #tpu.memory_space<hbm>> -> memref<32x128xf32, #tpu.memory_space<hbm>>
          %dma_wait3A_222 = arith.constant 0 : i32
          %dma_wait3A_223 = arith.constant 0 : i32
          %dma_wait3A_224 = tpu.memref_slice %arg15[%run_scoped3A, %dma_wait3A_222, %dma_wait3A_223] : memref<4x32x128xf32, #tpu.memory_space<vmem>> -> memref<1x32x128xf32, #tpu.memory_space<vmem>>
          %dma_wait3A_225 = tpu.memref_squeeze %dma_wait3A_224 : memref<1x32x128xf32, #tpu.memory_space<vmem>> -> memref<32x128xf32, #tpu.memory_space<vmem>>
          tpu.wait_dma2 semaphore(%run_scoped3A_203 : memref<!tpu.dma_semaphore, #tpu.memory_space<semaphore_mem>>) src(%dma_wait3A_225 : memref<32x128xf32, #tpu.memory_space<vmem>>) dst(%dma_wait3A_221 : memref<32x128xf32, #tpu.memory_space<hbm>>)
          tpu.yield
        }) : () -> ()
        %run_scoped3A_200 = arith.constant 1 : i32
        "tpu.region"() ({
          %run_scoped3A_203 = tpu.sem_alloc : memref<!tpu.dma_semaphore, #tpu.memory_space<semaphore_mem>>
          %dma_start3A = arith.constant 0 : i32
          %dma_start3A_204 = arith.constant 0 : i32
          %dma_start3A_205 = tpu.memref_slice %arg15[%run_scoped3A_200, %dma_start3A, %dma_start3A_204] : memref<4x32x128xf32, #tpu.memory_space<vmem>> -> memref<1x32x128xf32, #tpu.memory_space<vmem>>
          %dma_start3A_206 = tpu.memref_squeeze %dma_start3A_205 : memref<1x32x128xf32, #tpu.memory_space<vmem>> -> memref<32x128xf32, #tpu.memory_space<vmem>>
          %dma_start3A_207 = arith.constant 0 : i32
          %dma_start3A_208 = tpu.memref_slice %arg9[%dma_start3A_207, %multiple_of3A] : memref<32x16384xf32, #tpu.memory_space<hbm>> -> memref<32x128xf32, #tpu.memory_space<hbm>>
          %dma_start3A_209 = arith.constant 0 : i32
          %dma_start3A_210 = tpu.memref_slice %arg9[%dma_start3A_209, %multiple_of3A] : memref<32x16384xf32, #tpu.memory_space<hbm>> -> memref<32x128xf32, #tpu.memory_space<hbm>>
          %dma_start3A_211 = arith.constant 0 : i32
          %dma_start3A_212 = arith.constant 0 : i32
          %dma_start3A_213 = tpu.memref_slice %arg15[%run_scoped3A_200, %dma_start3A_211, %dma_start3A_212] : memref<4x32x128xf32, #tpu.memory_space<vmem>> -> memref<1x32x128xf32, #tpu.memory_space<vmem>>
          %dma_start3A_214 = tpu.memref_squeeze %dma_start3A_213 : memref<1x32x128xf32, #tpu.memory_space<vmem>> -> memref<32x128xf32, #tpu.memory_space<vmem>>
          tpu.enqueue_dma source(%dma_start3A_214 : memref<32x128xf32, #tpu.memory_space<vmem>>) target(%dma_start3A_210 : memref<32x128xf32, #tpu.memory_space<hbm>>) target_semaphore(%run_scoped3A_203 : memref<!tpu.dma_semaphore, #tpu.memory_space<semaphore_mem>>)
          %dma_wait3A = arith.constant 0 : i32
          %dma_wait3A_215 = arith.constant 0 : i32
          %dma_wait3A_216 = tpu.memref_slice %arg15[%run_scoped3A_200, %dma_wait3A, %dma_wait3A_215] : memref<4x32x128xf32, #tpu.memory_space<vmem>> -> memref<1x32x128xf32, #tpu.memory_space<vmem>>
          %dma_wait3A_217 = tpu.memref_squeeze %dma_wait3A_216 : memref<1x32x128xf32, #tpu.memory_space<vmem>> -> memref<32x128xf32, #tpu.memory_space<vmem>>
          %dma_wait3A_218 = arith.constant 0 : i32
          %dma_wait3A_219 = tpu.memref_slice %arg9[%dma_wait3A_218, %multiple_of3A] : memref<32x16384xf32, #tpu.memory_space<hbm>> -> memref<32x128xf32, #tpu.memory_space<hbm>>
          %dma_wait3A_220 = arith.constant 0 : i32
          %dma_wait3A_221 = tpu.memref_slice %arg9[%dma_wait3A_220, %multiple_of3A] : memref<32x16384xf32, #tpu.memory_space<hbm>> -> memref<32x128xf32, #tpu.memory_space<hbm>>
          %dma_wait3A_222 = arith.constant 0 : i32
          %dma_wait3A_223 = arith.constant 0 : i32
          %dma_wait3A_224 = tpu.memref_slice %arg15[%run_scoped3A_200, %dma_wait3A_222, %dma_wait3A_223] : memref<4x32x128xf32, #tpu.memory_space<vmem>> -> memref<1x32x128xf32, #tpu.memory_space<vmem>>
          %dma_wait3A_225 = tpu.memref_squeeze %dma_wait3A_224 : memref<1x32x128xf32, #tpu.memory_space<vmem>> -> memref<32x128xf32, #tpu.memory_space<vmem>>
          tpu.wait_dma2 semaphore(%run_scoped3A_203 : memref<!tpu.dma_semaphore, #tpu.memory_space<semaphore_mem>>) src(%dma_wait3A_225 : memref<32x128xf32, #tpu.memory_space<vmem>>) dst(%dma_wait3A_221 : memref<32x128xf32, #tpu.memory_space<hbm>>)
          tpu.yield
        }) : () -> ()
        %run_scoped3A_201 = arith.constant 2 : i32
        "tpu.region"() ({
          %run_scoped3A_203 = tpu.sem_alloc : memref<!tpu.dma_semaphore, #tpu.memory_space<semaphore_mem>>
          %dma_start3A = arith.constant 0 : i32
          %dma_start3A_204 = arith.constant 0 : i32
          %dma_start3A_205 = tpu.memref_slice %arg15[%run_scoped3A_201, %dma_start3A, %dma_start3A_204] : memref<4x32x128xf32, #tpu.memory_space<vmem>> -> memref<1x32x128xf32, #tpu.memory_space<vmem>>
          %dma_start3A_206 = tpu.memref_squeeze %dma_start3A_205 : memref<1x32x128xf32, #tpu.memory_space<vmem>> -> memref<32x128xf32, #tpu.memory_space<vmem>>
          %dma_start3A_207 = arith.constant 0 : i32
          %dma_start3A_208 = tpu.memref_slice %arg10[%dma_start3A_207, %multiple_of3A] : memref<32x16384xf32, #tpu.memory_space<hbm>> -> memref<32x128xf32, #tpu.memory_space<hbm>>
          %dma_start3A_209 = arith.constant 0 : i32
          %dma_start3A_210 = tpu.memref_slice %arg10[%dma_start3A_209, %multiple_of3A] : memref<32x16384xf32, #tpu.memory_space<hbm>> -> memref<32x128xf32, #tpu.memory_space<hbm>>
          %dma_start3A_211 = arith.constant 0 : i32
          %dma_start3A_212 = arith.constant 0 : i32
          %dma_start3A_213 = tpu.memref_slice %arg15[%run_scoped3A_201, %dma_start3A_211, %dma_start3A_212] : memref<4x32x128xf32, #tpu.memory_space<vmem>> -> memref<1x32x128xf32, #tpu.memory_space<vmem>>
          %dma_start3A_214 = tpu.memref_squeeze %dma_start3A_213 : memref<1x32x128xf32, #tpu.memory_space<vmem>> -> memref<32x128xf32, #tpu.memory_space<vmem>>
          tpu.enqueue_dma source(%dma_start3A_214 : memref<32x128xf32, #tpu.memory_space<vmem>>) target(%dma_start3A_210 : memref<32x128xf32, #tpu.memory_space<hbm>>) target_semaphore(%run_scoped3A_203 : memref<!tpu.dma_semaphore, #tpu.memory_space<semaphore_mem>>)
          %dma_wait3A = arith.constant 0 : i32
          %dma_wait3A_215 = arith.constant 0 : i32
          %dma_wait3A_216 = tpu.memref_slice %arg15[%run_scoped3A_201, %dma_wait3A, %dma_wait3A_215] : memref<4x32x128xf32, #tpu.memory_space<vmem>> -> memref<1x32x128xf32, #tpu.memory_space<vmem>>
          %dma_wait3A_217 = tpu.memref_squeeze %dma_wait3A_216 : memref<1x32x128xf32, #tpu.memory_space<vmem>> -> memref<32x128xf32, #tpu.memory_space<vmem>>
          %dma_wait3A_218 = arith.constant 0 : i32
          %dma_wait3A_219 = tpu.memref_slice %arg10[%dma_wait3A_218, %multiple_of3A] : memref<32x16384xf32, #tpu.memory_space<hbm>> -> memref<32x128xf32, #tpu.memory_space<hbm>>
          %dma_wait3A_220 = arith.constant 0 : i32
          %dma_wait3A_221 = tpu.memref_slice %arg10[%dma_wait3A_220, %multiple_of3A] : memref<32x16384xf32, #tpu.memory_space<hbm>> -> memref<32x128xf32, #tpu.memory_space<hbm>>
          %dma_wait3A_222 = arith.constant 0 : i32
          %dma_wait3A_223 = arith.constant 0 : i32
          %dma_wait3A_224 = tpu.memref_slice %arg15[%run_scoped3A_201, %dma_wait3A_222, %dma_wait3A_223] : memref<4x32x128xf32, #tpu.memory_space<vmem>> -> memref<1x32x128xf32, #tpu.memory_space<vmem>>
          %dma_wait3A_225 = tpu.memref_squeeze %dma_wait3A_224 : memref<1x32x128xf32, #tpu.memory_space<vmem>> -> memref<32x128xf32, #tpu.memory_space<vmem>>
          tpu.wait_dma2 semaphore(%run_scoped3A_203 : memref<!tpu.dma_semaphore, #tpu.memory_space<semaphore_mem>>) src(%dma_wait3A_225 : memref<32x128xf32, #tpu.memory_space<vmem>>) dst(%dma_wait3A_221 : memref<32x128xf32, #tpu.memory_space<hbm>>)
          tpu.yield
        }) : () -> ()
        %run_scoped3A_202 = arith.constant 3 : i32
        "tpu.region"() ({
          %run_scoped3A_203 = tpu.sem_alloc : memref<!tpu.dma_semaphore, #tpu.memory_space<semaphore_mem>>
          %dma_start3A = arith.constant 0 : i32
          %dma_start3A_204 = arith.constant 0 : i32
          %dma_start3A_205 = tpu.memref_slice %arg15[%run_scoped3A_202, %dma_start3A, %dma_start3A_204] : memref<4x32x128xf32, #tpu.memory_space<vmem>> -> memref<1x32x128xf32, #tpu.memory_space<vmem>>
          %dma_start3A_206 = tpu.memref_squeeze %dma_start3A_205 : memref<1x32x128xf32, #tpu.memory_space<vmem>> -> memref<32x128xf32, #tpu.memory_space<vmem>>
          %dma_start3A_207 = arith.constant 0 : i32
          %dma_start3A_208 = tpu.memref_slice %arg11[%dma_start3A_207, %multiple_of3A] : memref<32x16384xf32, #tpu.memory_space<hbm>> -> memref<32x128xf32, #tpu.memory_space<hbm>>
          %dma_start3A_209 = arith.constant 0 : i32
          %dma_start3A_210 = tpu.memref_slice %arg11[%dma_start3A_209, %multiple_of3A] : memref<32x16384xf32, #tpu.memory_space<hbm>> -> memref<32x128xf32, #tpu.memory_space<hbm>>
          %dma_start3A_211 = arith.constant 0 : i32
          %dma_start3A_212 = arith.constant 0 : i32
          %dma_start3A_213 = tpu.memref_slice %arg15[%run_scoped3A_202, %dma_start3A_211, %dma_start3A_212] : memref<4x32x128xf32, #tpu.memory_space<vmem>> -> memref<1x32x128xf32, #tpu.memory_space<vmem>>
          %dma_start3A_214 = tpu.memref_squeeze %dma_start3A_213 : memref<1x32x128xf32, #tpu.memory_space<vmem>> -> memref<32x128xf32, #tpu.memory_space<vmem>>
          tpu.enqueue_dma source(%dma_start3A_214 : memref<32x128xf32, #tpu.memory_space<vmem>>) target(%dma_start3A_210 : memref<32x128xf32, #tpu.memory_space<hbm>>) target_semaphore(%run_scoped3A_203 : memref<!tpu.dma_semaphore, #tpu.memory_space<semaphore_mem>>)
          %dma_wait3A = arith.constant 0 : i32
          %dma_wait3A_215 = arith.constant 0 : i32
          %dma_wait3A_216 = tpu.memref_slice %arg15[%run_scoped3A_202, %dma_wait3A, %dma_wait3A_215] : memref<4x32x128xf32, #tpu.memory_space<vmem>> -> memref<1x32x128xf32, #tpu.memory_space<vmem>>
          %dma_wait3A_217 = tpu.memref_squeeze %dma_wait3A_216 : memref<1x32x128xf32, #tpu.memory_space<vmem>> -> memref<32x128xf32, #tpu.memory_space<vmem>>
          %dma_wait3A_218 = arith.constant 0 : i32
          %dma_wait3A_219 = tpu.memref_slice %arg11[%dma_wait3A_218, %multiple_of3A] : memref<32x16384xf32, #tpu.memory_space<hbm>> -> memref<32x128xf32, #tpu.memory_space<hbm>>
          %dma_wait3A_220 = arith.constant 0 : i32
          %dma_wait3A_221 = tpu.memref_slice %arg11[%dma_wait3A_220, %multiple_of3A] : memref<32x16384xf32, #tpu.memory_space<hbm>> -> memref<32x128xf32, #tpu.memory_space<hbm>>
          %dma_wait3A_222 = arith.constant 0 : i32
          %dma_wait3A_223 = arith.constant 0 : i32
          %dma_wait3A_224 = tpu.memref_slice %arg15[%run_scoped3A_202, %dma_wait3A_222, %dma_wait3A_223] : memref<4x32x128xf32, #tpu.memory_space<vmem>> -> memref<1x32x128xf32, #tpu.memory_space<vmem>>
          %dma_wait3A_225 = tpu.memref_squeeze %dma_wait3A_224 : memref<1x32x128xf32, #tpu.memory_space<vmem>> -> memref<32x128xf32, #tpu.memory_space<vmem>>
          tpu.wait_dma2 semaphore(%run_scoped3A_203 : memref<!tpu.dma_semaphore, #tpu.memory_space<semaphore_mem>>) src(%dma_wait3A_225 : memref<32x128xf32, #tpu.memory_space<vmem>>) dst(%dma_wait3A_221 : memref<32x128xf32, #tpu.memory_space<hbm>>)
          tpu.yield
        }) : () -> ()
      } else {
      }
      %mul3A_37 = arith.constant 6 : i32
      %mul3A_38 = arith.muli %scan3A_11, %mul3A_37 : i32
      %add3A_39 = arith.constant 1 : i32
      %add3A_40 = arith.addi %mul3A_38, %add3A_39 : i32
      %sub3A_41 = arith.constant 6 : i32
      %sub3A_42 = arith.subi %add3A_40, %sub3A_41 : i32
      %ge3A_43 = arith.constant 6 : i32
      %ge3A_44 = arith.cmpi sge, %add3A_40, %ge3A_43 : i32
      %lt3A_45 = arith.constant 512 : i32
      %lt3A_46 = arith.cmpi slt, %sub3A_42, %lt3A_45 : i32
      %and3A_47 = arith.andi %ge3A_44, %lt3A_46 : i1
      %convert_element_type3A_48 = arith.extui %and3A_47 : i1 to i32
      %cond3A_49 = arith.constant 0 : i32
      %cond3A_50 = arith.cmpi ne, %convert_element_type3A_48, %cond3A_49 : i32
      scf.if %cond3A_50 {
        %dma_wait3A = arith.constant 1 : i32
        %dma_wait3A_197 = arith.constant 0 : i32
        %dma_wait3A_198 = arith.constant 0 : i32
        %dma_wait3A_199 = arith.constant 0 : i32
        %dma_wait3A_200 = tpu.memref_slice %arg14[%dma_wait3A, %dma_wait3A_197, %dma_wait3A_198, %dma_wait3A_199] : memref<6x4x32x128xf32, #tpu.memory_space<vmem>> -> memref<1x1x32x128xf32, #tpu.memory_space<vmem>>
        %dma_wait3A_201 = tpu.memref_squeeze %dma_wait3A_200 : memref<1x1x32x128xf32, #tpu.memory_space<vmem>> -> memref<32x128xf32, #tpu.memory_space<vmem>>
        %dma_wait3A_202 = arith.constant 0 : i32
        %dma_wait3A_203 = arith.constant 0 : i32
        %dma_wait3A_204 = tpu.memref_slice %arg4[%dma_wait3A_202, %dma_wait3A_203] : memref<32x1000000xf32, #tpu.memory_space<hbm>> -> memref<32x128xf32, #tpu.memory_space<hbm>>
        %dma_wait3A_205 = arith.constant 0 : i32
        %dma_wait3A_206 = arith.constant 0 : i32
        %dma_wait3A_207 = tpu.memref_slice %arg14[%dma_wait3A, %dma_wait3A_197, %dma_wait3A_205, %dma_wait3A_206] : memref<6x4x32x128xf32, #tpu.memory_space<vmem>> -> memref<1x1x32x128xf32, #tpu.memory_space<vmem>>
        %dma_wait3A_208 = tpu.memref_squeeze %dma_wait3A_207 : memref<1x1x32x128xf32, #tpu.memory_space<vmem>> -> memref<32x128xf32, #tpu.memory_space<vmem>>
        %dma_wait3A_209 = arith.constant 0 : i32
        %dma_wait3A_210 = arith.constant 0 : i32
        %dma_wait3A_211 = tpu.memref_slice %arg4[%dma_wait3A_209, %dma_wait3A_210] : memref<32x1000000xf32, #tpu.memory_space<hbm>> -> memref<32x128xf32, #tpu.memory_space<hbm>>
        tpu.wait_dma2 semaphore(%arg17 : memref<!tpu.dma_semaphore, #tpu.memory_space<semaphore_mem>>) src(%dma_wait3A_211 : memref<32x128xf32, #tpu.memory_space<hbm>>) dst(%dma_wait3A_208 : memref<32x128xf32, #tpu.memory_space<vmem>>)
        %dma_wait3A_212 = arith.constant 1 : i32
        %dma_wait3A_213 = arith.constant 1 : i32
        %dma_wait3A_214 = arith.constant 0 : i32
        %dma_wait3A_215 = arith.constant 0 : i32
        %dma_wait3A_216 = tpu.memref_slice %arg14[%dma_wait3A_212, %dma_wait3A_213, %dma_wait3A_214, %dma_wait3A_215] : memref<6x4x32x128xf32, #tpu.memory_space<vmem>> -> memref<1x1x32x128xf32, #tpu.memory_space<vmem>>
        %dma_wait3A_217 = tpu.memref_squeeze %dma_wait3A_216 : memref<1x1x32x128xf32, #tpu.memory_space<vmem>> -> memref<32x128xf32, #tpu.memory_space<vmem>>
        %dma_wait3A_218 = arith.constant 0 : i32
        %dma_wait3A_219 = arith.constant 0 : i32
        %dma_wait3A_220 = tpu.memref_slice %arg4[%dma_wait3A_218, %dma_wait3A_219] : memref<32x1000000xf32, #tpu.memory_space<hbm>> -> memref<32x128xf32, #tpu.memory_space<hbm>>
        %dma_wait3A_221 = arith.constant 0 : i32
        %dma_wait3A_222 = arith.constant 0 : i32
        %dma_wait3A_223 = tpu.memref_slice %arg14[%dma_wait3A_212, %dma_wait3A_213, %dma_wait3A_221, %dma_wait3A_222] : memref<6x4x32x128xf32, #tpu.memory_space<vmem>> -> memref<1x1x32x128xf32, #tpu.memory_space<vmem>>
        %dma_wait3A_224 = tpu.memref_squeeze %dma_wait3A_223 : memref<1x1x32x128xf32, #tpu.memory_space<vmem>> -> memref<32x128xf32, #tpu.memory_space<vmem>>
        %dma_wait3A_225 = arith.constant 0 : i32
        %dma_wait3A_226 = arith.constant 0 : i32
        %dma_wait3A_227 = tpu.memref_slice %arg4[%dma_wait3A_225, %dma_wait3A_226] : memref<32x1000000xf32, #tpu.memory_space<hbm>> -> memref<32x128xf32, #tpu.memory_space<hbm>>
        tpu.wait_dma2 semaphore(%arg17 : memref<!tpu.dma_semaphore, #tpu.memory_space<semaphore_mem>>) src(%dma_wait3A_227 : memref<32x128xf32, #tpu.memory_space<hbm>>) dst(%dma_wait3A_224 : memref<32x128xf32, #tpu.memory_space<vmem>>)
        %dma_wait3A_228 = arith.constant 1 : i32
        %dma_wait3A_229 = arith.constant 2 : i32
        %dma_wait3A_230 = arith.constant 0 : i32
        %dma_wait3A_231 = arith.constant 0 : i32
        %dma_wait3A_232 = tpu.memref_slice %arg14[%dma_wait3A_228, %dma_wait3A_229, %dma_wait3A_230, %dma_wait3A_231] : memref<6x4x32x128xf32, #tpu.memory_space<vmem>> -> memref<1x1x32x128xf32, #tpu.memory_space<vmem>>
        %dma_wait3A_233 = tpu.memref_squeeze %dma_wait3A_232 : memref<1x1x32x128xf32, #tpu.memory_space<vmem>> -> memref<32x128xf32, #tpu.memory_space<vmem>>
        %dma_wait3A_234 = arith.constant 0 : i32
        %dma_wait3A_235 = arith.constant 0 : i32
        %dma_wait3A_236 = tpu.memref_slice %arg4[%dma_wait3A_234, %dma_wait3A_235] : memref<32x1000000xf32, #tpu.memory_space<hbm>> -> memref<32x128xf32, #tpu.memory_space<hbm>>
        %dma_wait3A_237 = arith.constant 0 : i32
        %dma_wait3A_238 = arith.constant 0 : i32
        %dma_wait3A_239 = tpu.memref_slice %arg14[%dma_wait3A_228, %dma_wait3A_229, %dma_wait3A_237, %dma_wait3A_238] : memref<6x4x32x128xf32, #tpu.memory_space<vmem>> -> memref<1x1x32x128xf32, #tpu.memory_space<vmem>>
        %dma_wait3A_240 = tpu.memref_squeeze %dma_wait3A_239 : memref<1x1x32x128xf32, #tpu.memory_space<vmem>> -> memref<32x128xf32, #tpu.memory_space<vmem>>
        %dma_wait3A_241 = arith.constant 0 : i32
        %dma_wait3A_242 = arith.constant 0 : i32
        %dma_wait3A_243 = tpu.memref_slice %arg4[%dma_wait3A_241, %dma_wait3A_242] : memref<32x1000000xf32, #tpu.memory_space<hbm>> -> memref<32x128xf32, #tpu.memory_space<hbm>>
        tpu.wait_dma2 semaphore(%arg17 : memref<!tpu.dma_semaphore, #tpu.memory_space<semaphore_mem>>) src(%dma_wait3A_243 : memref<32x128xf32, #tpu.memory_space<hbm>>) dst(%dma_wait3A_240 : memref<32x128xf32, #tpu.memory_space<vmem>>)
        %dma_wait3A_244 = arith.constant 1 : i32
        %dma_wait3A_245 = arith.constant 3 : i32
        %dma_wait3A_246 = arith.constant 0 : i32
        %dma_wait3A_247 = arith.constant 0 : i32
        %dma_wait3A_248 = tpu.memref_slice %arg14[%dma_wait3A_244, %dma_wait3A_245, %dma_wait3A_246, %dma_wait3A_247] : memref<6x4x32x128xf32, #tpu.memory_space<vmem>> -> memref<1x1x32x128xf32, #tpu.memory_space<vmem>>
        %dma_wait3A_249 = tpu.memref_squeeze %dma_wait3A_248 : memref<1x1x32x128xf32, #tpu.memory_space<vmem>> -> memref<32x128xf32, #tpu.memory_space<vmem>>
        %dma_wait3A_250 = arith.constant 0 : i32
        %dma_wait3A_251 = arith.constant 0 : i32
        %dma_wait3A_252 = tpu.memref_slice %arg4[%dma_wait3A_250, %dma_wait3A_251] : memref<32x1000000xf32, #tpu.memory_space<hbm>> -> memref<32x128xf32, #tpu.memory_space<hbm>>
        %dma_wait3A_253 = arith.constant 0 : i32
        %dma_wait3A_254 = arith.constant 0 : i32
        %dma_wait3A_255 = tpu.memref_slice %arg14[%dma_wait3A_244, %dma_wait3A_245, %dma_wait3A_253, %dma_wait3A_254] : memref<6x4x32x128xf32, #tpu.memory_space<vmem>> -> memref<1x1x32x128xf32, #tpu.memory_space<vmem>>
        %dma_wait3A_256 = tpu.memref_squeeze %dma_wait3A_255 : memref<1x1x32x128xf32, #tpu.memory_space<vmem>> -> memref<32x128xf32, #tpu.memory_space<vmem>>
        %dma_wait3A_257 = arith.constant 0 : i32
        %dma_wait3A_258 = arith.constant 0 : i32
        %dma_wait3A_259 = tpu.memref_slice %arg4[%dma_wait3A_257, %dma_wait3A_258] : memref<32x1000000xf32, #tpu.memory_space<hbm>> -> memref<32x128xf32, #tpu.memory_space<hbm>>
        tpu.wait_dma2 semaphore(%arg17 : memref<!tpu.dma_semaphore, #tpu.memory_space<semaphore_mem>>) src(%dma_wait3A_259 : memref<32x128xf32, #tpu.memory_space<hbm>>) dst(%dma_wait3A_256 : memref<32x128xf32, #tpu.memory_space<vmem>>)
        %broadcast_in_dim3A = vector.broadcast %sub3A_42 : i32 to vector<16xi32>
        %gather3A = tpu.vector_load_idx %arg12[%broadcast_in_dim3A] : memref<512xi32, #tpu.memory_space<vmem>>[vector<16xi32>], vector<16xi32>,
        %and3A_260 = arith.constant 127 : i32
        %and3A_261 = vector.broadcast %and3A_260 : i32 to vector<16xi32>
        %and3A_262 = arith.andi %gather3A, %and3A_261 : vector<16xi32>
        %broadcast_in_dim3A_263 = vector.broadcast %sub3A_42 : i32 to vector<16xi32>
        %gather3A_264 = tpu.vector_load_idx %arg13[%broadcast_in_dim3A_263] : memref<512xi32, #tpu.memory_space<vmem>>[vector<16xi32>], vector<16xi32>,
        %and3A_265 = arith.constant 127 : i32
        %and3A_266 = vector.broadcast %and3A_265 : i32 to vector<16xi32>
        %and3A_267 = arith.andi %gather3A_264, %and3A_266 : vector<16xi32>
        %and3A_268 = arith.constant 127 : i32
        %and3A_269 = arith.andi %sub3A_42, %and3A_268 : i32
        %broadcast_in_dim3A_270 = vector.broadcast %and3A_269 : i32 to vector<16xi32>
        %gather3A_271 = arith.constant 1 : i32
        %gather3A_272 = arith.constant 0 : i32
        %gather3A_273 = arith.constant 0 : i32
        %gather3A_274 = arith.constant 0 : i32
        %gather3A_275 = tpu.memref_slice %arg14[%gather3A_271, %gather3A_272, %gather3A_273, %gather3A_274] : memref<6x4x32x128xf32, #tpu.memory_space<vmem>> -> memref<1x1x32x128xf32, #tpu.memory_space<vmem>>
        %gather3A_276 = tpu.memref_squeeze %gather3A_275 : memref<1x1x32x128xf32, #tpu.memory_space<vmem>> -> memref<32x128xf32, #tpu.memory_space<vmem>>
        %gather3A_277 = tpu.vector_load_idx %gather3A_276[%iota3A, %and3A_262] : memref<32x128xf32, #tpu.memory_space<vmem>>[vector<16xi32>, vector<16xi32>], vector<16xf32>,
        %gather3A_278 = arith.constant 1 : i32
        %gather3A_279 = arith.constant 0 : i32
        %gather3A_280 = arith.constant 0 : i32
        %gather3A_281 = arith.constant 0 : i32
        %gather3A_282 = tpu.memref_slice %arg14[%gather3A_278, %gather3A_279, %gather3A_280, %gather3A_281] : memref<6x4x32x128xf32, #tpu.memory_space<vmem>> -> memref<1x1x32x128xf32, #tpu.memory_space<vmem>>
        %gather3A_283 = tpu.memref_squeeze %gather3A_282 : memref<1x1x32x128xf32, #tpu.memory_space<vmem>> -> memref<32x128xf32, #tpu.memory_space<vmem>>
        %gather3A_284 = tpu.vector_load_idx %gather3A_283[%add3A_5, %and3A_262] : memref<32x128xf32, #tpu.memory_space<vmem>>[vector<16xi32>, vector<16xi32>], vector<16xf32>,
        %scatter3A = arith.constant 0 : i32
        %scatter3A_285 = arith.constant 0 : i32
        %scatter3A_286 = arith.constant 0 : i32
        %scatter3A_287 = tpu.memref_slice %arg15[%scatter3A, %scatter3A_285, %scatter3A_286] : memref<4x32x128xf32, #tpu.memory_space<vmem>> -> memref<1x32x128xf32, #tpu.memory_space<vmem>>
        %scatter3A_288 = tpu.memref_squeeze %scatter3A_287 : memref<1x32x128xf32, #tpu.memory_space<vmem>> -> memref<32x128xf32, #tpu.memory_space<vmem>>
        tpu.vector_store_idx %scatter3A_288[%iota3A, %broadcast_in_dim3A_270], %gather3A_277 : memref<32x128xf32, #tpu.memory_space<vmem>>[vector<16xi32>, vector<16xi32>], vector<16xf32>,
        %scatter3A_289 = arith.constant 0 : i32
        %scatter3A_290 = arith.constant 0 : i32
        %scatter3A_291 = arith.constant 0 : i32
        %scatter3A_292 = tpu.memref_slice %arg15[%scatter3A_289, %scatter3A_290, %scatter3A_291] : memref<4x32x128xf32, #tpu.memory_space<vmem>> -> memref<1x32x128xf32, #tpu.memory_space<vmem>>
        %scatter3A_293 = tpu.memref_squeeze %scatter3A_292 : memref<1x32x128xf32, #tpu.memory_space<vmem>> -> memref<32x128xf32, #tpu.memory_space<vmem>>
        tpu.vector_store_idx %scatter3A_293[%add3A_5, %broadcast_in_dim3A_270], %gather3A_284 : memref<32x128xf32, #tpu.memory_space<vmem>>[vector<16xi32>, vector<16xi32>], vector<16xf32>,
        %gather3A_294 = arith.constant 1 : i32
        %gather3A_295 = arith.constant 1 : i32
        %gather3A_296 = arith.constant 0 : i32
        %gather3A_297 = arith.constant 0 : i32
        %gather3A_298 = tpu.memref_slice %arg14[%gather3A_294, %gather3A_295, %gather3A_296, %gather3A_297] : memref<6x4x32x128xf32, #tpu.memory_space<vmem>> -> memref<1x1x32x128xf32, #tpu.memory_space<vmem>>
        %gather3A_299 = tpu.memref_squeeze %gather3A_298 : memref<1x1x32x128xf32, #tpu.memory_space<vmem>> -> memref<32x128xf32, #tpu.memory_space<vmem>>
        %gather3A_300 = tpu.vector_load_idx %gather3A_299[%iota3A, %and3A_267] : memref<32x128xf32, #tpu.memory_space<vmem>>[vector<16xi32>, vector<16xi32>], vector<16xf32>,
        %gather3A_301 = arith.constant 1 : i32
        %gather3A_302 = arith.constant 1 : i32
        %gather3A_303 = arith.constant 0 : i32
        %gather3A_304 = arith.constant 0 : i32
        %gather3A_305 = tpu.memref_slice %arg14[%gather3A_301, %gather3A_302, %gather3A_303, %gather3A_304] : memref<6x4x32x128xf32, #tpu.memory_space<vmem>> -> memref<1x1x32x128xf32, #tpu.memory_space<vmem>>
        %gather3A_306 = tpu.memref_squeeze %gather3A_305 : memref<1x1x32x128xf32, #tpu.memory_space<vmem>> -> memref<32x128xf32, #tpu.memory_space<vmem>>
        %gather3A_307 = tpu.vector_load_idx %gather3A_306[%add3A_5, %and3A_267] : memref<32x128xf32, #tpu.memory_space<vmem>>[vector<16xi32>, vector<16xi32>], vector<16xf32>,
        %scatter3A_308 = arith.constant 1 : i32
        %scatter3A_309 = arith.constant 0 : i32
        %scatter3A_310 = arith.constant 0 : i32
        %scatter3A_311 = tpu.memref_slice %arg15[%scatter3A_308, %scatter3A_309, %scatter3A_310] : memref<4x32x128xf32, #tpu.memory_space<vmem>> -> memref<1x32x128xf32, #tpu.memory_space<vmem>>
        %scatter3A_312 = tpu.memref_squeeze %scatter3A_311 : memref<1x32x128xf32, #tpu.memory_space<vmem>> -> memref<32x128xf32, #tpu.memory_space<vmem>>
        tpu.vector_store_idx %scatter3A_312[%iota3A, %broadcast_in_dim3A_270], %gather3A_300 : memref<32x128xf32, #tpu.memory_space<vmem>>[vector<16xi32>, vector<16xi32>], vector<16xf32>,
        %scatter3A_313 = arith.constant 1 : i32
        %scatter3A_314 = arith.constant 0 : i32
        %scatter3A_315 = arith.constant 0 : i32
        %scatter3A_316 = tpu.memref_slice %arg15[%scatter3A_313, %scatter3A_314, %scatter3A_315] : memref<4x32x128xf32, #tpu.memory_space<vmem>> -> memref<1x32x128xf32, #tpu.memory_space<vmem>>
        %scatter3A_317 = tpu.memref_squeeze %scatter3A_316 : memref<1x32x128xf32, #tpu.memory_space<vmem>> -> memref<32x128xf32, #tpu.memory_space<vmem>>
        tpu.vector_store_idx %scatter3A_317[%add3A_5, %broadcast_in_dim3A_270], %gather3A_307 : memref<32x128xf32, #tpu.memory_space<vmem>>[vector<16xi32>, vector<16xi32>], vector<16xf32>,
        %gather3A_318 = arith.constant 1 : i32
        %gather3A_319 = arith.constant 2 : i32
        %gather3A_320 = arith.constant 0 : i32
        %gather3A_321 = arith.constant 0 : i32
        %gather3A_322 = tpu.memref_slice %arg14[%gather3A_318, %gather3A_319, %gather3A_320, %gather3A_321] : memref<6x4x32x128xf32, #tpu.memory_space<vmem>> -> memref<1x1x32x128xf32, #tpu.memory_space<vmem>>
        %gather3A_323 = tpu.memref_squeeze %gather3A_322 : memref<1x1x32x128xf32, #tpu.memory_space<vmem>> -> memref<32x128xf32, #tpu.memory_space<vmem>>
        %gather3A_324 = tpu.vector_load_idx %gather3A_323[%iota3A, %and3A_262] : memref<32x128xf32, #tpu.memory_space<vmem>>[vector<16xi32>, vector<16xi32>], vector<16xf32>,
        %gather3A_325 = arith.constant 1 : i32
        %gather3A_326 = arith.constant 2 : i32
        %gather3A_327 = arith.constant 0 : i32
        %gather3A_328 = arith.constant 0 : i32
        %gather3A_329 = tpu.memref_slice %arg14[%gather3A_325, %gather3A_326, %gather3A_327, %gather3A_328] : memref<6x4x32x128xf32, #tpu.memory_space<vmem>> -> memref<1x1x32x128xf32, #tpu.memory_space<vmem>>
        %gather3A_330 = tpu.memref_squeeze %gather3A_329 : memref<1x1x32x128xf32, #tpu.memory_space<vmem>> -> memref<32x128xf32, #tpu.memory_space<vmem>>
        %gather3A_331 = tpu.vector_load_idx %gather3A_330[%add3A_5, %and3A_262] : memref<32x128xf32, #tpu.memory_space<vmem>>[vector<16xi32>, vector<16xi32>], vector<16xf32>,
        %scatter3A_332 = arith.constant 2 : i32
        %scatter3A_333 = arith.constant 0 : i32
        %scatter3A_334 = arith.constant 0 : i32
        %scatter3A_335 = tpu.memref_slice %arg15[%scatter3A_332, %scatter3A_333, %scatter3A_334] : memref<4x32x128xf32, #tpu.memory_space<vmem>> -> memref<1x32x128xf32, #tpu.memory_space<vmem>>
        %scatter3A_336 = tpu.memref_squeeze %scatter3A_335 : memref<1x32x128xf32, #tpu.memory_space<vmem>> -> memref<32x128xf32, #tpu.memory_space<vmem>>
        tpu.vector_store_idx %scatter3A_336[%iota3A, %broadcast_in_dim3A_270], %gather3A_324 : memref<32x128xf32, #tpu.memory_space<vmem>>[vector<16xi32>, vector<16xi32>], vector<16xf32>,
        %scatter3A_337 = arith.constant 2 : i32
        %scatter3A_338 = arith.constant 0 : i32
        %scatter3A_339 = arith.constant 0 : i32
        %scatter3A_340 = tpu.memref_slice %arg15[%scatter3A_337, %scatter3A_338, %scatter3A_339] : memref<4x32x128xf32, #tpu.memory_space<vmem>> -> memref<1x32x128xf32, #tpu.memory_space<vmem>>
        %scatter3A_341 = tpu.memref_squeeze %scatter3A_340 : memref<1x32x128xf32, #tpu.memory_space<vmem>> -> memref<32x128xf32, #tpu.memory_space<vmem>>
        tpu.vector_store_idx %scatter3A_341[%add3A_5, %broadcast_in_dim3A_270], %gather3A_331 : memref<32x128xf32, #tpu.memory_space<vmem>>[vector<16xi32>, vector<16xi32>], vector<16xf32>,
        %gather3A_342 = arith.constant 1 : i32
        %gather3A_343 = arith.constant 3 : i32
        %gather3A_344 = arith.constant 0 : i32
        %gather3A_345 = arith.constant 0 : i32
        %gather3A_346 = tpu.memref_slice %arg14[%gather3A_342, %gather3A_343, %gather3A_344, %gather3A_345] : memref<6x4x32x128xf32, #tpu.memory_space<vmem>> -> memref<1x1x32x128xf32, #tpu.memory_space<vmem>>
        %gather3A_347 = tpu.memref_squeeze %gather3A_346 : memref<1x1x32x128xf32, #tpu.memory_space<vmem>> -> memref<32x128xf32, #tpu.memory_space<vmem>>
        %gather3A_348 = tpu.vector_load_idx %gather3A_347[%iota3A, %and3A_267] : memref<32x128xf32, #tpu.memory_space<vmem>>[vector<16xi32>, vector<16xi32>], vector<16xf32>,
        %gather3A_349 = arith.constant 1 : i32
        %gather3A_350 = arith.constant 3 : i32
        %gather3A_351 = arith.constant 0 : i32
        %gather3A_352 = arith.constant 0 : i32
        %gather3A_353 = tpu.memref_slice %arg14[%gather3A_349, %gather3A_350, %gather3A_351, %gather3A_352] : memref<6x4x32x128xf32, #tpu.memory_space<vmem>> -> memref<1x1x32x128xf32, #tpu.memory_space<vmem>>
        %gather3A_354 = tpu.memref_squeeze %gather3A_353 : memref<1x1x32x128xf32, #tpu.memory_space<vmem>> -> memref<32x128xf32, #tpu.memory_space<vmem>>
        %gather3A_355 = tpu.vector_load_idx %gather3A_354[%add3A_5, %and3A_267] : memref<32x128xf32, #tpu.memory_space<vmem>>[vector<16xi32>, vector<16xi32>], vector<16xf32>,
        %scatter3A_356 = arith.constant 3 : i32
        %scatter3A_357 = arith.constant 0 : i32
        %scatter3A_358 = arith.constant 0 : i32
        %scatter3A_359 = tpu.memref_slice %arg15[%scatter3A_356, %scatter3A_357, %scatter3A_358] : memref<4x32x128xf32, #tpu.memory_space<vmem>> -> memref<1x32x128xf32, #tpu.memory_space<vmem>>
        %scatter3A_360 = tpu.memref_squeeze %scatter3A_359 : memref<1x32x128xf32, #tpu.memory_space<vmem>> -> memref<32x128xf32, #tpu.memory_space<vmem>>
        tpu.vector_store_idx %scatter3A_360[%iota3A, %broadcast_in_dim3A_270], %gather3A_348 : memref<32x128xf32, #tpu.memory_space<vmem>>[vector<16xi32>, vector<16xi32>], vector<16xf32>,
        %scatter3A_361 = arith.constant 3 : i32
        %scatter3A_362 = arith.constant 0 : i32
        %scatter3A_363 = arith.constant 0 : i32
        %scatter3A_364 = tpu.memref_slice %arg15[%scatter3A_361, %scatter3A_362, %scatter3A_363] : memref<4x32x128xf32, #tpu.memory_space<vmem>> -> memref<1x32x128xf32, #tpu.memory_space<vmem>>
        %scatter3A_365 = tpu.memref_squeeze %scatter3A_364 : memref<1x32x128xf32, #tpu.memory_space<vmem>> -> memref<32x128xf32, #tpu.memory_space<vmem>>
        tpu.vector_store_idx %scatter3A_365[%add3A_5, %broadcast_in_dim3A_270], %gather3A_355 : memref<32x128xf32, #tpu.memory_space<vmem>>[vector<16xi32>, vector<16xi32>], vector<16xf32>,
      } else {
      }
      %lt3A_51 = arith.constant 512 : i32
      %lt3A_52 = arith.cmpi slt, %add3A_40, %lt3A_51 : i32
      %convert_element_type3A_53 = arith.extui %lt3A_52 : i1 to i32
      %cond3A_54 = arith.constant 0 : i32
      %cond3A_55 = arith.cmpi ne, %convert_element_type3A_53, %cond3A_54 : i32
      scf.if %cond3A_55 {
        %broadcast_in_dim3A = vector.broadcast %add3A_40 : i32 to vector<16xi32>
        %gather3A = tpu.vector_load_idx %arg12[%broadcast_in_dim3A] : memref<512xi32, #tpu.memory_space<vmem>>[vector<16xi32>], vector<16xi32>,
        %reduce_max3A = arith.constant true
        %reduce_max3A_197 = vector.broadcast %reduce_max3A : i1 to vector<16xi1>
        %reduce_max3A_198 = arith.constant -2147483648 : i32
        %reduce_max3A_199 = vector.broadcast %reduce_max3A_198 : i32 to vector<16xi32>
        %reduce_max3A_200 = arith.xori %gather3A, %reduce_max3A_199 : vector<16xi32>
        %reduce_max3A_201 = tpu.scan <max>, %reduce_max3A_200 masked %reduce_max3A_197 : vector<16xi32>, vector<16xi1> -> vector<16xi32>
        %reduce_max3A_202 = arith.xori %reduce_max3A_201, %reduce_max3A_199 : vector<16xi32>
        %reduce_max3A_203 = vector.extract %reduce_max3A_202[15] : i32 from vector<16xi32>
        %broadcast_in_dim3A_204 = vector.broadcast %add3A_40 : i32 to vector<16xi32>
        %gather3A_205 = tpu.vector_load_idx %arg13[%broadcast_in_dim3A_204] : memref<512xi32, #tpu.memory_space<vmem>>[vector<16xi32>], vector<16xi32>,
        %reduce_max3A_206 = arith.constant true
        %reduce_max3A_207 = vector.broadcast %reduce_max3A_206 : i1 to vector<16xi1>
        %reduce_max3A_208 = arith.constant -2147483648 : i32
        %reduce_max3A_209 = vector.broadcast %reduce_max3A_208 : i32 to vector<16xi32>
        %reduce_max3A_210 = arith.xori %gather3A_205, %reduce_max3A_209 : vector<16xi32>
        %reduce_max3A_211 = tpu.scan <max>, %reduce_max3A_210 masked %reduce_max3A_207 : vector<16xi32>, vector<16xi1> -> vector<16xi32>
        %reduce_max3A_212 = arith.xori %reduce_max3A_211, %reduce_max3A_209 : vector<16xi32>
        %reduce_max3A_213 = vector.extract %reduce_max3A_212[15] : i32 from vector<16xi32>
        %and3A_214 = arith.constant -128 : i32
        %and3A_215 = arith.andi %reduce_max3A_203, %and3A_214 : i32
        %multiple_of3A = tpu.assume_multiple %and3A_215, 128 : i32
        %and3A_216 = arith.constant -128 : i32
        %and3A_217 = arith.andi %reduce_max3A_213, %and3A_216 : i32
        %multiple_of3A_218 = tpu.assume_multiple %and3A_217, 128 : i32
        %dma_start3A = arith.constant 1 : i32
        %dma_start3A_219 = arith.constant 0 : i32
        %dma_start3A_220 = arith.constant 0 : i32
        %dma_start3A_221 = arith.constant 0 : i32
        %dma_start3A_222 = tpu.memref_slice %arg14[%dma_start3A, %dma_start3A_219, %dma_start3A_220, %dma_start3A_221] : memref<6x4x32x128xf32, #tpu.memory_space<vmem>> -> memref<1x1x32x128xf32, #tpu.memory_space<vmem>>
        %dma_start3A_223 = tpu.memref_squeeze %dma_start3A_222 : memref<1x1x32x128xf32, #tpu.memory_space<vmem>> -> memref<32x128xf32, #tpu.memory_space<vmem>>
        %dma_start3A_224 = arith.constant 0 : i32
        %dma_start3A_225 = tpu.memref_slice %arg4[%dma_start3A_224, %multiple_of3A] : memref<32x1000000xf32, #tpu.memory_space<hbm>> -> memref<32x128xf32, #tpu.memory_space<hbm>>
        %dma_start3A_226 = arith.constant 0 : i32
        %dma_start3A_227 = arith.constant 0 : i32
        %dma_start3A_228 = tpu.memref_slice %arg14[%dma_start3A, %dma_start3A_219, %dma_start3A_226, %dma_start3A_227] : memref<6x4x32x128xf32, #tpu.memory_space<vmem>> -> memref<1x1x32x128xf32, #tpu.memory_space<vmem>>
        %dma_start3A_229 = tpu.memref_squeeze %dma_start3A_228 : memref<1x1x32x128xf32, #tpu.memory_space<vmem>> -> memref<32x128xf32, #tpu.memory_space<vmem>>
        %dma_start3A_230 = arith.constant 0 : i32
        %dma_start3A_231 = tpu.memref_slice %arg4[%dma_start3A_230, %multiple_of3A] : memref<32x1000000xf32, #tpu.memory_space<hbm>> -> memref<32x128xf32, #tpu.memory_space<hbm>>
        tpu.enqueue_dma source(%dma_start3A_231 : memref<32x128xf32, #tpu.memory_space<hbm>>) target(%dma_start3A_229 : memref<32x128xf32, #tpu.memory_space<vmem>>) target_semaphore(%arg17 : memref<!tpu.dma_semaphore, #tpu.memory_space<semaphore_mem>>)
        %dma_start3A_232 = arith.constant 1 : i32
        %dma_start3A_233 = arith.constant 1 : i32
        %dma_start3A_234 = arith.constant 0 : i32
        %dma_start3A_235 = arith.constant 0 : i32
        %dma_start3A_236 = tpu.memref_slice %arg14[%dma_start3A_232, %dma_start3A_233, %dma_start3A_234, %dma_start3A_235] : memref<6x4x32x128xf32, #tpu.memory_space<vmem>> -> memref<1x1x32x128xf32, #tpu.memory_space<vmem>>
        %dma_start3A_237 = tpu.memref_squeeze %dma_start3A_236 : memref<1x1x32x128xf32, #tpu.memory_space<vmem>> -> memref<32x128xf32, #tpu.memory_space<vmem>>
        %dma_start3A_238 = arith.constant 0 : i32
        %dma_start3A_239 = tpu.memref_slice %arg5[%dma_start3A_238, %multiple_of3A_218] : memref<32x1000000xf32, #tpu.memory_space<hbm>> -> memref<32x128xf32, #tpu.memory_space<hbm>>
        %dma_start3A_240 = arith.constant 0 : i32
        %dma_start3A_241 = arith.constant 0 : i32
        %dma_start3A_242 = tpu.memref_slice %arg14[%dma_start3A_232, %dma_start3A_233, %dma_start3A_240, %dma_start3A_241] : memref<6x4x32x128xf32, #tpu.memory_space<vmem>> -> memref<1x1x32x128xf32, #tpu.memory_space<vmem>>
        %dma_start3A_243 = tpu.memref_squeeze %dma_start3A_242 : memref<1x1x32x128xf32, #tpu.memory_space<vmem>> -> memref<32x128xf32, #tpu.memory_space<vmem>>
        %dma_start3A_244 = arith.constant 0 : i32
        %dma_start3A_245 = tpu.memref_slice %arg5[%dma_start3A_244, %multiple_of3A_218] : memref<32x1000000xf32, #tpu.memory_space<hbm>> -> memref<32x128xf32, #tpu.memory_space<hbm>>
        tpu.enqueue_dma source(%dma_start3A_245 : memref<32x128xf32, #tpu.memory_space<hbm>>) target(%dma_start3A_243 : memref<32x128xf32, #tpu.memory_space<vmem>>) target_semaphore(%arg17 : memref<!tpu.dma_semaphore, #tpu.memory_space<semaphore_mem>>)
        %dma_start3A_246 = arith.constant 1 : i32
        %dma_start3A_247 = arith.constant 2 : i32
        %dma_start3A_248 = arith.constant 0 : i32
        %dma_start3A_249 = arith.constant 0 : i32
        %dma_start3A_250 = tpu.memref_slice %arg14[%dma_start3A_246, %dma_start3A_247, %dma_start3A_248, %dma_start3A_249] : memref<6x4x32x128xf32, #tpu.memory_space<vmem>> -> memref<1x1x32x128xf32, #tpu.memory_space<vmem>>
        %dma_start3A_251 = tpu.memref_squeeze %dma_start3A_250 : memref<1x1x32x128xf32, #tpu.memory_space<vmem>> -> memref<32x128xf32, #tpu.memory_space<vmem>>
        %dma_start3A_252 = arith.constant 0 : i32
        %dma_start3A_253 = tpu.memref_slice %arg6[%dma_start3A_252, %multiple_of3A] : memref<32x1000000xf32, #tpu.memory_space<hbm>> -> memref<32x128xf32, #tpu.memory_space<hbm>>
        %dma_start3A_254 = arith.constant 0 : i32
        %dma_start3A_255 = arith.constant 0 : i32
        %dma_start3A_256 = tpu.memref_slice %arg14[%dma_start3A_246, %dma_start3A_247, %dma_start3A_254, %dma_start3A_255] : memref<6x4x32x128xf32, #tpu.memory_space<vmem>> -> memref<1x1x32x128xf32, #tpu.memory_space<vmem>>
        %dma_start3A_257 = tpu.memref_squeeze %dma_start3A_256 : memref<1x1x32x128xf32, #tpu.memory_space<vmem>> -> memref<32x128xf32, #tpu.memory_space<vmem>>
        %dma_start3A_258 = arith.constant 0 : i32
        %dma_start3A_259 = tpu.memref_slice %arg6[%dma_start3A_258, %multiple_of3A] : memref<32x1000000xf32, #tpu.memory_space<hbm>> -> memref<32x128xf32, #tpu.memory_space<hbm>>
        tpu.enqueue_dma source(%dma_start3A_259 : memref<32x128xf32, #tpu.memory_space<hbm>>) target(%dma_start3A_257 : memref<32x128xf32, #tpu.memory_space<vmem>>) target_semaphore(%arg17 : memref<!tpu.dma_semaphore, #tpu.memory_space<semaphore_mem>>)
        %dma_start3A_260 = arith.constant 1 : i32
        %dma_start3A_261 = arith.constant 3 : i32
        %dma_start3A_262 = arith.constant 0 : i32
        %dma_start3A_263 = arith.constant 0 : i32
        %dma_start3A_264 = tpu.memref_slice %arg14[%dma_start3A_260, %dma_start3A_261, %dma_start3A_262, %dma_start3A_263] : memref<6x4x32x128xf32, #tpu.memory_space<vmem>> -> memref<1x1x32x128xf32, #tpu.memory_space<vmem>>
        %dma_start3A_265 = tpu.memref_squeeze %dma_start3A_264 : memref<1x1x32x128xf32, #tpu.memory_space<vmem>> -> memref<32x128xf32, #tpu.memory_space<vmem>>
        %dma_start3A_266 = arith.constant 0 : i32
        %dma_start3A_267 = tpu.memref_slice %arg7[%dma_start3A_266, %multiple_of3A_218] : memref<32x1000000xf32, #tpu.memory_space<hbm>> -> memref<32x128xf32, #tpu.memory_space<hbm>>
        %dma_start3A_268 = arith.constant 0 : i32
        %dma_start3A_269 = arith.constant 0 : i32
        %dma_start3A_270 = tpu.memref_slice %arg14[%dma_start3A_260, %dma_start3A_261, %dma_start3A_268, %dma_start3A_269] : memref<6x4x32x128xf32, #tpu.memory_space<vmem>> -> memref<1x1x32x128xf32, #tpu.memory_space<vmem>>
        %dma_start3A_271 = tpu.memref_squeeze %dma_start3A_270 : memref<1x1x32x128xf32, #tpu.memory_space<vmem>> -> memref<32x128xf32, #tpu.memory_space<vmem>>
        %dma_start3A_272 = arith.constant 0 : i32
        %dma_start3A_273 = tpu.memref_slice %arg7[%dma_start3A_272, %multiple_of3A_218] : memref<32x1000000xf32, #tpu.memory_space<hbm>> -> memref<32x128xf32, #tpu.memory_space<hbm>>
        tpu.enqueue_dma source(%dma_start3A_273 : memref<32x128xf32, #tpu.memory_space<hbm>>) target(%dma_start3A_271 : memref<32x128xf32, #tpu.memory_space<vmem>>) target_semaphore(%arg17 : memref<!tpu.dma_semaphore, #tpu.memory_space<semaphore_mem>>)
      } else {
      }
      %ge3A_56 = arith.constant 0 : i32
      %ge3A_57 = arith.cmpi sge, %sub3A_42, %ge3A_56 : i32
      %lt3A_58 = arith.constant 512 : i32
      %lt3A_59 = arith.cmpi slt, %sub3A_42, %lt3A_58 : i32
      %and3A_60 = arith.andi %ge3A_57, %lt3A_59 : i1
      %and3A_61 = arith.constant 127 : i32
      %and3A_62 = arith.andi %sub3A_42, %and3A_61 : i32
      %eq3A_63 = arith.constant 127 : i32
      %eq3A_64 = arith.cmpi eq, %and3A_62, %eq3A_63 : i32
      %and3A_65 = arith.andi %and3A_60, %eq3A_64 : i1
      %convert_element_type3A_66 = arith.extui %and3A_65 : i1 to i32
      %cond3A_67 = arith.constant 0 : i32
      %cond3A_68 = arith.cmpi ne, %convert_element_type3A_66, %cond3A_67 : i32
      scf.if %cond3A_68 {
        %sub3A_197 = arith.constant 127 : i32
        %sub3A_198 = arith.subi %sub3A_42, %sub3A_197 : i32
        %add3A_199 = arith.addi %mul3A_2, %sub3A_198 : i32
        %multiple_of3A = tpu.assume_multiple %add3A_199, 128 : i32
        %run_scoped3A = arith.constant 0 : i32
        "tpu.region"() ({
          %run_scoped3A_203 = tpu.sem_alloc : memref<!tpu.dma_semaphore, #tpu.memory_space<semaphore_mem>>
          %dma_start3A = arith.constant 0 : i32
          %dma_start3A_204 = arith.constant 0 : i32
          %dma_start3A_205 = tpu.memref_slice %arg15[%run_scoped3A, %dma_start3A, %dma_start3A_204] : memref<4x32x128xf32, #tpu.memory_space<vmem>> -> memref<1x32x128xf32, #tpu.memory_space<vmem>>
          %dma_start3A_206 = tpu.memref_squeeze %dma_start3A_205 : memref<1x32x128xf32, #tpu.memory_space<vmem>> -> memref<32x128xf32, #tpu.memory_space<vmem>>
          %dma_start3A_207 = arith.constant 0 : i32
          %dma_start3A_208 = tpu.memref_slice %arg8[%dma_start3A_207, %multiple_of3A] : memref<32x16384xf32, #tpu.memory_space<hbm>> -> memref<32x128xf32, #tpu.memory_space<hbm>>
          %dma_start3A_209 = arith.constant 0 : i32
          %dma_start3A_210 = tpu.memref_slice %arg8[%dma_start3A_209, %multiple_of3A] : memref<32x16384xf32, #tpu.memory_space<hbm>> -> memref<32x128xf32, #tpu.memory_space<hbm>>
          %dma_start3A_211 = arith.constant 0 : i32
          %dma_start3A_212 = arith.constant 0 : i32
          %dma_start3A_213 = tpu.memref_slice %arg15[%run_scoped3A, %dma_start3A_211, %dma_start3A_212] : memref<4x32x128xf32, #tpu.memory_space<vmem>> -> memref<1x32x128xf32, #tpu.memory_space<vmem>>
          %dma_start3A_214 = tpu.memref_squeeze %dma_start3A_213 : memref<1x32x128xf32, #tpu.memory_space<vmem>> -> memref<32x128xf32, #tpu.memory_space<vmem>>
          tpu.enqueue_dma source(%dma_start3A_214 : memref<32x128xf32, #tpu.memory_space<vmem>>) target(%dma_start3A_210 : memref<32x128xf32, #tpu.memory_space<hbm>>) target_semaphore(%run_scoped3A_203 : memref<!tpu.dma_semaphore, #tpu.memory_space<semaphore_mem>>)
          %dma_wait3A = arith.constant 0 : i32
          %dma_wait3A_215 = arith.constant 0 : i32
          %dma_wait3A_216 = tpu.memref_slice %arg15[%run_scoped3A, %dma_wait3A, %dma_wait3A_215] : memref<4x32x128xf32, #tpu.memory_space<vmem>> -> memref<1x32x128xf32, #tpu.memory_space<vmem>>
          %dma_wait3A_217 = tpu.memref_squeeze %dma_wait3A_216 : memref<1x32x128xf32, #tpu.memory_space<vmem>> -> memref<32x128xf32, #tpu.memory_space<vmem>>
          %dma_wait3A_218 = arith.constant 0 : i32
          %dma_wait3A_219 = tpu.memref_slice %arg8[%dma_wait3A_218, %multiple_of3A] : memref<32x16384xf32, #tpu.memory_space<hbm>> -> memref<32x128xf32, #tpu.memory_space<hbm>>
          %dma_wait3A_220 = arith.constant 0 : i32
          %dma_wait3A_221 = tpu.memref_slice %arg8[%dma_wait3A_220, %multiple_of3A] : memref<32x16384xf32, #tpu.memory_space<hbm>> -> memref<32x128xf32, #tpu.memory_space<hbm>>
          %dma_wait3A_222 = arith.constant 0 : i32
          %dma_wait3A_223 = arith.constant 0 : i32
          %dma_wait3A_224 = tpu.memref_slice %arg15[%run_scoped3A, %dma_wait3A_222, %dma_wait3A_223] : memref<4x32x128xf32, #tpu.memory_space<vmem>> -> memref<1x32x128xf32, #tpu.memory_space<vmem>>
          %dma_wait3A_225 = tpu.memref_squeeze %dma_wait3A_224 : memref<1x32x128xf32, #tpu.memory_space<vmem>> -> memref<32x128xf32, #tpu.memory_space<vmem>>
          tpu.wait_dma2 semaphore(%run_scoped3A_203 : memref<!tpu.dma_semaphore, #tpu.memory_space<semaphore_mem>>) src(%dma_wait3A_225 : memref<32x128xf32, #tpu.memory_space<vmem>>) dst(%dma_wait3A_221 : memref<32x128xf32, #tpu.memory_space<hbm>>)
          tpu.yield
        }) : () -> ()
        %run_scoped3A_200 = arith.constant 1 : i32
        "tpu.region"() ({
          %run_scoped3A_203 = tpu.sem_alloc : memref<!tpu.dma_semaphore, #tpu.memory_space<semaphore_mem>>
          %dma_start3A = arith.constant 0 : i32
          %dma_start3A_204 = arith.constant 0 : i32
          %dma_start3A_205 = tpu.memref_slice %arg15[%run_scoped3A_200, %dma_start3A, %dma_start3A_204] : memref<4x32x128xf32, #tpu.memory_space<vmem>> -> memref<1x32x128xf32, #tpu.memory_space<vmem>>
          %dma_start3A_206 = tpu.memref_squeeze %dma_start3A_205 : memref<1x32x128xf32, #tpu.memory_space<vmem>> -> memref<32x128xf32, #tpu.memory_space<vmem>>
          %dma_start3A_207 = arith.constant 0 : i32
          %dma_start3A_208 = tpu.memref_slice %arg9[%dma_start3A_207, %multiple_of3A] : memref<32x16384xf32, #tpu.memory_space<hbm>> -> memref<32x128xf32, #tpu.memory_space<hbm>>
          %dma_start3A_209 = arith.constant 0 : i32
          %dma_start3A_210 = tpu.memref_slice %arg9[%dma_start3A_209, %multiple_of3A] : memref<32x16384xf32, #tpu.memory_space<hbm>> -> memref<32x128xf32, #tpu.memory_space<hbm>>
          %dma_start3A_211 = arith.constant 0 : i32
          %dma_start3A_212 = arith.constant 0 : i32
          %dma_start3A_213 = tpu.memref_slice %arg15[%run_scoped3A_200, %dma_start3A_211, %dma_start3A_212] : memref<4x32x128xf32, #tpu.memory_space<vmem>> -> memref<1x32x128xf32, #tpu.memory_space<vmem>>
          %dma_start3A_214 = tpu.memref_squeeze %dma_start3A_213 : memref<1x32x128xf32, #tpu.memory_space<vmem>> -> memref<32x128xf32, #tpu.memory_space<vmem>>
          tpu.enqueue_dma source(%dma_start3A_214 : memref<32x128xf32, #tpu.memory_space<vmem>>) target(%dma_start3A_210 : memref<32x128xf32, #tpu.memory_space<hbm>>) target_semaphore(%run_scoped3A_203 : memref<!tpu.dma_semaphore, #tpu.memory_space<semaphore_mem>>)
          %dma_wait3A = arith.constant 0 : i32
          %dma_wait3A_215 = arith.constant 0 : i32
          %dma_wait3A_216 = tpu.memref_slice %arg15[%run_scoped3A_200, %dma_wait3A, %dma_wait3A_215] : memref<4x32x128xf32, #tpu.memory_space<vmem>> -> memref<1x32x128xf32, #tpu.memory_space<vmem>>
          %dma_wait3A_217 = tpu.memref_squeeze %dma_wait3A_216 : memref<1x32x128xf32, #tpu.memory_space<vmem>> -> memref<32x128xf32, #tpu.memory_space<vmem>>
          %dma_wait3A_218 = arith.constant 0 : i32
          %dma_wait3A_219 = tpu.memref_slice %arg9[%dma_wait3A_218, %multiple_of3A] : memref<32x16384xf32, #tpu.memory_space<hbm>> -> memref<32x128xf32, #tpu.memory_space<hbm>>
          %dma_wait3A_220 = arith.constant 0 : i32
          %dma_wait3A_221 = tpu.memref_slice %arg9[%dma_wait3A_220, %multiple_of3A] : memref<32x16384xf32, #tpu.memory_space<hbm>> -> memref<32x128xf32, #tpu.memory_space<hbm>>
          %dma_wait3A_222 = arith.constant 0 : i32
          %dma_wait3A_223 = arith.constant 0 : i32
          %dma_wait3A_224 = tpu.memref_slice %arg15[%run_scoped3A_200, %dma_wait3A_222, %dma_wait3A_223] : memref<4x32x128xf32, #tpu.memory_space<vmem>> -> memref<1x32x128xf32, #tpu.memory_space<vmem>>
          %dma_wait3A_225 = tpu.memref_squeeze %dma_wait3A_224 : memref<1x32x128xf32, #tpu.memory_space<vmem>> -> memref<32x128xf32, #tpu.memory_space<vmem>>
          tpu.wait_dma2 semaphore(%run_scoped3A_203 : memref<!tpu.dma_semaphore, #tpu.memory_space<semaphore_mem>>) src(%dma_wait3A_225 : memref<32x128xf32, #tpu.memory_space<vmem>>) dst(%dma_wait3A_221 : memref<32x128xf32, #tpu.memory_space<hbm>>)
          tpu.yield
        }) : () -> ()
        %run_scoped3A_201 = arith.constant 2 : i32
        "tpu.region"() ({
          %run_scoped3A_203 = tpu.sem_alloc : memref<!tpu.dma_semaphore, #tpu.memory_space<semaphore_mem>>
          %dma_start3A = arith.constant 0 : i32
          %dma_start3A_204 = arith.constant 0 : i32
          %dma_start3A_205 = tpu.memref_slice %arg15[%run_scoped3A_201, %dma_start3A, %dma_start3A_204] : memref<4x32x128xf32, #tpu.memory_space<vmem>> -> memref<1x32x128xf32, #tpu.memory_space<vmem>>
          %dma_start3A_206 = tpu.memref_squeeze %dma_start3A_205 : memref<1x32x128xf32, #tpu.memory_space<vmem>> -> memref<32x128xf32, #tpu.memory_space<vmem>>
          %dma_start3A_207 = arith.constant 0 : i32
          %dma_start3A_208 = tpu.memref_slice %arg10[%dma_start3A_207, %multiple_of3A] : memref<32x16384xf32, #tpu.memory_space<hbm>> -> memref<32x128xf32, #tpu.memory_space<hbm>>
          %dma_start3A_209 = arith.constant 0 : i32
          %dma_start3A_210 = tpu.memref_slice %arg10[%dma_start3A_209, %multiple_of3A] : memref<32x16384xf32, #tpu.memory_space<hbm>> -> memref<32x128xf32, #tpu.memory_space<hbm>>
          %dma_start3A_211 = arith.constant 0 : i32
          %dma_start3A_212 = arith.constant 0 : i32
          %dma_start3A_213 = tpu.memref_slice %arg15[%run_scoped3A_201, %dma_start3A_211, %dma_start3A_212] : memref<4x32x128xf32, #tpu.memory_space<vmem>> -> memref<1x32x128xf32, #tpu.memory_space<vmem>>
          %dma_start3A_214 = tpu.memref_squeeze %dma_start3A_213 : memref<1x32x128xf32, #tpu.memory_space<vmem>> -> memref<32x128xf32, #tpu.memory_space<vmem>>
          tpu.enqueue_dma source(%dma_start3A_214 : memref<32x128xf32, #tpu.memory_space<vmem>>) target(%dma_start3A_210 : memref<32x128xf32, #tpu.memory_space<hbm>>) target_semaphore(%run_scoped3A_203 : memref<!tpu.dma_semaphore, #tpu.memory_space<semaphore_mem>>)
          %dma_wait3A = arith.constant 0 : i32
          %dma_wait3A_215 = arith.constant 0 : i32
          %dma_wait3A_216 = tpu.memref_slice %arg15[%run_scoped3A_201, %dma_wait3A, %dma_wait3A_215] : memref<4x32x128xf32, #tpu.memory_space<vmem>> -> memref<1x32x128xf32, #tpu.memory_space<vmem>>
          %dma_wait3A_217 = tpu.memref_squeeze %dma_wait3A_216 : memref<1x32x128xf32, #tpu.memory_space<vmem>> -> memref<32x128xf32, #tpu.memory_space<vmem>>
          %dma_wait3A_218 = arith.constant 0 : i32
          %dma_wait3A_219 = tpu.memref_slice %arg10[%dma_wait3A_218, %multiple_of3A] : memref<32x16384xf32, #tpu.memory_space<hbm>> -> memref<32x128xf32, #tpu.memory_space<hbm>>
          %dma_wait3A_220 = arith.constant 0 : i32
          %dma_wait3A_221 = tpu.memref_slice %arg10[%dma_wait3A_220, %multiple_of3A] : memref<32x16384xf32, #tpu.memory_space<hbm>> -> memref<32x128xf32, #tpu.memory_space<hbm>>
          %dma_wait3A_222 = arith.constant 0 : i32
          %dma_wait3A_223 = arith.constant 0 : i32
          %dma_wait3A_224 = tpu.memref_slice %arg15[%run_scoped3A_201, %dma_wait3A_222, %dma_wait3A_223] : memref<4x32x128xf32, #tpu.memory_space<vmem>> -> memref<1x32x128xf32, #tpu.memory_space<vmem>>
          %dma_wait3A_225 = tpu.memref_squeeze %dma_wait3A_224 : memref<1x32x128xf32, #tpu.memory_space<vmem>> -> memref<32x128xf32, #tpu.memory_space<vmem>>
          tpu.wait_dma2 semaphore(%run_scoped3A_203 : memref<!tpu.dma_semaphore, #tpu.memory_space<semaphore_mem>>) src(%dma_wait3A_225 : memref<32x128xf32, #tpu.memory_space<vmem>>) dst(%dma_wait3A_221 : memref<32x128xf32, #tpu.memory_space<hbm>>)
          tpu.yield
        }) : () -> ()
        %run_scoped3A_202 = arith.constant 3 : i32
        "tpu.region"() ({
          %run_scoped3A_203 = tpu.sem_alloc : memref<!tpu.dma_semaphore, #tpu.memory_space<semaphore_mem>>
          %dma_start3A = arith.constant 0 : i32
          %dma_start3A_204 = arith.constant 0 : i32
          %dma_start3A_205 = tpu.memref_slice %arg15[%run_scoped3A_202, %dma_start3A, %dma_start3A_204] : memref<4x32x128xf32, #tpu.memory_space<vmem>> -> memref<1x32x128xf32, #tpu.memory_space<vmem>>
          %dma_start3A_206 = tpu.memref_squeeze %dma_start3A_205 : memref<1x32x128xf32, #tpu.memory_space<vmem>> -> memref<32x128xf32, #tpu.memory_space<vmem>>
          %dma_start3A_207 = arith.constant 0 : i32
          %dma_start3A_208 = tpu.memref_slice %arg11[%dma_start3A_207, %multiple_of3A] : memref<32x16384xf32, #tpu.memory_space<hbm>> -> memref<32x128xf32, #tpu.memory_space<hbm>>
          %dma_start3A_209 = arith.constant 0 : i32
          %dma_start3A_210 = tpu.memref_slice %arg11[%dma_start3A_209, %multiple_of3A] : memref<32x16384xf32, #tpu.memory_space<hbm>> -> memref<32x128xf32, #tpu.memory_space<hbm>>
          %dma_start3A_211 = arith.constant 0 : i32
          %dma_start3A_212 = arith.constant 0 : i32
          %dma_start3A_213 = tpu.memref_slice %arg15[%run_scoped3A_202, %dma_start3A_211, %dma_start3A_212] : memref<4x32x128xf32, #tpu.memory_space<vmem>> -> memref<1x32x128xf32, #tpu.memory_space<vmem>>
          %dma_start3A_214 = tpu.memref_squeeze %dma_start3A_213 : memref<1x32x128xf32, #tpu.memory_space<vmem>> -> memref<32x128xf32, #tpu.memory_space<vmem>>
          tpu.enqueue_dma source(%dma_start3A_214 : memref<32x128xf32, #tpu.memory_space<vmem>>) target(%dma_start3A_210 : memref<32x128xf32, #tpu.memory_space<hbm>>) target_semaphore(%run_scoped3A_203 : memref<!tpu.dma_semaphore, #tpu.memory_space<semaphore_mem>>)
          %dma_wait3A = arith.constant 0 : i32
          %dma_wait3A_215 = arith.constant 0 : i32
          %dma_wait3A_216 = tpu.memref_slice %arg15[%run_scoped3A_202, %dma_wait3A, %dma_wait3A_215] : memref<4x32x128xf32, #tpu.memory_space<vmem>> -> memref<1x32x128xf32, #tpu.memory_space<vmem>>
          %dma_wait3A_217 = tpu.memref_squeeze %dma_wait3A_216 : memref<1x32x128xf32, #tpu.memory_space<vmem>> -> memref<32x128xf32, #tpu.memory_space<vmem>>
          %dma_wait3A_218 = arith.constant 0 : i32
          %dma_wait3A_219 = tpu.memref_slice %arg11[%dma_wait3A_218, %multiple_of3A] : memref<32x16384xf32, #tpu.memory_space<hbm>> -> memref<32x128xf32, #tpu.memory_space<hbm>>
          %dma_wait3A_220 = arith.constant 0 : i32
          %dma_wait3A_221 = tpu.memref_slice %arg11[%dma_wait3A_220, %multiple_of3A] : memref<32x16384xf32, #tpu.memory_space<hbm>> -> memref<32x128xf32, #tpu.memory_space<hbm>>
          %dma_wait3A_222 = arith.constant 0 : i32
          %dma_wait3A_223 = arith.constant 0 : i32
          %dma_wait3A_224 = tpu.memref_slice %arg15[%run_scoped3A_202, %dma_wait3A_222, %dma_wait3A_223] : memref<4x32x128xf32, #tpu.memory_space<vmem>> -> memref<1x32x128xf32, #tpu.memory_space<vmem>>
          %dma_wait3A_225 = tpu.memref_squeeze %dma_wait3A_224 : memref<1x32x128xf32, #tpu.memory_space<vmem>> -> memref<32x128xf32, #tpu.memory_space<vmem>>
          tpu.wait_dma2 semaphore(%run_scoped3A_203 : memref<!tpu.dma_semaphore, #tpu.memory_space<semaphore_mem>>) src(%dma_wait3A_225 : memref<32x128xf32, #tpu.memory_space<vmem>>) dst(%dma_wait3A_221 : memref<32x128xf32, #tpu.memory_space<hbm>>)
          tpu.yield
        }) : () -> ()
      } else {
      }
      %mul3A_69 = arith.constant 6 : i32
      %mul3A_70 = arith.muli %scan3A_11, %mul3A_69 : i32
      %add3A_71 = arith.constant 2 : i32
      %add3A_72 = arith.addi %mul3A_70, %add3A_71 : i32
      %sub3A_73 = arith.constant 6 : i32
      %sub3A_74 = arith.subi %add3A_72, %sub3A_73 : i32
      %ge3A_75 = arith.constant 6 : i32
      %ge3A_76 = arith.cmpi sge, %add3A_72, %ge3A_75 : i32
      %lt3A_77 = arith.constant 512 : i32
      %lt3A_78 = arith.cmpi slt, %sub3A_74, %lt3A_77 : i32
      %and3A_79 = arith.andi %ge3A_76, %lt3A_78 : i1
      %convert_element_type3A_80 = arith.extui %and3A_79 : i1 to i32
      %cond3A_81 = arith.constant 0 : i32
      %cond3A_82 = arith.cmpi ne, %convert_element_type3A_80, %cond3A_81 : i32
      scf.if %cond3A_82 {
        %dma_wait3A = arith.constant 2 : i32
        %dma_wait3A_197 = arith.constant 0 : i32
        %dma_wait3A_198 = arith.constant 0 : i32
        %dma_wait3A_199 = arith.constant 0 : i32
        %dma_wait3A_200 = tpu.memref_slice %arg14[%dma_wait3A, %dma_wait3A_197, %dma_wait3A_198, %dma_wait3A_199] : memref<6x4x32x128xf32, #tpu.memory_space<vmem>> -> memref<1x1x32x128xf32, #tpu.memory_space<vmem>>
        %dma_wait3A_201 = tpu.memref_squeeze %dma_wait3A_200 : memref<1x1x32x128xf32, #tpu.memory_space<vmem>> -> memref<32x128xf32, #tpu.memory_space<vmem>>
        %dma_wait3A_202 = arith.constant 0 : i32
        %dma_wait3A_203 = arith.constant 0 : i32
        %dma_wait3A_204 = tpu.memref_slice %arg4[%dma_wait3A_202, %dma_wait3A_203] : memref<32x1000000xf32, #tpu.memory_space<hbm>> -> memref<32x128xf32, #tpu.memory_space<hbm>>
        %dma_wait3A_205 = arith.constant 0 : i32
        %dma_wait3A_206 = arith.constant 0 : i32
        %dma_wait3A_207 = tpu.memref_slice %arg14[%dma_wait3A, %dma_wait3A_197, %dma_wait3A_205, %dma_wait3A_206] : memref<6x4x32x128xf32, #tpu.memory_space<vmem>> -> memref<1x1x32x128xf32, #tpu.memory_space<vmem>>
        %dma_wait3A_208 = tpu.memref_squeeze %dma_wait3A_207 : memref<1x1x32x128xf32, #tpu.memory_space<vmem>> -> memref<32x128xf32, #tpu.memory_space<vmem>>
        %dma_wait3A_209 = arith.constant 0 : i32
        %dma_wait3A_210 = arith.constant 0 : i32
        %dma_wait3A_211 = tpu.memref_slice %arg4[%dma_wait3A_209, %dma_wait3A_210] : memref<32x1000000xf32, #tpu.memory_space<hbm>> -> memref<32x128xf32, #tpu.memory_space<hbm>>
        tpu.wait_dma2 semaphore(%arg18 : memref<!tpu.dma_semaphore, #tpu.memory_space<semaphore_mem>>) src(%dma_wait3A_211 : memref<32x128xf32, #tpu.memory_space<hbm>>) dst(%dma_wait3A_208 : memref<32x128xf32, #tpu.memory_space<vmem>>)
        %dma_wait3A_212 = arith.constant 2 : i32
        %dma_wait3A_213 = arith.constant 1 : i32
        %dma_wait3A_214 = arith.constant 0 : i32
        %dma_wait3A_215 = arith.constant 0 : i32
        %dma_wait3A_216 = tpu.memref_slice %arg14[%dma_wait3A_212, %dma_wait3A_213, %dma_wait3A_214, %dma_wait3A_215] : memref<6x4x32x128xf32, #tpu.memory_space<vmem>> -> memref<1x1x32x128xf32, #tpu.memory_space<vmem>>
        %dma_wait3A_217 = tpu.memref_squeeze %dma_wait3A_216 : memref<1x1x32x128xf32, #tpu.memory_space<vmem>> -> memref<32x128xf32, #tpu.memory_space<vmem>>
        %dma_wait3A_218 = arith.constant 0 : i32
        %dma_wait3A_219 = arith.constant 0 : i32
        %dma_wait3A_220 = tpu.memref_slice %arg4[%dma_wait3A_218, %dma_wait3A_219] : memref<32x1000000xf32, #tpu.memory_space<hbm>> -> memref<32x128xf32, #tpu.memory_space<hbm>>
        %dma_wait3A_221 = arith.constant 0 : i32
        %dma_wait3A_222 = arith.constant 0 : i32
        %dma_wait3A_223 = tpu.memref_slice %arg14[%dma_wait3A_212, %dma_wait3A_213, %dma_wait3A_221, %dma_wait3A_222] : memref<6x4x32x128xf32, #tpu.memory_space<vmem>> -> memref<1x1x32x128xf32, #tpu.memory_space<vmem>>
        %dma_wait3A_224 = tpu.memref_squeeze %dma_wait3A_223 : memref<1x1x32x128xf32, #tpu.memory_space<vmem>> -> memref<32x128xf32, #tpu.memory_space<vmem>>
        %dma_wait3A_225 = arith.constant 0 : i32
        %dma_wait3A_226 = arith.constant 0 : i32
        %dma_wait3A_227 = tpu.memref_slice %arg4[%dma_wait3A_225, %dma_wait3A_226] : memref<32x1000000xf32, #tpu.memory_space<hbm>> -> memref<32x128xf32, #tpu.memory_space<hbm>>
        tpu.wait_dma2 semaphore(%arg18 : memref<!tpu.dma_semaphore, #tpu.memory_space<semaphore_mem>>) src(%dma_wait3A_227 : memref<32x128xf32, #tpu.memory_space<hbm>>) dst(%dma_wait3A_224 : memref<32x128xf32, #tpu.memory_space<vmem>>)
        %dma_wait3A_228 = arith.constant 2 : i32
        %dma_wait3A_229 = arith.constant 2 : i32
        %dma_wait3A_230 = arith.constant 0 : i32
        %dma_wait3A_231 = arith.constant 0 : i32
        %dma_wait3A_232 = tpu.memref_slice %arg14[%dma_wait3A_228, %dma_wait3A_229, %dma_wait3A_230, %dma_wait3A_231] : memref<6x4x32x128xf32, #tpu.memory_space<vmem>> -> memref<1x1x32x128xf32, #tpu.memory_space<vmem>>
        %dma_wait3A_233 = tpu.memref_squeeze %dma_wait3A_232 : memref<1x1x32x128xf32, #tpu.memory_space<vmem>> -> memref<32x128xf32, #tpu.memory_space<vmem>>
        %dma_wait3A_234 = arith.constant 0 : i32
        %dma_wait3A_235 = arith.constant 0 : i32
        %dma_wait3A_236 = tpu.memref_slice %arg4[%dma_wait3A_234, %dma_wait3A_235] : memref<32x1000000xf32, #tpu.memory_space<hbm>> -> memref<32x128xf32, #tpu.memory_space<hbm>>
        %dma_wait3A_237 = arith.constant 0 : i32
        %dma_wait3A_238 = arith.constant 0 : i32
        %dma_wait3A_239 = tpu.memref_slice %arg14[%dma_wait3A_228, %dma_wait3A_229, %dma_wait3A_237, %dma_wait3A_238] : memref<6x4x32x128xf32, #tpu.memory_space<vmem>> -> memref<1x1x32x128xf32, #tpu.memory_space<vmem>>
        %dma_wait3A_240 = tpu.memref_squeeze %dma_wait3A_239 : memref<1x1x32x128xf32, #tpu.memory_space<vmem>> -> memref<32x128xf32, #tpu.memory_space<vmem>>
        %dma_wait3A_241 = arith.constant 0 : i32
        %dma_wait3A_242 = arith.constant 0 : i32
        %dma_wait3A_243 = tpu.memref_slice %arg4[%dma_wait3A_241, %dma_wait3A_242] : memref<32x1000000xf32, #tpu.memory_space<hbm>> -> memref<32x128xf32, #tpu.memory_space<hbm>>
        tpu.wait_dma2 semaphore(%arg18 : memref<!tpu.dma_semaphore, #tpu.memory_space<semaphore_mem>>) src(%dma_wait3A_243 : memref<32x128xf32, #tpu.memory_space<hbm>>) dst(%dma_wait3A_240 : memref<32x128xf32, #tpu.memory_space<vmem>>)
        %dma_wait3A_244 = arith.constant 2 : i32
        %dma_wait3A_245 = arith.constant 3 : i32
        %dma_wait3A_246 = arith.constant 0 : i32
        %dma_wait3A_247 = arith.constant 0 : i32
        %dma_wait3A_248 = tpu.memref_slice %arg14[%dma_wait3A_244, %dma_wait3A_245, %dma_wait3A_246, %dma_wait3A_247] : memref<6x4x32x128xf32, #tpu.memory_space<vmem>> -> memref<1x1x32x128xf32, #tpu.memory_space<vmem>>
        %dma_wait3A_249 = tpu.memref_squeeze %dma_wait3A_248 : memref<1x1x32x128xf32, #tpu.memory_space<vmem>> -> memref<32x128xf32, #tpu.memory_space<vmem>>
        %dma_wait3A_250 = arith.constant 0 : i32
        %dma_wait3A_251 = arith.constant 0 : i32
        %dma_wait3A_252 = tpu.memref_slice %arg4[%dma_wait3A_250, %dma_wait3A_251] : memref<32x1000000xf32, #tpu.memory_space<hbm>> -> memref<32x128xf32, #tpu.memory_space<hbm>>
        %dma_wait3A_253 = arith.constant 0 : i32
        %dma_wait3A_254 = arith.constant 0 : i32
        %dma_wait3A_255 = tpu.memref_slice %arg14[%dma_wait3A_244, %dma_wait3A_245, %dma_wait3A_253, %dma_wait3A_254] : memref<6x4x32x128xf32, #tpu.memory_space<vmem>> -> memref<1x1x32x128xf32, #tpu.memory_space<vmem>>
        %dma_wait3A_256 = tpu.memref_squeeze %dma_wait3A_255 : memref<1x1x32x128xf32, #tpu.memory_space<vmem>> -> memref<32x128xf32, #tpu.memory_space<vmem>>
        %dma_wait3A_257 = arith.constant 0 : i32
        %dma_wait3A_258 = arith.constant 0 : i32
        %dma_wait3A_259 = tpu.memref_slice %arg4[%dma_wait3A_257, %dma_wait3A_258] : memref<32x1000000xf32, #tpu.memory_space<hbm>> -> memref<32x128xf32, #tpu.memory_space<hbm>>
        tpu.wait_dma2 semaphore(%arg18 : memref<!tpu.dma_semaphore, #tpu.memory_space<semaphore_mem>>) src(%dma_wait3A_259 : memref<32x128xf32, #tpu.memory_space<hbm>>) dst(%dma_wait3A_256 : memref<32x128xf32, #tpu.memory_space<vmem>>)
        %broadcast_in_dim3A = vector.broadcast %sub3A_74 : i32 to vector<16xi32>
        %gather3A = tpu.vector_load_idx %arg12[%broadcast_in_dim3A] : memref<512xi32, #tpu.memory_space<vmem>>[vector<16xi32>], vector<16xi32>,
        %and3A_260 = arith.constant 127 : i32
        %and3A_261 = vector.broadcast %and3A_260 : i32 to vector<16xi32>
        %and3A_262 = arith.andi %gather3A, %and3A_261 : vector<16xi32>
        %broadcast_in_dim3A_263 = vector.broadcast %sub3A_74 : i32 to vector<16xi32>
        %gather3A_264 = tpu.vector_load_idx %arg13[%broadcast_in_dim3A_263] : memref<512xi32, #tpu.memory_space<vmem>>[vector<16xi32>], vector<16xi32>,
        %and3A_265 = arith.constant 127 : i32
        %and3A_266 = vector.broadcast %and3A_265 : i32 to vector<16xi32>
        %and3A_267 = arith.andi %gather3A_264, %and3A_266 : vector<16xi32>
        %and3A_268 = arith.constant 127 : i32
        %and3A_269 = arith.andi %sub3A_74, %and3A_268 : i32
        %broadcast_in_dim3A_270 = vector.broadcast %and3A_269 : i32 to vector<16xi32>
        %gather3A_271 = arith.constant 2 : i32
        %gather3A_272 = arith.constant 0 : i32
        %gather3A_273 = arith.constant 0 : i32
        %gather3A_274 = arith.constant 0 : i32
        %gather3A_275 = tpu.memref_slice %arg14[%gather3A_271, %gather3A_272, %gather3A_273, %gather3A_274] : memref<6x4x32x128xf32, #tpu.memory_space<vmem>> -> memref<1x1x32x128xf32, #tpu.memory_space<vmem>>
        %gather3A_276 = tpu.memref_squeeze %gather3A_275 : memref<1x1x32x128xf32, #tpu.memory_space<vmem>> -> memref<32x128xf32, #tpu.memory_space<vmem>>
        %gather3A_277 = tpu.vector_load_idx %gather3A_276[%iota3A, %and3A_262] : memref<32x128xf32, #tpu.memory_space<vmem>>[vector<16xi32>, vector<16xi32>], vector<16xf32>,
        %gather3A_278 = arith.constant 2 : i32
        %gather3A_279 = arith.constant 0 : i32
        %gather3A_280 = arith.constant 0 : i32
        %gather3A_281 = arith.constant 0 : i32
        %gather3A_282 = tpu.memref_slice %arg14[%gather3A_278, %gather3A_279, %gather3A_280, %gather3A_281] : memref<6x4x32x128xf32, #tpu.memory_space<vmem>> -> memref<1x1x32x128xf32, #tpu.memory_space<vmem>>
        %gather3A_283 = tpu.memref_squeeze %gather3A_282 : memref<1x1x32x128xf32, #tpu.memory_space<vmem>> -> memref<32x128xf32, #tpu.memory_space<vmem>>
        %gather3A_284 = tpu.vector_load_idx %gather3A_283[%add3A_5, %and3A_262] : memref<32x128xf32, #tpu.memory_space<vmem>>[vector<16xi32>, vector<16xi32>], vector<16xf32>,
        %scatter3A = arith.constant 0 : i32
        %scatter3A_285 = arith.constant 0 : i32
        %scatter3A_286 = arith.constant 0 : i32
        %scatter3A_287 = tpu.memref_slice %arg15[%scatter3A, %scatter3A_285, %scatter3A_286] : memref<4x32x128xf32, #tpu.memory_space<vmem>> -> memref<1x32x128xf32, #tpu.memory_space<vmem>>
        %scatter3A_288 = tpu.memref_squeeze %scatter3A_287 : memref<1x32x128xf32, #tpu.memory_space<vmem>> -> memref<32x128xf32, #tpu.memory_space<vmem>>
        tpu.vector_store_idx %scatter3A_288[%iota3A, %broadcast_in_dim3A_270], %gather3A_277 : memref<32x128xf32, #tpu.memory_space<vmem>>[vector<16xi32>, vector<16xi32>], vector<16xf32>,
        %scatter3A_289 = arith.constant 0 : i32
        %scatter3A_290 = arith.constant 0 : i32
        %scatter3A_291 = arith.constant 0 : i32
        %scatter3A_292 = tpu.memref_slice %arg15[%scatter3A_289, %scatter3A_290, %scatter3A_291] : memref<4x32x128xf32, #tpu.memory_space<vmem>> -> memref<1x32x128xf32, #tpu.memory_space<vmem>>
        %scatter3A_293 = tpu.memref_squeeze %scatter3A_292 : memref<1x32x128xf32, #tpu.memory_space<vmem>> -> memref<32x128xf32, #tpu.memory_space<vmem>>
        tpu.vector_store_idx %scatter3A_293[%add3A_5, %broadcast_in_dim3A_270], %gather3A_284 : memref<32x128xf32, #tpu.memory_space<vmem>>[vector<16xi32>, vector<16xi32>], vector<16xf32>,
        %gather3A_294 = arith.constant 2 : i32
        %gather3A_295 = arith.constant 1 : i32
        %gather3A_296 = arith.constant 0 : i32
        %gather3A_297 = arith.constant 0 : i32
        %gather3A_298 = tpu.memref_slice %arg14[%gather3A_294, %gather3A_295, %gather3A_296, %gather3A_297] : memref<6x4x32x128xf32, #tpu.memory_space<vmem>> -> memref<1x1x32x128xf32, #tpu.memory_space<vmem>>
        %gather3A_299 = tpu.memref_squeeze %gather3A_298 : memref<1x1x32x128xf32, #tpu.memory_space<vmem>> -> memref<32x128xf32, #tpu.memory_space<vmem>>
        %gather3A_300 = tpu.vector_load_idx %gather3A_299[%iota3A, %and3A_267] : memref<32x128xf32, #tpu.memory_space<vmem>>[vector<16xi32>, vector<16xi32>], vector<16xf32>,
        %gather3A_301 = arith.constant 2 : i32
        %gather3A_302 = arith.constant 1 : i32
        %gather3A_303 = arith.constant 0 : i32
        %gather3A_304 = arith.constant 0 : i32
        %gather3A_305 = tpu.memref_slice %arg14[%gather3A_301, %gather3A_302, %gather3A_303, %gather3A_304] : memref<6x4x32x128xf32, #tpu.memory_space<vmem>> -> memref<1x1x32x128xf32, #tpu.memory_space<vmem>>
        %gather3A_306 = tpu.memref_squeeze %gather3A_305 : memref<1x1x32x128xf32, #tpu.memory_space<vmem>> -> memref<32x128xf32, #tpu.memory_space<vmem>>
        %gather3A_307 = tpu.vector_load_idx %gather3A_306[%add3A_5, %and3A_267] : memref<32x128xf32, #tpu.memory_space<vmem>>[vector<16xi32>, vector<16xi32>], vector<16xf32>,
        %scatter3A_308 = arith.constant 1 : i32
        %scatter3A_309 = arith.constant 0 : i32
        %scatter3A_310 = arith.constant 0 : i32
        %scatter3A_311 = tpu.memref_slice %arg15[%scatter3A_308, %scatter3A_309, %scatter3A_310] : memref<4x32x128xf32, #tpu.memory_space<vmem>> -> memref<1x32x128xf32, #tpu.memory_space<vmem>>
        %scatter3A_312 = tpu.memref_squeeze %scatter3A_311 : memref<1x32x128xf32, #tpu.memory_space<vmem>> -> memref<32x128xf32, #tpu.memory_space<vmem>>
        tpu.vector_store_idx %scatter3A_312[%iota3A, %broadcast_in_dim3A_270], %gather3A_300 : memref<32x128xf32, #tpu.memory_space<vmem>>[vector<16xi32>, vector<16xi32>], vector<16xf32>,
        %scatter3A_313 = arith.constant 1 : i32
        %scatter3A_314 = arith.constant 0 : i32
        %scatter3A_315 = arith.constant 0 : i32
        %scatter3A_316 = tpu.memref_slice %arg15[%scatter3A_313, %scatter3A_314, %scatter3A_315] : memref<4x32x128xf32, #tpu.memory_space<vmem>> -> memref<1x32x128xf32, #tpu.memory_space<vmem>>
        %scatter3A_317 = tpu.memref_squeeze %scatter3A_316 : memref<1x32x128xf32, #tpu.memory_space<vmem>> -> memref<32x128xf32, #tpu.memory_space<vmem>>
        tpu.vector_store_idx %scatter3A_317[%add3A_5, %broadcast_in_dim3A_270], %gather3A_307 : memref<32x128xf32, #tpu.memory_space<vmem>>[vector<16xi32>, vector<16xi32>], vector<16xf32>,
        %gather3A_318 = arith.constant 2 : i32
        %gather3A_319 = arith.constant 2 : i32
        %gather3A_320 = arith.constant 0 : i32
        %gather3A_321 = arith.constant 0 : i32
        %gather3A_322 = tpu.memref_slice %arg14[%gather3A_318, %gather3A_319, %gather3A_320, %gather3A_321] : memref<6x4x32x128xf32, #tpu.memory_space<vmem>> -> memref<1x1x32x128xf32, #tpu.memory_space<vmem>>
        %gather3A_323 = tpu.memref_squeeze %gather3A_322 : memref<1x1x32x128xf32, #tpu.memory_space<vmem>> -> memref<32x128xf32, #tpu.memory_space<vmem>>
        %gather3A_324 = tpu.vector_load_idx %gather3A_323[%iota3A, %and3A_262] : memref<32x128xf32, #tpu.memory_space<vmem>>[vector<16xi32>, vector<16xi32>], vector<16xf32>,
        %gather3A_325 = arith.constant 2 : i32
        %gather3A_326 = arith.constant 2 : i32
        %gather3A_327 = arith.constant 0 : i32
        %gather3A_328 = arith.constant 0 : i32
        %gather3A_329 = tpu.memref_slice %arg14[%gather3A_325, %gather3A_326, %gather3A_327, %gather3A_328] : memref<6x4x32x128xf32, #tpu.memory_space<vmem>> -> memref<1x1x32x128xf32, #tpu.memory_space<vmem>>
        %gather3A_330 = tpu.memref_squeeze %gather3A_329 : memref<1x1x32x128xf32, #tpu.memory_space<vmem>> -> memref<32x128xf32, #tpu.memory_space<vmem>>
        %gather3A_331 = tpu.vector_load_idx %gather3A_330[%add3A_5, %and3A_262] : memref<32x128xf32, #tpu.memory_space<vmem>>[vector<16xi32>, vector<16xi32>], vector<16xf32>,
        %scatter3A_332 = arith.constant 2 : i32
        %scatter3A_333 = arith.constant 0 : i32
        %scatter3A_334 = arith.constant 0 : i32
        %scatter3A_335 = tpu.memref_slice %arg15[%scatter3A_332, %scatter3A_333, %scatter3A_334] : memref<4x32x128xf32, #tpu.memory_space<vmem>> -> memref<1x32x128xf32, #tpu.memory_space<vmem>>
        %scatter3A_336 = tpu.memref_squeeze %scatter3A_335 : memref<1x32x128xf32, #tpu.memory_space<vmem>> -> memref<32x128xf32, #tpu.memory_space<vmem>>
        tpu.vector_store_idx %scatter3A_336[%iota3A, %broadcast_in_dim3A_270], %gather3A_324 : memref<32x128xf32, #tpu.memory_space<vmem>>[vector<16xi32>, vector<16xi32>], vector<16xf32>,
        %scatter3A_337 = arith.constant 2 : i32
        %scatter3A_338 = arith.constant 0 : i32
        %scatter3A_339 = arith.constant 0 : i32
        %scatter3A_340 = tpu.memref_slice %arg15[%scatter3A_337, %scatter3A_338, %scatter3A_339] : memref<4x32x128xf32, #tpu.memory_space<vmem>> -> memref<1x32x128xf32, #tpu.memory_space<vmem>>
        %scatter3A_341 = tpu.memref_squeeze %scatter3A_340 : memref<1x32x128xf32, #tpu.memory_space<vmem>> -> memref<32x128xf32, #tpu.memory_space<vmem>>
        tpu.vector_store_idx %scatter3A_341[%add3A_5, %broadcast_in_dim3A_270], %gather3A_331 : memref<32x128xf32, #tpu.memory_space<vmem>>[vector<16xi32>, vector<16xi32>], vector<16xf32>,
        %gather3A_342 = arith.constant 2 : i32
        %gather3A_343 = arith.constant 3 : i32
        %gather3A_344 = arith.constant 0 : i32
        %gather3A_345 = arith.constant 0 : i32
        %gather3A_346 = tpu.memref_slice %arg14[%gather3A_342, %gather3A_343, %gather3A_344, %gather3A_345] : memref<6x4x32x128xf32, #tpu.memory_space<vmem>> -> memref<1x1x32x128xf32, #tpu.memory_space<vmem>>
        %gather3A_347 = tpu.memref_squeeze %gather3A_346 : memref<1x1x32x128xf32, #tpu.memory_space<vmem>> -> memref<32x128xf32, #tpu.memory_space<vmem>>
        %gather3A_348 = tpu.vector_load_idx %gather3A_347[%iota3A, %and3A_267] : memref<32x128xf32, #tpu.memory_space<vmem>>[vector<16xi32>, vector<16xi32>], vector<16xf32>,
        %gather3A_349 = arith.constant 2 : i32
        %gather3A_350 = arith.constant 3 : i32
        %gather3A_351 = arith.constant 0 : i32
        %gather3A_352 = arith.constant 0 : i32
        %gather3A_353 = tpu.memref_slice %arg14[%gather3A_349, %gather3A_350, %gather3A_351, %gather3A_352] : memref<6x4x32x128xf32, #tpu.memory_space<vmem>> -> memref<1x1x32x128xf32, #tpu.memory_space<vmem>>
        %gather3A_354 = tpu.memref_squeeze %gather3A_353 : memref<1x1x32x128xf32, #tpu.memory_space<vmem>> -> memref<32x128xf32, #tpu.memory_space<vmem>>
        %gather3A_355 = tpu.vector_load_idx %gather3A_354[%add3A_5, %and3A_267] : memref<32x128xf32, #tpu.memory_space<vmem>>[vector<16xi32>, vector<16xi32>], vector<16xf32>,
        %scatter3A_356 = arith.constant 3 : i32
        %scatter3A_357 = arith.constant 0 : i32
        %scatter3A_358 = arith.constant 0 : i32
        %scatter3A_359 = tpu.memref_slice %arg15[%scatter3A_356, %scatter3A_357, %scatter3A_358] : memref<4x32x128xf32, #tpu.memory_space<vmem>> -> memref<1x32x128xf32, #tpu.memory_space<vmem>>
        %scatter3A_360 = tpu.memref_squeeze %scatter3A_359 : memref<1x32x128xf32, #tpu.memory_space<vmem>> -> memref<32x128xf32, #tpu.memory_space<vmem>>
        tpu.vector_store_idx %scatter3A_360[%iota3A, %broadcast_in_dim3A_270], %gather3A_348 : memref<32x128xf32, #tpu.memory_space<vmem>>[vector<16xi32>, vector<16xi32>], vector<16xf32>,
        %scatter3A_361 = arith.constant 3 : i32
        %scatter3A_362 = arith.constant 0 : i32
        %scatter3A_363 = arith.constant 0 : i32
        %scatter3A_364 = tpu.memref_slice %arg15[%scatter3A_361, %scatter3A_362, %scatter3A_363] : memref<4x32x128xf32, #tpu.memory_space<vmem>> -> memref<1x32x128xf32, #tpu.memory_space<vmem>>
        %scatter3A_365 = tpu.memref_squeeze %scatter3A_364 : memref<1x32x128xf32, #tpu.memory_space<vmem>> -> memref<32x128xf32, #tpu.memory_space<vmem>>
        tpu.vector_store_idx %scatter3A_365[%add3A_5, %broadcast_in_dim3A_270], %gather3A_355 : memref<32x128xf32, #tpu.memory_space<vmem>>[vector<16xi32>, vector<16xi32>], vector<16xf32>,
      } else {
      }
      %lt3A_83 = arith.constant 512 : i32
      %lt3A_84 = arith.cmpi slt, %add3A_72, %lt3A_83 : i32
      %convert_element_type3A_85 = arith.extui %lt3A_84 : i1 to i32
      %cond3A_86 = arith.constant 0 : i32
      %cond3A_87 = arith.cmpi ne, %convert_element_type3A_85, %cond3A_86 : i32
      scf.if %cond3A_87 {
        %broadcast_in_dim3A = vector.broadcast %add3A_72 : i32 to vector<16xi32>
        %gather3A = tpu.vector_load_idx %arg12[%broadcast_in_dim3A] : memref<512xi32, #tpu.memory_space<vmem>>[vector<16xi32>], vector<16xi32>,
        %reduce_max3A = arith.constant true
        %reduce_max3A_197 = vector.broadcast %reduce_max3A : i1 to vector<16xi1>
        %reduce_max3A_198 = arith.constant -2147483648 : i32
        %reduce_max3A_199 = vector.broadcast %reduce_max3A_198 : i32 to vector<16xi32>
        %reduce_max3A_200 = arith.xori %gather3A, %reduce_max3A_199 : vector<16xi32>
        %reduce_max3A_201 = tpu.scan <max>, %reduce_max3A_200 masked %reduce_max3A_197 : vector<16xi32>, vector<16xi1> -> vector<16xi32>
        %reduce_max3A_202 = arith.xori %reduce_max3A_201, %reduce_max3A_199 : vector<16xi32>
        %reduce_max3A_203 = vector.extract %reduce_max3A_202[15] : i32 from vector<16xi32>
        %broadcast_in_dim3A_204 = vector.broadcast %add3A_72 : i32 to vector<16xi32>
        %gather3A_205 = tpu.vector_load_idx %arg13[%broadcast_in_dim3A_204] : memref<512xi32, #tpu.memory_space<vmem>>[vector<16xi32>], vector<16xi32>,
        %reduce_max3A_206 = arith.constant true
        %reduce_max3A_207 = vector.broadcast %reduce_max3A_206 : i1 to vector<16xi1>
        %reduce_max3A_208 = arith.constant -2147483648 : i32
        %reduce_max3A_209 = vector.broadcast %reduce_max3A_208 : i32 to vector<16xi32>
        %reduce_max3A_210 = arith.xori %gather3A_205, %reduce_max3A_209 : vector<16xi32>
        %reduce_max3A_211 = tpu.scan <max>, %reduce_max3A_210 masked %reduce_max3A_207 : vector<16xi32>, vector<16xi1> -> vector<16xi32>
        %reduce_max3A_212 = arith.xori %reduce_max3A_211, %reduce_max3A_209 : vector<16xi32>
        %reduce_max3A_213 = vector.extract %reduce_max3A_212[15] : i32 from vector<16xi32>
        %and3A_214 = arith.constant -128 : i32
        %and3A_215 = arith.andi %reduce_max3A_203, %and3A_214 : i32
        %multiple_of3A = tpu.assume_multiple %and3A_215, 128 : i32
        %and3A_216 = arith.constant -128 : i32
        %and3A_217 = arith.andi %reduce_max3A_213, %and3A_216 : i32
        %multiple_of3A_218 = tpu.assume_multiple %and3A_217, 128 : i32
        %dma_start3A = arith.constant 2 : i32
        %dma_start3A_219 = arith.constant 0 : i32
        %dma_start3A_220 = arith.constant 0 : i32
        %dma_start3A_221 = arith.constant 0 : i32
        %dma_start3A_222 = tpu.memref_slice %arg14[%dma_start3A, %dma_start3A_219, %dma_start3A_220, %dma_start3A_221] : memref<6x4x32x128xf32, #tpu.memory_space<vmem>> -> memref<1x1x32x128xf32, #tpu.memory_space<vmem>>
        %dma_start3A_223 = tpu.memref_squeeze %dma_start3A_222 : memref<1x1x32x128xf32, #tpu.memory_space<vmem>> -> memref<32x128xf32, #tpu.memory_space<vmem>>
        %dma_start3A_224 = arith.constant 0 : i32
        %dma_start3A_225 = tpu.memref_slice %arg4[%dma_start3A_224, %multiple_of3A] : memref<32x1000000xf32, #tpu.memory_space<hbm>> -> memref<32x128xf32, #tpu.memory_space<hbm>>
        %dma_start3A_226 = arith.constant 0 : i32
        %dma_start3A_227 = arith.constant 0 : i32
        %dma_start3A_228 = tpu.memref_slice %arg14[%dma_start3A, %dma_start3A_219, %dma_start3A_226, %dma_start3A_227] : memref<6x4x32x128xf32, #tpu.memory_space<vmem>> -> memref<1x1x32x128xf32, #tpu.memory_space<vmem>>
        %dma_start3A_229 = tpu.memref_squeeze %dma_start3A_228 : memref<1x1x32x128xf32, #tpu.memory_space<vmem>> -> memref<32x128xf32, #tpu.memory_space<vmem>>
        %dma_start3A_230 = arith.constant 0 : i32
        %dma_start3A_231 = tpu.memref_slice %arg4[%dma_start3A_230, %multiple_of3A] : memref<32x1000000xf32, #tpu.memory_space<hbm>> -> memref<32x128xf32, #tpu.memory_space<hbm>>
        tpu.enqueue_dma source(%dma_start3A_231 : memref<32x128xf32, #tpu.memory_space<hbm>>) target(%dma_start3A_229 : memref<32x128xf32, #tpu.memory_space<vmem>>) target_semaphore(%arg18 : memref<!tpu.dma_semaphore, #tpu.memory_space<semaphore_mem>>)
        %dma_start3A_232 = arith.constant 2 : i32
        %dma_start3A_233 = arith.constant 1 : i32
        %dma_start3A_234 = arith.constant 0 : i32
        %dma_start3A_235 = arith.constant 0 : i32
        %dma_start3A_236 = tpu.memref_slice %arg14[%dma_start3A_232, %dma_start3A_233, %dma_start3A_234, %dma_start3A_235] : memref<6x4x32x128xf32, #tpu.memory_space<vmem>> -> memref<1x1x32x128xf32, #tpu.memory_space<vmem>>
        %dma_start3A_237 = tpu.memref_squeeze %dma_start3A_236 : memref<1x1x32x128xf32, #tpu.memory_space<vmem>> -> memref<32x128xf32, #tpu.memory_space<vmem>>
        %dma_start3A_238 = arith.constant 0 : i32
        %dma_start3A_239 = tpu.memref_slice %arg5[%dma_start3A_238, %multiple_of3A_218] : memref<32x1000000xf32, #tpu.memory_space<hbm>> -> memref<32x128xf32, #tpu.memory_space<hbm>>
        %dma_start3A_240 = arith.constant 0 : i32
        %dma_start3A_241 = arith.constant 0 : i32
        %dma_start3A_242 = tpu.memref_slice %arg14[%dma_start3A_232, %dma_start3A_233, %dma_start3A_240, %dma_start3A_241] : memref<6x4x32x128xf32, #tpu.memory_space<vmem>> -> memref<1x1x32x128xf32, #tpu.memory_space<vmem>>
        %dma_start3A_243 = tpu.memref_squeeze %dma_start3A_242 : memref<1x1x32x128xf32, #tpu.memory_space<vmem>> -> memref<32x128xf32, #tpu.memory_space<vmem>>
        %dma_start3A_244 = arith.constant 0 : i32
        %dma_start3A_245 = tpu.memref_slice %arg5[%dma_start3A_244, %multiple_of3A_218] : memref<32x1000000xf32, #tpu.memory_space<hbm>> -> memref<32x128xf32, #tpu.memory_space<hbm>>
        tpu.enqueue_dma source(%dma_start3A_245 : memref<32x128xf32, #tpu.memory_space<hbm>>) target(%dma_start3A_243 : memref<32x128xf32, #tpu.memory_space<vmem>>) target_semaphore(%arg18 : memref<!tpu.dma_semaphore, #tpu.memory_space<semaphore_mem>>)
        %dma_start3A_246 = arith.constant 2 : i32
        %dma_start3A_247 = arith.constant 2 : i32
        %dma_start3A_248 = arith.constant 0 : i32
        %dma_start3A_249 = arith.constant 0 : i32
        %dma_start3A_250 = tpu.memref_slice %arg14[%dma_start3A_246, %dma_start3A_247, %dma_start3A_248, %dma_start3A_249] : memref<6x4x32x128xf32, #tpu.memory_space<vmem>> -> memref<1x1x32x128xf32, #tpu.memory_space<vmem>>
        %dma_start3A_251 = tpu.memref_squeeze %dma_start3A_250 : memref<1x1x32x128xf32, #tpu.memory_space<vmem>> -> memref<32x128xf32, #tpu.memory_space<vmem>>
        %dma_start3A_252 = arith.constant 0 : i32
        %dma_start3A_253 = tpu.memref_slice %arg6[%dma_start3A_252, %multiple_of3A] : memref<32x1000000xf32, #tpu.memory_space<hbm>> -> memref<32x128xf32, #tpu.memory_space<hbm>>
        %dma_start3A_254 = arith.constant 0 : i32
        %dma_start3A_255 = arith.constant 0 : i32
        %dma_start3A_256 = tpu.memref_slice %arg14[%dma_start3A_246, %dma_start3A_247, %dma_start3A_254, %dma_start3A_255] : memref<6x4x32x128xf32, #tpu.memory_space<vmem>> -> memref<1x1x32x128xf32, #tpu.memory_space<vmem>>
        %dma_start3A_257 = tpu.memref_squeeze %dma_start3A_256 : memref<1x1x32x128xf32, #tpu.memory_space<vmem>> -> memref<32x128xf32, #tpu.memory_space<vmem>>
        %dma_start3A_258 = arith.constant 0 : i32
        %dma_start3A_259 = tpu.memref_slice %arg6[%dma_start3A_258, %multiple_of3A] : memref<32x1000000xf32, #tpu.memory_space<hbm>> -> memref<32x128xf32, #tpu.memory_space<hbm>>
        tpu.enqueue_dma source(%dma_start3A_259 : memref<32x128xf32, #tpu.memory_space<hbm>>) target(%dma_start3A_257 : memref<32x128xf32, #tpu.memory_space<vmem>>) target_semaphore(%arg18 : memref<!tpu.dma_semaphore, #tpu.memory_space<semaphore_mem>>)
        %dma_start3A_260 = arith.constant 2 : i32
        %dma_start3A_261 = arith.constant 3 : i32
        %dma_start3A_262 = arith.constant 0 : i32
        %dma_start3A_263 = arith.constant 0 : i32
        %dma_start3A_264 = tpu.memref_slice %arg14[%dma_start3A_260, %dma_start3A_261, %dma_start3A_262, %dma_start3A_263] : memref<6x4x32x128xf32, #tpu.memory_space<vmem>> -> memref<1x1x32x128xf32, #tpu.memory_space<vmem>>
        %dma_start3A_265 = tpu.memref_squeeze %dma_start3A_264 : memref<1x1x32x128xf32, #tpu.memory_space<vmem>> -> memref<32x128xf32, #tpu.memory_space<vmem>>
        %dma_start3A_266 = arith.constant 0 : i32
        %dma_start3A_267 = tpu.memref_slice %arg7[%dma_start3A_266, %multiple_of3A_218] : memref<32x1000000xf32, #tpu.memory_space<hbm>> -> memref<32x128xf32, #tpu.memory_space<hbm>>
        %dma_start3A_268 = arith.constant 0 : i32
        %dma_start3A_269 = arith.constant 0 : i32
        %dma_start3A_270 = tpu.memref_slice %arg14[%dma_start3A_260, %dma_start3A_261, %dma_start3A_268, %dma_start3A_269] : memref<6x4x32x128xf32, #tpu.memory_space<vmem>> -> memref<1x1x32x128xf32, #tpu.memory_space<vmem>>
        %dma_start3A_271 = tpu.memref_squeeze %dma_start3A_270 : memref<1x1x32x128xf32, #tpu.memory_space<vmem>> -> memref<32x128xf32, #tpu.memory_space<vmem>>
        %dma_start3A_272 = arith.constant 0 : i32
        %dma_start3A_273 = tpu.memref_slice %arg7[%dma_start3A_272, %multiple_of3A_218] : memref<32x1000000xf32, #tpu.memory_space<hbm>> -> memref<32x128xf32, #tpu.memory_space<hbm>>
        tpu.enqueue_dma source(%dma_start3A_273 : memref<32x128xf32, #tpu.memory_space<hbm>>) target(%dma_start3A_271 : memref<32x128xf32, #tpu.memory_space<vmem>>) target_semaphore(%arg18 : memref<!tpu.dma_semaphore, #tpu.memory_space<semaphore_mem>>)
      } else {
      }
      %ge3A_88 = arith.constant 0 : i32
      %ge3A_89 = arith.cmpi sge, %sub3A_74, %ge3A_88 : i32
      %lt3A_90 = arith.constant 512 : i32
      %lt3A_91 = arith.cmpi slt, %sub3A_74, %lt3A_90 : i32
      %and3A_92 = arith.andi %ge3A_89, %lt3A_91 : i1
      %and3A_93 = arith.constant 127 : i32
      %and3A_94 = arith.andi %sub3A_74, %and3A_93 : i32
      %eq3A_95 = arith.constant 127 : i32
      %eq3A_96 = arith.cmpi eq, %and3A_94, %eq3A_95 : i32
      %and3A_97 = arith.andi %and3A_92, %eq3A_96 : i1
      %convert_element_type3A_98 = arith.extui %and3A_97 : i1 to i32
      %cond3A_99 = arith.constant 0 : i32
      %cond3A_100 = arith.cmpi ne, %convert_element_type3A_98, %cond3A_99 : i32
      scf.if %cond3A_100 {
        %sub3A_197 = arith.constant 127 : i32
        %sub3A_198 = arith.subi %sub3A_74, %sub3A_197 : i32
        %add3A_199 = arith.addi %mul3A_2, %sub3A_198 : i32
        %multiple_of3A = tpu.assume_multiple %add3A_199, 128 : i32
        %run_scoped3A = arith.constant 0 : i32
        "tpu.region"() ({
          %run_scoped3A_203 = tpu.sem_alloc : memref<!tpu.dma_semaphore, #tpu.memory_space<semaphore_mem>>
          %dma_start3A = arith.constant 0 : i32
          %dma_start3A_204 = arith.constant 0 : i32
          %dma_start3A_205 = tpu.memref_slice %arg15[%run_scoped3A, %dma_start3A, %dma_start3A_204] : memref<4x32x128xf32, #tpu.memory_space<vmem>> -> memref<1x32x128xf32, #tpu.memory_space<vmem>>
          %dma_start3A_206 = tpu.memref_squeeze %dma_start3A_205 : memref<1x32x128xf32, #tpu.memory_space<vmem>> -> memref<32x128xf32, #tpu.memory_space<vmem>>
          %dma_start3A_207 = arith.constant 0 : i32
          %dma_start3A_208 = tpu.memref_slice %arg8[%dma_start3A_207, %multiple_of3A] : memref<32x16384xf32, #tpu.memory_space<hbm>> -> memref<32x128xf32, #tpu.memory_space<hbm>>
          %dma_start3A_209 = arith.constant 0 : i32
          %dma_start3A_210 = tpu.memref_slice %arg8[%dma_start3A_209, %multiple_of3A] : memref<32x16384xf32, #tpu.memory_space<hbm>> -> memref<32x128xf32, #tpu.memory_space<hbm>>
          %dma_start3A_211 = arith.constant 0 : i32
          %dma_start3A_212 = arith.constant 0 : i32
          %dma_start3A_213 = tpu.memref_slice %arg15[%run_scoped3A, %dma_start3A_211, %dma_start3A_212] : memref<4x32x128xf32, #tpu.memory_space<vmem>> -> memref<1x32x128xf32, #tpu.memory_space<vmem>>
          %dma_start3A_214 = tpu.memref_squeeze %dma_start3A_213 : memref<1x32x128xf32, #tpu.memory_space<vmem>> -> memref<32x128xf32, #tpu.memory_space<vmem>>
          tpu.enqueue_dma source(%dma_start3A_214 : memref<32x128xf32, #tpu.memory_space<vmem>>) target(%dma_start3A_210 : memref<32x128xf32, #tpu.memory_space<hbm>>) target_semaphore(%run_scoped3A_203 : memref<!tpu.dma_semaphore, #tpu.memory_space<semaphore_mem>>)
          %dma_wait3A = arith.constant 0 : i32
          %dma_wait3A_215 = arith.constant 0 : i32
          %dma_wait3A_216 = tpu.memref_slice %arg15[%run_scoped3A, %dma_wait3A, %dma_wait3A_215] : memref<4x32x128xf32, #tpu.memory_space<vmem>> -> memref<1x32x128xf32, #tpu.memory_space<vmem>>
          %dma_wait3A_217 = tpu.memref_squeeze %dma_wait3A_216 : memref<1x32x128xf32, #tpu.memory_space<vmem>> -> memref<32x128xf32, #tpu.memory_space<vmem>>
          %dma_wait3A_218 = arith.constant 0 : i32
          %dma_wait3A_219 = tpu.memref_slice %arg8[%dma_wait3A_218, %multiple_of3A] : memref<32x16384xf32, #tpu.memory_space<hbm>> -> memref<32x128xf32, #tpu.memory_space<hbm>>
          %dma_wait3A_220 = arith.constant 0 : i32
          %dma_wait3A_221 = tpu.memref_slice %arg8[%dma_wait3A_220, %multiple_of3A] : memref<32x16384xf32, #tpu.memory_space<hbm>> -> memref<32x128xf32, #tpu.memory_space<hbm>>
          %dma_wait3A_222 = arith.constant 0 : i32
          %dma_wait3A_223 = arith.constant 0 : i32
          %dma_wait3A_224 = tpu.memref_slice %arg15[%run_scoped3A, %dma_wait3A_222, %dma_wait3A_223] : memref<4x32x128xf32, #tpu.memory_space<vmem>> -> memref<1x32x128xf32, #tpu.memory_space<vmem>>
          %dma_wait3A_225 = tpu.memref_squeeze %dma_wait3A_224 : memref<1x32x128xf32, #tpu.memory_space<vmem>> -> memref<32x128xf32, #tpu.memory_space<vmem>>
          tpu.wait_dma2 semaphore(%run_scoped3A_203 : memref<!tpu.dma_semaphore, #tpu.memory_space<semaphore_mem>>) src(%dma_wait3A_225 : memref<32x128xf32, #tpu.memory_space<vmem>>) dst(%dma_wait3A_221 : memref<32x128xf32, #tpu.memory_space<hbm>>)
          tpu.yield
        }) : () -> ()
        %run_scoped3A_200 = arith.constant 1 : i32
        "tpu.region"() ({
          %run_scoped3A_203 = tpu.sem_alloc : memref<!tpu.dma_semaphore, #tpu.memory_space<semaphore_mem>>
          %dma_start3A = arith.constant 0 : i32
          %dma_start3A_204 = arith.constant 0 : i32
          %dma_start3A_205 = tpu.memref_slice %arg15[%run_scoped3A_200, %dma_start3A, %dma_start3A_204] : memref<4x32x128xf32, #tpu.memory_space<vmem>> -> memref<1x32x128xf32, #tpu.memory_space<vmem>>
          %dma_start3A_206 = tpu.memref_squeeze %dma_start3A_205 : memref<1x32x128xf32, #tpu.memory_space<vmem>> -> memref<32x128xf32, #tpu.memory_space<vmem>>
          %dma_start3A_207 = arith.constant 0 : i32
          %dma_start3A_208 = tpu.memref_slice %arg9[%dma_start3A_207, %multiple_of3A] : memref<32x16384xf32, #tpu.memory_space<hbm>> -> memref<32x128xf32, #tpu.memory_space<hbm>>
          %dma_start3A_209 = arith.constant 0 : i32
          %dma_start3A_210 = tpu.memref_slice %arg9[%dma_start3A_209, %multiple_of3A] : memref<32x16384xf32, #tpu.memory_space<hbm>> -> memref<32x128xf32, #tpu.memory_space<hbm>>
          %dma_start3A_211 = arith.constant 0 : i32
          %dma_start3A_212 = arith.constant 0 : i32
          %dma_start3A_213 = tpu.memref_slice %arg15[%run_scoped3A_200, %dma_start3A_211, %dma_start3A_212] : memref<4x32x128xf32, #tpu.memory_space<vmem>> -> memref<1x32x128xf32, #tpu.memory_space<vmem>>
          %dma_start3A_214 = tpu.memref_squeeze %dma_start3A_213 : memref<1x32x128xf32, #tpu.memory_space<vmem>> -> memref<32x128xf32, #tpu.memory_space<vmem>>
          tpu.enqueue_dma source(%dma_start3A_214 : memref<32x128xf32, #tpu.memory_space<vmem>>) target(%dma_start3A_210 : memref<32x128xf32, #tpu.memory_space<hbm>>) target_semaphore(%run_scoped3A_203 : memref<!tpu.dma_semaphore, #tpu.memory_space<semaphore_mem>>)
          %dma_wait3A = arith.constant 0 : i32
          %dma_wait3A_215 = arith.constant 0 : i32
          %dma_wait3A_216 = tpu.memref_slice %arg15[%run_scoped3A_200, %dma_wait3A, %dma_wait3A_215] : memref<4x32x128xf32, #tpu.memory_space<vmem>> -> memref<1x32x128xf32, #tpu.memory_space<vmem>>
          %dma_wait3A_217 = tpu.memref_squeeze %dma_wait3A_216 : memref<1x32x128xf32, #tpu.memory_space<vmem>> -> memref<32x128xf32, #tpu.memory_space<vmem>>
          %dma_wait3A_218 = arith.constant 0 : i32
          %dma_wait3A_219 = tpu.memref_slice %arg9[%dma_wait3A_218, %multiple_of3A] : memref<32x16384xf32, #tpu.memory_space<hbm>> -> memref<32x128xf32, #tpu.memory_space<hbm>>
          %dma_wait3A_220 = arith.constant 0 : i32
          %dma_wait3A_221 = tpu.memref_slice %arg9[%dma_wait3A_220, %multiple_of3A] : memref<32x16384xf32, #tpu.memory_space<hbm>> -> memref<32x128xf32, #tpu.memory_space<hbm>>
          %dma_wait3A_222 = arith.constant 0 : i32
          %dma_wait3A_223 = arith.constant 0 : i32
          %dma_wait3A_224 = tpu.memref_slice %arg15[%run_scoped3A_200, %dma_wait3A_222, %dma_wait3A_223] : memref<4x32x128xf32, #tpu.memory_space<vmem>> -> memref<1x32x128xf32, #tpu.memory_space<vmem>>
          %dma_wait3A_225 = tpu.memref_squeeze %dma_wait3A_224 : memref<1x32x128xf32, #tpu.memory_space<vmem>> -> memref<32x128xf32, #tpu.memory_space<vmem>>
          tpu.wait_dma2 semaphore(%run_scoped3A_203 : memref<!tpu.dma_semaphore, #tpu.memory_space<semaphore_mem>>) src(%dma_wait3A_225 : memref<32x128xf32, #tpu.memory_space<vmem>>) dst(%dma_wait3A_221 : memref<32x128xf32, #tpu.memory_space<hbm>>)
          tpu.yield
        }) : () -> ()
        %run_scoped3A_201 = arith.constant 2 : i32
        "tpu.region"() ({
          %run_scoped3A_203 = tpu.sem_alloc : memref<!tpu.dma_semaphore, #tpu.memory_space<semaphore_mem>>
          %dma_start3A = arith.constant 0 : i32
          %dma_start3A_204 = arith.constant 0 : i32
          %dma_start3A_205 = tpu.memref_slice %arg15[%run_scoped3A_201, %dma_start3A, %dma_start3A_204] : memref<4x32x128xf32, #tpu.memory_space<vmem>> -> memref<1x32x128xf32, #tpu.memory_space<vmem>>
          %dma_start3A_206 = tpu.memref_squeeze %dma_start3A_205 : memref<1x32x128xf32, #tpu.memory_space<vmem>> -> memref<32x128xf32, #tpu.memory_space<vmem>>
          %dma_start3A_207 = arith.constant 0 : i32
          %dma_start3A_208 = tpu.memref_slice %arg10[%dma_start3A_207, %multiple_of3A] : memref<32x16384xf32, #tpu.memory_space<hbm>> -> memref<32x128xf32, #tpu.memory_space<hbm>>
          %dma_start3A_209 = arith.constant 0 : i32
          %dma_start3A_210 = tpu.memref_slice %arg10[%dma_start3A_209, %multiple_of3A] : memref<32x16384xf32, #tpu.memory_space<hbm>> -> memref<32x128xf32, #tpu.memory_space<hbm>>
          %dma_start3A_211 = arith.constant 0 : i32
          %dma_start3A_212 = arith.constant 0 : i32
          %dma_start3A_213 = tpu.memref_slice %arg15[%run_scoped3A_201, %dma_start3A_211, %dma_start3A_212] : memref<4x32x128xf32, #tpu.memory_space<vmem>> -> memref<1x32x128xf32, #tpu.memory_space<vmem>>
          %dma_start3A_214 = tpu.memref_squeeze %dma_start3A_213 : memref<1x32x128xf32, #tpu.memory_space<vmem>> -> memref<32x128xf32, #tpu.memory_space<vmem>>
          tpu.enqueue_dma source(%dma_start3A_214 : memref<32x128xf32, #tpu.memory_space<vmem>>) target(%dma_start3A_210 : memref<32x128xf32, #tpu.memory_space<hbm>>) target_semaphore(%run_scoped3A_203 : memref<!tpu.dma_semaphore, #tpu.memory_space<semaphore_mem>>)
          %dma_wait3A = arith.constant 0 : i32
          %dma_wait3A_215 = arith.constant 0 : i32
          %dma_wait3A_216 = tpu.memref_slice %arg15[%run_scoped3A_201, %dma_wait3A, %dma_wait3A_215] : memref<4x32x128xf32, #tpu.memory_space<vmem>> -> memref<1x32x128xf32, #tpu.memory_space<vmem>>
          %dma_wait3A_217 = tpu.memref_squeeze %dma_wait3A_216 : memref<1x32x128xf32, #tpu.memory_space<vmem>> -> memref<32x128xf32, #tpu.memory_space<vmem>>
          %dma_wait3A_218 = arith.constant 0 : i32
          %dma_wait3A_219 = tpu.memref_slice %arg10[%dma_wait3A_218, %multiple_of3A] : memref<32x16384xf32, #tpu.memory_space<hbm>> -> memref<32x128xf32, #tpu.memory_space<hbm>>
          %dma_wait3A_220 = arith.constant 0 : i32
          %dma_wait3A_221 = tpu.memref_slice %arg10[%dma_wait3A_220, %multiple_of3A] : memref<32x16384xf32, #tpu.memory_space<hbm>> -> memref<32x128xf32, #tpu.memory_space<hbm>>
          %dma_wait3A_222 = arith.constant 0 : i32
          %dma_wait3A_223 = arith.constant 0 : i32
          %dma_wait3A_224 = tpu.memref_slice %arg15[%run_scoped3A_201, %dma_wait3A_222, %dma_wait3A_223] : memref<4x32x128xf32, #tpu.memory_space<vmem>> -> memref<1x32x128xf32, #tpu.memory_space<vmem>>
          %dma_wait3A_225 = tpu.memref_squeeze %dma_wait3A_224 : memref<1x32x128xf32, #tpu.memory_space<vmem>> -> memref<32x128xf32, #tpu.memory_space<vmem>>
          tpu.wait_dma2 semaphore(%run_scoped3A_203 : memref<!tpu.dma_semaphore, #tpu.memory_space<semaphore_mem>>) src(%dma_wait3A_225 : memref<32x128xf32, #tpu.memory_space<vmem>>) dst(%dma_wait3A_221 : memref<32x128xf32, #tpu.memory_space<hbm>>)
          tpu.yield
        }) : () -> ()
        %run_scoped3A_202 = arith.constant 3 : i32
        "tpu.region"() ({
          %run_scoped3A_203 = tpu.sem_alloc : memref<!tpu.dma_semaphore, #tpu.memory_space<semaphore_mem>>
          %dma_start3A = arith.constant 0 : i32
          %dma_start3A_204 = arith.constant 0 : i32
          %dma_start3A_205 = tpu.memref_slice %arg15[%run_scoped3A_202, %dma_start3A, %dma_start3A_204] : memref<4x32x128xf32, #tpu.memory_space<vmem>> -> memref<1x32x128xf32, #tpu.memory_space<vmem>>
          %dma_start3A_206 = tpu.memref_squeeze %dma_start3A_205 : memref<1x32x128xf32, #tpu.memory_space<vmem>> -> memref<32x128xf32, #tpu.memory_space<vmem>>
          %dma_start3A_207 = arith.constant 0 : i32
          %dma_start3A_208 = tpu.memref_slice %arg11[%dma_start3A_207, %multiple_of3A] : memref<32x16384xf32, #tpu.memory_space<hbm>> -> memref<32x128xf32, #tpu.memory_space<hbm>>
          %dma_start3A_209 = arith.constant 0 : i32
          %dma_start3A_210 = tpu.memref_slice %arg11[%dma_start3A_209, %multiple_of3A] : memref<32x16384xf32, #tpu.memory_space<hbm>> -> memref<32x128xf32, #tpu.memory_space<hbm>>
          %dma_start3A_211 = arith.constant 0 : i32
          %dma_start3A_212 = arith.constant 0 : i32
          %dma_start3A_213 = tpu.memref_slice %arg15[%run_scoped3A_202, %dma_start3A_211, %dma_start3A_212] : memref<4x32x128xf32, #tpu.memory_space<vmem>> -> memref<1x32x128xf32, #tpu.memory_space<vmem>>
          %dma_start3A_214 = tpu.memref_squeeze %dma_start3A_213 : memref<1x32x128xf32, #tpu.memory_space<vmem>> -> memref<32x128xf32, #tpu.memory_space<vmem>>
          tpu.enqueue_dma source(%dma_start3A_214 : memref<32x128xf32, #tpu.memory_space<vmem>>) target(%dma_start3A_210 : memref<32x128xf32, #tpu.memory_space<hbm>>) target_semaphore(%run_scoped3A_203 : memref<!tpu.dma_semaphore, #tpu.memory_space<semaphore_mem>>)
          %dma_wait3A = arith.constant 0 : i32
          %dma_wait3A_215 = arith.constant 0 : i32
          %dma_wait3A_216 = tpu.memref_slice %arg15[%run_scoped3A_202, %dma_wait3A, %dma_wait3A_215] : memref<4x32x128xf32, #tpu.memory_space<vmem>> -> memref<1x32x128xf32, #tpu.memory_space<vmem>>
          %dma_wait3A_217 = tpu.memref_squeeze %dma_wait3A_216 : memref<1x32x128xf32, #tpu.memory_space<vmem>> -> memref<32x128xf32, #tpu.memory_space<vmem>>
          %dma_wait3A_218 = arith.constant 0 : i32
          %dma_wait3A_219 = tpu.memref_slice %arg11[%dma_wait3A_218, %multiple_of3A] : memref<32x16384xf32, #tpu.memory_space<hbm>> -> memref<32x128xf32, #tpu.memory_space<hbm>>
          %dma_wait3A_220 = arith.constant 0 : i32
          %dma_wait3A_221 = tpu.memref_slice %arg11[%dma_wait3A_220, %multiple_of3A] : memref<32x16384xf32, #tpu.memory_space<hbm>> -> memref<32x128xf32, #tpu.memory_space<hbm>>
          %dma_wait3A_222 = arith.constant 0 : i32
          %dma_wait3A_223 = arith.constant 0 : i32
          %dma_wait3A_224 = tpu.memref_slice %arg15[%run_scoped3A_202, %dma_wait3A_222, %dma_wait3A_223] : memref<4x32x128xf32, #tpu.memory_space<vmem>> -> memref<1x32x128xf32, #tpu.memory_space<vmem>>
          %dma_wait3A_225 = tpu.memref_squeeze %dma_wait3A_224 : memref<1x32x128xf32, #tpu.memory_space<vmem>> -> memref<32x128xf32, #tpu.memory_space<vmem>>
          tpu.wait_dma2 semaphore(%run_scoped3A_203 : memref<!tpu.dma_semaphore, #tpu.memory_space<semaphore_mem>>) src(%dma_wait3A_225 : memref<32x128xf32, #tpu.memory_space<vmem>>) dst(%dma_wait3A_221 : memref<32x128xf32, #tpu.memory_space<hbm>>)
          tpu.yield
        }) : () -> ()
      } else {
      }
      %mul3A_101 = arith.constant 6 : i32
      %mul3A_102 = arith.muli %scan3A_11, %mul3A_101 : i32
      %add3A_103 = arith.constant 3 : i32
      %add3A_104 = arith.addi %mul3A_102, %add3A_103 : i32
      %sub3A_105 = arith.constant 6 : i32
      %sub3A_106 = arith.subi %add3A_104, %sub3A_105 : i32
      %ge3A_107 = arith.constant 6 : i32
      %ge3A_108 = arith.cmpi sge, %add3A_104, %ge3A_107 : i32
      %lt3A_109 = arith.constant 512 : i32
      %lt3A_110 = arith.cmpi slt, %sub3A_106, %lt3A_109 : i32
      %and3A_111 = arith.andi %ge3A_108, %lt3A_110 : i1
      %convert_element_type3A_112 = arith.extui %and3A_111 : i1 to i32
      %cond3A_113 = arith.constant 0 : i32
      %cond3A_114 = arith.cmpi ne, %convert_element_type3A_112, %cond3A_113 : i32
      scf.if %cond3A_114 {
        %dma_wait3A = arith.constant 3 : i32
        %dma_wait3A_197 = arith.constant 0 : i32
        %dma_wait3A_198 = arith.constant 0 : i32
        %dma_wait3A_199 = arith.constant 0 : i32
        %dma_wait3A_200 = tpu.memref_slice %arg14[%dma_wait3A, %dma_wait3A_197, %dma_wait3A_198, %dma_wait3A_199] : memref<6x4x32x128xf32, #tpu.memory_space<vmem>> -> memref<1x1x32x128xf32, #tpu.memory_space<vmem>>
        %dma_wait3A_201 = tpu.memref_squeeze %dma_wait3A_200 : memref<1x1x32x128xf32, #tpu.memory_space<vmem>> -> memref<32x128xf32, #tpu.memory_space<vmem>>
        %dma_wait3A_202 = arith.constant 0 : i32
        %dma_wait3A_203 = arith.constant 0 : i32
        %dma_wait3A_204 = tpu.memref_slice %arg4[%dma_wait3A_202, %dma_wait3A_203] : memref<32x1000000xf32, #tpu.memory_space<hbm>> -> memref<32x128xf32, #tpu.memory_space<hbm>>
        %dma_wait3A_205 = arith.constant 0 : i32
        %dma_wait3A_206 = arith.constant 0 : i32
        %dma_wait3A_207 = tpu.memref_slice %arg14[%dma_wait3A, %dma_wait3A_197, %dma_wait3A_205, %dma_wait3A_206] : memref<6x4x32x128xf32, #tpu.memory_space<vmem>> -> memref<1x1x32x128xf32, #tpu.memory_space<vmem>>
        %dma_wait3A_208 = tpu.memref_squeeze %dma_wait3A_207 : memref<1x1x32x128xf32, #tpu.memory_space<vmem>> -> memref<32x128xf32, #tpu.memory_space<vmem>>
        %dma_wait3A_209 = arith.constant 0 : i32
        %dma_wait3A_210 = arith.constant 0 : i32
        %dma_wait3A_211 = tpu.memref_slice %arg4[%dma_wait3A_209, %dma_wait3A_210] : memref<32x1000000xf32, #tpu.memory_space<hbm>> -> memref<32x128xf32, #tpu.memory_space<hbm>>
        tpu.wait_dma2 semaphore(%arg19 : memref<!tpu.dma_semaphore, #tpu.memory_space<semaphore_mem>>) src(%dma_wait3A_211 : memref<32x128xf32, #tpu.memory_space<hbm>>) dst(%dma_wait3A_208 : memref<32x128xf32, #tpu.memory_space<vmem>>)
        %dma_wait3A_212 = arith.constant 3 : i32
        %dma_wait3A_213 = arith.constant 1 : i32
        %dma_wait3A_214 = arith.constant 0 : i32
        %dma_wait3A_215 = arith.constant 0 : i32
        %dma_wait3A_216 = tpu.memref_slice %arg14[%dma_wait3A_212, %dma_wait3A_213, %dma_wait3A_214, %dma_wait3A_215] : memref<6x4x32x128xf32, #tpu.memory_space<vmem>> -> memref<1x1x32x128xf32, #tpu.memory_space<vmem>>
        %dma_wait3A_217 = tpu.memref_squeeze %dma_wait3A_216 : memref<1x1x32x128xf32, #tpu.memory_space<vmem>> -> memref<32x128xf32, #tpu.memory_space<vmem>>
        %dma_wait3A_218 = arith.constant 0 : i32
        %dma_wait3A_219 = arith.constant 0 : i32
        %dma_wait3A_220 = tpu.memref_slice %arg4[%dma_wait3A_218, %dma_wait3A_219] : memref<32x1000000xf32, #tpu.memory_space<hbm>> -> memref<32x128xf32, #tpu.memory_space<hbm>>
        %dma_wait3A_221 = arith.constant 0 : i32
        %dma_wait3A_222 = arith.constant 0 : i32
        %dma_wait3A_223 = tpu.memref_slice %arg14[%dma_wait3A_212, %dma_wait3A_213, %dma_wait3A_221, %dma_wait3A_222] : memref<6x4x32x128xf32, #tpu.memory_space<vmem>> -> memref<1x1x32x128xf32, #tpu.memory_space<vmem>>
        %dma_wait3A_224 = tpu.memref_squeeze %dma_wait3A_223 : memref<1x1x32x128xf32, #tpu.memory_space<vmem>> -> memref<32x128xf32, #tpu.memory_space<vmem>>
        %dma_wait3A_225 = arith.constant 0 : i32
        %dma_wait3A_226 = arith.constant 0 : i32
        %dma_wait3A_227 = tpu.memref_slice %arg4[%dma_wait3A_225, %dma_wait3A_226] : memref<32x1000000xf32, #tpu.memory_space<hbm>> -> memref<32x128xf32, #tpu.memory_space<hbm>>
        tpu.wait_dma2 semaphore(%arg19 : memref<!tpu.dma_semaphore, #tpu.memory_space<semaphore_mem>>) src(%dma_wait3A_227 : memref<32x128xf32, #tpu.memory_space<hbm>>) dst(%dma_wait3A_224 : memref<32x128xf32, #tpu.memory_space<vmem>>)
        %dma_wait3A_228 = arith.constant 3 : i32
        %dma_wait3A_229 = arith.constant 2 : i32
        %dma_wait3A_230 = arith.constant 0 : i32
        %dma_wait3A_231 = arith.constant 0 : i32
        %dma_wait3A_232 = tpu.memref_slice %arg14[%dma_wait3A_228, %dma_wait3A_229, %dma_wait3A_230, %dma_wait3A_231] : memref<6x4x32x128xf32, #tpu.memory_space<vmem>> -> memref<1x1x32x128xf32, #tpu.memory_space<vmem>>
        %dma_wait3A_233 = tpu.memref_squeeze %dma_wait3A_232 : memref<1x1x32x128xf32, #tpu.memory_space<vmem>> -> memref<32x128xf32, #tpu.memory_space<vmem>>
        %dma_wait3A_234 = arith.constant 0 : i32
        %dma_wait3A_235 = arith.constant 0 : i32
        %dma_wait3A_236 = tpu.memref_slice %arg4[%dma_wait3A_234, %dma_wait3A_235] : memref<32x1000000xf32, #tpu.memory_space<hbm>> -> memref<32x128xf32, #tpu.memory_space<hbm>>
        %dma_wait3A_237 = arith.constant 0 : i32
        %dma_wait3A_238 = arith.constant 0 : i32
        %dma_wait3A_239 = tpu.memref_slice %arg14[%dma_wait3A_228, %dma_wait3A_229, %dma_wait3A_237, %dma_wait3A_238] : memref<6x4x32x128xf32, #tpu.memory_space<vmem>> -> memref<1x1x32x128xf32, #tpu.memory_space<vmem>>
        %dma_wait3A_240 = tpu.memref_squeeze %dma_wait3A_239 : memref<1x1x32x128xf32, #tpu.memory_space<vmem>> -> memref<32x128xf32, #tpu.memory_space<vmem>>
        %dma_wait3A_241 = arith.constant 0 : i32
        %dma_wait3A_242 = arith.constant 0 : i32
        %dma_wait3A_243 = tpu.memref_slice %arg4[%dma_wait3A_241, %dma_wait3A_242] : memref<32x1000000xf32, #tpu.memory_space<hbm>> -> memref<32x128xf32, #tpu.memory_space<hbm>>
        tpu.wait_dma2 semaphore(%arg19 : memref<!tpu.dma_semaphore, #tpu.memory_space<semaphore_mem>>) src(%dma_wait3A_243 : memref<32x128xf32, #tpu.memory_space<hbm>>) dst(%dma_wait3A_240 : memref<32x128xf32, #tpu.memory_space<vmem>>)
        %dma_wait3A_244 = arith.constant 3 : i32
        %dma_wait3A_245 = arith.constant 3 : i32
        %dma_wait3A_246 = arith.constant 0 : i32
        %dma_wait3A_247 = arith.constant 0 : i32
        %dma_wait3A_248 = tpu.memref_slice %arg14[%dma_wait3A_244, %dma_wait3A_245, %dma_wait3A_246, %dma_wait3A_247] : memref<6x4x32x128xf32, #tpu.memory_space<vmem>> -> memref<1x1x32x128xf32, #tpu.memory_space<vmem>>
        %dma_wait3A_249 = tpu.memref_squeeze %dma_wait3A_248 : memref<1x1x32x128xf32, #tpu.memory_space<vmem>> -> memref<32x128xf32, #tpu.memory_space<vmem>>
        %dma_wait3A_250 = arith.constant 0 : i32
        %dma_wait3A_251 = arith.constant 0 : i32
        %dma_wait3A_252 = tpu.memref_slice %arg4[%dma_wait3A_250, %dma_wait3A_251] : memref<32x1000000xf32, #tpu.memory_space<hbm>> -> memref<32x128xf32, #tpu.memory_space<hbm>>
        %dma_wait3A_253 = arith.constant 0 : i32
        %dma_wait3A_254 = arith.constant 0 : i32
        %dma_wait3A_255 = tpu.memref_slice %arg14[%dma_wait3A_244, %dma_wait3A_245, %dma_wait3A_253, %dma_wait3A_254] : memref<6x4x32x128xf32, #tpu.memory_space<vmem>> -> memref<1x1x32x128xf32, #tpu.memory_space<vmem>>
        %dma_wait3A_256 = tpu.memref_squeeze %dma_wait3A_255 : memref<1x1x32x128xf32, #tpu.memory_space<vmem>> -> memref<32x128xf32, #tpu.memory_space<vmem>>
        %dma_wait3A_257 = arith.constant 0 : i32
        %dma_wait3A_258 = arith.constant 0 : i32
        %dma_wait3A_259 = tpu.memref_slice %arg4[%dma_wait3A_257, %dma_wait3A_258] : memref<32x1000000xf32, #tpu.memory_space<hbm>> -> memref<32x128xf32, #tpu.memory_space<hbm>>
        tpu.wait_dma2 semaphore(%arg19 : memref<!tpu.dma_semaphore, #tpu.memory_space<semaphore_mem>>) src(%dma_wait3A_259 : memref<32x128xf32, #tpu.memory_space<hbm>>) dst(%dma_wait3A_256 : memref<32x128xf32, #tpu.memory_space<vmem>>)
        %broadcast_in_dim3A = vector.broadcast %sub3A_106 : i32 to vector<16xi32>
        %gather3A = tpu.vector_load_idx %arg12[%broadcast_in_dim3A] : memref<512xi32, #tpu.memory_space<vmem>>[vector<16xi32>], vector<16xi32>,
        %and3A_260 = arith.constant 127 : i32
        %and3A_261 = vector.broadcast %and3A_260 : i32 to vector<16xi32>
        %and3A_262 = arith.andi %gather3A, %and3A_261 : vector<16xi32>
        %broadcast_in_dim3A_263 = vector.broadcast %sub3A_106 : i32 to vector<16xi32>
        %gather3A_264 = tpu.vector_load_idx %arg13[%broadcast_in_dim3A_263] : memref<512xi32, #tpu.memory_space<vmem>>[vector<16xi32>], vector<16xi32>,
        %and3A_265 = arith.constant 127 : i32
        %and3A_266 = vector.broadcast %and3A_265 : i32 to vector<16xi32>
        %and3A_267 = arith.andi %gather3A_264, %and3A_266 : vector<16xi32>
        %and3A_268 = arith.constant 127 : i32
        %and3A_269 = arith.andi %sub3A_106, %and3A_268 : i32
        %broadcast_in_dim3A_270 = vector.broadcast %and3A_269 : i32 to vector<16xi32>
        %gather3A_271 = arith.constant 3 : i32
        %gather3A_272 = arith.constant 0 : i32
        %gather3A_273 = arith.constant 0 : i32
        %gather3A_274 = arith.constant 0 : i32
        %gather3A_275 = tpu.memref_slice %arg14[%gather3A_271, %gather3A_272, %gather3A_273, %gather3A_274] : memref<6x4x32x128xf32, #tpu.memory_space<vmem>> -> memref<1x1x32x128xf32, #tpu.memory_space<vmem>>
        %gather3A_276 = tpu.memref_squeeze %gather3A_275 : memref<1x1x32x128xf32, #tpu.memory_space<vmem>> -> memref<32x128xf32, #tpu.memory_space<vmem>>
        %gather3A_277 = tpu.vector_load_idx %gather3A_276[%iota3A, %and3A_262] : memref<32x128xf32, #tpu.memory_space<vmem>>[vector<16xi32>, vector<16xi32>], vector<16xf32>,
        %gather3A_278 = arith.constant 3 : i32
        %gather3A_279 = arith.constant 0 : i32
        %gather3A_280 = arith.constant 0 : i32
        %gather3A_281 = arith.constant 0 : i32
        %gather3A_282 = tpu.memref_slice %arg14[%gather3A_278, %gather3A_279, %gather3A_280, %gather3A_281] : memref<6x4x32x128xf32, #tpu.memory_space<vmem>> -> memref<1x1x32x128xf32, #tpu.memory_space<vmem>>
        %gather3A_283 = tpu.memref_squeeze %gather3A_282 : memref<1x1x32x128xf32, #tpu.memory_space<vmem>> -> memref<32x128xf32, #tpu.memory_space<vmem>>
        %gather3A_284 = tpu.vector_load_idx %gather3A_283[%add3A_5, %and3A_262] : memref<32x128xf32, #tpu.memory_space<vmem>>[vector<16xi32>, vector<16xi32>], vector<16xf32>,
        %scatter3A = arith.constant 0 : i32
        %scatter3A_285 = arith.constant 0 : i32
        %scatter3A_286 = arith.constant 0 : i32
        %scatter3A_287 = tpu.memref_slice %arg15[%scatter3A, %scatter3A_285, %scatter3A_286] : memref<4x32x128xf32, #tpu.memory_space<vmem>> -> memref<1x32x128xf32, #tpu.memory_space<vmem>>
        %scatter3A_288 = tpu.memref_squeeze %scatter3A_287 : memref<1x32x128xf32, #tpu.memory_space<vmem>> -> memref<32x128xf32, #tpu.memory_space<vmem>>
        tpu.vector_store_idx %scatter3A_288[%iota3A, %broadcast_in_dim3A_270], %gather3A_277 : memref<32x128xf32, #tpu.memory_space<vmem>>[vector<16xi32>, vector<16xi32>], vector<16xf32>,
        %scatter3A_289 = arith.constant 0 : i32
        %scatter3A_290 = arith.constant 0 : i32
        %scatter3A_291 = arith.constant 0 : i32
        %scatter3A_292 = tpu.memref_slice %arg15[%scatter3A_289, %scatter3A_290, %scatter3A_291] : memref<4x32x128xf32, #tpu.memory_space<vmem>> -> memref<1x32x128xf32, #tpu.memory_space<vmem>>
        %scatter3A_293 = tpu.memref_squeeze %scatter3A_292 : memref<1x32x128xf32, #tpu.memory_space<vmem>> -> memref<32x128xf32, #tpu.memory_space<vmem>>
        tpu.vector_store_idx %scatter3A_293[%add3A_5, %broadcast_in_dim3A_270], %gather3A_284 : memref<32x128xf32, #tpu.memory_space<vmem>>[vector<16xi32>, vector<16xi32>], vector<16xf32>,
        %gather3A_294 = arith.constant 3 : i32
        %gather3A_295 = arith.constant 1 : i32
        %gather3A_296 = arith.constant 0 : i32
        %gather3A_297 = arith.constant 0 : i32
        %gather3A_298 = tpu.memref_slice %arg14[%gather3A_294, %gather3A_295, %gather3A_296, %gather3A_297] : memref<6x4x32x128xf32, #tpu.memory_space<vmem>> -> memref<1x1x32x128xf32, #tpu.memory_space<vmem>>
        %gather3A_299 = tpu.memref_squeeze %gather3A_298 : memref<1x1x32x128xf32, #tpu.memory_space<vmem>> -> memref<32x128xf32, #tpu.memory_space<vmem>>
        %gather3A_300 = tpu.vector_load_idx %gather3A_299[%iota3A, %and3A_267] : memref<32x128xf32, #tpu.memory_space<vmem>>[vector<16xi32>, vector<16xi32>], vector<16xf32>,
        %gather3A_301 = arith.constant 3 : i32
        %gather3A_302 = arith.constant 1 : i32
        %gather3A_303 = arith.constant 0 : i32
        %gather3A_304 = arith.constant 0 : i32
        %gather3A_305 = tpu.memref_slice %arg14[%gather3A_301, %gather3A_302, %gather3A_303, %gather3A_304] : memref<6x4x32x128xf32, #tpu.memory_space<vmem>> -> memref<1x1x32x128xf32, #tpu.memory_space<vmem>>
        %gather3A_306 = tpu.memref_squeeze %gather3A_305 : memref<1x1x32x128xf32, #tpu.memory_space<vmem>> -> memref<32x128xf32, #tpu.memory_space<vmem>>
        %gather3A_307 = tpu.vector_load_idx %gather3A_306[%add3A_5, %and3A_267] : memref<32x128xf32, #tpu.memory_space<vmem>>[vector<16xi32>, vector<16xi32>], vector<16xf32>,
        %scatter3A_308 = arith.constant 1 : i32
        %scatter3A_309 = arith.constant 0 : i32
        %scatter3A_310 = arith.constant 0 : i32
        %scatter3A_311 = tpu.memref_slice %arg15[%scatter3A_308, %scatter3A_309, %scatter3A_310] : memref<4x32x128xf32, #tpu.memory_space<vmem>> -> memref<1x32x128xf32, #tpu.memory_space<vmem>>
        %scatter3A_312 = tpu.memref_squeeze %scatter3A_311 : memref<1x32x128xf32, #tpu.memory_space<vmem>> -> memref<32x128xf32, #tpu.memory_space<vmem>>
        tpu.vector_store_idx %scatter3A_312[%iota3A, %broadcast_in_dim3A_270], %gather3A_300 : memref<32x128xf32, #tpu.memory_space<vmem>>[vector<16xi32>, vector<16xi32>], vector<16xf32>,
        %scatter3A_313 = arith.constant 1 : i32
        %scatter3A_314 = arith.constant 0 : i32
        %scatter3A_315 = arith.constant 0 : i32
        %scatter3A_316 = tpu.memref_slice %arg15[%scatter3A_313, %scatter3A_314, %scatter3A_315] : memref<4x32x128xf32, #tpu.memory_space<vmem>> -> memref<1x32x128xf32, #tpu.memory_space<vmem>>
        %scatter3A_317 = tpu.memref_squeeze %scatter3A_316 : memref<1x32x128xf32, #tpu.memory_space<vmem>> -> memref<32x128xf32, #tpu.memory_space<vmem>>
        tpu.vector_store_idx %scatter3A_317[%add3A_5, %broadcast_in_dim3A_270], %gather3A_307 : memref<32x128xf32, #tpu.memory_space<vmem>>[vector<16xi32>, vector<16xi32>], vector<16xf32>,
        %gather3A_318 = arith.constant 3 : i32
        %gather3A_319 = arith.constant 2 : i32
        %gather3A_320 = arith.constant 0 : i32
        %gather3A_321 = arith.constant 0 : i32
        %gather3A_322 = tpu.memref_slice %arg14[%gather3A_318, %gather3A_319, %gather3A_320, %gather3A_321] : memref<6x4x32x128xf32, #tpu.memory_space<vmem>> -> memref<1x1x32x128xf32, #tpu.memory_space<vmem>>
        %gather3A_323 = tpu.memref_squeeze %gather3A_322 : memref<1x1x32x128xf32, #tpu.memory_space<vmem>> -> memref<32x128xf32, #tpu.memory_space<vmem>>
        %gather3A_324 = tpu.vector_load_idx %gather3A_323[%iota3A, %and3A_262] : memref<32x128xf32, #tpu.memory_space<vmem>>[vector<16xi32>, vector<16xi32>], vector<16xf32>,
        %gather3A_325 = arith.constant 3 : i32
        %gather3A_326 = arith.constant 2 : i32
        %gather3A_327 = arith.constant 0 : i32
        %gather3A_328 = arith.constant 0 : i32
        %gather3A_329 = tpu.memref_slice %arg14[%gather3A_325, %gather3A_326, %gather3A_327, %gather3A_328] : memref<6x4x32x128xf32, #tpu.memory_space<vmem>> -> memref<1x1x32x128xf32, #tpu.memory_space<vmem>>
        %gather3A_330 = tpu.memref_squeeze %gather3A_329 : memref<1x1x32x128xf32, #tpu.memory_space<vmem>> -> memref<32x128xf32, #tpu.memory_space<vmem>>
        %gather3A_331 = tpu.vector_load_idx %gather3A_330[%add3A_5, %and3A_262] : memref<32x128xf32, #tpu.memory_space<vmem>>[vector<16xi32>, vector<16xi32>], vector<16xf32>,
        %scatter3A_332 = arith.constant 2 : i32
        %scatter3A_333 = arith.constant 0 : i32
        %scatter3A_334 = arith.constant 0 : i32
        %scatter3A_335 = tpu.memref_slice %arg15[%scatter3A_332, %scatter3A_333, %scatter3A_334] : memref<4x32x128xf32, #tpu.memory_space<vmem>> -> memref<1x32x128xf32, #tpu.memory_space<vmem>>
        %scatter3A_336 = tpu.memref_squeeze %scatter3A_335 : memref<1x32x128xf32, #tpu.memory_space<vmem>> -> memref<32x128xf32, #tpu.memory_space<vmem>>
        tpu.vector_store_idx %scatter3A_336[%iota3A, %broadcast_in_dim3A_270], %gather3A_324 : memref<32x128xf32, #tpu.memory_space<vmem>>[vector<16xi32>, vector<16xi32>], vector<16xf32>,
        %scatter3A_337 = arith.constant 2 : i32
        %scatter3A_338 = arith.constant 0 : i32
        %scatter3A_339 = arith.constant 0 : i32
        %scatter3A_340 = tpu.memref_slice %arg15[%scatter3A_337, %scatter3A_338, %scatter3A_339] : memref<4x32x128xf32, #tpu.memory_space<vmem>> -> memref<1x32x128xf32, #tpu.memory_space<vmem>>
        %scatter3A_341 = tpu.memref_squeeze %scatter3A_340 : memref<1x32x128xf32, #tpu.memory_space<vmem>> -> memref<32x128xf32, #tpu.memory_space<vmem>>
        tpu.vector_store_idx %scatter3A_341[%add3A_5, %broadcast_in_dim3A_270], %gather3A_331 : memref<32x128xf32, #tpu.memory_space<vmem>>[vector<16xi32>, vector<16xi32>], vector<16xf32>,
        %gather3A_342 = arith.constant 3 : i32
        %gather3A_343 = arith.constant 3 : i32
        %gather3A_344 = arith.constant 0 : i32
        %gather3A_345 = arith.constant 0 : i32
        %gather3A_346 = tpu.memref_slice %arg14[%gather3A_342, %gather3A_343, %gather3A_344, %gather3A_345] : memref<6x4x32x128xf32, #tpu.memory_space<vmem>> -> memref<1x1x32x128xf32, #tpu.memory_space<vmem>>
        %gather3A_347 = tpu.memref_squeeze %gather3A_346 : memref<1x1x32x128xf32, #tpu.memory_space<vmem>> -> memref<32x128xf32, #tpu.memory_space<vmem>>
        %gather3A_348 = tpu.vector_load_idx %gather3A_347[%iota3A, %and3A_267] : memref<32x128xf32, #tpu.memory_space<vmem>>[vector<16xi32>, vector<16xi32>], vector<16xf32>,
        %gather3A_349 = arith.constant 3 : i32
        %gather3A_350 = arith.constant 3 : i32
        %gather3A_351 = arith.constant 0 : i32
        %gather3A_352 = arith.constant 0 : i32
        %gather3A_353 = tpu.memref_slice %arg14[%gather3A_349, %gather3A_350, %gather3A_351, %gather3A_352] : memref<6x4x32x128xf32, #tpu.memory_space<vmem>> -> memref<1x1x32x128xf32, #tpu.memory_space<vmem>>
        %gather3A_354 = tpu.memref_squeeze %gather3A_353 : memref<1x1x32x128xf32, #tpu.memory_space<vmem>> -> memref<32x128xf32, #tpu.memory_space<vmem>>
        %gather3A_355 = tpu.vector_load_idx %gather3A_354[%add3A_5, %and3A_267] : memref<32x128xf32, #tpu.memory_space<vmem>>[vector<16xi32>, vector<16xi32>], vector<16xf32>,
        %scatter3A_356 = arith.constant 3 : i32
        %scatter3A_357 = arith.constant 0 : i32
        %scatter3A_358 = arith.constant 0 : i32
        %scatter3A_359 = tpu.memref_slice %arg15[%scatter3A_356, %scatter3A_357, %scatter3A_358] : memref<4x32x128xf32, #tpu.memory_space<vmem>> -> memref<1x32x128xf32, #tpu.memory_space<vmem>>
        %scatter3A_360 = tpu.memref_squeeze %scatter3A_359 : memref<1x32x128xf32, #tpu.memory_space<vmem>> -> memref<32x128xf32, #tpu.memory_space<vmem>>
        tpu.vector_store_idx %scatter3A_360[%iota3A, %broadcast_in_dim3A_270], %gather3A_348 : memref<32x128xf32, #tpu.memory_space<vmem>>[vector<16xi32>, vector<16xi32>], vector<16xf32>,
        %scatter3A_361 = arith.constant 3 : i32
        %scatter3A_362 = arith.constant 0 : i32
        %scatter3A_363 = arith.constant 0 : i32
        %scatter3A_364 = tpu.memref_slice %arg15[%scatter3A_361, %scatter3A_362, %scatter3A_363] : memref<4x32x128xf32, #tpu.memory_space<vmem>> -> memref<1x32x128xf32, #tpu.memory_space<vmem>>
        %scatter3A_365 = tpu.memref_squeeze %scatter3A_364 : memref<1x32x128xf32, #tpu.memory_space<vmem>> -> memref<32x128xf32, #tpu.memory_space<vmem>>
        tpu.vector_store_idx %scatter3A_365[%add3A_5, %broadcast_in_dim3A_270], %gather3A_355 : memref<32x128xf32, #tpu.memory_space<vmem>>[vector<16xi32>, vector<16xi32>], vector<16xf32>,
      } else {
      }
      %lt3A_115 = arith.constant 512 : i32
      %lt3A_116 = arith.cmpi slt, %add3A_104, %lt3A_115 : i32
      %convert_element_type3A_117 = arith.extui %lt3A_116 : i1 to i32
      %cond3A_118 = arith.constant 0 : i32
      %cond3A_119 = arith.cmpi ne, %convert_element_type3A_117, %cond3A_118 : i32
      scf.if %cond3A_119 {
        %broadcast_in_dim3A = vector.broadcast %add3A_104 : i32 to vector<16xi32>
        %gather3A = tpu.vector_load_idx %arg12[%broadcast_in_dim3A] : memref<512xi32, #tpu.memory_space<vmem>>[vector<16xi32>], vector<16xi32>,
        %reduce_max3A = arith.constant true
        %reduce_max3A_197 = vector.broadcast %reduce_max3A : i1 to vector<16xi1>
        %reduce_max3A_198 = arith.constant -2147483648 : i32
        %reduce_max3A_199 = vector.broadcast %reduce_max3A_198 : i32 to vector<16xi32>
        %reduce_max3A_200 = arith.xori %gather3A, %reduce_max3A_199 : vector<16xi32>
        %reduce_max3A_201 = tpu.scan <max>, %reduce_max3A_200 masked %reduce_max3A_197 : vector<16xi32>, vector<16xi1> -> vector<16xi32>
        %reduce_max3A_202 = arith.xori %reduce_max3A_201, %reduce_max3A_199 : vector<16xi32>
        %reduce_max3A_203 = vector.extract %reduce_max3A_202[15] : i32 from vector<16xi32>
        %broadcast_in_dim3A_204 = vector.broadcast %add3A_104 : i32 to vector<16xi32>
        %gather3A_205 = tpu.vector_load_idx %arg13[%broadcast_in_dim3A_204] : memref<512xi32, #tpu.memory_space<vmem>>[vector<16xi32>], vector<16xi32>,
        %reduce_max3A_206 = arith.constant true
        %reduce_max3A_207 = vector.broadcast %reduce_max3A_206 : i1 to vector<16xi1>
        %reduce_max3A_208 = arith.constant -2147483648 : i32
        %reduce_max3A_209 = vector.broadcast %reduce_max3A_208 : i32 to vector<16xi32>
        %reduce_max3A_210 = arith.xori %gather3A_205, %reduce_max3A_209 : vector<16xi32>
        %reduce_max3A_211 = tpu.scan <max>, %reduce_max3A_210 masked %reduce_max3A_207 : vector<16xi32>, vector<16xi1> -> vector<16xi32>
        %reduce_max3A_212 = arith.xori %reduce_max3A_211, %reduce_max3A_209 : vector<16xi32>
        %reduce_max3A_213 = vector.extract %reduce_max3A_212[15] : i32 from vector<16xi32>
        %and3A_214 = arith.constant -128 : i32
        %and3A_215 = arith.andi %reduce_max3A_203, %and3A_214 : i32
        %multiple_of3A = tpu.assume_multiple %and3A_215, 128 : i32
        %and3A_216 = arith.constant -128 : i32
        %and3A_217 = arith.andi %reduce_max3A_213, %and3A_216 : i32
        %multiple_of3A_218 = tpu.assume_multiple %and3A_217, 128 : i32
        %dma_start3A = arith.constant 3 : i32
        %dma_start3A_219 = arith.constant 0 : i32
        %dma_start3A_220 = arith.constant 0 : i32
        %dma_start3A_221 = arith.constant 0 : i32
        %dma_start3A_222 = tpu.memref_slice %arg14[%dma_start3A, %dma_start3A_219, %dma_start3A_220, %dma_start3A_221] : memref<6x4x32x128xf32, #tpu.memory_space<vmem>> -> memref<1x1x32x128xf32, #tpu.memory_space<vmem>>
        %dma_start3A_223 = tpu.memref_squeeze %dma_start3A_222 : memref<1x1x32x128xf32, #tpu.memory_space<vmem>> -> memref<32x128xf32, #tpu.memory_space<vmem>>
        %dma_start3A_224 = arith.constant 0 : i32
        %dma_start3A_225 = tpu.memref_slice %arg4[%dma_start3A_224, %multiple_of3A] : memref<32x1000000xf32, #tpu.memory_space<hbm>> -> memref<32x128xf32, #tpu.memory_space<hbm>>
        %dma_start3A_226 = arith.constant 0 : i32
        %dma_start3A_227 = arith.constant 0 : i32
        %dma_start3A_228 = tpu.memref_slice %arg14[%dma_start3A, %dma_start3A_219, %dma_start3A_226, %dma_start3A_227] : memref<6x4x32x128xf32, #tpu.memory_space<vmem>> -> memref<1x1x32x128xf32, #tpu.memory_space<vmem>>
        %dma_start3A_229 = tpu.memref_squeeze %dma_start3A_228 : memref<1x1x32x128xf32, #tpu.memory_space<vmem>> -> memref<32x128xf32, #tpu.memory_space<vmem>>
        %dma_start3A_230 = arith.constant 0 : i32
        %dma_start3A_231 = tpu.memref_slice %arg4[%dma_start3A_230, %multiple_of3A] : memref<32x1000000xf32, #tpu.memory_space<hbm>> -> memref<32x128xf32, #tpu.memory_space<hbm>>
        tpu.enqueue_dma source(%dma_start3A_231 : memref<32x128xf32, #tpu.memory_space<hbm>>) target(%dma_start3A_229 : memref<32x128xf32, #tpu.memory_space<vmem>>) target_semaphore(%arg19 : memref<!tpu.dma_semaphore, #tpu.memory_space<semaphore_mem>>)
        %dma_start3A_232 = arith.constant 3 : i32
        %dma_start3A_233 = arith.constant 1 : i32
        %dma_start3A_234 = arith.constant 0 : i32
        %dma_start3A_235 = arith.constant 0 : i32
        %dma_start3A_236 = tpu.memref_slice %arg14[%dma_start3A_232, %dma_start3A_233, %dma_start3A_234, %dma_start3A_235] : memref<6x4x32x128xf32, #tpu.memory_space<vmem>> -> memref<1x1x32x128xf32, #tpu.memory_space<vmem>>
        %dma_start3A_237 = tpu.memref_squeeze %dma_start3A_236 : memref<1x1x32x128xf32, #tpu.memory_space<vmem>> -> memref<32x128xf32, #tpu.memory_space<vmem>>
        %dma_start3A_238 = arith.constant 0 : i32
        %dma_start3A_239 = tpu.memref_slice %arg5[%dma_start3A_238, %multiple_of3A_218] : memref<32x1000000xf32, #tpu.memory_space<hbm>> -> memref<32x128xf32, #tpu.memory_space<hbm>>
        %dma_start3A_240 = arith.constant 0 : i32
        %dma_start3A_241 = arith.constant 0 : i32
        %dma_start3A_242 = tpu.memref_slice %arg14[%dma_start3A_232, %dma_start3A_233, %dma_start3A_240, %dma_start3A_241] : memref<6x4x32x128xf32, #tpu.memory_space<vmem>> -> memref<1x1x32x128xf32, #tpu.memory_space<vmem>>
        %dma_start3A_243 = tpu.memref_squeeze %dma_start3A_242 : memref<1x1x32x128xf32, #tpu.memory_space<vmem>> -> memref<32x128xf32, #tpu.memory_space<vmem>>
        %dma_start3A_244 = arith.constant 0 : i32
        %dma_start3A_245 = tpu.memref_slice %arg5[%dma_start3A_244, %multiple_of3A_218] : memref<32x1000000xf32, #tpu.memory_space<hbm>> -> memref<32x128xf32, #tpu.memory_space<hbm>>
        tpu.enqueue_dma source(%dma_start3A_245 : memref<32x128xf32, #tpu.memory_space<hbm>>) target(%dma_start3A_243 : memref<32x128xf32, #tpu.memory_space<vmem>>) target_semaphore(%arg19 : memref<!tpu.dma_semaphore, #tpu.memory_space<semaphore_mem>>)
        %dma_start3A_246 = arith.constant 3 : i32
        %dma_start3A_247 = arith.constant 2 : i32
        %dma_start3A_248 = arith.constant 0 : i32
        %dma_start3A_249 = arith.constant 0 : i32
        %dma_start3A_250 = tpu.memref_slice %arg14[%dma_start3A_246, %dma_start3A_247, %dma_start3A_248, %dma_start3A_249] : memref<6x4x32x128xf32, #tpu.memory_space<vmem>> -> memref<1x1x32x128xf32, #tpu.memory_space<vmem>>
        %dma_start3A_251 = tpu.memref_squeeze %dma_start3A_250 : memref<1x1x32x128xf32, #tpu.memory_space<vmem>> -> memref<32x128xf32, #tpu.memory_space<vmem>>
        %dma_start3A_252 = arith.constant 0 : i32
        %dma_start3A_253 = tpu.memref_slice %arg6[%dma_start3A_252, %multiple_of3A] : memref<32x1000000xf32, #tpu.memory_space<hbm>> -> memref<32x128xf32, #tpu.memory_space<hbm>>
        %dma_start3A_254 = arith.constant 0 : i32
        %dma_start3A_255 = arith.constant 0 : i32
        %dma_start3A_256 = tpu.memref_slice %arg14[%dma_start3A_246, %dma_start3A_247, %dma_start3A_254, %dma_start3A_255] : memref<6x4x32x128xf32, #tpu.memory_space<vmem>> -> memref<1x1x32x128xf32, #tpu.memory_space<vmem>>
        %dma_start3A_257 = tpu.memref_squeeze %dma_start3A_256 : memref<1x1x32x128xf32, #tpu.memory_space<vmem>> -> memref<32x128xf32, #tpu.memory_space<vmem>>
        %dma_start3A_258 = arith.constant 0 : i32
        %dma_start3A_259 = tpu.memref_slice %arg6[%dma_start3A_258, %multiple_of3A] : memref<32x1000000xf32, #tpu.memory_space<hbm>> -> memref<32x128xf32, #tpu.memory_space<hbm>>
        tpu.enqueue_dma source(%dma_start3A_259 : memref<32x128xf32, #tpu.memory_space<hbm>>) target(%dma_start3A_257 : memref<32x128xf32, #tpu.memory_space<vmem>>) target_semaphore(%arg19 : memref<!tpu.dma_semaphore, #tpu.memory_space<semaphore_mem>>)
        %dma_start3A_260 = arith.constant 3 : i32
        %dma_start3A_261 = arith.constant 3 : i32
        %dma_start3A_262 = arith.constant 0 : i32
        %dma_start3A_263 = arith.constant 0 : i32
        %dma_start3A_264 = tpu.memref_slice %arg14[%dma_start3A_260, %dma_start3A_261, %dma_start3A_262, %dma_start3A_263] : memref<6x4x32x128xf32, #tpu.memory_space<vmem>> -> memref<1x1x32x128xf32, #tpu.memory_space<vmem>>
        %dma_start3A_265 = tpu.memref_squeeze %dma_start3A_264 : memref<1x1x32x128xf32, #tpu.memory_space<vmem>> -> memref<32x128xf32, #tpu.memory_space<vmem>>
        %dma_start3A_266 = arith.constant 0 : i32
        %dma_start3A_267 = tpu.memref_slice %arg7[%dma_start3A_266, %multiple_of3A_218] : memref<32x1000000xf32, #tpu.memory_space<hbm>> -> memref<32x128xf32, #tpu.memory_space<hbm>>
        %dma_start3A_268 = arith.constant 0 : i32
        %dma_start3A_269 = arith.constant 0 : i32
        %dma_start3A_270 = tpu.memref_slice %arg14[%dma_start3A_260, %dma_start3A_261, %dma_start3A_268, %dma_start3A_269] : memref<6x4x32x128xf32, #tpu.memory_space<vmem>> -> memref<1x1x32x128xf32, #tpu.memory_space<vmem>>
        %dma_start3A_271 = tpu.memref_squeeze %dma_start3A_270 : memref<1x1x32x128xf32, #tpu.memory_space<vmem>> -> memref<32x128xf32, #tpu.memory_space<vmem>>
        %dma_start3A_272 = arith.constant 0 : i32
        %dma_start3A_273 = tpu.memref_slice %arg7[%dma_start3A_272, %multiple_of3A_218] : memref<32x1000000xf32, #tpu.memory_space<hbm>> -> memref<32x128xf32, #tpu.memory_space<hbm>>
        tpu.enqueue_dma source(%dma_start3A_273 : memref<32x128xf32, #tpu.memory_space<hbm>>) target(%dma_start3A_271 : memref<32x128xf32, #tpu.memory_space<vmem>>) target_semaphore(%arg19 : memref<!tpu.dma_semaphore, #tpu.memory_space<semaphore_mem>>)
      } else {
      }
      %ge3A_120 = arith.constant 0 : i32
      %ge3A_121 = arith.cmpi sge, %sub3A_106, %ge3A_120 : i32
      %lt3A_122 = arith.constant 512 : i32
      %lt3A_123 = arith.cmpi slt, %sub3A_106, %lt3A_122 : i32
      %and3A_124 = arith.andi %ge3A_121, %lt3A_123 : i1
      %and3A_125 = arith.constant 127 : i32
      %and3A_126 = arith.andi %sub3A_106, %and3A_125 : i32
      %eq3A_127 = arith.constant 127 : i32
      %eq3A_128 = arith.cmpi eq, %and3A_126, %eq3A_127 : i32
      %and3A_129 = arith.andi %and3A_124, %eq3A_128 : i1
      %convert_element_type3A_130 = arith.extui %and3A_129 : i1 to i32
      %cond3A_131 = arith.constant 0 : i32
      %cond3A_132 = arith.cmpi ne, %convert_element_type3A_130, %cond3A_131 : i32
      scf.if %cond3A_132 {
        %sub3A_197 = arith.constant 127 : i32
        %sub3A_198 = arith.subi %sub3A_106, %sub3A_197 : i32
        %add3A_199 = arith.addi %mul3A_2, %sub3A_198 : i32
        %multiple_of3A = tpu.assume_multiple %add3A_199, 128 : i32
        %run_scoped3A = arith.constant 0 : i32
        "tpu.region"() ({
          %run_scoped3A_203 = tpu.sem_alloc : memref<!tpu.dma_semaphore, #tpu.memory_space<semaphore_mem>>
          %dma_start3A = arith.constant 0 : i32
          %dma_start3A_204 = arith.constant 0 : i32
          %dma_start3A_205 = tpu.memref_slice %arg15[%run_scoped3A, %dma_start3A, %dma_start3A_204] : memref<4x32x128xf32, #tpu.memory_space<vmem>> -> memref<1x32x128xf32, #tpu.memory_space<vmem>>
          %dma_start3A_206 = tpu.memref_squeeze %dma_start3A_205 : memref<1x32x128xf32, #tpu.memory_space<vmem>> -> memref<32x128xf32, #tpu.memory_space<vmem>>
          %dma_start3A_207 = arith.constant 0 : i32
          %dma_start3A_208 = tpu.memref_slice %arg8[%dma_start3A_207, %multiple_of3A] : memref<32x16384xf32, #tpu.memory_space<hbm>> -> memref<32x128xf32, #tpu.memory_space<hbm>>
          %dma_start3A_209 = arith.constant 0 : i32
          %dma_start3A_210 = tpu.memref_slice %arg8[%dma_start3A_209, %multiple_of3A] : memref<32x16384xf32, #tpu.memory_space<hbm>> -> memref<32x128xf32, #tpu.memory_space<hbm>>
          %dma_start3A_211 = arith.constant 0 : i32
          %dma_start3A_212 = arith.constant 0 : i32
          %dma_start3A_213 = tpu.memref_slice %arg15[%run_scoped3A, %dma_start3A_211, %dma_start3A_212] : memref<4x32x128xf32, #tpu.memory_space<vmem>> -> memref<1x32x128xf32, #tpu.memory_space<vmem>>
          %dma_start3A_214 = tpu.memref_squeeze %dma_start3A_213 : memref<1x32x128xf32, #tpu.memory_space<vmem>> -> memref<32x128xf32, #tpu.memory_space<vmem>>
          tpu.enqueue_dma source(%dma_start3A_214 : memref<32x128xf32, #tpu.memory_space<vmem>>) target(%dma_start3A_210 : memref<32x128xf32, #tpu.memory_space<hbm>>) target_semaphore(%run_scoped3A_203 : memref<!tpu.dma_semaphore, #tpu.memory_space<semaphore_mem>>)
          %dma_wait3A = arith.constant 0 : i32
          %dma_wait3A_215 = arith.constant 0 : i32
          %dma_wait3A_216 = tpu.memref_slice %arg15[%run_scoped3A, %dma_wait3A, %dma_wait3A_215] : memref<4x32x128xf32, #tpu.memory_space<vmem>> -> memref<1x32x128xf32, #tpu.memory_space<vmem>>
          %dma_wait3A_217 = tpu.memref_squeeze %dma_wait3A_216 : memref<1x32x128xf32, #tpu.memory_space<vmem>> -> memref<32x128xf32, #tpu.memory_space<vmem>>
          %dma_wait3A_218 = arith.constant 0 : i32
          %dma_wait3A_219 = tpu.memref_slice %arg8[%dma_wait3A_218, %multiple_of3A] : memref<32x16384xf32, #tpu.memory_space<hbm>> -> memref<32x128xf32, #tpu.memory_space<hbm>>
          %dma_wait3A_220 = arith.constant 0 : i32
          %dma_wait3A_221 = tpu.memref_slice %arg8[%dma_wait3A_220, %multiple_of3A] : memref<32x16384xf32, #tpu.memory_space<hbm>> -> memref<32x128xf32, #tpu.memory_space<hbm>>
          %dma_wait3A_222 = arith.constant 0 : i32
          %dma_wait3A_223 = arith.constant 0 : i32
          %dma_wait3A_224 = tpu.memref_slice %arg15[%run_scoped3A, %dma_wait3A_222, %dma_wait3A_223] : memref<4x32x128xf32, #tpu.memory_space<vmem>> -> memref<1x32x128xf32, #tpu.memory_space<vmem>>
          %dma_wait3A_225 = tpu.memref_squeeze %dma_wait3A_224 : memref<1x32x128xf32, #tpu.memory_space<vmem>> -> memref<32x128xf32, #tpu.memory_space<vmem>>
          tpu.wait_dma2 semaphore(%run_scoped3A_203 : memref<!tpu.dma_semaphore, #tpu.memory_space<semaphore_mem>>) src(%dma_wait3A_225 : memref<32x128xf32, #tpu.memory_space<vmem>>) dst(%dma_wait3A_221 : memref<32x128xf32, #tpu.memory_space<hbm>>)
          tpu.yield
        }) : () -> ()
        %run_scoped3A_200 = arith.constant 1 : i32
        "tpu.region"() ({
          %run_scoped3A_203 = tpu.sem_alloc : memref<!tpu.dma_semaphore, #tpu.memory_space<semaphore_mem>>
          %dma_start3A = arith.constant 0 : i32
          %dma_start3A_204 = arith.constant 0 : i32
          %dma_start3A_205 = tpu.memref_slice %arg15[%run_scoped3A_200, %dma_start3A, %dma_start3A_204] : memref<4x32x128xf32, #tpu.memory_space<vmem>> -> memref<1x32x128xf32, #tpu.memory_space<vmem>>
          %dma_start3A_206 = tpu.memref_squeeze %dma_start3A_205 : memref<1x32x128xf32, #tpu.memory_space<vmem>> -> memref<32x128xf32, #tpu.memory_space<vmem>>
          %dma_start3A_207 = arith.constant 0 : i32
          %dma_start3A_208 = tpu.memref_slice %arg9[%dma_start3A_207, %multiple_of3A] : memref<32x16384xf32, #tpu.memory_space<hbm>> -> memref<32x128xf32, #tpu.memory_space<hbm>>
          %dma_start3A_209 = arith.constant 0 : i32
          %dma_start3A_210 = tpu.memref_slice %arg9[%dma_start3A_209, %multiple_of3A] : memref<32x16384xf32, #tpu.memory_space<hbm>> -> memref<32x128xf32, #tpu.memory_space<hbm>>
          %dma_start3A_211 = arith.constant 0 : i32
          %dma_start3A_212 = arith.constant 0 : i32
          %dma_start3A_213 = tpu.memref_slice %arg15[%run_scoped3A_200, %dma_start3A_211, %dma_start3A_212] : memref<4x32x128xf32, #tpu.memory_space<vmem>> -> memref<1x32x128xf32, #tpu.memory_space<vmem>>
          %dma_start3A_214 = tpu.memref_squeeze %dma_start3A_213 : memref<1x32x128xf32, #tpu.memory_space<vmem>> -> memref<32x128xf32, #tpu.memory_space<vmem>>
          tpu.enqueue_dma source(%dma_start3A_214 : memref<32x128xf32, #tpu.memory_space<vmem>>) target(%dma_start3A_210 : memref<32x128xf32, #tpu.memory_space<hbm>>) target_semaphore(%run_scoped3A_203 : memref<!tpu.dma_semaphore, #tpu.memory_space<semaphore_mem>>)
          %dma_wait3A = arith.constant 0 : i32
          %dma_wait3A_215 = arith.constant 0 : i32
          %dma_wait3A_216 = tpu.memref_slice %arg15[%run_scoped3A_200, %dma_wait3A, %dma_wait3A_215] : memref<4x32x128xf32, #tpu.memory_space<vmem>> -> memref<1x32x128xf32, #tpu.memory_space<vmem>>
          %dma_wait3A_217 = tpu.memref_squeeze %dma_wait3A_216 : memref<1x32x128xf32, #tpu.memory_space<vmem>> -> memref<32x128xf32, #tpu.memory_space<vmem>>
          %dma_wait3A_218 = arith.constant 0 : i32
          %dma_wait3A_219 = tpu.memref_slice %arg9[%dma_wait3A_218, %multiple_of3A] : memref<32x16384xf32, #tpu.memory_space<hbm>> -> memref<32x128xf32, #tpu.memory_space<hbm>>
          %dma_wait3A_220 = arith.constant 0 : i32
          %dma_wait3A_221 = tpu.memref_slice %arg9[%dma_wait3A_220, %multiple_of3A] : memref<32x16384xf32, #tpu.memory_space<hbm>> -> memref<32x128xf32, #tpu.memory_space<hbm>>
          %dma_wait3A_222 = arith.constant 0 : i32
          %dma_wait3A_223 = arith.constant 0 : i32
          %dma_wait3A_224 = tpu.memref_slice %arg15[%run_scoped3A_200, %dma_wait3A_222, %dma_wait3A_223] : memref<4x32x128xf32, #tpu.memory_space<vmem>> -> memref<1x32x128xf32, #tpu.memory_space<vmem>>
          %dma_wait3A_225 = tpu.memref_squeeze %dma_wait3A_224 : memref<1x32x128xf32, #tpu.memory_space<vmem>> -> memref<32x128xf32, #tpu.memory_space<vmem>>
          tpu.wait_dma2 semaphore(%run_scoped3A_203 : memref<!tpu.dma_semaphore, #tpu.memory_space<semaphore_mem>>) src(%dma_wait3A_225 : memref<32x128xf32, #tpu.memory_space<vmem>>) dst(%dma_wait3A_221 : memref<32x128xf32, #tpu.memory_space<hbm>>)
          tpu.yield
        }) : () -> ()
        %run_scoped3A_201 = arith.constant 2 : i32
        "tpu.region"() ({
          %run_scoped3A_203 = tpu.sem_alloc : memref<!tpu.dma_semaphore, #tpu.memory_space<semaphore_mem>>
          %dma_start3A = arith.constant 0 : i32
          %dma_start3A_204 = arith.constant 0 : i32
          %dma_start3A_205 = tpu.memref_slice %arg15[%run_scoped3A_201, %dma_start3A, %dma_start3A_204] : memref<4x32x128xf32, #tpu.memory_space<vmem>> -> memref<1x32x128xf32, #tpu.memory_space<vmem>>
          %dma_start3A_206 = tpu.memref_squeeze %dma_start3A_205 : memref<1x32x128xf32, #tpu.memory_space<vmem>> -> memref<32x128xf32, #tpu.memory_space<vmem>>
          %dma_start3A_207 = arith.constant 0 : i32
          %dma_start3A_208 = tpu.memref_slice %arg10[%dma_start3A_207, %multiple_of3A] : memref<32x16384xf32, #tpu.memory_space<hbm>> -> memref<32x128xf32, #tpu.memory_space<hbm>>
          %dma_start3A_209 = arith.constant 0 : i32
          %dma_start3A_210 = tpu.memref_slice %arg10[%dma_start3A_209, %multiple_of3A] : memref<32x16384xf32, #tpu.memory_space<hbm>> -> memref<32x128xf32, #tpu.memory_space<hbm>>
          %dma_start3A_211 = arith.constant 0 : i32
          %dma_start3A_212 = arith.constant 0 : i32
          %dma_start3A_213 = tpu.memref_slice %arg15[%run_scoped3A_201, %dma_start3A_211, %dma_start3A_212] : memref<4x32x128xf32, #tpu.memory_space<vmem>> -> memref<1x32x128xf32, #tpu.memory_space<vmem>>
          %dma_start3A_214 = tpu.memref_squeeze %dma_start3A_213 : memref<1x32x128xf32, #tpu.memory_space<vmem>> -> memref<32x128xf32, #tpu.memory_space<vmem>>
          tpu.enqueue_dma source(%dma_start3A_214 : memref<32x128xf32, #tpu.memory_space<vmem>>) target(%dma_start3A_210 : memref<32x128xf32, #tpu.memory_space<hbm>>) target_semaphore(%run_scoped3A_203 : memref<!tpu.dma_semaphore, #tpu.memory_space<semaphore_mem>>)
          %dma_wait3A = arith.constant 0 : i32
          %dma_wait3A_215 = arith.constant 0 : i32
          %dma_wait3A_216 = tpu.memref_slice %arg15[%run_scoped3A_201, %dma_wait3A, %dma_wait3A_215] : memref<4x32x128xf32, #tpu.memory_space<vmem>> -> memref<1x32x128xf32, #tpu.memory_space<vmem>>
          %dma_wait3A_217 = tpu.memref_squeeze %dma_wait3A_216 : memref<1x32x128xf32, #tpu.memory_space<vmem>> -> memref<32x128xf32, #tpu.memory_space<vmem>>
          %dma_wait3A_218 = arith.constant 0 : i32
          %dma_wait3A_219 = tpu.memref_slice %arg10[%dma_wait3A_218, %multiple_of3A] : memref<32x16384xf32, #tpu.memory_space<hbm>> -> memref<32x128xf32, #tpu.memory_space<hbm>>
          %dma_wait3A_220 = arith.constant 0 : i32
          %dma_wait3A_221 = tpu.memref_slice %arg10[%dma_wait3A_220, %multiple_of3A] : memref<32x16384xf32, #tpu.memory_space<hbm>> -> memref<32x128xf32, #tpu.memory_space<hbm>>
          %dma_wait3A_222 = arith.constant 0 : i32
          %dma_wait3A_223 = arith.constant 0 : i32
          %dma_wait3A_224 = tpu.memref_slice %arg15[%run_scoped3A_201, %dma_wait3A_222, %dma_wait3A_223] : memref<4x32x128xf32, #tpu.memory_space<vmem>> -> memref<1x32x128xf32, #tpu.memory_space<vmem>>
          %dma_wait3A_225 = tpu.memref_squeeze %dma_wait3A_224 : memref<1x32x128xf32, #tpu.memory_space<vmem>> -> memref<32x128xf32, #tpu.memory_space<vmem>>
          tpu.wait_dma2 semaphore(%run_scoped3A_203 : memref<!tpu.dma_semaphore, #tpu.memory_space<semaphore_mem>>) src(%dma_wait3A_225 : memref<32x128xf32, #tpu.memory_space<vmem>>) dst(%dma_wait3A_221 : memref<32x128xf32, #tpu.memory_space<hbm>>)
          tpu.yield
        }) : () -> ()
        %run_scoped3A_202 = arith.constant 3 : i32
        "tpu.region"() ({
          %run_scoped3A_203 = tpu.sem_alloc : memref<!tpu.dma_semaphore, #tpu.memory_space<semaphore_mem>>
          %dma_start3A = arith.constant 0 : i32
          %dma_start3A_204 = arith.constant 0 : i32
          %dma_start3A_205 = tpu.memref_slice %arg15[%run_scoped3A_202, %dma_start3A, %dma_start3A_204] : memref<4x32x128xf32, #tpu.memory_space<vmem>> -> memref<1x32x128xf32, #tpu.memory_space<vmem>>
          %dma_start3A_206 = tpu.memref_squeeze %dma_start3A_205 : memref<1x32x128xf32, #tpu.memory_space<vmem>> -> memref<32x128xf32, #tpu.memory_space<vmem>>
          %dma_start3A_207 = arith.constant 0 : i32
          %dma_start3A_208 = tpu.memref_slice %arg11[%dma_start3A_207, %multiple_of3A] : memref<32x16384xf32, #tpu.memory_space<hbm>> -> memref<32x128xf32, #tpu.memory_space<hbm>>
          %dma_start3A_209 = arith.constant 0 : i32
          %dma_start3A_210 = tpu.memref_slice %arg11[%dma_start3A_209, %multiple_of3A] : memref<32x16384xf32, #tpu.memory_space<hbm>> -> memref<32x128xf32, #tpu.memory_space<hbm>>
          %dma_start3A_211 = arith.constant 0 : i32
          %dma_start3A_212 = arith.constant 0 : i32
          %dma_start3A_213 = tpu.memref_slice %arg15[%run_scoped3A_202, %dma_start3A_211, %dma_start3A_212] : memref<4x32x128xf32, #tpu.memory_space<vmem>> -> memref<1x32x128xf32, #tpu.memory_space<vmem>>
          %dma_start3A_214 = tpu.memref_squeeze %dma_start3A_213 : memref<1x32x128xf32, #tpu.memory_space<vmem>> -> memref<32x128xf32, #tpu.memory_space<vmem>>
          tpu.enqueue_dma source(%dma_start3A_214 : memref<32x128xf32, #tpu.memory_space<vmem>>) target(%dma_start3A_210 : memref<32x128xf32, #tpu.memory_space<hbm>>) target_semaphore(%run_scoped3A_203 : memref<!tpu.dma_semaphore, #tpu.memory_space<semaphore_mem>>)
          %dma_wait3A = arith.constant 0 : i32
          %dma_wait3A_215 = arith.constant 0 : i32
          %dma_wait3A_216 = tpu.memref_slice %arg15[%run_scoped3A_202, %dma_wait3A, %dma_wait3A_215] : memref<4x32x128xf32, #tpu.memory_space<vmem>> -> memref<1x32x128xf32, #tpu.memory_space<vmem>>
          %dma_wait3A_217 = tpu.memref_squeeze %dma_wait3A_216 : memref<1x32x128xf32, #tpu.memory_space<vmem>> -> memref<32x128xf32, #tpu.memory_space<vmem>>
          %dma_wait3A_218 = arith.constant 0 : i32
          %dma_wait3A_219 = tpu.memref_slice %arg11[%dma_wait3A_218, %multiple_of3A] : memref<32x16384xf32, #tpu.memory_space<hbm>> -> memref<32x128xf32, #tpu.memory_space<hbm>>
          %dma_wait3A_220 = arith.constant 0 : i32
          %dma_wait3A_221 = tpu.memref_slice %arg11[%dma_wait3A_220, %multiple_of3A] : memref<32x16384xf32, #tpu.memory_space<hbm>> -> memref<32x128xf32, #tpu.memory_space<hbm>>
          %dma_wait3A_222 = arith.constant 0 : i32
          %dma_wait3A_223 = arith.constant 0 : i32
          %dma_wait3A_224 = tpu.memref_slice %arg15[%run_scoped3A_202, %dma_wait3A_222, %dma_wait3A_223] : memref<4x32x128xf32, #tpu.memory_space<vmem>> -> memref<1x32x128xf32, #tpu.memory_space<vmem>>
          %dma_wait3A_225 = tpu.memref_squeeze %dma_wait3A_224 : memref<1x32x128xf32, #tpu.memory_space<vmem>> -> memref<32x128xf32, #tpu.memory_space<vmem>>
          tpu.wait_dma2 semaphore(%run_scoped3A_203 : memref<!tpu.dma_semaphore, #tpu.memory_space<semaphore_mem>>) src(%dma_wait3A_225 : memref<32x128xf32, #tpu.memory_space<vmem>>) dst(%dma_wait3A_221 : memref<32x128xf32, #tpu.memory_space<hbm>>)
          tpu.yield
        }) : () -> ()
      } else {
      }
      %mul3A_133 = arith.constant 6 : i32
      %mul3A_134 = arith.muli %scan3A_11, %mul3A_133 : i32
      %add3A_135 = arith.constant 4 : i32
      %add3A_136 = arith.addi %mul3A_134, %add3A_135 : i32
      %sub3A_137 = arith.constant 6 : i32
      %sub3A_138 = arith.subi %add3A_136, %sub3A_137 : i32
      %ge3A_139 = arith.constant 6 : i32
      %ge3A_140 = arith.cmpi sge, %add3A_136, %ge3A_139 : i32
      %lt3A_141 = arith.constant 512 : i32
      %lt3A_142 = arith.cmpi slt, %sub3A_138, %lt3A_141 : i32
      %and3A_143 = arith.andi %ge3A_140, %lt3A_142 : i1
      %convert_element_type3A_144 = arith.extui %and3A_143 : i1 to i32
      %cond3A_145 = arith.constant 0 : i32
      %cond3A_146 = arith.cmpi ne, %convert_element_type3A_144, %cond3A_145 : i32
      scf.if %cond3A_146 {
        %dma_wait3A = arith.constant 4 : i32
        %dma_wait3A_197 = arith.constant 0 : i32
        %dma_wait3A_198 = arith.constant 0 : i32
        %dma_wait3A_199 = arith.constant 0 : i32
        %dma_wait3A_200 = tpu.memref_slice %arg14[%dma_wait3A, %dma_wait3A_197, %dma_wait3A_198, %dma_wait3A_199] : memref<6x4x32x128xf32, #tpu.memory_space<vmem>> -> memref<1x1x32x128xf32, #tpu.memory_space<vmem>>
        %dma_wait3A_201 = tpu.memref_squeeze %dma_wait3A_200 : memref<1x1x32x128xf32, #tpu.memory_space<vmem>> -> memref<32x128xf32, #tpu.memory_space<vmem>>
        %dma_wait3A_202 = arith.constant 0 : i32
        %dma_wait3A_203 = arith.constant 0 : i32
        %dma_wait3A_204 = tpu.memref_slice %arg4[%dma_wait3A_202, %dma_wait3A_203] : memref<32x1000000xf32, #tpu.memory_space<hbm>> -> memref<32x128xf32, #tpu.memory_space<hbm>>
        %dma_wait3A_205 = arith.constant 0 : i32
        %dma_wait3A_206 = arith.constant 0 : i32
        %dma_wait3A_207 = tpu.memref_slice %arg14[%dma_wait3A, %dma_wait3A_197, %dma_wait3A_205, %dma_wait3A_206] : memref<6x4x32x128xf32, #tpu.memory_space<vmem>> -> memref<1x1x32x128xf32, #tpu.memory_space<vmem>>
        %dma_wait3A_208 = tpu.memref_squeeze %dma_wait3A_207 : memref<1x1x32x128xf32, #tpu.memory_space<vmem>> -> memref<32x128xf32, #tpu.memory_space<vmem>>
        %dma_wait3A_209 = arith.constant 0 : i32
        %dma_wait3A_210 = arith.constant 0 : i32
        %dma_wait3A_211 = tpu.memref_slice %arg4[%dma_wait3A_209, %dma_wait3A_210] : memref<32x1000000xf32, #tpu.memory_space<hbm>> -> memref<32x128xf32, #tpu.memory_space<hbm>>
        tpu.wait_dma2 semaphore(%arg20 : memref<!tpu.dma_semaphore, #tpu.memory_space<semaphore_mem>>) src(%dma_wait3A_211 : memref<32x128xf32, #tpu.memory_space<hbm>>) dst(%dma_wait3A_208 : memref<32x128xf32, #tpu.memory_space<vmem>>)
        %dma_wait3A_212 = arith.constant 4 : i32
        %dma_wait3A_213 = arith.constant 1 : i32
        %dma_wait3A_214 = arith.constant 0 : i32
        %dma_wait3A_215 = arith.constant 0 : i32
        %dma_wait3A_216 = tpu.memref_slice %arg14[%dma_wait3A_212, %dma_wait3A_213, %dma_wait3A_214, %dma_wait3A_215] : memref<6x4x32x128xf32, #tpu.memory_space<vmem>> -> memref<1x1x32x128xf32, #tpu.memory_space<vmem>>
        %dma_wait3A_217 = tpu.memref_squeeze %dma_wait3A_216 : memref<1x1x32x128xf32, #tpu.memory_space<vmem>> -> memref<32x128xf32, #tpu.memory_space<vmem>>
        %dma_wait3A_218 = arith.constant 0 : i32
        %dma_wait3A_219 = arith.constant 0 : i32
        %dma_wait3A_220 = tpu.memref_slice %arg4[%dma_wait3A_218, %dma_wait3A_219] : memref<32x1000000xf32, #tpu.memory_space<hbm>> -> memref<32x128xf32, #tpu.memory_space<hbm>>
        %dma_wait3A_221 = arith.constant 0 : i32
        %dma_wait3A_222 = arith.constant 0 : i32
        %dma_wait3A_223 = tpu.memref_slice %arg14[%dma_wait3A_212, %dma_wait3A_213, %dma_wait3A_221, %dma_wait3A_222] : memref<6x4x32x128xf32, #tpu.memory_space<vmem>> -> memref<1x1x32x128xf32, #tpu.memory_space<vmem>>
        %dma_wait3A_224 = tpu.memref_squeeze %dma_wait3A_223 : memref<1x1x32x128xf32, #tpu.memory_space<vmem>> -> memref<32x128xf32, #tpu.memory_space<vmem>>
        %dma_wait3A_225 = arith.constant 0 : i32
        %dma_wait3A_226 = arith.constant 0 : i32
        %dma_wait3A_227 = tpu.memref_slice %arg4[%dma_wait3A_225, %dma_wait3A_226] : memref<32x1000000xf32, #tpu.memory_space<hbm>> -> memref<32x128xf32, #tpu.memory_space<hbm>>
        tpu.wait_dma2 semaphore(%arg20 : memref<!tpu.dma_semaphore, #tpu.memory_space<semaphore_mem>>) src(%dma_wait3A_227 : memref<32x128xf32, #tpu.memory_space<hbm>>) dst(%dma_wait3A_224 : memref<32x128xf32, #tpu.memory_space<vmem>>)
        %dma_wait3A_228 = arith.constant 4 : i32
        %dma_wait3A_229 = arith.constant 2 : i32
        %dma_wait3A_230 = arith.constant 0 : i32
        %dma_wait3A_231 = arith.constant 0 : i32
        %dma_wait3A_232 = tpu.memref_slice %arg14[%dma_wait3A_228, %dma_wait3A_229, %dma_wait3A_230, %dma_wait3A_231] : memref<6x4x32x128xf32, #tpu.memory_space<vmem>> -> memref<1x1x32x128xf32, #tpu.memory_space<vmem>>
        %dma_wait3A_233 = tpu.memref_squeeze %dma_wait3A_232 : memref<1x1x32x128xf32, #tpu.memory_space<vmem>> -> memref<32x128xf32, #tpu.memory_space<vmem>>
        %dma_wait3A_234 = arith.constant 0 : i32
        %dma_wait3A_235 = arith.constant 0 : i32
        %dma_wait3A_236 = tpu.memref_slice %arg4[%dma_wait3A_234, %dma_wait3A_235] : memref<32x1000000xf32, #tpu.memory_space<hbm>> -> memref<32x128xf32, #tpu.memory_space<hbm>>
        %dma_wait3A_237 = arith.constant 0 : i32
        %dma_wait3A_238 = arith.constant 0 : i32
        %dma_wait3A_239 = tpu.memref_slice %arg14[%dma_wait3A_228, %dma_wait3A_229, %dma_wait3A_237, %dma_wait3A_238] : memref<6x4x32x128xf32, #tpu.memory_space<vmem>> -> memref<1x1x32x128xf32, #tpu.memory_space<vmem>>
        %dma_wait3A_240 = tpu.memref_squeeze %dma_wait3A_239 : memref<1x1x32x128xf32, #tpu.memory_space<vmem>> -> memref<32x128xf32, #tpu.memory_space<vmem>>
        %dma_wait3A_241 = arith.constant 0 : i32
        %dma_wait3A_242 = arith.constant 0 : i32
        %dma_wait3A_243 = tpu.memref_slice %arg4[%dma_wait3A_241, %dma_wait3A_242] : memref<32x1000000xf32, #tpu.memory_space<hbm>> -> memref<32x128xf32, #tpu.memory_space<hbm>>
        tpu.wait_dma2 semaphore(%arg20 : memref<!tpu.dma_semaphore, #tpu.memory_space<semaphore_mem>>) src(%dma_wait3A_243 : memref<32x128xf32, #tpu.memory_space<hbm>>) dst(%dma_wait3A_240 : memref<32x128xf32, #tpu.memory_space<vmem>>)
        %dma_wait3A_244 = arith.constant 4 : i32
        %dma_wait3A_245 = arith.constant 3 : i32
        %dma_wait3A_246 = arith.constant 0 : i32
        %dma_wait3A_247 = arith.constant 0 : i32
        %dma_wait3A_248 = tpu.memref_slice %arg14[%dma_wait3A_244, %dma_wait3A_245, %dma_wait3A_246, %dma_wait3A_247] : memref<6x4x32x128xf32, #tpu.memory_space<vmem>> -> memref<1x1x32x128xf32, #tpu.memory_space<vmem>>
        %dma_wait3A_249 = tpu.memref_squeeze %dma_wait3A_248 : memref<1x1x32x128xf32, #tpu.memory_space<vmem>> -> memref<32x128xf32, #tpu.memory_space<vmem>>
        %dma_wait3A_250 = arith.constant 0 : i32
        %dma_wait3A_251 = arith.constant 0 : i32
        %dma_wait3A_252 = tpu.memref_slice %arg4[%dma_wait3A_250, %dma_wait3A_251] : memref<32x1000000xf32, #tpu.memory_space<hbm>> -> memref<32x128xf32, #tpu.memory_space<hbm>>
        %dma_wait3A_253 = arith.constant 0 : i32
        %dma_wait3A_254 = arith.constant 0 : i32
        %dma_wait3A_255 = tpu.memref_slice %arg14[%dma_wait3A_244, %dma_wait3A_245, %dma_wait3A_253, %dma_wait3A_254] : memref<6x4x32x128xf32, #tpu.memory_space<vmem>> -> memref<1x1x32x128xf32, #tpu.memory_space<vmem>>
        %dma_wait3A_256 = tpu.memref_squeeze %dma_wait3A_255 : memref<1x1x32x128xf32, #tpu.memory_space<vmem>> -> memref<32x128xf32, #tpu.memory_space<vmem>>
        %dma_wait3A_257 = arith.constant 0 : i32
        %dma_wait3A_258 = arith.constant 0 : i32
        %dma_wait3A_259 = tpu.memref_slice %arg4[%dma_wait3A_257, %dma_wait3A_258] : memref<32x1000000xf32, #tpu.memory_space<hbm>> -> memref<32x128xf32, #tpu.memory_space<hbm>>
        tpu.wait_dma2 semaphore(%arg20 : memref<!tpu.dma_semaphore, #tpu.memory_space<semaphore_mem>>) src(%dma_wait3A_259 : memref<32x128xf32, #tpu.memory_space<hbm>>) dst(%dma_wait3A_256 : memref<32x128xf32, #tpu.memory_space<vmem>>)
        %broadcast_in_dim3A = vector.broadcast %sub3A_138 : i32 to vector<16xi32>
        %gather3A = tpu.vector_load_idx %arg12[%broadcast_in_dim3A] : memref<512xi32, #tpu.memory_space<vmem>>[vector<16xi32>], vector<16xi32>,
        %and3A_260 = arith.constant 127 : i32
        %and3A_261 = vector.broadcast %and3A_260 : i32 to vector<16xi32>
        %and3A_262 = arith.andi %gather3A, %and3A_261 : vector<16xi32>
        %broadcast_in_dim3A_263 = vector.broadcast %sub3A_138 : i32 to vector<16xi32>
        %gather3A_264 = tpu.vector_load_idx %arg13[%broadcast_in_dim3A_263] : memref<512xi32, #tpu.memory_space<vmem>>[vector<16xi32>], vector<16xi32>,
        %and3A_265 = arith.constant 127 : i32
        %and3A_266 = vector.broadcast %and3A_265 : i32 to vector<16xi32>
        %and3A_267 = arith.andi %gather3A_264, %and3A_266 : vector<16xi32>
        %and3A_268 = arith.constant 127 : i32
        %and3A_269 = arith.andi %sub3A_138, %and3A_268 : i32
        %broadcast_in_dim3A_270 = vector.broadcast %and3A_269 : i32 to vector<16xi32>
        %gather3A_271 = arith.constant 4 : i32
        %gather3A_272 = arith.constant 0 : i32
        %gather3A_273 = arith.constant 0 : i32
        %gather3A_274 = arith.constant 0 : i32
        %gather3A_275 = tpu.memref_slice %arg14[%gather3A_271, %gather3A_272, %gather3A_273, %gather3A_274] : memref<6x4x32x128xf32, #tpu.memory_space<vmem>> -> memref<1x1x32x128xf32, #tpu.memory_space<vmem>>
        %gather3A_276 = tpu.memref_squeeze %gather3A_275 : memref<1x1x32x128xf32, #tpu.memory_space<vmem>> -> memref<32x128xf32, #tpu.memory_space<vmem>>
        %gather3A_277 = tpu.vector_load_idx %gather3A_276[%iota3A, %and3A_262] : memref<32x128xf32, #tpu.memory_space<vmem>>[vector<16xi32>, vector<16xi32>], vector<16xf32>,
        %gather3A_278 = arith.constant 4 : i32
        %gather3A_279 = arith.constant 0 : i32
        %gather3A_280 = arith.constant 0 : i32
        %gather3A_281 = arith.constant 0 : i32
        %gather3A_282 = tpu.memref_slice %arg14[%gather3A_278, %gather3A_279, %gather3A_280, %gather3A_281] : memref<6x4x32x128xf32, #tpu.memory_space<vmem>> -> memref<1x1x32x128xf32, #tpu.memory_space<vmem>>
        %gather3A_283 = tpu.memref_squeeze %gather3A_282 : memref<1x1x32x128xf32, #tpu.memory_space<vmem>> -> memref<32x128xf32, #tpu.memory_space<vmem>>
        %gather3A_284 = tpu.vector_load_idx %gather3A_283[%add3A_5, %and3A_262] : memref<32x128xf32, #tpu.memory_space<vmem>>[vector<16xi32>, vector<16xi32>], vector<16xf32>,
        %scatter3A = arith.constant 0 : i32
        %scatter3A_285 = arith.constant 0 : i32
        %scatter3A_286 = arith.constant 0 : i32
        %scatter3A_287 = tpu.memref_slice %arg15[%scatter3A, %scatter3A_285, %scatter3A_286] : memref<4x32x128xf32, #tpu.memory_space<vmem>> -> memref<1x32x128xf32, #tpu.memory_space<vmem>>
        %scatter3A_288 = tpu.memref_squeeze %scatter3A_287 : memref<1x32x128xf32, #tpu.memory_space<vmem>> -> memref<32x128xf32, #tpu.memory_space<vmem>>
        tpu.vector_store_idx %scatter3A_288[%iota3A, %broadcast_in_dim3A_270], %gather3A_277 : memref<32x128xf32, #tpu.memory_space<vmem>>[vector<16xi32>, vector<16xi32>], vector<16xf32>,
        %scatter3A_289 = arith.constant 0 : i32
        %scatter3A_290 = arith.constant 0 : i32
        %scatter3A_291 = arith.constant 0 : i32
        %scatter3A_292 = tpu.memref_slice %arg15[%scatter3A_289, %scatter3A_290, %scatter3A_291] : memref<4x32x128xf32, #tpu.memory_space<vmem>> -> memref<1x32x128xf32, #tpu.memory_space<vmem>>
        %scatter3A_293 = tpu.memref_squeeze %scatter3A_292 : memref<1x32x128xf32, #tpu.memory_space<vmem>> -> memref<32x128xf32, #tpu.memory_space<vmem>>
        tpu.vector_store_idx %scatter3A_293[%add3A_5, %broadcast_in_dim3A_270], %gather3A_284 : memref<32x128xf32, #tpu.memory_space<vmem>>[vector<16xi32>, vector<16xi32>], vector<16xf32>,
        %gather3A_294 = arith.constant 4 : i32
        %gather3A_295 = arith.constant 1 : i32
        %gather3A_296 = arith.constant 0 : i32
        %gather3A_297 = arith.constant 0 : i32
        %gather3A_298 = tpu.memref_slice %arg14[%gather3A_294, %gather3A_295, %gather3A_296, %gather3A_297] : memref<6x4x32x128xf32, #tpu.memory_space<vmem>> -> memref<1x1x32x128xf32, #tpu.memory_space<vmem>>
        %gather3A_299 = tpu.memref_squeeze %gather3A_298 : memref<1x1x32x128xf32, #tpu.memory_space<vmem>> -> memref<32x128xf32, #tpu.memory_space<vmem>>
        %gather3A_300 = tpu.vector_load_idx %gather3A_299[%iota3A, %and3A_267] : memref<32x128xf32, #tpu.memory_space<vmem>>[vector<16xi32>, vector<16xi32>], vector<16xf32>,
        %gather3A_301 = arith.constant 4 : i32
        %gather3A_302 = arith.constant 1 : i32
        %gather3A_303 = arith.constant 0 : i32
        %gather3A_304 = arith.constant 0 : i32
        %gather3A_305 = tpu.memref_slice %arg14[%gather3A_301, %gather3A_302, %gather3A_303, %gather3A_304] : memref<6x4x32x128xf32, #tpu.memory_space<vmem>> -> memref<1x1x32x128xf32, #tpu.memory_space<vmem>>
        %gather3A_306 = tpu.memref_squeeze %gather3A_305 : memref<1x1x32x128xf32, #tpu.memory_space<vmem>> -> memref<32x128xf32, #tpu.memory_space<vmem>>
        %gather3A_307 = tpu.vector_load_idx %gather3A_306[%add3A_5, %and3A_267] : memref<32x128xf32, #tpu.memory_space<vmem>>[vector<16xi32>, vector<16xi32>], vector<16xf32>,
        %scatter3A_308 = arith.constant 1 : i32
        %scatter3A_309 = arith.constant 0 : i32
        %scatter3A_310 = arith.constant 0 : i32
        %scatter3A_311 = tpu.memref_slice %arg15[%scatter3A_308, %scatter3A_309, %scatter3A_310] : memref<4x32x128xf32, #tpu.memory_space<vmem>> -> memref<1x32x128xf32, #tpu.memory_space<vmem>>
        %scatter3A_312 = tpu.memref_squeeze %scatter3A_311 : memref<1x32x128xf32, #tpu.memory_space<vmem>> -> memref<32x128xf32, #tpu.memory_space<vmem>>
        tpu.vector_store_idx %scatter3A_312[%iota3A, %broadcast_in_dim3A_270], %gather3A_300 : memref<32x128xf32, #tpu.memory_space<vmem>>[vector<16xi32>, vector<16xi32>], vector<16xf32>,
        %scatter3A_313 = arith.constant 1 : i32
        %scatter3A_314 = arith.constant 0 : i32
        %scatter3A_315 = arith.constant 0 : i32
        %scatter3A_316 = tpu.memref_slice %arg15[%scatter3A_313, %scatter3A_314, %scatter3A_315] : memref<4x32x128xf32, #tpu.memory_space<vmem>> -> memref<1x32x128xf32, #tpu.memory_space<vmem>>
        %scatter3A_317 = tpu.memref_squeeze %scatter3A_316 : memref<1x32x128xf32, #tpu.memory_space<vmem>> -> memref<32x128xf32, #tpu.memory_space<vmem>>
        tpu.vector_store_idx %scatter3A_317[%add3A_5, %broadcast_in_dim3A_270], %gather3A_307 : memref<32x128xf32, #tpu.memory_space<vmem>>[vector<16xi32>, vector<16xi32>], vector<16xf32>,
        %gather3A_318 = arith.constant 4 : i32
        %gather3A_319 = arith.constant 2 : i32
        %gather3A_320 = arith.constant 0 : i32
        %gather3A_321 = arith.constant 0 : i32
        %gather3A_322 = tpu.memref_slice %arg14[%gather3A_318, %gather3A_319, %gather3A_320, %gather3A_321] : memref<6x4x32x128xf32, #tpu.memory_space<vmem>> -> memref<1x1x32x128xf32, #tpu.memory_space<vmem>>
        %gather3A_323 = tpu.memref_squeeze %gather3A_322 : memref<1x1x32x128xf32, #tpu.memory_space<vmem>> -> memref<32x128xf32, #tpu.memory_space<vmem>>
        %gather3A_324 = tpu.vector_load_idx %gather3A_323[%iota3A, %and3A_262] : memref<32x128xf32, #tpu.memory_space<vmem>>[vector<16xi32>, vector<16xi32>], vector<16xf32>,
        %gather3A_325 = arith.constant 4 : i32
        %gather3A_326 = arith.constant 2 : i32
        %gather3A_327 = arith.constant 0 : i32
        %gather3A_328 = arith.constant 0 : i32
        %gather3A_329 = tpu.memref_slice %arg14[%gather3A_325, %gather3A_326, %gather3A_327, %gather3A_328] : memref<6x4x32x128xf32, #tpu.memory_space<vmem>> -> memref<1x1x32x128xf32, #tpu.memory_space<vmem>>
        %gather3A_330 = tpu.memref_squeeze %gather3A_329 : memref<1x1x32x128xf32, #tpu.memory_space<vmem>> -> memref<32x128xf32, #tpu.memory_space<vmem>>
        %gather3A_331 = tpu.vector_load_idx %gather3A_330[%add3A_5, %and3A_262] : memref<32x128xf32, #tpu.memory_space<vmem>>[vector<16xi32>, vector<16xi32>], vector<16xf32>,
        %scatter3A_332 = arith.constant 2 : i32
        %scatter3A_333 = arith.constant 0 : i32
        %scatter3A_334 = arith.constant 0 : i32
        %scatter3A_335 = tpu.memref_slice %arg15[%scatter3A_332, %scatter3A_333, %scatter3A_334] : memref<4x32x128xf32, #tpu.memory_space<vmem>> -> memref<1x32x128xf32, #tpu.memory_space<vmem>>
        %scatter3A_336 = tpu.memref_squeeze %scatter3A_335 : memref<1x32x128xf32, #tpu.memory_space<vmem>> -> memref<32x128xf32, #tpu.memory_space<vmem>>
        tpu.vector_store_idx %scatter3A_336[%iota3A, %broadcast_in_dim3A_270], %gather3A_324 : memref<32x128xf32, #tpu.memory_space<vmem>>[vector<16xi32>, vector<16xi32>], vector<16xf32>,
        %scatter3A_337 = arith.constant 2 : i32
        %scatter3A_338 = arith.constant 0 : i32
        %scatter3A_339 = arith.constant 0 : i32
        %scatter3A_340 = tpu.memref_slice %arg15[%scatter3A_337, %scatter3A_338, %scatter3A_339] : memref<4x32x128xf32, #tpu.memory_space<vmem>> -> memref<1x32x128xf32, #tpu.memory_space<vmem>>
        %scatter3A_341 = tpu.memref_squeeze %scatter3A_340 : memref<1x32x128xf32, #tpu.memory_space<vmem>> -> memref<32x128xf32, #tpu.memory_space<vmem>>
        tpu.vector_store_idx %scatter3A_341[%add3A_5, %broadcast_in_dim3A_270], %gather3A_331 : memref<32x128xf32, #tpu.memory_space<vmem>>[vector<16xi32>, vector<16xi32>], vector<16xf32>,
        %gather3A_342 = arith.constant 4 : i32
        %gather3A_343 = arith.constant 3 : i32
        %gather3A_344 = arith.constant 0 : i32
        %gather3A_345 = arith.constant 0 : i32
        %gather3A_346 = tpu.memref_slice %arg14[%gather3A_342, %gather3A_343, %gather3A_344, %gather3A_345] : memref<6x4x32x128xf32, #tpu.memory_space<vmem>> -> memref<1x1x32x128xf32, #tpu.memory_space<vmem>>
        %gather3A_347 = tpu.memref_squeeze %gather3A_346 : memref<1x1x32x128xf32, #tpu.memory_space<vmem>> -> memref<32x128xf32, #tpu.memory_space<vmem>>
        %gather3A_348 = tpu.vector_load_idx %gather3A_347[%iota3A, %and3A_267] : memref<32x128xf32, #tpu.memory_space<vmem>>[vector<16xi32>, vector<16xi32>], vector<16xf32>,
        %gather3A_349 = arith.constant 4 : i32
        %gather3A_350 = arith.constant 3 : i32
        %gather3A_351 = arith.constant 0 : i32
        %gather3A_352 = arith.constant 0 : i32
        %gather3A_353 = tpu.memref_slice %arg14[%gather3A_349, %gather3A_350, %gather3A_351, %gather3A_352] : memref<6x4x32x128xf32, #tpu.memory_space<vmem>> -> memref<1x1x32x128xf32, #tpu.memory_space<vmem>>
        %gather3A_354 = tpu.memref_squeeze %gather3A_353 : memref<1x1x32x128xf32, #tpu.memory_space<vmem>> -> memref<32x128xf32, #tpu.memory_space<vmem>>
        %gather3A_355 = tpu.vector_load_idx %gather3A_354[%add3A_5, %and3A_267] : memref<32x128xf32, #tpu.memory_space<vmem>>[vector<16xi32>, vector<16xi32>], vector<16xf32>,
        %scatter3A_356 = arith.constant 3 : i32
        %scatter3A_357 = arith.constant 0 : i32
        %scatter3A_358 = arith.constant 0 : i32
        %scatter3A_359 = tpu.memref_slice %arg15[%scatter3A_356, %scatter3A_357, %scatter3A_358] : memref<4x32x128xf32, #tpu.memory_space<vmem>> -> memref<1x32x128xf32, #tpu.memory_space<vmem>>
        %scatter3A_360 = tpu.memref_squeeze %scatter3A_359 : memref<1x32x128xf32, #tpu.memory_space<vmem>> -> memref<32x128xf32, #tpu.memory_space<vmem>>
        tpu.vector_store_idx %scatter3A_360[%iota3A, %broadcast_in_dim3A_270], %gather3A_348 : memref<32x128xf32, #tpu.memory_space<vmem>>[vector<16xi32>, vector<16xi32>], vector<16xf32>,
        %scatter3A_361 = arith.constant 3 : i32
        %scatter3A_362 = arith.constant 0 : i32
        %scatter3A_363 = arith.constant 0 : i32
        %scatter3A_364 = tpu.memref_slice %arg15[%scatter3A_361, %scatter3A_362, %scatter3A_363] : memref<4x32x128xf32, #tpu.memory_space<vmem>> -> memref<1x32x128xf32, #tpu.memory_space<vmem>>
        %scatter3A_365 = tpu.memref_squeeze %scatter3A_364 : memref<1x32x128xf32, #tpu.memory_space<vmem>> -> memref<32x128xf32, #tpu.memory_space<vmem>>
        tpu.vector_store_idx %scatter3A_365[%add3A_5, %broadcast_in_dim3A_270], %gather3A_355 : memref<32x128xf32, #tpu.memory_space<vmem>>[vector<16xi32>, vector<16xi32>], vector<16xf32>,
      } else {
      }
      %lt3A_147 = arith.constant 512 : i32
      %lt3A_148 = arith.cmpi slt, %add3A_136, %lt3A_147 : i32
      %convert_element_type3A_149 = arith.extui %lt3A_148 : i1 to i32
      %cond3A_150 = arith.constant 0 : i32
      %cond3A_151 = arith.cmpi ne, %convert_element_type3A_149, %cond3A_150 : i32
      scf.if %cond3A_151 {
        %broadcast_in_dim3A = vector.broadcast %add3A_136 : i32 to vector<16xi32>
        %gather3A = tpu.vector_load_idx %arg12[%broadcast_in_dim3A] : memref<512xi32, #tpu.memory_space<vmem>>[vector<16xi32>], vector<16xi32>,
        %reduce_max3A = arith.constant true
        %reduce_max3A_197 = vector.broadcast %reduce_max3A : i1 to vector<16xi1>
        %reduce_max3A_198 = arith.constant -2147483648 : i32
        %reduce_max3A_199 = vector.broadcast %reduce_max3A_198 : i32 to vector<16xi32>
        %reduce_max3A_200 = arith.xori %gather3A, %reduce_max3A_199 : vector<16xi32>
        %reduce_max3A_201 = tpu.scan <max>, %reduce_max3A_200 masked %reduce_max3A_197 : vector<16xi32>, vector<16xi1> -> vector<16xi32>
        %reduce_max3A_202 = arith.xori %reduce_max3A_201, %reduce_max3A_199 : vector<16xi32>
        %reduce_max3A_203 = vector.extract %reduce_max3A_202[15] : i32 from vector<16xi32>
        %broadcast_in_dim3A_204 = vector.broadcast %add3A_136 : i32 to vector<16xi32>
        %gather3A_205 = tpu.vector_load_idx %arg13[%broadcast_in_dim3A_204] : memref<512xi32, #tpu.memory_space<vmem>>[vector<16xi32>], vector<16xi32>,
        %reduce_max3A_206 = arith.constant true
        %reduce_max3A_207 = vector.broadcast %reduce_max3A_206 : i1 to vector<16xi1>
        %reduce_max3A_208 = arith.constant -2147483648 : i32
        %reduce_max3A_209 = vector.broadcast %reduce_max3A_208 : i32 to vector<16xi32>
        %reduce_max3A_210 = arith.xori %gather3A_205, %reduce_max3A_209 : vector<16xi32>
        %reduce_max3A_211 = tpu.scan <max>, %reduce_max3A_210 masked %reduce_max3A_207 : vector<16xi32>, vector<16xi1> -> vector<16xi32>
        %reduce_max3A_212 = arith.xori %reduce_max3A_211, %reduce_max3A_209 : vector<16xi32>
        %reduce_max3A_213 = vector.extract %reduce_max3A_212[15] : i32 from vector<16xi32>
        %and3A_214 = arith.constant -128 : i32
        %and3A_215 = arith.andi %reduce_max3A_203, %and3A_214 : i32
        %multiple_of3A = tpu.assume_multiple %and3A_215, 128 : i32
        %and3A_216 = arith.constant -128 : i32
        %and3A_217 = arith.andi %reduce_max3A_213, %and3A_216 : i32
        %multiple_of3A_218 = tpu.assume_multiple %and3A_217, 128 : i32
        %dma_start3A = arith.constant 4 : i32
        %dma_start3A_219 = arith.constant 0 : i32
        %dma_start3A_220 = arith.constant 0 : i32
        %dma_start3A_221 = arith.constant 0 : i32
        %dma_start3A_222 = tpu.memref_slice %arg14[%dma_start3A, %dma_start3A_219, %dma_start3A_220, %dma_start3A_221] : memref<6x4x32x128xf32, #tpu.memory_space<vmem>> -> memref<1x1x32x128xf32, #tpu.memory_space<vmem>>
        %dma_start3A_223 = tpu.memref_squeeze %dma_start3A_222 : memref<1x1x32x128xf32, #tpu.memory_space<vmem>> -> memref<32x128xf32, #tpu.memory_space<vmem>>
        %dma_start3A_224 = arith.constant 0 : i32
        %dma_start3A_225 = tpu.memref_slice %arg4[%dma_start3A_224, %multiple_of3A] : memref<32x1000000xf32, #tpu.memory_space<hbm>> -> memref<32x128xf32, #tpu.memory_space<hbm>>
        %dma_start3A_226 = arith.constant 0 : i32
        %dma_start3A_227 = arith.constant 0 : i32
        %dma_start3A_228 = tpu.memref_slice %arg14[%dma_start3A, %dma_start3A_219, %dma_start3A_226, %dma_start3A_227] : memref<6x4x32x128xf32, #tpu.memory_space<vmem>> -> memref<1x1x32x128xf32, #tpu.memory_space<vmem>>
        %dma_start3A_229 = tpu.memref_squeeze %dma_start3A_228 : memref<1x1x32x128xf32, #tpu.memory_space<vmem>> -> memref<32x128xf32, #tpu.memory_space<vmem>>
        %dma_start3A_230 = arith.constant 0 : i32
        %dma_start3A_231 = tpu.memref_slice %arg4[%dma_start3A_230, %multiple_of3A] : memref<32x1000000xf32, #tpu.memory_space<hbm>> -> memref<32x128xf32, #tpu.memory_space<hbm>>
        tpu.enqueue_dma source(%dma_start3A_231 : memref<32x128xf32, #tpu.memory_space<hbm>>) target(%dma_start3A_229 : memref<32x128xf32, #tpu.memory_space<vmem>>) target_semaphore(%arg20 : memref<!tpu.dma_semaphore, #tpu.memory_space<semaphore_mem>>)
        %dma_start3A_232 = arith.constant 4 : i32
        %dma_start3A_233 = arith.constant 1 : i32
        %dma_start3A_234 = arith.constant 0 : i32
        %dma_start3A_235 = arith.constant 0 : i32
        %dma_start3A_236 = tpu.memref_slice %arg14[%dma_start3A_232, %dma_start3A_233, %dma_start3A_234, %dma_start3A_235] : memref<6x4x32x128xf32, #tpu.memory_space<vmem>> -> memref<1x1x32x128xf32, #tpu.memory_space<vmem>>
        %dma_start3A_237 = tpu.memref_squeeze %dma_start3A_236 : memref<1x1x32x128xf32, #tpu.memory_space<vmem>> -> memref<32x128xf32, #tpu.memory_space<vmem>>
        %dma_start3A_238 = arith.constant 0 : i32
        %dma_start3A_239 = tpu.memref_slice %arg5[%dma_start3A_238, %multiple_of3A_218] : memref<32x1000000xf32, #tpu.memory_space<hbm>> -> memref<32x128xf32, #tpu.memory_space<hbm>>
        %dma_start3A_240 = arith.constant 0 : i32
        %dma_start3A_241 = arith.constant 0 : i32
        %dma_start3A_242 = tpu.memref_slice %arg14[%dma_start3A_232, %dma_start3A_233, %dma_start3A_240, %dma_start3A_241] : memref<6x4x32x128xf32, #tpu.memory_space<vmem>> -> memref<1x1x32x128xf32, #tpu.memory_space<vmem>>
        %dma_start3A_243 = tpu.memref_squeeze %dma_start3A_242 : memref<1x1x32x128xf32, #tpu.memory_space<vmem>> -> memref<32x128xf32, #tpu.memory_space<vmem>>
        %dma_start3A_244 = arith.constant 0 : i32
        %dma_start3A_245 = tpu.memref_slice %arg5[%dma_start3A_244, %multiple_of3A_218] : memref<32x1000000xf32, #tpu.memory_space<hbm>> -> memref<32x128xf32, #tpu.memory_space<hbm>>
        tpu.enqueue_dma source(%dma_start3A_245 : memref<32x128xf32, #tpu.memory_space<hbm>>) target(%dma_start3A_243 : memref<32x128xf32, #tpu.memory_space<vmem>>) target_semaphore(%arg20 : memref<!tpu.dma_semaphore, #tpu.memory_space<semaphore_mem>>)
        %dma_start3A_246 = arith.constant 4 : i32
        %dma_start3A_247 = arith.constant 2 : i32
        %dma_start3A_248 = arith.constant 0 : i32
        %dma_start3A_249 = arith.constant 0 : i32
        %dma_start3A_250 = tpu.memref_slice %arg14[%dma_start3A_246, %dma_start3A_247, %dma_start3A_248, %dma_start3A_249] : memref<6x4x32x128xf32, #tpu.memory_space<vmem>> -> memref<1x1x32x128xf32, #tpu.memory_space<vmem>>
        %dma_start3A_251 = tpu.memref_squeeze %dma_start3A_250 : memref<1x1x32x128xf32, #tpu.memory_space<vmem>> -> memref<32x128xf32, #tpu.memory_space<vmem>>
        %dma_start3A_252 = arith.constant 0 : i32
        %dma_start3A_253 = tpu.memref_slice %arg6[%dma_start3A_252, %multiple_of3A] : memref<32x1000000xf32, #tpu.memory_space<hbm>> -> memref<32x128xf32, #tpu.memory_space<hbm>>
        %dma_start3A_254 = arith.constant 0 : i32
        %dma_start3A_255 = arith.constant 0 : i32
        %dma_start3A_256 = tpu.memref_slice %arg14[%dma_start3A_246, %dma_start3A_247, %dma_start3A_254, %dma_start3A_255] : memref<6x4x32x128xf32, #tpu.memory_space<vmem>> -> memref<1x1x32x128xf32, #tpu.memory_space<vmem>>
        %dma_start3A_257 = tpu.memref_squeeze %dma_start3A_256 : memref<1x1x32x128xf32, #tpu.memory_space<vmem>> -> memref<32x128xf32, #tpu.memory_space<vmem>>
        %dma_start3A_258 = arith.constant 0 : i32
        %dma_start3A_259 = tpu.memref_slice %arg6[%dma_start3A_258, %multiple_of3A] : memref<32x1000000xf32, #tpu.memory_space<hbm>> -> memref<32x128xf32, #tpu.memory_space<hbm>>
        tpu.enqueue_dma source(%dma_start3A_259 : memref<32x128xf32, #tpu.memory_space<hbm>>) target(%dma_start3A_257 : memref<32x128xf32, #tpu.memory_space<vmem>>) target_semaphore(%arg20 : memref<!tpu.dma_semaphore, #tpu.memory_space<semaphore_mem>>)
        %dma_start3A_260 = arith.constant 4 : i32
        %dma_start3A_261 = arith.constant 3 : i32
        %dma_start3A_262 = arith.constant 0 : i32
        %dma_start3A_263 = arith.constant 0 : i32
        %dma_start3A_264 = tpu.memref_slice %arg14[%dma_start3A_260, %dma_start3A_261, %dma_start3A_262, %dma_start3A_263] : memref<6x4x32x128xf32, #tpu.memory_space<vmem>> -> memref<1x1x32x128xf32, #tpu.memory_space<vmem>>
        %dma_start3A_265 = tpu.memref_squeeze %dma_start3A_264 : memref<1x1x32x128xf32, #tpu.memory_space<vmem>> -> memref<32x128xf32, #tpu.memory_space<vmem>>
        %dma_start3A_266 = arith.constant 0 : i32
        %dma_start3A_267 = tpu.memref_slice %arg7[%dma_start3A_266, %multiple_of3A_218] : memref<32x1000000xf32, #tpu.memory_space<hbm>> -> memref<32x128xf32, #tpu.memory_space<hbm>>
        %dma_start3A_268 = arith.constant 0 : i32
        %dma_start3A_269 = arith.constant 0 : i32
        %dma_start3A_270 = tpu.memref_slice %arg14[%dma_start3A_260, %dma_start3A_261, %dma_start3A_268, %dma_start3A_269] : memref<6x4x32x128xf32, #tpu.memory_space<vmem>> -> memref<1x1x32x128xf32, #tpu.memory_space<vmem>>
        %dma_start3A_271 = tpu.memref_squeeze %dma_start3A_270 : memref<1x1x32x128xf32, #tpu.memory_space<vmem>> -> memref<32x128xf32, #tpu.memory_space<vmem>>
        %dma_start3A_272 = arith.constant 0 : i32
        %dma_start3A_273 = tpu.memref_slice %arg7[%dma_start3A_272, %multiple_of3A_218] : memref<32x1000000xf32, #tpu.memory_space<hbm>> -> memref<32x128xf32, #tpu.memory_space<hbm>>
        tpu.enqueue_dma source(%dma_start3A_273 : memref<32x128xf32, #tpu.memory_space<hbm>>) target(%dma_start3A_271 : memref<32x128xf32, #tpu.memory_space<vmem>>) target_semaphore(%arg20 : memref<!tpu.dma_semaphore, #tpu.memory_space<semaphore_mem>>)
      } else {
      }
      %ge3A_152 = arith.constant 0 : i32
      %ge3A_153 = arith.cmpi sge, %sub3A_138, %ge3A_152 : i32
      %lt3A_154 = arith.constant 512 : i32
      %lt3A_155 = arith.cmpi slt, %sub3A_138, %lt3A_154 : i32
      %and3A_156 = arith.andi %ge3A_153, %lt3A_155 : i1
      %and3A_157 = arith.constant 127 : i32
      %and3A_158 = arith.andi %sub3A_138, %and3A_157 : i32
      %eq3A_159 = arith.constant 127 : i32
      %eq3A_160 = arith.cmpi eq, %and3A_158, %eq3A_159 : i32
      %and3A_161 = arith.andi %and3A_156, %eq3A_160 : i1
      %convert_element_type3A_162 = arith.extui %and3A_161 : i1 to i32
      %cond3A_163 = arith.constant 0 : i32
      %cond3A_164 = arith.cmpi ne, %convert_element_type3A_162, %cond3A_163 : i32
      scf.if %cond3A_164 {
        %sub3A_197 = arith.constant 127 : i32
        %sub3A_198 = arith.subi %sub3A_138, %sub3A_197 : i32
        %add3A_199 = arith.addi %mul3A_2, %sub3A_198 : i32
        %multiple_of3A = tpu.assume_multiple %add3A_199, 128 : i32
        %run_scoped3A = arith.constant 0 : i32
        "tpu.region"() ({
          %run_scoped3A_203 = tpu.sem_alloc : memref<!tpu.dma_semaphore, #tpu.memory_space<semaphore_mem>>
          %dma_start3A = arith.constant 0 : i32
          %dma_start3A_204 = arith.constant 0 : i32
          %dma_start3A_205 = tpu.memref_slice %arg15[%run_scoped3A, %dma_start3A, %dma_start3A_204] : memref<4x32x128xf32, #tpu.memory_space<vmem>> -> memref<1x32x128xf32, #tpu.memory_space<vmem>>
          %dma_start3A_206 = tpu.memref_squeeze %dma_start3A_205 : memref<1x32x128xf32, #tpu.memory_space<vmem>> -> memref<32x128xf32, #tpu.memory_space<vmem>>
          %dma_start3A_207 = arith.constant 0 : i32
          %dma_start3A_208 = tpu.memref_slice %arg8[%dma_start3A_207, %multiple_of3A] : memref<32x16384xf32, #tpu.memory_space<hbm>> -> memref<32x128xf32, #tpu.memory_space<hbm>>
          %dma_start3A_209 = arith.constant 0 : i32
          %dma_start3A_210 = tpu.memref_slice %arg8[%dma_start3A_209, %multiple_of3A] : memref<32x16384xf32, #tpu.memory_space<hbm>> -> memref<32x128xf32, #tpu.memory_space<hbm>>
          %dma_start3A_211 = arith.constant 0 : i32
          %dma_start3A_212 = arith.constant 0 : i32
          %dma_start3A_213 = tpu.memref_slice %arg15[%run_scoped3A, %dma_start3A_211, %dma_start3A_212] : memref<4x32x128xf32, #tpu.memory_space<vmem>> -> memref<1x32x128xf32, #tpu.memory_space<vmem>>
          %dma_start3A_214 = tpu.memref_squeeze %dma_start3A_213 : memref<1x32x128xf32, #tpu.memory_space<vmem>> -> memref<32x128xf32, #tpu.memory_space<vmem>>
          tpu.enqueue_dma source(%dma_start3A_214 : memref<32x128xf32, #tpu.memory_space<vmem>>) target(%dma_start3A_210 : memref<32x128xf32, #tpu.memory_space<hbm>>) target_semaphore(%run_scoped3A_203 : memref<!tpu.dma_semaphore, #tpu.memory_space<semaphore_mem>>)
          %dma_wait3A = arith.constant 0 : i32
          %dma_wait3A_215 = arith.constant 0 : i32
          %dma_wait3A_216 = tpu.memref_slice %arg15[%run_scoped3A, %dma_wait3A, %dma_wait3A_215] : memref<4x32x128xf32, #tpu.memory_space<vmem>> -> memref<1x32x128xf32, #tpu.memory_space<vmem>>
          %dma_wait3A_217 = tpu.memref_squeeze %dma_wait3A_216 : memref<1x32x128xf32, #tpu.memory_space<vmem>> -> memref<32x128xf32, #tpu.memory_space<vmem>>
          %dma_wait3A_218 = arith.constant 0 : i32
          %dma_wait3A_219 = tpu.memref_slice %arg8[%dma_wait3A_218, %multiple_of3A] : memref<32x16384xf32, #tpu.memory_space<hbm>> -> memref<32x128xf32, #tpu.memory_space<hbm>>
          %dma_wait3A_220 = arith.constant 0 : i32
          %dma_wait3A_221 = tpu.memref_slice %arg8[%dma_wait3A_220, %multiple_of3A] : memref<32x16384xf32, #tpu.memory_space<hbm>> -> memref<32x128xf32, #tpu.memory_space<hbm>>
          %dma_wait3A_222 = arith.constant 0 : i32
          %dma_wait3A_223 = arith.constant 0 : i32
          %dma_wait3A_224 = tpu.memref_slice %arg15[%run_scoped3A, %dma_wait3A_222, %dma_wait3A_223] : memref<4x32x128xf32, #tpu.memory_space<vmem>> -> memref<1x32x128xf32, #tpu.memory_space<vmem>>
          %dma_wait3A_225 = tpu.memref_squeeze %dma_wait3A_224 : memref<1x32x128xf32, #tpu.memory_space<vmem>> -> memref<32x128xf32, #tpu.memory_space<vmem>>
          tpu.wait_dma2 semaphore(%run_scoped3A_203 : memref<!tpu.dma_semaphore, #tpu.memory_space<semaphore_mem>>) src(%dma_wait3A_225 : memref<32x128xf32, #tpu.memory_space<vmem>>) dst(%dma_wait3A_221 : memref<32x128xf32, #tpu.memory_space<hbm>>)
          tpu.yield
        }) : () -> ()
        %run_scoped3A_200 = arith.constant 1 : i32
        "tpu.region"() ({
          %run_scoped3A_203 = tpu.sem_alloc : memref<!tpu.dma_semaphore, #tpu.memory_space<semaphore_mem>>
          %dma_start3A = arith.constant 0 : i32
          %dma_start3A_204 = arith.constant 0 : i32
          %dma_start3A_205 = tpu.memref_slice %arg15[%run_scoped3A_200, %dma_start3A, %dma_start3A_204] : memref<4x32x128xf32, #tpu.memory_space<vmem>> -> memref<1x32x128xf32, #tpu.memory_space<vmem>>
          %dma_start3A_206 = tpu.memref_squeeze %dma_start3A_205 : memref<1x32x128xf32, #tpu.memory_space<vmem>> -> memref<32x128xf32, #tpu.memory_space<vmem>>
          %dma_start3A_207 = arith.constant 0 : i32
          %dma_start3A_208 = tpu.memref_slice %arg9[%dma_start3A_207, %multiple_of3A] : memref<32x16384xf32, #tpu.memory_space<hbm>> -> memref<32x128xf32, #tpu.memory_space<hbm>>
          %dma_start3A_209 = arith.constant 0 : i32
          %dma_start3A_210 = tpu.memref_slice %arg9[%dma_start3A_209, %multiple_of3A] : memref<32x16384xf32, #tpu.memory_space<hbm>> -> memref<32x128xf32, #tpu.memory_space<hbm>>
          %dma_start3A_211 = arith.constant 0 : i32
          %dma_start3A_212 = arith.constant 0 : i32
          %dma_start3A_213 = tpu.memref_slice %arg15[%run_scoped3A_200, %dma_start3A_211, %dma_start3A_212] : memref<4x32x128xf32, #tpu.memory_space<vmem>> -> memref<1x32x128xf32, #tpu.memory_space<vmem>>
          %dma_start3A_214 = tpu.memref_squeeze %dma_start3A_213 : memref<1x32x128xf32, #tpu.memory_space<vmem>> -> memref<32x128xf32, #tpu.memory_space<vmem>>
          tpu.enqueue_dma source(%dma_start3A_214 : memref<32x128xf32, #tpu.memory_space<vmem>>) target(%dma_start3A_210 : memref<32x128xf32, #tpu.memory_space<hbm>>) target_semaphore(%run_scoped3A_203 : memref<!tpu.dma_semaphore, #tpu.memory_space<semaphore_mem>>)
          %dma_wait3A = arith.constant 0 : i32
          %dma_wait3A_215 = arith.constant 0 : i32
          %dma_wait3A_216 = tpu.memref_slice %arg15[%run_scoped3A_200, %dma_wait3A, %dma_wait3A_215] : memref<4x32x128xf32, #tpu.memory_space<vmem>> -> memref<1x32x128xf32, #tpu.memory_space<vmem>>
          %dma_wait3A_217 = tpu.memref_squeeze %dma_wait3A_216 : memref<1x32x128xf32, #tpu.memory_space<vmem>> -> memref<32x128xf32, #tpu.memory_space<vmem>>
          %dma_wait3A_218 = arith.constant 0 : i32
          %dma_wait3A_219 = tpu.memref_slice %arg9[%dma_wait3A_218, %multiple_of3A] : memref<32x16384xf32, #tpu.memory_space<hbm>> -> memref<32x128xf32, #tpu.memory_space<hbm>>
          %dma_wait3A_220 = arith.constant 0 : i32
          %dma_wait3A_221 = tpu.memref_slice %arg9[%dma_wait3A_220, %multiple_of3A] : memref<32x16384xf32, #tpu.memory_space<hbm>> -> memref<32x128xf32, #tpu.memory_space<hbm>>
          %dma_wait3A_222 = arith.constant 0 : i32
          %dma_wait3A_223 = arith.constant 0 : i32
          %dma_wait3A_224 = tpu.memref_slice %arg15[%run_scoped3A_200, %dma_wait3A_222, %dma_wait3A_223] : memref<4x32x128xf32, #tpu.memory_space<vmem>> -> memref<1x32x128xf32, #tpu.memory_space<vmem>>
          %dma_wait3A_225 = tpu.memref_squeeze %dma_wait3A_224 : memref<1x32x128xf32, #tpu.memory_space<vmem>> -> memref<32x128xf32, #tpu.memory_space<vmem>>
          tpu.wait_dma2 semaphore(%run_scoped3A_203 : memref<!tpu.dma_semaphore, #tpu.memory_space<semaphore_mem>>) src(%dma_wait3A_225 : memref<32x128xf32, #tpu.memory_space<vmem>>) dst(%dma_wait3A_221 : memref<32x128xf32, #tpu.memory_space<hbm>>)
          tpu.yield
        }) : () -> ()
        %run_scoped3A_201 = arith.constant 2 : i32
        "tpu.region"() ({
          %run_scoped3A_203 = tpu.sem_alloc : memref<!tpu.dma_semaphore, #tpu.memory_space<semaphore_mem>>
          %dma_start3A = arith.constant 0 : i32
          %dma_start3A_204 = arith.constant 0 : i32
          %dma_start3A_205 = tpu.memref_slice %arg15[%run_scoped3A_201, %dma_start3A, %dma_start3A_204] : memref<4x32x128xf32, #tpu.memory_space<vmem>> -> memref<1x32x128xf32, #tpu.memory_space<vmem>>
          %dma_start3A_206 = tpu.memref_squeeze %dma_start3A_205 : memref<1x32x128xf32, #tpu.memory_space<vmem>> -> memref<32x128xf32, #tpu.memory_space<vmem>>
          %dma_start3A_207 = arith.constant 0 : i32
          %dma_start3A_208 = tpu.memref_slice %arg10[%dma_start3A_207, %multiple_of3A] : memref<32x16384xf32, #tpu.memory_space<hbm>> -> memref<32x128xf32, #tpu.memory_space<hbm>>
          %dma_start3A_209 = arith.constant 0 : i32
          %dma_start3A_210 = tpu.memref_slice %arg10[%dma_start3A_209, %multiple_of3A] : memref<32x16384xf32, #tpu.memory_space<hbm>> -> memref<32x128xf32, #tpu.memory_space<hbm>>
          %dma_start3A_211 = arith.constant 0 : i32
          %dma_start3A_212 = arith.constant 0 : i32
          %dma_start3A_213 = tpu.memref_slice %arg15[%run_scoped3A_201, %dma_start3A_211, %dma_start3A_212] : memref<4x32x128xf32, #tpu.memory_space<vmem>> -> memref<1x32x128xf32, #tpu.memory_space<vmem>>
          %dma_start3A_214 = tpu.memref_squeeze %dma_start3A_213 : memref<1x32x128xf32, #tpu.memory_space<vmem>> -> memref<32x128xf32, #tpu.memory_space<vmem>>
          tpu.enqueue_dma source(%dma_start3A_214 : memref<32x128xf32, #tpu.memory_space<vmem>>) target(%dma_start3A_210 : memref<32x128xf32, #tpu.memory_space<hbm>>) target_semaphore(%run_scoped3A_203 : memref<!tpu.dma_semaphore, #tpu.memory_space<semaphore_mem>>)
          %dma_wait3A = arith.constant 0 : i32
          %dma_wait3A_215 = arith.constant 0 : i32
          %dma_wait3A_216 = tpu.memref_slice %arg15[%run_scoped3A_201, %dma_wait3A, %dma_wait3A_215] : memref<4x32x128xf32, #tpu.memory_space<vmem>> -> memref<1x32x128xf32, #tpu.memory_space<vmem>>
          %dma_wait3A_217 = tpu.memref_squeeze %dma_wait3A_216 : memref<1x32x128xf32, #tpu.memory_space<vmem>> -> memref<32x128xf32, #tpu.memory_space<vmem>>
          %dma_wait3A_218 = arith.constant 0 : i32
          %dma_wait3A_219 = tpu.memref_slice %arg10[%dma_wait3A_218, %multiple_of3A] : memref<32x16384xf32, #tpu.memory_space<hbm>> -> memref<32x128xf32, #tpu.memory_space<hbm>>
          %dma_wait3A_220 = arith.constant 0 : i32
          %dma_wait3A_221 = tpu.memref_slice %arg10[%dma_wait3A_220, %multiple_of3A] : memref<32x16384xf32, #tpu.memory_space<hbm>> -> memref<32x128xf32, #tpu.memory_space<hbm>>
          %dma_wait3A_222 = arith.constant 0 : i32
          %dma_wait3A_223 = arith.constant 0 : i32
          %dma_wait3A_224 = tpu.memref_slice %arg15[%run_scoped3A_201, %dma_wait3A_222, %dma_wait3A_223] : memref<4x32x128xf32, #tpu.memory_space<vmem>> -> memref<1x32x128xf32, #tpu.memory_space<vmem>>
          %dma_wait3A_225 = tpu.memref_squeeze %dma_wait3A_224 : memref<1x32x128xf32, #tpu.memory_space<vmem>> -> memref<32x128xf32, #tpu.memory_space<vmem>>
          tpu.wait_dma2 semaphore(%run_scoped3A_203 : memref<!tpu.dma_semaphore, #tpu.memory_space<semaphore_mem>>) src(%dma_wait3A_225 : memref<32x128xf32, #tpu.memory_space<vmem>>) dst(%dma_wait3A_221 : memref<32x128xf32, #tpu.memory_space<hbm>>)
          tpu.yield
        }) : () -> ()
        %run_scoped3A_202 = arith.constant 3 : i32
        "tpu.region"() ({
          %run_scoped3A_203 = tpu.sem_alloc : memref<!tpu.dma_semaphore, #tpu.memory_space<semaphore_mem>>
          %dma_start3A = arith.constant 0 : i32
          %dma_start3A_204 = arith.constant 0 : i32
          %dma_start3A_205 = tpu.memref_slice %arg15[%run_scoped3A_202, %dma_start3A, %dma_start3A_204] : memref<4x32x128xf32, #tpu.memory_space<vmem>> -> memref<1x32x128xf32, #tpu.memory_space<vmem>>
          %dma_start3A_206 = tpu.memref_squeeze %dma_start3A_205 : memref<1x32x128xf32, #tpu.memory_space<vmem>> -> memref<32x128xf32, #tpu.memory_space<vmem>>
          %dma_start3A_207 = arith.constant 0 : i32
          %dma_start3A_208 = tpu.memref_slice %arg11[%dma_start3A_207, %multiple_of3A] : memref<32x16384xf32, #tpu.memory_space<hbm>> -> memref<32x128xf32, #tpu.memory_space<hbm>>
          %dma_start3A_209 = arith.constant 0 : i32
          %dma_start3A_210 = tpu.memref_slice %arg11[%dma_start3A_209, %multiple_of3A] : memref<32x16384xf32, #tpu.memory_space<hbm>> -> memref<32x128xf32, #tpu.memory_space<hbm>>
          %dma_start3A_211 = arith.constant 0 : i32
          %dma_start3A_212 = arith.constant 0 : i32
          %dma_start3A_213 = tpu.memref_slice %arg15[%run_scoped3A_202, %dma_start3A_211, %dma_start3A_212] : memref<4x32x128xf32, #tpu.memory_space<vmem>> -> memref<1x32x128xf32, #tpu.memory_space<vmem>>
          %dma_start3A_214 = tpu.memref_squeeze %dma_start3A_213 : memref<1x32x128xf32, #tpu.memory_space<vmem>> -> memref<32x128xf32, #tpu.memory_space<vmem>>
          tpu.enqueue_dma source(%dma_start3A_214 : memref<32x128xf32, #tpu.memory_space<vmem>>) target(%dma_start3A_210 : memref<32x128xf32, #tpu.memory_space<hbm>>) target_semaphore(%run_scoped3A_203 : memref<!tpu.dma_semaphore, #tpu.memory_space<semaphore_mem>>)
          %dma_wait3A = arith.constant 0 : i32
          %dma_wait3A_215 = arith.constant 0 : i32
          %dma_wait3A_216 = tpu.memref_slice %arg15[%run_scoped3A_202, %dma_wait3A, %dma_wait3A_215] : memref<4x32x128xf32, #tpu.memory_space<vmem>> -> memref<1x32x128xf32, #tpu.memory_space<vmem>>
          %dma_wait3A_217 = tpu.memref_squeeze %dma_wait3A_216 : memref<1x32x128xf32, #tpu.memory_space<vmem>> -> memref<32x128xf32, #tpu.memory_space<vmem>>
          %dma_wait3A_218 = arith.constant 0 : i32
          %dma_wait3A_219 = tpu.memref_slice %arg11[%dma_wait3A_218, %multiple_of3A] : memref<32x16384xf32, #tpu.memory_space<hbm>> -> memref<32x128xf32, #tpu.memory_space<hbm>>
          %dma_wait3A_220 = arith.constant 0 : i32
          %dma_wait3A_221 = tpu.memref_slice %arg11[%dma_wait3A_220, %multiple_of3A] : memref<32x16384xf32, #tpu.memory_space<hbm>> -> memref<32x128xf32, #tpu.memory_space<hbm>>
          %dma_wait3A_222 = arith.constant 0 : i32
          %dma_wait3A_223 = arith.constant 0 : i32
          %dma_wait3A_224 = tpu.memref_slice %arg15[%run_scoped3A_202, %dma_wait3A_222, %dma_wait3A_223] : memref<4x32x128xf32, #tpu.memory_space<vmem>> -> memref<1x32x128xf32, #tpu.memory_space<vmem>>
          %dma_wait3A_225 = tpu.memref_squeeze %dma_wait3A_224 : memref<1x32x128xf32, #tpu.memory_space<vmem>> -> memref<32x128xf32, #tpu.memory_space<vmem>>
          tpu.wait_dma2 semaphore(%run_scoped3A_203 : memref<!tpu.dma_semaphore, #tpu.memory_space<semaphore_mem>>) src(%dma_wait3A_225 : memref<32x128xf32, #tpu.memory_space<vmem>>) dst(%dma_wait3A_221 : memref<32x128xf32, #tpu.memory_space<hbm>>)
          tpu.yield
        }) : () -> ()
      } else {
      }
      %mul3A_165 = arith.constant 6 : i32
      %mul3A_166 = arith.muli %scan3A_11, %mul3A_165 : i32
      %add3A_167 = arith.constant 5 : i32
      %add3A_168 = arith.addi %mul3A_166, %add3A_167 : i32
      %sub3A_169 = arith.constant 6 : i32
      %sub3A_170 = arith.subi %add3A_168, %sub3A_169 : i32
      %ge3A_171 = arith.constant 6 : i32
      %ge3A_172 = arith.cmpi sge, %add3A_168, %ge3A_171 : i32
      %lt3A_173 = arith.constant 512 : i32
      %lt3A_174 = arith.cmpi slt, %sub3A_170, %lt3A_173 : i32
      %and3A_175 = arith.andi %ge3A_172, %lt3A_174 : i1
      %convert_element_type3A_176 = arith.extui %and3A_175 : i1 to i32
      %cond3A_177 = arith.constant 0 : i32
      %cond3A_178 = arith.cmpi ne, %convert_element_type3A_176, %cond3A_177 : i32
      scf.if %cond3A_178 {
        %dma_wait3A = arith.constant 5 : i32
        %dma_wait3A_197 = arith.constant 0 : i32
        %dma_wait3A_198 = arith.constant 0 : i32
        %dma_wait3A_199 = arith.constant 0 : i32
        %dma_wait3A_200 = tpu.memref_slice %arg14[%dma_wait3A, %dma_wait3A_197, %dma_wait3A_198, %dma_wait3A_199] : memref<6x4x32x128xf32, #tpu.memory_space<vmem>> -> memref<1x1x32x128xf32, #tpu.memory_space<vmem>>
        %dma_wait3A_201 = tpu.memref_squeeze %dma_wait3A_200 : memref<1x1x32x128xf32, #tpu.memory_space<vmem>> -> memref<32x128xf32, #tpu.memory_space<vmem>>
        %dma_wait3A_202 = arith.constant 0 : i32
        %dma_wait3A_203 = arith.constant 0 : i32
        %dma_wait3A_204 = tpu.memref_slice %arg4[%dma_wait3A_202, %dma_wait3A_203] : memref<32x1000000xf32, #tpu.memory_space<hbm>> -> memref<32x128xf32, #tpu.memory_space<hbm>>
        %dma_wait3A_205 = arith.constant 0 : i32
        %dma_wait3A_206 = arith.constant 0 : i32
        %dma_wait3A_207 = tpu.memref_slice %arg14[%dma_wait3A, %dma_wait3A_197, %dma_wait3A_205, %dma_wait3A_206] : memref<6x4x32x128xf32, #tpu.memory_space<vmem>> -> memref<1x1x32x128xf32, #tpu.memory_space<vmem>>
        %dma_wait3A_208 = tpu.memref_squeeze %dma_wait3A_207 : memref<1x1x32x128xf32, #tpu.memory_space<vmem>> -> memref<32x128xf32, #tpu.memory_space<vmem>>
        %dma_wait3A_209 = arith.constant 0 : i32
        %dma_wait3A_210 = arith.constant 0 : i32
        %dma_wait3A_211 = tpu.memref_slice %arg4[%dma_wait3A_209, %dma_wait3A_210] : memref<32x1000000xf32, #tpu.memory_space<hbm>> -> memref<32x128xf32, #tpu.memory_space<hbm>>
        tpu.wait_dma2 semaphore(%arg21 : memref<!tpu.dma_semaphore, #tpu.memory_space<semaphore_mem>>) src(%dma_wait3A_211 : memref<32x128xf32, #tpu.memory_space<hbm>>) dst(%dma_wait3A_208 : memref<32x128xf32, #tpu.memory_space<vmem>>)
        %dma_wait3A_212 = arith.constant 5 : i32
        %dma_wait3A_213 = arith.constant 1 : i32
        %dma_wait3A_214 = arith.constant 0 : i32
        %dma_wait3A_215 = arith.constant 0 : i32
        %dma_wait3A_216 = tpu.memref_slice %arg14[%dma_wait3A_212, %dma_wait3A_213, %dma_wait3A_214, %dma_wait3A_215] : memref<6x4x32x128xf32, #tpu.memory_space<vmem>> -> memref<1x1x32x128xf32, #tpu.memory_space<vmem>>
        %dma_wait3A_217 = tpu.memref_squeeze %dma_wait3A_216 : memref<1x1x32x128xf32, #tpu.memory_space<vmem>> -> memref<32x128xf32, #tpu.memory_space<vmem>>
        %dma_wait3A_218 = arith.constant 0 : i32
        %dma_wait3A_219 = arith.constant 0 : i32
        %dma_wait3A_220 = tpu.memref_slice %arg4[%dma_wait3A_218, %dma_wait3A_219] : memref<32x1000000xf32, #tpu.memory_space<hbm>> -> memref<32x128xf32, #tpu.memory_space<hbm>>
        %dma_wait3A_221 = arith.constant 0 : i32
        %dma_wait3A_222 = arith.constant 0 : i32
        %dma_wait3A_223 = tpu.memref_slice %arg14[%dma_wait3A_212, %dma_wait3A_213, %dma_wait3A_221, %dma_wait3A_222] : memref<6x4x32x128xf32, #tpu.memory_space<vmem>> -> memref<1x1x32x128xf32, #tpu.memory_space<vmem>>
        %dma_wait3A_224 = tpu.memref_squeeze %dma_wait3A_223 : memref<1x1x32x128xf32, #tpu.memory_space<vmem>> -> memref<32x128xf32, #tpu.memory_space<vmem>>
        %dma_wait3A_225 = arith.constant 0 : i32
        %dma_wait3A_226 = arith.constant 0 : i32
        %dma_wait3A_227 = tpu.memref_slice %arg4[%dma_wait3A_225, %dma_wait3A_226] : memref<32x1000000xf32, #tpu.memory_space<hbm>> -> memref<32x128xf32, #tpu.memory_space<hbm>>
        tpu.wait_dma2 semaphore(%arg21 : memref<!tpu.dma_semaphore, #tpu.memory_space<semaphore_mem>>) src(%dma_wait3A_227 : memref<32x128xf32, #tpu.memory_space<hbm>>) dst(%dma_wait3A_224 : memref<32x128xf32, #tpu.memory_space<vmem>>)
        %dma_wait3A_228 = arith.constant 5 : i32
        %dma_wait3A_229 = arith.constant 2 : i32
        %dma_wait3A_230 = arith.constant 0 : i32
        %dma_wait3A_231 = arith.constant 0 : i32
        %dma_wait3A_232 = tpu.memref_slice %arg14[%dma_wait3A_228, %dma_wait3A_229, %dma_wait3A_230, %dma_wait3A_231] : memref<6x4x32x128xf32, #tpu.memory_space<vmem>> -> memref<1x1x32x128xf32, #tpu.memory_space<vmem>>
        %dma_wait3A_233 = tpu.memref_squeeze %dma_wait3A_232 : memref<1x1x32x128xf32, #tpu.memory_space<vmem>> -> memref<32x128xf32, #tpu.memory_space<vmem>>
        %dma_wait3A_234 = arith.constant 0 : i32
        %dma_wait3A_235 = arith.constant 0 : i32
        %dma_wait3A_236 = tpu.memref_slice %arg4[%dma_wait3A_234, %dma_wait3A_235] : memref<32x1000000xf32, #tpu.memory_space<hbm>> -> memref<32x128xf32, #tpu.memory_space<hbm>>
        %dma_wait3A_237 = arith.constant 0 : i32
        %dma_wait3A_238 = arith.constant 0 : i32
        %dma_wait3A_239 = tpu.memref_slice %arg14[%dma_wait3A_228, %dma_wait3A_229, %dma_wait3A_237, %dma_wait3A_238] : memref<6x4x32x128xf32, #tpu.memory_space<vmem>> -> memref<1x1x32x128xf32, #tpu.memory_space<vmem>>
        %dma_wait3A_240 = tpu.memref_squeeze %dma_wait3A_239 : memref<1x1x32x128xf32, #tpu.memory_space<vmem>> -> memref<32x128xf32, #tpu.memory_space<vmem>>
        %dma_wait3A_241 = arith.constant 0 : i32
        %dma_wait3A_242 = arith.constant 0 : i32
        %dma_wait3A_243 = tpu.memref_slice %arg4[%dma_wait3A_241, %dma_wait3A_242] : memref<32x1000000xf32, #tpu.memory_space<hbm>> -> memref<32x128xf32, #tpu.memory_space<hbm>>
        tpu.wait_dma2 semaphore(%arg21 : memref<!tpu.dma_semaphore, #tpu.memory_space<semaphore_mem>>) src(%dma_wait3A_243 : memref<32x128xf32, #tpu.memory_space<hbm>>) dst(%dma_wait3A_240 : memref<32x128xf32, #tpu.memory_space<vmem>>)
        %dma_wait3A_244 = arith.constant 5 : i32
        %dma_wait3A_245 = arith.constant 3 : i32
        %dma_wait3A_246 = arith.constant 0 : i32
        %dma_wait3A_247 = arith.constant 0 : i32
        %dma_wait3A_248 = tpu.memref_slice %arg14[%dma_wait3A_244, %dma_wait3A_245, %dma_wait3A_246, %dma_wait3A_247] : memref<6x4x32x128xf32, #tpu.memory_space<vmem>> -> memref<1x1x32x128xf32, #tpu.memory_space<vmem>>
        %dma_wait3A_249 = tpu.memref_squeeze %dma_wait3A_248 : memref<1x1x32x128xf32, #tpu.memory_space<vmem>> -> memref<32x128xf32, #tpu.memory_space<vmem>>
        %dma_wait3A_250 = arith.constant 0 : i32
        %dma_wait3A_251 = arith.constant 0 : i32
        %dma_wait3A_252 = tpu.memref_slice %arg4[%dma_wait3A_250, %dma_wait3A_251] : memref<32x1000000xf32, #tpu.memory_space<hbm>> -> memref<32x128xf32, #tpu.memory_space<hbm>>
        %dma_wait3A_253 = arith.constant 0 : i32
        %dma_wait3A_254 = arith.constant 0 : i32
        %dma_wait3A_255 = tpu.memref_slice %arg14[%dma_wait3A_244, %dma_wait3A_245, %dma_wait3A_253, %dma_wait3A_254] : memref<6x4x32x128xf32, #tpu.memory_space<vmem>> -> memref<1x1x32x128xf32, #tpu.memory_space<vmem>>
        %dma_wait3A_256 = tpu.memref_squeeze %dma_wait3A_255 : memref<1x1x32x128xf32, #tpu.memory_space<vmem>> -> memref<32x128xf32, #tpu.memory_space<vmem>>
        %dma_wait3A_257 = arith.constant 0 : i32
        %dma_wait3A_258 = arith.constant 0 : i32
        %dma_wait3A_259 = tpu.memref_slice %arg4[%dma_wait3A_257, %dma_wait3A_258] : memref<32x1000000xf32, #tpu.memory_space<hbm>> -> memref<32x128xf32, #tpu.memory_space<hbm>>
        tpu.wait_dma2 semaphore(%arg21 : memref<!tpu.dma_semaphore, #tpu.memory_space<semaphore_mem>>) src(%dma_wait3A_259 : memref<32x128xf32, #tpu.memory_space<hbm>>) dst(%dma_wait3A_256 : memref<32x128xf32, #tpu.memory_space<vmem>>)
        %broadcast_in_dim3A = vector.broadcast %sub3A_170 : i32 to vector<16xi32>
        %gather3A = tpu.vector_load_idx %arg12[%broadcast_in_dim3A] : memref<512xi32, #tpu.memory_space<vmem>>[vector<16xi32>], vector<16xi32>,
        %and3A_260 = arith.constant 127 : i32
        %and3A_261 = vector.broadcast %and3A_260 : i32 to vector<16xi32>
        %and3A_262 = arith.andi %gather3A, %and3A_261 : vector<16xi32>
        %broadcast_in_dim3A_263 = vector.broadcast %sub3A_170 : i32 to vector<16xi32>
        %gather3A_264 = tpu.vector_load_idx %arg13[%broadcast_in_dim3A_263] : memref<512xi32, #tpu.memory_space<vmem>>[vector<16xi32>], vector<16xi32>,
        %and3A_265 = arith.constant 127 : i32
        %and3A_266 = vector.broadcast %and3A_265 : i32 to vector<16xi32>
        %and3A_267 = arith.andi %gather3A_264, %and3A_266 : vector<16xi32>
        %and3A_268 = arith.constant 127 : i32
        %and3A_269 = arith.andi %sub3A_170, %and3A_268 : i32
        %broadcast_in_dim3A_270 = vector.broadcast %and3A_269 : i32 to vector<16xi32>
        %gather3A_271 = arith.constant 5 : i32
        %gather3A_272 = arith.constant 0 : i32
        %gather3A_273 = arith.constant 0 : i32
        %gather3A_274 = arith.constant 0 : i32
        %gather3A_275 = tpu.memref_slice %arg14[%gather3A_271, %gather3A_272, %gather3A_273, %gather3A_274] : memref<6x4x32x128xf32, #tpu.memory_space<vmem>> -> memref<1x1x32x128xf32, #tpu.memory_space<vmem>>
        %gather3A_276 = tpu.memref_squeeze %gather3A_275 : memref<1x1x32x128xf32, #tpu.memory_space<vmem>> -> memref<32x128xf32, #tpu.memory_space<vmem>>
        %gather3A_277 = tpu.vector_load_idx %gather3A_276[%iota3A, %and3A_262] : memref<32x128xf32, #tpu.memory_space<vmem>>[vector<16xi32>, vector<16xi32>], vector<16xf32>,
        %gather3A_278 = arith.constant 5 : i32
        %gather3A_279 = arith.constant 0 : i32
        %gather3A_280 = arith.constant 0 : i32
        %gather3A_281 = arith.constant 0 : i32
        %gather3A_282 = tpu.memref_slice %arg14[%gather3A_278, %gather3A_279, %gather3A_280, %gather3A_281] : memref<6x4x32x128xf32, #tpu.memory_space<vmem>> -> memref<1x1x32x128xf32, #tpu.memory_space<vmem>>
        %gather3A_283 = tpu.memref_squeeze %gather3A_282 : memref<1x1x32x128xf32, #tpu.memory_space<vmem>> -> memref<32x128xf32, #tpu.memory_space<vmem>>
        %gather3A_284 = tpu.vector_load_idx %gather3A_283[%add3A_5, %and3A_262] : memref<32x128xf32, #tpu.memory_space<vmem>>[vector<16xi32>, vector<16xi32>], vector<16xf32>,
        %scatter3A = arith.constant 0 : i32
        %scatter3A_285 = arith.constant 0 : i32
        %scatter3A_286 = arith.constant 0 : i32
        %scatter3A_287 = tpu.memref_slice %arg15[%scatter3A, %scatter3A_285, %scatter3A_286] : memref<4x32x128xf32, #tpu.memory_space<vmem>> -> memref<1x32x128xf32, #tpu.memory_space<vmem>>
        %scatter3A_288 = tpu.memref_squeeze %scatter3A_287 : memref<1x32x128xf32, #tpu.memory_space<vmem>> -> memref<32x128xf32, #tpu.memory_space<vmem>>
        tpu.vector_store_idx %scatter3A_288[%iota3A, %broadcast_in_dim3A_270], %gather3A_277 : memref<32x128xf32, #tpu.memory_space<vmem>>[vector<16xi32>, vector<16xi32>], vector<16xf32>,
        %scatter3A_289 = arith.constant 0 : i32
        %scatter3A_290 = arith.constant 0 : i32
        %scatter3A_291 = arith.constant 0 : i32
        %scatter3A_292 = tpu.memref_slice %arg15[%scatter3A_289, %scatter3A_290, %scatter3A_291] : memref<4x32x128xf32, #tpu.memory_space<vmem>> -> memref<1x32x128xf32, #tpu.memory_space<vmem>>
        %scatter3A_293 = tpu.memref_squeeze %scatter3A_292 : memref<1x32x128xf32, #tpu.memory_space<vmem>> -> memref<32x128xf32, #tpu.memory_space<vmem>>
        tpu.vector_store_idx %scatter3A_293[%add3A_5, %broadcast_in_dim3A_270], %gather3A_284 : memref<32x128xf32, #tpu.memory_space<vmem>>[vector<16xi32>, vector<16xi32>], vector<16xf32>,
        %gather3A_294 = arith.constant 5 : i32
        %gather3A_295 = arith.constant 1 : i32
        %gather3A_296 = arith.constant 0 : i32
        %gather3A_297 = arith.constant 0 : i32
        %gather3A_298 = tpu.memref_slice %arg14[%gather3A_294, %gather3A_295, %gather3A_296, %gather3A_297] : memref<6x4x32x128xf32, #tpu.memory_space<vmem>> -> memref<1x1x32x128xf32, #tpu.memory_space<vmem>>
        %gather3A_299 = tpu.memref_squeeze %gather3A_298 : memref<1x1x32x128xf32, #tpu.memory_space<vmem>> -> memref<32x128xf32, #tpu.memory_space<vmem>>
        %gather3A_300 = tpu.vector_load_idx %gather3A_299[%iota3A, %and3A_267] : memref<32x128xf32, #tpu.memory_space<vmem>>[vector<16xi32>, vector<16xi32>], vector<16xf32>,
        %gather3A_301 = arith.constant 5 : i32
        %gather3A_302 = arith.constant 1 : i32
        %gather3A_303 = arith.constant 0 : i32
        %gather3A_304 = arith.constant 0 : i32
        %gather3A_305 = tpu.memref_slice %arg14[%gather3A_301, %gather3A_302, %gather3A_303, %gather3A_304] : memref<6x4x32x128xf32, #tpu.memory_space<vmem>> -> memref<1x1x32x128xf32, #tpu.memory_space<vmem>>
        %gather3A_306 = tpu.memref_squeeze %gather3A_305 : memref<1x1x32x128xf32, #tpu.memory_space<vmem>> -> memref<32x128xf32, #tpu.memory_space<vmem>>
        %gather3A_307 = tpu.vector_load_idx %gather3A_306[%add3A_5, %and3A_267] : memref<32x128xf32, #tpu.memory_space<vmem>>[vector<16xi32>, vector<16xi32>], vector<16xf32>,
        %scatter3A_308 = arith.constant 1 : i32
        %scatter3A_309 = arith.constant 0 : i32
        %scatter3A_310 = arith.constant 0 : i32
        %scatter3A_311 = tpu.memref_slice %arg15[%scatter3A_308, %scatter3A_309, %scatter3A_310] : memref<4x32x128xf32, #tpu.memory_space<vmem>> -> memref<1x32x128xf32, #tpu.memory_space<vmem>>
        %scatter3A_312 = tpu.memref_squeeze %scatter3A_311 : memref<1x32x128xf32, #tpu.memory_space<vmem>> -> memref<32x128xf32, #tpu.memory_space<vmem>>
        tpu.vector_store_idx %scatter3A_312[%iota3A, %broadcast_in_dim3A_270], %gather3A_300 : memref<32x128xf32, #tpu.memory_space<vmem>>[vector<16xi32>, vector<16xi32>], vector<16xf32>,
        %scatter3A_313 = arith.constant 1 : i32
        %scatter3A_314 = arith.constant 0 : i32
        %scatter3A_315 = arith.constant 0 : i32
        %scatter3A_316 = tpu.memref_slice %arg15[%scatter3A_313, %scatter3A_314, %scatter3A_315] : memref<4x32x128xf32, #tpu.memory_space<vmem>> -> memref<1x32x128xf32, #tpu.memory_space<vmem>>
        %scatter3A_317 = tpu.memref_squeeze %scatter3A_316 : memref<1x32x128xf32, #tpu.memory_space<vmem>> -> memref<32x128xf32, #tpu.memory_space<vmem>>
        tpu.vector_store_idx %scatter3A_317[%add3A_5, %broadcast_in_dim3A_270], %gather3A_307 : memref<32x128xf32, #tpu.memory_space<vmem>>[vector<16xi32>, vector<16xi32>], vector<16xf32>,
        %gather3A_318 = arith.constant 5 : i32
        %gather3A_319 = arith.constant 2 : i32
        %gather3A_320 = arith.constant 0 : i32
        %gather3A_321 = arith.constant 0 : i32
        %gather3A_322 = tpu.memref_slice %arg14[%gather3A_318, %gather3A_319, %gather3A_320, %gather3A_321] : memref<6x4x32x128xf32, #tpu.memory_space<vmem>> -> memref<1x1x32x128xf32, #tpu.memory_space<vmem>>
        %gather3A_323 = tpu.memref_squeeze %gather3A_322 : memref<1x1x32x128xf32, #tpu.memory_space<vmem>> -> memref<32x128xf32, #tpu.memory_space<vmem>>
        %gather3A_324 = tpu.vector_load_idx %gather3A_323[%iota3A, %and3A_262] : memref<32x128xf32, #tpu.memory_space<vmem>>[vector<16xi32>, vector<16xi32>], vector<16xf32>,
        %gather3A_325 = arith.constant 5 : i32
        %gather3A_326 = arith.constant 2 : i32
        %gather3A_327 = arith.constant 0 : i32
        %gather3A_328 = arith.constant 0 : i32
        %gather3A_329 = tpu.memref_slice %arg14[%gather3A_325, %gather3A_326, %gather3A_327, %gather3A_328] : memref<6x4x32x128xf32, #tpu.memory_space<vmem>> -> memref<1x1x32x128xf32, #tpu.memory_space<vmem>>
        %gather3A_330 = tpu.memref_squeeze %gather3A_329 : memref<1x1x32x128xf32, #tpu.memory_space<vmem>> -> memref<32x128xf32, #tpu.memory_space<vmem>>
        %gather3A_331 = tpu.vector_load_idx %gather3A_330[%add3A_5, %and3A_262] : memref<32x128xf32, #tpu.memory_space<vmem>>[vector<16xi32>, vector<16xi32>], vector<16xf32>,
        %scatter3A_332 = arith.constant 2 : i32
        %scatter3A_333 = arith.constant 0 : i32
        %scatter3A_334 = arith.constant 0 : i32
        %scatter3A_335 = tpu.memref_slice %arg15[%scatter3A_332, %scatter3A_333, %scatter3A_334] : memref<4x32x128xf32, #tpu.memory_space<vmem>> -> memref<1x32x128xf32, #tpu.memory_space<vmem>>
        %scatter3A_336 = tpu.memref_squeeze %scatter3A_335 : memref<1x32x128xf32, #tpu.memory_space<vmem>> -> memref<32x128xf32, #tpu.memory_space<vmem>>
        tpu.vector_store_idx %scatter3A_336[%iota3A, %broadcast_in_dim3A_270], %gather3A_324 : memref<32x128xf32, #tpu.memory_space<vmem>>[vector<16xi32>, vector<16xi32>], vector<16xf32>,
        %scatter3A_337 = arith.constant 2 : i32
        %scatter3A_338 = arith.constant 0 : i32
        %scatter3A_339 = arith.constant 0 : i32
        %scatter3A_340 = tpu.memref_slice %arg15[%scatter3A_337, %scatter3A_338, %scatter3A_339] : memref<4x32x128xf32, #tpu.memory_space<vmem>> -> memref<1x32x128xf32, #tpu.memory_space<vmem>>
        %scatter3A_341 = tpu.memref_squeeze %scatter3A_340 : memref<1x32x128xf32, #tpu.memory_space<vmem>> -> memref<32x128xf32, #tpu.memory_space<vmem>>
        tpu.vector_store_idx %scatter3A_341[%add3A_5, %broadcast_in_dim3A_270], %gather3A_331 : memref<32x128xf32, #tpu.memory_space<vmem>>[vector<16xi32>, vector<16xi32>], vector<16xf32>,
        %gather3A_342 = arith.constant 5 : i32
        %gather3A_343 = arith.constant 3 : i32
        %gather3A_344 = arith.constant 0 : i32
        %gather3A_345 = arith.constant 0 : i32
        %gather3A_346 = tpu.memref_slice %arg14[%gather3A_342, %gather3A_343, %gather3A_344, %gather3A_345] : memref<6x4x32x128xf32, #tpu.memory_space<vmem>> -> memref<1x1x32x128xf32, #tpu.memory_space<vmem>>
        %gather3A_347 = tpu.memref_squeeze %gather3A_346 : memref<1x1x32x128xf32, #tpu.memory_space<vmem>> -> memref<32x128xf32, #tpu.memory_space<vmem>>
        %gather3A_348 = tpu.vector_load_idx %gather3A_347[%iota3A, %and3A_267] : memref<32x128xf32, #tpu.memory_space<vmem>>[vector<16xi32>, vector<16xi32>], vector<16xf32>,
        %gather3A_349 = arith.constant 5 : i32
        %gather3A_350 = arith.constant 3 : i32
        %gather3A_351 = arith.constant 0 : i32
        %gather3A_352 = arith.constant 0 : i32
        %gather3A_353 = tpu.memref_slice %arg14[%gather3A_349, %gather3A_350, %gather3A_351, %gather3A_352] : memref<6x4x32x128xf32, #tpu.memory_space<vmem>> -> memref<1x1x32x128xf32, #tpu.memory_space<vmem>>
        %gather3A_354 = tpu.memref_squeeze %gather3A_353 : memref<1x1x32x128xf32, #tpu.memory_space<vmem>> -> memref<32x128xf32, #tpu.memory_space<vmem>>
        %gather3A_355 = tpu.vector_load_idx %gather3A_354[%add3A_5, %and3A_267] : memref<32x128xf32, #tpu.memory_space<vmem>>[vector<16xi32>, vector<16xi32>], vector<16xf32>,
        %scatter3A_356 = arith.constant 3 : i32
        %scatter3A_357 = arith.constant 0 : i32
        %scatter3A_358 = arith.constant 0 : i32
        %scatter3A_359 = tpu.memref_slice %arg15[%scatter3A_356, %scatter3A_357, %scatter3A_358] : memref<4x32x128xf32, #tpu.memory_space<vmem>> -> memref<1x32x128xf32, #tpu.memory_space<vmem>>
        %scatter3A_360 = tpu.memref_squeeze %scatter3A_359 : memref<1x32x128xf32, #tpu.memory_space<vmem>> -> memref<32x128xf32, #tpu.memory_space<vmem>>
        tpu.vector_store_idx %scatter3A_360[%iota3A, %broadcast_in_dim3A_270], %gather3A_348 : memref<32x128xf32, #tpu.memory_space<vmem>>[vector<16xi32>, vector<16xi32>], vector<16xf32>,
        %scatter3A_361 = arith.constant 3 : i32
        %scatter3A_362 = arith.constant 0 : i32
        %scatter3A_363 = arith.constant 0 : i32
        %scatter3A_364 = tpu.memref_slice %arg15[%scatter3A_361, %scatter3A_362, %scatter3A_363] : memref<4x32x128xf32, #tpu.memory_space<vmem>> -> memref<1x32x128xf32, #tpu.memory_space<vmem>>
        %scatter3A_365 = tpu.memref_squeeze %scatter3A_364 : memref<1x32x128xf32, #tpu.memory_space<vmem>> -> memref<32x128xf32, #tpu.memory_space<vmem>>
        tpu.vector_store_idx %scatter3A_365[%add3A_5, %broadcast_in_dim3A_270], %gather3A_355 : memref<32x128xf32, #tpu.memory_space<vmem>>[vector<16xi32>, vector<16xi32>], vector<16xf32>,
      } else {
      }
      %lt3A_179 = arith.constant 512 : i32
      %lt3A_180 = arith.cmpi slt, %add3A_168, %lt3A_179 : i32
      %convert_element_type3A_181 = arith.extui %lt3A_180 : i1 to i32
      %cond3A_182 = arith.constant 0 : i32
      %cond3A_183 = arith.cmpi ne, %convert_element_type3A_181, %cond3A_182 : i32
      scf.if %cond3A_183 {
        %broadcast_in_dim3A = vector.broadcast %add3A_168 : i32 to vector<16xi32>
        %gather3A = tpu.vector_load_idx %arg12[%broadcast_in_dim3A] : memref<512xi32, #tpu.memory_space<vmem>>[vector<16xi32>], vector<16xi32>,
        %reduce_max3A = arith.constant true
        %reduce_max3A_197 = vector.broadcast %reduce_max3A : i1 to vector<16xi1>
        %reduce_max3A_198 = arith.constant -2147483648 : i32
        %reduce_max3A_199 = vector.broadcast %reduce_max3A_198 : i32 to vector<16xi32>
        %reduce_max3A_200 = arith.xori %gather3A, %reduce_max3A_199 : vector<16xi32>
        %reduce_max3A_201 = tpu.scan <max>, %reduce_max3A_200 masked %reduce_max3A_197 : vector<16xi32>, vector<16xi1> -> vector<16xi32>
        %reduce_max3A_202 = arith.xori %reduce_max3A_201, %reduce_max3A_199 : vector<16xi32>
        %reduce_max3A_203 = vector.extract %reduce_max3A_202[15] : i32 from vector<16xi32>
        %broadcast_in_dim3A_204 = vector.broadcast %add3A_168 : i32 to vector<16xi32>
        %gather3A_205 = tpu.vector_load_idx %arg13[%broadcast_in_dim3A_204] : memref<512xi32, #tpu.memory_space<vmem>>[vector<16xi32>], vector<16xi32>,
        %reduce_max3A_206 = arith.constant true
        %reduce_max3A_207 = vector.broadcast %reduce_max3A_206 : i1 to vector<16xi1>
        %reduce_max3A_208 = arith.constant -2147483648 : i32
        %reduce_max3A_209 = vector.broadcast %reduce_max3A_208 : i32 to vector<16xi32>
        %reduce_max3A_210 = arith.xori %gather3A_205, %reduce_max3A_209 : vector<16xi32>
        %reduce_max3A_211 = tpu.scan <max>, %reduce_max3A_210 masked %reduce_max3A_207 : vector<16xi32>, vector<16xi1> -> vector<16xi32>
        %reduce_max3A_212 = arith.xori %reduce_max3A_211, %reduce_max3A_209 : vector<16xi32>
        %reduce_max3A_213 = vector.extract %reduce_max3A_212[15] : i32 from vector<16xi32>
        %and3A_214 = arith.constant -128 : i32
        %and3A_215 = arith.andi %reduce_max3A_203, %and3A_214 : i32
        %multiple_of3A = tpu.assume_multiple %and3A_215, 128 : i32
        %and3A_216 = arith.constant -128 : i32
        %and3A_217 = arith.andi %reduce_max3A_213, %and3A_216 : i32
        %multiple_of3A_218 = tpu.assume_multiple %and3A_217, 128 : i32
        %dma_start3A = arith.constant 5 : i32
        %dma_start3A_219 = arith.constant 0 : i32
        %dma_start3A_220 = arith.constant 0 : i32
        %dma_start3A_221 = arith.constant 0 : i32
        %dma_start3A_222 = tpu.memref_slice %arg14[%dma_start3A, %dma_start3A_219, %dma_start3A_220, %dma_start3A_221] : memref<6x4x32x128xf32, #tpu.memory_space<vmem>> -> memref<1x1x32x128xf32, #tpu.memory_space<vmem>>
        %dma_start3A_223 = tpu.memref_squeeze %dma_start3A_222 : memref<1x1x32x128xf32, #tpu.memory_space<vmem>> -> memref<32x128xf32, #tpu.memory_space<vmem>>
        %dma_start3A_224 = arith.constant 0 : i32
        %dma_start3A_225 = tpu.memref_slice %arg4[%dma_start3A_224, %multiple_of3A] : memref<32x1000000xf32, #tpu.memory_space<hbm>> -> memref<32x128xf32, #tpu.memory_space<hbm>>
        %dma_start3A_226 = arith.constant 0 : i32
        %dma_start3A_227 = arith.constant 0 : i32
        %dma_start3A_228 = tpu.memref_slice %arg14[%dma_start3A, %dma_start3A_219, %dma_start3A_226, %dma_start3A_227] : memref<6x4x32x128xf32, #tpu.memory_space<vmem>> -> memref<1x1x32x128xf32, #tpu.memory_space<vmem>>
        %dma_start3A_229 = tpu.memref_squeeze %dma_start3A_228 : memref<1x1x32x128xf32, #tpu.memory_space<vmem>> -> memref<32x128xf32, #tpu.memory_space<vmem>>
        %dma_start3A_230 = arith.constant 0 : i32
        %dma_start3A_231 = tpu.memref_slice %arg4[%dma_start3A_230, %multiple_of3A] : memref<32x1000000xf32, #tpu.memory_space<hbm>> -> memref<32x128xf32, #tpu.memory_space<hbm>>
        tpu.enqueue_dma source(%dma_start3A_231 : memref<32x128xf32, #tpu.memory_space<hbm>>) target(%dma_start3A_229 : memref<32x128xf32, #tpu.memory_space<vmem>>) target_semaphore(%arg21 : memref<!tpu.dma_semaphore, #tpu.memory_space<semaphore_mem>>)
        %dma_start3A_232 = arith.constant 5 : i32
        %dma_start3A_233 = arith.constant 1 : i32
        %dma_start3A_234 = arith.constant 0 : i32
        %dma_start3A_235 = arith.constant 0 : i32
        %dma_start3A_236 = tpu.memref_slice %arg14[%dma_start3A_232, %dma_start3A_233, %dma_start3A_234, %dma_start3A_235] : memref<6x4x32x128xf32, #tpu.memory_space<vmem>> -> memref<1x1x32x128xf32, #tpu.memory_space<vmem>>
        %dma_start3A_237 = tpu.memref_squeeze %dma_start3A_236 : memref<1x1x32x128xf32, #tpu.memory_space<vmem>> -> memref<32x128xf32, #tpu.memory_space<vmem>>
        %dma_start3A_238 = arith.constant 0 : i32
        %dma_start3A_239 = tpu.memref_slice %arg5[%dma_start3A_238, %multiple_of3A_218] : memref<32x1000000xf32, #tpu.memory_space<hbm>> -> memref<32x128xf32, #tpu.memory_space<hbm>>
        %dma_start3A_240 = arith.constant 0 : i32
        %dma_start3A_241 = arith.constant 0 : i32
        %dma_start3A_242 = tpu.memref_slice %arg14[%dma_start3A_232, %dma_start3A_233, %dma_start3A_240, %dma_start3A_241] : memref<6x4x32x128xf32, #tpu.memory_space<vmem>> -> memref<1x1x32x128xf32, #tpu.memory_space<vmem>>
        %dma_start3A_243 = tpu.memref_squeeze %dma_start3A_242 : memref<1x1x32x128xf32, #tpu.memory_space<vmem>> -> memref<32x128xf32, #tpu.memory_space<vmem>>
        %dma_start3A_244 = arith.constant 0 : i32
        %dma_start3A_245 = tpu.memref_slice %arg5[%dma_start3A_244, %multiple_of3A_218] : memref<32x1000000xf32, #tpu.memory_space<hbm>> -> memref<32x128xf32, #tpu.memory_space<hbm>>
        tpu.enqueue_dma source(%dma_start3A_245 : memref<32x128xf32, #tpu.memory_space<hbm>>) target(%dma_start3A_243 : memref<32x128xf32, #tpu.memory_space<vmem>>) target_semaphore(%arg21 : memref<!tpu.dma_semaphore, #tpu.memory_space<semaphore_mem>>)
        %dma_start3A_246 = arith.constant 5 : i32
        %dma_start3A_247 = arith.constant 2 : i32
        %dma_start3A_248 = arith.constant 0 : i32
        %dma_start3A_249 = arith.constant 0 : i32
        %dma_start3A_250 = tpu.memref_slice %arg14[%dma_start3A_246, %dma_start3A_247, %dma_start3A_248, %dma_start3A_249] : memref<6x4x32x128xf32, #tpu.memory_space<vmem>> -> memref<1x1x32x128xf32, #tpu.memory_space<vmem>>
        %dma_start3A_251 = tpu.memref_squeeze %dma_start3A_250 : memref<1x1x32x128xf32, #tpu.memory_space<vmem>> -> memref<32x128xf32, #tpu.memory_space<vmem>>
        %dma_start3A_252 = arith.constant 0 : i32
        %dma_start3A_253 = tpu.memref_slice %arg6[%dma_start3A_252, %multiple_of3A] : memref<32x1000000xf32, #tpu.memory_space<hbm>> -> memref<32x128xf32, #tpu.memory_space<hbm>>
        %dma_start3A_254 = arith.constant 0 : i32
        %dma_start3A_255 = arith.constant 0 : i32
        %dma_start3A_256 = tpu.memref_slice %arg14[%dma_start3A_246, %dma_start3A_247, %dma_start3A_254, %dma_start3A_255] : memref<6x4x32x128xf32, #tpu.memory_space<vmem>> -> memref<1x1x32x128xf32, #tpu.memory_space<vmem>>
        %dma_start3A_257 = tpu.memref_squeeze %dma_start3A_256 : memref<1x1x32x128xf32, #tpu.memory_space<vmem>> -> memref<32x128xf32, #tpu.memory_space<vmem>>
        %dma_start3A_258 = arith.constant 0 : i32
        %dma_start3A_259 = tpu.memref_slice %arg6[%dma_start3A_258, %multiple_of3A] : memref<32x1000000xf32, #tpu.memory_space<hbm>> -> memref<32x128xf32, #tpu.memory_space<hbm>>
        tpu.enqueue_dma source(%dma_start3A_259 : memref<32x128xf32, #tpu.memory_space<hbm>>) target(%dma_start3A_257 : memref<32x128xf32, #tpu.memory_space<vmem>>) target_semaphore(%arg21 : memref<!tpu.dma_semaphore, #tpu.memory_space<semaphore_mem>>)
        %dma_start3A_260 = arith.constant 5 : i32
        %dma_start3A_261 = arith.constant 3 : i32
        %dma_start3A_262 = arith.constant 0 : i32
        %dma_start3A_263 = arith.constant 0 : i32
        %dma_start3A_264 = tpu.memref_slice %arg14[%dma_start3A_260, %dma_start3A_261, %dma_start3A_262, %dma_start3A_263] : memref<6x4x32x128xf32, #tpu.memory_space<vmem>> -> memref<1x1x32x128xf32, #tpu.memory_space<vmem>>
        %dma_start3A_265 = tpu.memref_squeeze %dma_start3A_264 : memref<1x1x32x128xf32, #tpu.memory_space<vmem>> -> memref<32x128xf32, #tpu.memory_space<vmem>>
        %dma_start3A_266 = arith.constant 0 : i32
        %dma_start3A_267 = tpu.memref_slice %arg7[%dma_start3A_266, %multiple_of3A_218] : memref<32x1000000xf32, #tpu.memory_space<hbm>> -> memref<32x128xf32, #tpu.memory_space<hbm>>
        %dma_start3A_268 = arith.constant 0 : i32
        %dma_start3A_269 = arith.constant 0 : i32
        %dma_start3A_270 = tpu.memref_slice %arg14[%dma_start3A_260, %dma_start3A_261, %dma_start3A_268, %dma_start3A_269] : memref<6x4x32x128xf32, #tpu.memory_space<vmem>> -> memref<1x1x32x128xf32, #tpu.memory_space<vmem>>
        %dma_start3A_271 = tpu.memref_squeeze %dma_start3A_270 : memref<1x1x32x128xf32, #tpu.memory_space<vmem>> -> memref<32x128xf32, #tpu.memory_space<vmem>>
        %dma_start3A_272 = arith.constant 0 : i32
        %dma_start3A_273 = tpu.memref_slice %arg7[%dma_start3A_272, %multiple_of3A_218] : memref<32x1000000xf32, #tpu.memory_space<hbm>> -> memref<32x128xf32, #tpu.memory_space<hbm>>
        tpu.enqueue_dma source(%dma_start3A_273 : memref<32x128xf32, #tpu.memory_space<hbm>>) target(%dma_start3A_271 : memref<32x128xf32, #tpu.memory_space<vmem>>) target_semaphore(%arg21 : memref<!tpu.dma_semaphore, #tpu.memory_space<semaphore_mem>>)
      } else {
      }
      %ge3A_184 = arith.constant 0 : i32
      %ge3A_185 = arith.cmpi sge, %sub3A_170, %ge3A_184 : i32
      %lt3A_186 = arith.constant 512 : i32
      %lt3A_187 = arith.cmpi slt, %sub3A_170, %lt3A_186 : i32
      %and3A_188 = arith.andi %ge3A_185, %lt3A_187 : i1
      %and3A_189 = arith.constant 127 : i32
      %and3A_190 = arith.andi %sub3A_170, %and3A_189 : i32
      %eq3A_191 = arith.constant 127 : i32
      %eq3A_192 = arith.cmpi eq, %and3A_190, %eq3A_191 : i32
      %and3A_193 = arith.andi %and3A_188, %eq3A_192 : i1
      %convert_element_type3A_194 = arith.extui %and3A_193 : i1 to i32
      %cond3A_195 = arith.constant 0 : i32
      %cond3A_196 = arith.cmpi ne, %convert_element_type3A_194, %cond3A_195 : i32
      scf.if %cond3A_196 {
        %sub3A_197 = arith.constant 127 : i32
        %sub3A_198 = arith.subi %sub3A_170, %sub3A_197 : i32
        %add3A_199 = arith.addi %mul3A_2, %sub3A_198 : i32
        %multiple_of3A = tpu.assume_multiple %add3A_199, 128 : i32
        %run_scoped3A = arith.constant 0 : i32
        "tpu.region"() ({
          %run_scoped3A_203 = tpu.sem_alloc : memref<!tpu.dma_semaphore, #tpu.memory_space<semaphore_mem>>
          %dma_start3A = arith.constant 0 : i32
          %dma_start3A_204 = arith.constant 0 : i32
          %dma_start3A_205 = tpu.memref_slice %arg15[%run_scoped3A, %dma_start3A, %dma_start3A_204] : memref<4x32x128xf32, #tpu.memory_space<vmem>> -> memref<1x32x128xf32, #tpu.memory_space<vmem>>
          %dma_start3A_206 = tpu.memref_squeeze %dma_start3A_205 : memref<1x32x128xf32, #tpu.memory_space<vmem>> -> memref<32x128xf32, #tpu.memory_space<vmem>>
          %dma_start3A_207 = arith.constant 0 : i32
          %dma_start3A_208 = tpu.memref_slice %arg8[%dma_start3A_207, %multiple_of3A] : memref<32x16384xf32, #tpu.memory_space<hbm>> -> memref<32x128xf32, #tpu.memory_space<hbm>>
          %dma_start3A_209 = arith.constant 0 : i32
          %dma_start3A_210 = tpu.memref_slice %arg8[%dma_start3A_209, %multiple_of3A] : memref<32x16384xf32, #tpu.memory_space<hbm>> -> memref<32x128xf32, #tpu.memory_space<hbm>>
          %dma_start3A_211 = arith.constant 0 : i32
          %dma_start3A_212 = arith.constant 0 : i32
          %dma_start3A_213 = tpu.memref_slice %arg15[%run_scoped3A, %dma_start3A_211, %dma_start3A_212] : memref<4x32x128xf32, #tpu.memory_space<vmem>> -> memref<1x32x128xf32, #tpu.memory_space<vmem>>
          %dma_start3A_214 = tpu.memref_squeeze %dma_start3A_213 : memref<1x32x128xf32, #tpu.memory_space<vmem>> -> memref<32x128xf32, #tpu.memory_space<vmem>>
          tpu.enqueue_dma source(%dma_start3A_214 : memref<32x128xf32, #tpu.memory_space<vmem>>) target(%dma_start3A_210 : memref<32x128xf32, #tpu.memory_space<hbm>>) target_semaphore(%run_scoped3A_203 : memref<!tpu.dma_semaphore, #tpu.memory_space<semaphore_mem>>)
          %dma_wait3A = arith.constant 0 : i32
          %dma_wait3A_215 = arith.constant 0 : i32
          %dma_wait3A_216 = tpu.memref_slice %arg15[%run_scoped3A, %dma_wait3A, %dma_wait3A_215] : memref<4x32x128xf32, #tpu.memory_space<vmem>> -> memref<1x32x128xf32, #tpu.memory_space<vmem>>
          %dma_wait3A_217 = tpu.memref_squeeze %dma_wait3A_216 : memref<1x32x128xf32, #tpu.memory_space<vmem>> -> memref<32x128xf32, #tpu.memory_space<vmem>>
          %dma_wait3A_218 = arith.constant 0 : i32
          %dma_wait3A_219 = tpu.memref_slice %arg8[%dma_wait3A_218, %multiple_of3A] : memref<32x16384xf32, #tpu.memory_space<hbm>> -> memref<32x128xf32, #tpu.memory_space<hbm>>
          %dma_wait3A_220 = arith.constant 0 : i32
          %dma_wait3A_221 = tpu.memref_slice %arg8[%dma_wait3A_220, %multiple_of3A] : memref<32x16384xf32, #tpu.memory_space<hbm>> -> memref<32x128xf32, #tpu.memory_space<hbm>>
          %dma_wait3A_222 = arith.constant 0 : i32
          %dma_wait3A_223 = arith.constant 0 : i32
          %dma_wait3A_224 = tpu.memref_slice %arg15[%run_scoped3A, %dma_wait3A_222, %dma_wait3A_223] : memref<4x32x128xf32, #tpu.memory_space<vmem>> -> memref<1x32x128xf32, #tpu.memory_space<vmem>>
          %dma_wait3A_225 = tpu.memref_squeeze %dma_wait3A_224 : memref<1x32x128xf32, #tpu.memory_space<vmem>> -> memref<32x128xf32, #tpu.memory_space<vmem>>
          tpu.wait_dma2 semaphore(%run_scoped3A_203 : memref<!tpu.dma_semaphore, #tpu.memory_space<semaphore_mem>>) src(%dma_wait3A_225 : memref<32x128xf32, #tpu.memory_space<vmem>>) dst(%dma_wait3A_221 : memref<32x128xf32, #tpu.memory_space<hbm>>)
          tpu.yield
        }) : () -> ()
        %run_scoped3A_200 = arith.constant 1 : i32
        "tpu.region"() ({
          %run_scoped3A_203 = tpu.sem_alloc : memref<!tpu.dma_semaphore, #tpu.memory_space<semaphore_mem>>
          %dma_start3A = arith.constant 0 : i32
          %dma_start3A_204 = arith.constant 0 : i32
          %dma_start3A_205 = tpu.memref_slice %arg15[%run_scoped3A_200, %dma_start3A, %dma_start3A_204] : memref<4x32x128xf32, #tpu.memory_space<vmem>> -> memref<1x32x128xf32, #tpu.memory_space<vmem>>
          %dma_start3A_206 = tpu.memref_squeeze %dma_start3A_205 : memref<1x32x128xf32, #tpu.memory_space<vmem>> -> memref<32x128xf32, #tpu.memory_space<vmem>>
          %dma_start3A_207 = arith.constant 0 : i32
          %dma_start3A_208 = tpu.memref_slice %arg9[%dma_start3A_207, %multiple_of3A] : memref<32x16384xf32, #tpu.memory_space<hbm>> -> memref<32x128xf32, #tpu.memory_space<hbm>>
          %dma_start3A_209 = arith.constant 0 : i32
          %dma_start3A_210 = tpu.memref_slice %arg9[%dma_start3A_209, %multiple_of3A] : memref<32x16384xf32, #tpu.memory_space<hbm>> -> memref<32x128xf32, #tpu.memory_space<hbm>>
          %dma_start3A_211 = arith.constant 0 : i32
          %dma_start3A_212 = arith.constant 0 : i32
          %dma_start3A_213 = tpu.memref_slice %arg15[%run_scoped3A_200, %dma_start3A_211, %dma_start3A_212] : memref<4x32x128xf32, #tpu.memory_space<vmem>> -> memref<1x32x128xf32, #tpu.memory_space<vmem>>
          %dma_start3A_214 = tpu.memref_squeeze %dma_start3A_213 : memref<1x32x128xf32, #tpu.memory_space<vmem>> -> memref<32x128xf32, #tpu.memory_space<vmem>>
          tpu.enqueue_dma source(%dma_start3A_214 : memref<32x128xf32, #tpu.memory_space<vmem>>) target(%dma_start3A_210 : memref<32x128xf32, #tpu.memory_space<hbm>>) target_semaphore(%run_scoped3A_203 : memref<!tpu.dma_semaphore, #tpu.memory_space<semaphore_mem>>)
          %dma_wait3A = arith.constant 0 : i32
          %dma_wait3A_215 = arith.constant 0 : i32
          %dma_wait3A_216 = tpu.memref_slice %arg15[%run_scoped3A_200, %dma_wait3A, %dma_wait3A_215] : memref<4x32x128xf32, #tpu.memory_space<vmem>> -> memref<1x32x128xf32, #tpu.memory_space<vmem>>
          %dma_wait3A_217 = tpu.memref_squeeze %dma_wait3A_216 : memref<1x32x128xf32, #tpu.memory_space<vmem>> -> memref<32x128xf32, #tpu.memory_space<vmem>>
          %dma_wait3A_218 = arith.constant 0 : i32
          %dma_wait3A_219 = tpu.memref_slice %arg9[%dma_wait3A_218, %multiple_of3A] : memref<32x16384xf32, #tpu.memory_space<hbm>> -> memref<32x128xf32, #tpu.memory_space<hbm>>
          %dma_wait3A_220 = arith.constant 0 : i32
          %dma_wait3A_221 = tpu.memref_slice %arg9[%dma_wait3A_220, %multiple_of3A] : memref<32x16384xf32, #tpu.memory_space<hbm>> -> memref<32x128xf32, #tpu.memory_space<hbm>>
          %dma_wait3A_222 = arith.constant 0 : i32
          %dma_wait3A_223 = arith.constant 0 : i32
          %dma_wait3A_224 = tpu.memref_slice %arg15[%run_scoped3A_200, %dma_wait3A_222, %dma_wait3A_223] : memref<4x32x128xf32, #tpu.memory_space<vmem>> -> memref<1x32x128xf32, #tpu.memory_space<vmem>>
          %dma_wait3A_225 = tpu.memref_squeeze %dma_wait3A_224 : memref<1x32x128xf32, #tpu.memory_space<vmem>> -> memref<32x128xf32, #tpu.memory_space<vmem>>
          tpu.wait_dma2 semaphore(%run_scoped3A_203 : memref<!tpu.dma_semaphore, #tpu.memory_space<semaphore_mem>>) src(%dma_wait3A_225 : memref<32x128xf32, #tpu.memory_space<vmem>>) dst(%dma_wait3A_221 : memref<32x128xf32, #tpu.memory_space<hbm>>)
          tpu.yield
        }) : () -> ()
        %run_scoped3A_201 = arith.constant 2 : i32
        "tpu.region"() ({
          %run_scoped3A_203 = tpu.sem_alloc : memref<!tpu.dma_semaphore, #tpu.memory_space<semaphore_mem>>
          %dma_start3A = arith.constant 0 : i32
          %dma_start3A_204 = arith.constant 0 : i32
          %dma_start3A_205 = tpu.memref_slice %arg15[%run_scoped3A_201, %dma_start3A, %dma_start3A_204] : memref<4x32x128xf32, #tpu.memory_space<vmem>> -> memref<1x32x128xf32, #tpu.memory_space<vmem>>
          %dma_start3A_206 = tpu.memref_squeeze %dma_start3A_205 : memref<1x32x128xf32, #tpu.memory_space<vmem>> -> memref<32x128xf32, #tpu.memory_space<vmem>>
          %dma_start3A_207 = arith.constant 0 : i32
          %dma_start3A_208 = tpu.memref_slice %arg10[%dma_start3A_207, %multiple_of3A] : memref<32x16384xf32, #tpu.memory_space<hbm>> -> memref<32x128xf32, #tpu.memory_space<hbm>>
          %dma_start3A_209 = arith.constant 0 : i32
          %dma_start3A_210 = tpu.memref_slice %arg10[%dma_start3A_209, %multiple_of3A] : memref<32x16384xf32, #tpu.memory_space<hbm>> -> memref<32x128xf32, #tpu.memory_space<hbm>>
          %dma_start3A_211 = arith.constant 0 : i32
          %dma_start3A_212 = arith.constant 0 : i32
          %dma_start3A_213 = tpu.memref_slice %arg15[%run_scoped3A_201, %dma_start3A_211, %dma_start3A_212] : memref<4x32x128xf32, #tpu.memory_space<vmem>> -> memref<1x32x128xf32, #tpu.memory_space<vmem>>
          %dma_start3A_214 = tpu.memref_squeeze %dma_start3A_213 : memref<1x32x128xf32, #tpu.memory_space<vmem>> -> memref<32x128xf32, #tpu.memory_space<vmem>>
          tpu.enqueue_dma source(%dma_start3A_214 : memref<32x128xf32, #tpu.memory_space<vmem>>) target(%dma_start3A_210 : memref<32x128xf32, #tpu.memory_space<hbm>>) target_semaphore(%run_scoped3A_203 : memref<!tpu.dma_semaphore, #tpu.memory_space<semaphore_mem>>)
          %dma_wait3A = arith.constant 0 : i32
          %dma_wait3A_215 = arith.constant 0 : i32
          %dma_wait3A_216 = tpu.memref_slice %arg15[%run_scoped3A_201, %dma_wait3A, %dma_wait3A_215] : memref<4x32x128xf32, #tpu.memory_space<vmem>> -> memref<1x32x128xf32, #tpu.memory_space<vmem>>
          %dma_wait3A_217 = tpu.memref_squeeze %dma_wait3A_216 : memref<1x32x128xf32, #tpu.memory_space<vmem>> -> memref<32x128xf32, #tpu.memory_space<vmem>>
          %dma_wait3A_218 = arith.constant 0 : i32
          %dma_wait3A_219 = tpu.memref_slice %arg10[%dma_wait3A_218, %multiple_of3A] : memref<32x16384xf32, #tpu.memory_space<hbm>> -> memref<32x128xf32, #tpu.memory_space<hbm>>
          %dma_wait3A_220 = arith.constant 0 : i32
          %dma_wait3A_221 = tpu.memref_slice %arg10[%dma_wait3A_220, %multiple_of3A] : memref<32x16384xf32, #tpu.memory_space<hbm>> -> memref<32x128xf32, #tpu.memory_space<hbm>>
          %dma_wait3A_222 = arith.constant 0 : i32
          %dma_wait3A_223 = arith.constant 0 : i32
          %dma_wait3A_224 = tpu.memref_slice %arg15[%run_scoped3A_201, %dma_wait3A_222, %dma_wait3A_223] : memref<4x32x128xf32, #tpu.memory_space<vmem>> -> memref<1x32x128xf32, #tpu.memory_space<vmem>>
          %dma_wait3A_225 = tpu.memref_squeeze %dma_wait3A_224 : memref<1x32x128xf32, #tpu.memory_space<vmem>> -> memref<32x128xf32, #tpu.memory_space<vmem>>
          tpu.wait_dma2 semaphore(%run_scoped3A_203 : memref<!tpu.dma_semaphore, #tpu.memory_space<semaphore_mem>>) src(%dma_wait3A_225 : memref<32x128xf32, #tpu.memory_space<vmem>>) dst(%dma_wait3A_221 : memref<32x128xf32, #tpu.memory_space<hbm>>)
          tpu.yield
        }) : () -> ()
        %run_scoped3A_202 = arith.constant 3 : i32
        "tpu.region"() ({
          %run_scoped3A_203 = tpu.sem_alloc : memref<!tpu.dma_semaphore, #tpu.memory_space<semaphore_mem>>
          %dma_start3A = arith.constant 0 : i32
          %dma_start3A_204 = arith.constant 0 : i32
          %dma_start3A_205 = tpu.memref_slice %arg15[%run_scoped3A_202, %dma_start3A, %dma_start3A_204] : memref<4x32x128xf32, #tpu.memory_space<vmem>> -> memref<1x32x128xf32, #tpu.memory_space<vmem>>
          %dma_start3A_206 = tpu.memref_squeeze %dma_start3A_205 : memref<1x32x128xf32, #tpu.memory_space<vmem>> -> memref<32x128xf32, #tpu.memory_space<vmem>>
          %dma_start3A_207 = arith.constant 0 : i32
          %dma_start3A_208 = tpu.memref_slice %arg11[%dma_start3A_207, %multiple_of3A] : memref<32x16384xf32, #tpu.memory_space<hbm>> -> memref<32x128xf32, #tpu.memory_space<hbm>>
          %dma_start3A_209 = arith.constant 0 : i32
          %dma_start3A_210 = tpu.memref_slice %arg11[%dma_start3A_209, %multiple_of3A] : memref<32x16384xf32, #tpu.memory_space<hbm>> -> memref<32x128xf32, #tpu.memory_space<hbm>>
          %dma_start3A_211 = arith.constant 0 : i32
          %dma_start3A_212 = arith.constant 0 : i32
          %dma_start3A_213 = tpu.memref_slice %arg15[%run_scoped3A_202, %dma_start3A_211, %dma_start3A_212] : memref<4x32x128xf32, #tpu.memory_space<vmem>> -> memref<1x32x128xf32, #tpu.memory_space<vmem>>
          %dma_start3A_214 = tpu.memref_squeeze %dma_start3A_213 : memref<1x32x128xf32, #tpu.memory_space<vmem>> -> memref<32x128xf32, #tpu.memory_space<vmem>>
          tpu.enqueue_dma source(%dma_start3A_214 : memref<32x128xf32, #tpu.memory_space<vmem>>) target(%dma_start3A_210 : memref<32x128xf32, #tpu.memory_space<hbm>>) target_semaphore(%run_scoped3A_203 : memref<!tpu.dma_semaphore, #tpu.memory_space<semaphore_mem>>)
          %dma_wait3A = arith.constant 0 : i32
          %dma_wait3A_215 = arith.constant 0 : i32
          %dma_wait3A_216 = tpu.memref_slice %arg15[%run_scoped3A_202, %dma_wait3A, %dma_wait3A_215] : memref<4x32x128xf32, #tpu.memory_space<vmem>> -> memref<1x32x128xf32, #tpu.memory_space<vmem>>
          %dma_wait3A_217 = tpu.memref_squeeze %dma_wait3A_216 : memref<1x32x128xf32, #tpu.memory_space<vmem>> -> memref<32x128xf32, #tpu.memory_space<vmem>>
          %dma_wait3A_218 = arith.constant 0 : i32
          %dma_wait3A_219 = tpu.memref_slice %arg11[%dma_wait3A_218, %multiple_of3A] : memref<32x16384xf32, #tpu.memory_space<hbm>> -> memref<32x128xf32, #tpu.memory_space<hbm>>
          %dma_wait3A_220 = arith.constant 0 : i32
          %dma_wait3A_221 = tpu.memref_slice %arg11[%dma_wait3A_220, %multiple_of3A] : memref<32x16384xf32, #tpu.memory_space<hbm>> -> memref<32x128xf32, #tpu.memory_space<hbm>>
          %dma_wait3A_222 = arith.constant 0 : i32
          %dma_wait3A_223 = arith.constant 0 : i32
          %dma_wait3A_224 = tpu.memref_slice %arg15[%run_scoped3A_202, %dma_wait3A_222, %dma_wait3A_223] : memref<4x32x128xf32, #tpu.memory_space<vmem>> -> memref<1x32x128xf32, #tpu.memory_space<vmem>>
          %dma_wait3A_225 = tpu.memref_squeeze %dma_wait3A_224 : memref<1x32x128xf32, #tpu.memory_space<vmem>> -> memref<32x128xf32, #tpu.memory_space<vmem>>
          tpu.wait_dma2 semaphore(%run_scoped3A_203 : memref<!tpu.dma_semaphore, #tpu.memory_space<semaphore_mem>>) src(%dma_wait3A_225 : memref<32x128xf32, #tpu.memory_space<vmem>>) dst(%dma_wait3A_221 : memref<32x128xf32, #tpu.memory_space<hbm>>)
          tpu.yield
        }) : () -> ()
      } else {
      }
    }
    %scan3A_10 = arith.constant 87 : i32
    return
  }
}

module attributes {stable_mosaic.version = 14 : i64} {
  func.func @_tc_dense_body(%arg0: i32, %arg1: memref<32x4096xf32, #tpu.memory_space<vmem>>, %arg2: memref<32x4096xf32, #tpu.memory_space<vmem>>, %arg3: memref<32x4096xf32, #tpu.memory_space<vmem>>, %arg4: memref<32x4096xf32, #tpu.memory_space<vmem>>, %arg5: memref<32x32xf32, #tpu.memory_space<vmem>>, %arg6: memref<32x32xf32, #tpu.memory_space<vmem>>, %arg7: memref<32x1xf32, #tpu.memory_space<vmem>>, %arg8: memref<16x32xf32, #tpu.memory_space<vmem>>, %arg9: memref<16x1xf32, #tpu.memory_space<vmem>>, %arg10: memref<16x1xf32, #tpu.memory_space<vmem>>, %arg11: memref<32x1xf32, #tpu.memory_space<vmem>>, %arg12: memref<1x1xf32, #tpu.memory_space<vmem>>, %arg13: memref<1x4096xf32, #tpu.memory_space<vmem>>) attributes {dimension_semantics = [#tpu.dimension_semantics<parallel>], iteration_bounds = array<i64: 4>, scalar_prefetch = 0 : i64, scratch_operands = 0 : i64, tpu.core_type = #tpu.core_type<tc>, window_params = [{transform_indices = @transform_0, window_bounds = array<i64: 32, 4096>}, {transform_indices = @transform_1, window_bounds = array<i64: 32, 4096>}, {transform_indices = @transform_2, window_bounds = array<i64: 32, 4096>}, {transform_indices = @transform_3, window_bounds = array<i64: 32, 4096>}, {pipeline_mode = #tpu.pipeline_mode<synchronous>, transform_indices = @transform_4, window_bounds = array<i64: 32, 32>}, {pipeline_mode = #tpu.pipeline_mode<synchronous>, transform_indices = @transform_5, window_bounds = array<i64: 32, 32>}, {pipeline_mode = #tpu.pipeline_mode<synchronous>, transform_indices = @transform_6, window_bounds = array<i64: 32, 1>}, {pipeline_mode = #tpu.pipeline_mode<synchronous>, transform_indices = @transform_7, window_bounds = array<i64: 16, 32>}, {pipeline_mode = #tpu.pipeline_mode<synchronous>, transform_indices = @transform_8, window_bounds = array<i64: 16, 1>}, {pipeline_mode = #tpu.pipeline_mode<synchronous>, transform_indices = @transform_9, window_bounds = array<i64: 16, 1>}, {pipeline_mode = #tpu.pipeline_mode<synchronous>, transform_indices = @transform_10, window_bounds = array<i64: 32, 1>}, {pipeline_mode = #tpu.pipeline_mode<synchronous>, transform_indices = @transform_11, window_bounds = array<i64: 1, 1>}, {transform_indices = @transform_12, window_bounds = array<i64: 1, 4096>}]} {
    %get3A = arith.constant 0 : index
    %get3A_0 = arith.constant 0 : index
    %get3A_1 = vector.load %arg5[%get3A, %get3A_0] : memref<32x32xf32, #tpu.memory_space<vmem>>, vector<32x32xf32>
    %get3A_2 = arith.constant 0 : index
    %get3A_3 = arith.constant 0 : index
    %get3A_4 = vector.load %arg1[%get3A_2, %get3A_3] : memref<32x4096xf32, #tpu.memory_space<vmem>>, vector<32x4096xf32>
    %dot_general3A = arith.constant dense<0.000000e+00> : vector<32x4096xf32>
    %dot_general3A_5 = tpu.matmul %get3A_1, %get3A_4, %dot_general3A {dimension_numbers = #tpu.dot_dimension_numbers<[1], [0], [0], [1], [0, 0, 1, 1], [], []>, transpose_lhs_hint = false} : vector<32x32xf32>, vector<32x4096xf32>, vector<32x4096xf32> -> vector<32x4096xf32>
    %get3A_6 = arith.constant 0 : index
    %get3A_7 = arith.constant 0 : index
    %get3A_8 = vector.load %arg6[%get3A_6, %get3A_7] : memref<32x32xf32, #tpu.memory_space<vmem>>, vector<32x32xf32>
    %get3A_9 = arith.constant 0 : index
    %get3A_10 = arith.constant 0 : index
    %get3A_11 = vector.load %arg2[%get3A_9, %get3A_10] : memref<32x4096xf32, #tpu.memory_space<vmem>>, vector<32x4096xf32>
    %dot_general3A_12 = arith.constant dense<0.000000e+00> : vector<32x4096xf32>
    %dot_general3A_13 = tpu.matmul %get3A_8, %get3A_11, %dot_general3A_12 {dimension_numbers = #tpu.dot_dimension_numbers<[1], [0], [0], [1], [0, 0, 1, 1], [], []>, transpose_lhs_hint = false} : vector<32x32xf32>, vector<32x4096xf32>, vector<32x4096xf32> -> vector<32x4096xf32>
    %add3A = arith.addf %dot_general3A_5, %dot_general3A_13 : vector<32x4096xf32>
    %get3A_14 = arith.constant 0 : index
    %get3A_15 = arith.constant 0 : index
    %get3A_16 = vector.load %arg7[%get3A_14, %get3A_15] : memref<32x1xf32, #tpu.memory_space<vmem>>, vector<32x1xf32>
    %add3A_17 = vector.broadcast %get3A_16 : vector<32x1xf32> to vector<32x4096xf32>
    %add3A_18 = arith.addf %add3A, %add3A_17 : vector<32x4096xf32>
    %max3A = arith.constant 0.000000e+00 : f32
    %max3A_19 = vector.broadcast %max3A : f32 to vector<32x4096xf32>
    %max3A_20 = arith.maximumf %add3A_18, %max3A_19 : vector<32x4096xf32>
    %get3A_21 = arith.constant 0 : index
    %get3A_22 = arith.constant 0 : index
    %get3A_23 = vector.load %arg8[%get3A_21, %get3A_22] : memref<16x32xf32, #tpu.memory_space<vmem>>, vector<16x32xf32>
    %dot_general3A_24 = arith.constant dense<0.000000e+00> : vector<16x4096xf32>
    %dot_general3A_25 = tpu.matmul %get3A_23, %max3A_20, %dot_general3A_24 {dimension_numbers = #tpu.dot_dimension_numbers<[1], [0], [0], [1], [0, 0, 1, 1], [], []>, transpose_lhs_hint = false} : vector<16x32xf32>, vector<32x4096xf32>, vector<16x4096xf32> -> vector<16x4096xf32>
    %get3A_26 = arith.constant 0 : index
    %get3A_27 = arith.constant 0 : index
    %get3A_28 = vector.load %arg9[%get3A_26, %get3A_27] : memref<16x1xf32, #tpu.memory_space<vmem>>, vector<16x1xf32>
    %add3A_29 = vector.broadcast %get3A_28 : vector<16x1xf32> to vector<16x4096xf32>
    %add3A_30 = arith.addf %dot_general3A_25, %add3A_29 : vector<16x4096xf32>
    %max3A_31 = arith.constant 0.000000e+00 : f32
    %max3A_32 = vector.broadcast %max3A_31 : f32 to vector<16x4096xf32>
    %max3A_33 = arith.maximumf %add3A_30, %max3A_32 : vector<16x4096xf32>
    %get3A_34 = arith.constant 0 : index
    %get3A_35 = arith.constant 0 : index
    %get3A_36 = vector.load %arg3[%get3A_34, %get3A_35] : memref<32x4096xf32, #tpu.memory_space<vmem>>, vector<32x4096xf32>
    %get3A_37 = arith.constant 0 : index
    %get3A_38 = arith.constant 0 : index
    %get3A_39 = vector.load %arg4[%get3A_37, %get3A_38] : memref<32x4096xf32, #tpu.memory_space<vmem>>, vector<32x4096xf32>
    %mul3A = arith.mulf %get3A_36, %get3A_39 : vector<32x4096xf32>
    %get3A_40 = arith.constant 0 : index
    %get3A_41 = arith.constant 0 : index
    %get3A_42 = vector.load %arg10[%get3A_40, %get3A_41] : memref<16x1xf32, #tpu.memory_space<vmem>>, vector<16x1xf32>
    %mul3A_43 = vector.broadcast %get3A_42 : vector<16x1xf32> to vector<16x4096xf32>
    %mul3A_44 = arith.mulf %max3A_33, %mul3A_43 : vector<16x4096xf32>
    %reduce_sum3A = arith.constant dense<0.000000e+00> : vector<4096xf32>
    %reduce_sum3A_45 = vector.multi_reduction <add>, %mul3A_44, %reduce_sum3A [0] : vector<16x4096xf32> to vector<4096xf32>
    %broadcast_in_dim3A = vector.shape_cast %reduce_sum3A_45 : vector<4096xf32> to vector<1x4096xf32>
    %get3A_46 = arith.constant 0 : index
    %get3A_47 = arith.constant 0 : index
    %get3A_48 = vector.load %arg11[%get3A_46, %get3A_47] : memref<32x1xf32, #tpu.memory_space<vmem>>, vector<32x1xf32>
    %mul3A_49 = vector.broadcast %get3A_48 : vector<32x1xf32> to vector<32x4096xf32>
    %mul3A_50 = arith.mulf %mul3A, %mul3A_49 : vector<32x4096xf32>
    %reduce_sum3A_51 = arith.constant dense<0.000000e+00> : vector<4096xf32>
    %reduce_sum3A_52 = vector.multi_reduction <add>, %mul3A_50, %reduce_sum3A_51 [0] : vector<32x4096xf32> to vector<4096xf32>
    %broadcast_in_dim3A_53 = vector.shape_cast %reduce_sum3A_52 : vector<4096xf32> to vector<1x4096xf32>
    %add3A_54 = arith.addf %broadcast_in_dim3A, %broadcast_in_dim3A_53 : vector<1x4096xf32>
    %get3A_55 = arith.constant 0 : index
    %get3A_56 = arith.constant 0 : index
    %get3A_57 = vector.load %arg12[%get3A_55, %get3A_56] : memref<1x1xf32, #tpu.memory_space<vmem>>, vector<1x1xf32>
    %get3A_58 = vector.extract %get3A_57[0, 0] : f32 from vector<1x1xf32>
    %add3A_59 = vector.broadcast %get3A_58 : f32 to vector<1x4096xf32>
    %add3A_60 = arith.addf %add3A_54, %add3A_59 : vector<1x4096xf32>
    %tanh3A = math.tanh %add3A_60 : vector<1x4096xf32>
    %add3A_61 = arith.constant 1.000000e+00 : f32
    %add3A_62 = vector.broadcast %add3A_61 : f32 to vector<1x4096xf32>
    %add3A_63 = arith.addf %tanh3A, %add3A_62 : vector<1x4096xf32>
    %mul3A_64 = arith.constant 2.500000e+00 : f32
    %mul3A_65 = vector.broadcast %mul3A_64 : f32 to vector<1x4096xf32>
    %mul3A_66 = arith.mulf %mul3A_65, %add3A_63 : vector<1x4096xf32>
    %broadcast_in_dim3A_67 = arith.constant 0.000000e+00 : f32
    %broadcast_in_dim3A_68 = vector.broadcast %broadcast_in_dim3A_67 : f32 to vector<1x4096xf32>
    %sub3A = arith.constant 5.000000e-01 : f32
    %sub3A_69 = vector.broadcast %sub3A : f32 to vector<1x4096xf32>
    %sub3A_70 = arith.subf %mul3A_66, %sub3A_69 : vector<1x4096xf32>
    %mul3A_71 = arith.constant 1.000000e+01 : f32
    %mul3A_72 = vector.broadcast %mul3A_71 : f32 to vector<1x4096xf32>
    %mul3A_73 = arith.mulf %mul3A_72, %sub3A_70 : vector<1x4096xf32>
    %logistic3A = arith.negf %mul3A_73 : vector<1x4096xf32>
    %logistic3A_74 = math.exp %logistic3A : vector<1x4096xf32>
    %logistic3A_75 = arith.constant 1.000000e+00 : f32
    %logistic3A_76 = vector.broadcast %logistic3A_75 : f32 to vector<1x4096xf32>
    %logistic3A_77 = arith.addf %logistic3A_76, %logistic3A_74 : vector<1x4096xf32>
    %logistic3A_78 = arith.divf %logistic3A_76, %logistic3A_77 : vector<1x4096xf32>
    %add3A_79 = arith.addf %broadcast_in_dim3A_68, %logistic3A_78 : vector<1x4096xf32>
    %sub3A_80 = arith.constant 1.500000e+00 : f32
    %sub3A_81 = vector.broadcast %sub3A_80 : f32 to vector<1x4096xf32>
    %sub3A_82 = arith.subf %mul3A_66, %sub3A_81 : vector<1x4096xf32>
    %mul3A_83 = arith.constant 1.000000e+01 : f32
    %mul3A_84 = vector.broadcast %mul3A_83 : f32 to vector<1x4096xf32>
    %mul3A_85 = arith.mulf %mul3A_84, %sub3A_82 : vector<1x4096xf32>
    %logistic3A_86 = arith.negf %mul3A_85 : vector<1x4096xf32>
    %logistic3A_87 = math.exp %logistic3A_86 : vector<1x4096xf32>
    %logistic3A_88 = arith.constant 1.000000e+00 : f32
    %logistic3A_89 = vector.broadcast %logistic3A_88 : f32 to vector<1x4096xf32>
    %logistic3A_90 = arith.addf %logistic3A_89, %logistic3A_87 : vector<1x4096xf32>
    %logistic3A_91 = arith.divf %logistic3A_89, %logistic3A_90 : vector<1x4096xf32>
    %add3A_92 = arith.addf %add3A_79, %logistic3A_91 : vector<1x4096xf32>
    %sub3A_93 = arith.constant 2.500000e+00 : f32
    %sub3A_94 = vector.broadcast %sub3A_93 : f32 to vector<1x4096xf32>
    %sub3A_95 = arith.subf %mul3A_66, %sub3A_94 : vector<1x4096xf32>
    %mul3A_96 = arith.constant 1.000000e+01 : f32
    %mul3A_97 = vector.broadcast %mul3A_96 : f32 to vector<1x4096xf32>
    %mul3A_98 = arith.mulf %mul3A_97, %sub3A_95 : vector<1x4096xf32>
    %logistic3A_99 = arith.negf %mul3A_98 : vector<1x4096xf32>
    %logistic3A_100 = math.exp %logistic3A_99 : vector<1x4096xf32>
    %logistic3A_101 = arith.constant 1.000000e+00 : f32
    %logistic3A_102 = vector.broadcast %logistic3A_101 : f32 to vector<1x4096xf32>
    %logistic3A_103 = arith.addf %logistic3A_102, %logistic3A_100 : vector<1x4096xf32>
    %logistic3A_104 = arith.divf %logistic3A_102, %logistic3A_103 : vector<1x4096xf32>
    %add3A_105 = arith.addf %add3A_92, %logistic3A_104 : vector<1x4096xf32>
    %sub3A_106 = arith.constant 3.500000e+00 : f32
    %sub3A_107 = vector.broadcast %sub3A_106 : f32 to vector<1x4096xf32>
    %sub3A_108 = arith.subf %mul3A_66, %sub3A_107 : vector<1x4096xf32>
    %mul3A_109 = arith.constant 1.000000e+01 : f32
    %mul3A_110 = vector.broadcast %mul3A_109 : f32 to vector<1x4096xf32>
    %mul3A_111 = arith.mulf %mul3A_110, %sub3A_108 : vector<1x4096xf32>
    %logistic3A_112 = arith.negf %mul3A_111 : vector<1x4096xf32>
    %logistic3A_113 = math.exp %logistic3A_112 : vector<1x4096xf32>
    %logistic3A_114 = arith.constant 1.000000e+00 : f32
    %logistic3A_115 = vector.broadcast %logistic3A_114 : f32 to vector<1x4096xf32>
    %logistic3A_116 = arith.addf %logistic3A_115, %logistic3A_113 : vector<1x4096xf32>
    %logistic3A_117 = arith.divf %logistic3A_115, %logistic3A_116 : vector<1x4096xf32>
    %add3A_118 = arith.addf %add3A_105, %logistic3A_117 : vector<1x4096xf32>
    %sub3A_119 = arith.constant 4.500000e+00 : f32
    %sub3A_120 = vector.broadcast %sub3A_119 : f32 to vector<1x4096xf32>
    %sub3A_121 = arith.subf %mul3A_66, %sub3A_120 : vector<1x4096xf32>
    %mul3A_122 = arith.constant 1.000000e+01 : f32
    %mul3A_123 = vector.broadcast %mul3A_122 : f32 to vector<1x4096xf32>
    %mul3A_124 = arith.mulf %mul3A_123, %sub3A_121 : vector<1x4096xf32>
    %logistic3A_125 = arith.negf %mul3A_124 : vector<1x4096xf32>
    %logistic3A_126 = math.exp %logistic3A_125 : vector<1x4096xf32>
    %logistic3A_127 = arith.constant 1.000000e+00 : f32
    %logistic3A_128 = vector.broadcast %logistic3A_127 : f32 to vector<1x4096xf32>
    %logistic3A_129 = arith.addf %logistic3A_128, %logistic3A_126 : vector<1x4096xf32>
    %logistic3A_130 = arith.divf %logistic3A_128, %logistic3A_129 : vector<1x4096xf32>
    %add3A_131 = arith.addf %add3A_118, %logistic3A_130 : vector<1x4096xf32>
    %swap3A = arith.constant 0 : index
    %swap3A_132 = arith.constant 0 : index
    %swap3A_133 = vector.load %arg13[%swap3A, %swap3A_132] : memref<1x4096xf32, #tpu.memory_space<vmem>>, vector<1x4096xf32>
    tpu.vector_store %arg13[%swap3A, %swap3A_132], %add3A_131 {strides = array<i32>} : memref<1x4096xf32, #tpu.memory_space<vmem>>, vector<1x4096xf32>,
    return
  }
  func.func @transform_0(%arg0: i32) -> (i32, i32) {
    %c0_i32 = arith.constant 0 : i32
    %c0_i32_0 = arith.constant 0 : i32
    return %c0_i32, %arg0 : i32, i32
  }
  func.func @transform_1(%arg0: i32) -> (i32, i32) {
    %c0_i32 = arith.constant 0 : i32
    %c0_i32_0 = arith.constant 0 : i32
    return %c0_i32, %arg0 : i32, i32
  }
  func.func @transform_2(%arg0: i32) -> (i32, i32) {
    %c0_i32 = arith.constant 0 : i32
    %c0_i32_0 = arith.constant 0 : i32
    return %c0_i32, %arg0 : i32, i32
  }
  func.func @transform_3(%arg0: i32) -> (i32, i32) {
    %c0_i32 = arith.constant 0 : i32
    %c0_i32_0 = arith.constant 0 : i32
    return %c0_i32, %arg0 : i32, i32
  }
  func.func @transform_4(%arg0: i32) -> (i32, i32) {
    %c0_i32 = arith.constant 0 : i32
    %c0_i32_0 = arith.constant 0 : i32
    %c0_i32_1 = arith.constant 0 : i32
    return %c0_i32, %c0_i32_0 : i32, i32
  }
  func.func @transform_5(%arg0: i32) -> (i32, i32) {
    %c0_i32 = arith.constant 0 : i32
    %c0_i32_0 = arith.constant 0 : i32
    %c0_i32_1 = arith.constant 0 : i32
    return %c0_i32, %c0_i32_0 : i32, i32
  }
  func.func @transform_6(%arg0: i32) -> (i32, i32) {
    %c0_i32 = arith.constant 0 : i32
    %c0_i32_0 = arith.constant 0 : i32
    %c0_i32_1 = arith.constant 0 : i32
    return %c0_i32, %c0_i32_0 : i32, i32
  }
  func.func @transform_7(%arg0: i32) -> (i32, i32) {
    %c0_i32 = arith.constant 0 : i32
    %c0_i32_0 = arith.constant 0 : i32
    %c0_i32_1 = arith.constant 0 : i32
    return %c0_i32, %c0_i32_0 : i32, i32
  }
  func.func @transform_8(%arg0: i32) -> (i32, i32) {
    %c0_i32 = arith.constant 0 : i32
    %c0_i32_0 = arith.constant 0 : i32
    %c0_i32_1 = arith.constant 0 : i32
    return %c0_i32, %c0_i32_0 : i32, i32
  }
  func.func @transform_9(%arg0: i32) -> (i32, i32) {
    %c0_i32 = arith.constant 0 : i32
    %c0_i32_0 = arith.constant 0 : i32
    %c0_i32_1 = arith.constant 0 : i32
    return %c0_i32, %c0_i32_0 : i32, i32
  }
  func.func @transform_10(%arg0: i32) -> (i32, i32) {
    %c0_i32 = arith.constant 0 : i32
    %c0_i32_0 = arith.constant 0 : i32
    %c0_i32_1 = arith.constant 0 : i32
    return %c0_i32, %c0_i32_0 : i32, i32
  }
  func.func @transform_11(%arg0: i32) -> (i32, i32) {
    %c0_i32 = arith.constant 0 : i32
    %c0_i32_0 = arith.constant 0 : i32
    %c0_i32_1 = arith.constant 0 : i32
    return %c0_i32, %c0_i32_0 : i32, i32
  }
  func.func @transform_12(%arg0: i32) -> (i32, i32) {
    %c0_i32 = arith.constant 0 : i32
    %c0_i32_0 = arith.constant 0 : i32
    return %c0_i32, %arg0 : i32, i32
  }
}

</mosaic_0001>

<sc_bundles>
// kernel: kernel.4.cloned.1.call-start
scs
__scs_entry_jumppad:
0x0: {  	(pc) =	sbr.rel $0x88, $3  }
0x1: {  	(tag) =	ssettag $0x0;
	lr =	simm.s32 $0x1  }
0x2: {  	[smem:$0x3F95] =	sst lr;
	_ =	strace $0xD0000000  }
0x3: {  	_ = 	snop  }
0x4: {  	_ = 	snop  }
0x5: {  	_ = 	snop  }
0x6: {  	_ = 	snop  }
0x7: {  	_ = 	snop  }
__scs_overlays_trampoline_lowered:
0x8: {  	[smem:$0x3FA4] =	sst s0  }
0x9: {  	[smem:$0x3FA5] =	sst s1  }
0xa: {  	[smem:$0x3FA6] =	sst s2  }
0xb: {  	[smem:$0x3FA7] =	sst s3  }
0xc: {  	[smem:$0x3FA8] =	sst s4  }
0xd: {  	[smem:$0x3FA9] =	sst s5  }
0xe: {  	[smem:$0x3FAA] =	sst s6  }
0xf: {  	[smem:$0x3FAB] =	sst s7  }
0x10: {  	[smem:$0x3FAC] =	sst s8  }
0x11: {  	[smem:$0x3FAD] =	sst s9;
	s0 =	simm.s32 @!p0 $0x0  }
0x12: {  	s1 =	sld [smem:$0x3F93];
	s0 =	simm.s32 @p0 $0x1  }
0x13: {  	[smem:$0x3FAE] =	sst s0;
	s0 =	simm.s32 @!p1 $0x0  }
0x14: {  	s2 =	sld [smem:$0x3F92];
	s0 =	simm.s32 @p1 $0x1  }
0x15: {  	[smem:$0x3FAF] =	sst s0;
	s0 =	simm.s32 @!p2 $0x0  }
0x16: {  	s3 =	sld [smem:$0x3FDB];
	s0 =	simm.s32 @p2 $0x1  }
0x17: {  	s4 =	simm.s32 $0x1BF5;
	[smem:$0x3FB1] =	sst s0  }
0x18: {  	s0 =	sld [smem:$0x3F94];
	_ =	swait.ge [sflag:s4], $0x0  }
0x19: {  	s7 =	sld [smem:$0x3F95]  }
0x1a: {  	s8 =	sadd.s32 $0xFFFFE003, lr  }
0x1b: {  	s9 =	sadd.s32 $0xFFFFFEF7, lr;
	s5 =	simm.s32 $0xFFFFFFFF;
	p2 =	slt.u32 s8, $0xFFFFF086  }
0x1c: {  	p1 =	slt.u32 s9, $0xF7A;
	s5 =	simm.s32 @!p2 $0x0  }
0x1d: {  	s5 =	simm.s32 @p1 $0x1;
	p0 =	seq.s32 s7, s2  }
0x1e: {  	s7 =	smul.u32 @!p0 $0xF7A, s2;
	p2 =	seq.s32 @!p0 s5, $0x0  }
0x1f: {  	s9 =	smul.u32 $0xF7A, s1;
	s8 =	simm.s32 @!p0 $0x1BF5;
	p2 =	por !p2, p0  }
0x20: {  	[sflag:s8] =	ssyncset.s32 @!p0 $0xFFFFF086;
	s6 =	sadd.s32 @!p0 s3, s7;
	s7 =	simm.s32 @!p0 $0x108  }
0x21: {  	s3 =	sadd.s32 s3, s9;
	s6 =	sadd.s32 @!p0 $0x88, s6;
	s7 =	simm.s32 @p2 $0x1082  }
0x22: {  	[simem:s7], [sflag:s8] =	dma.local @!p0 [hbm:s6], $0xF7A  }
0x23: {  	s9 =	sor.u32 $0xD0000000, s2;
	s6 =	simm.s32 $0x108;
	_ =	swait.ge @!p0 [sflag:s8], $0x0  }
0x24: {  	s3 =	sadd.s32 $0x88, s3;
	s6 =	simm.s32 @!p1 $0x1082;
	[sflag:s4] =	ssyncset.s32 $0xFFFFF086  }
0x25: {  	[simem:s6], [sflag:s4] =	dma.local [hbm:s3], $0xF7A  }
0x26: {  	[smem:$0x3F95] =	sst s1;
	(tag) =	ssettag s2;
	_ =	strace s9  }
0x27: {  	s1 =	sld [smem:$0x3FA5]  }
0x28: {  	s2 =	sld [smem:$0x3FA6]  }
0x29: {  	s4 =	sld [smem:$0x3FA8]  }
0x2a: {  	p0 =	seq.s32 s5, $0x0;
	s5 =	sld [smem:$0x3FA9]  }
0x2b: {  	s6 =	sld [smem:$0x3FAA]  }
0x2c: {  	s7 =	sld [smem:$0x3FAB]  }
0x2d: {  	s3 =	simm.s32 $0x108;
	s8 =	sld [smem:$0x3FAC]  }
0x2e: {  	s3 =	simm.s32 @!p0 $0x1082;
	s9 =	sld [smem:$0x3FAD]  }
0x2f: {  	lr =	sadd.s32 s0, s3;
	s0 =	sld [smem:$0x3FA4]  }
0x30: {  	s3 =	sld [smem:$0x3FA7]  }
0x31: {  	[smem:$0x3FB0] =	sst s10  }
0x32: {  	s10 =	sld [smem:$0x3FAE];
	_ =	sdelay $0x3  }
0x33: {  	p0 =	seq.s32 s10, $0x1;
	s10 =	sld [smem:$0x3FB0];
	_ =	sdelay $0x3  }
0x34: {  	[smem:$0x3FB0] =	sst s10  }
0x35: {  	s10 =	sld [smem:$0x3FAF];
	_ =	sdelay $0x3  }
0x36: {  	p1 =	seq.s32 s10, $0x1;
	s10 =	sld [smem:$0x3FB0];
	_ =	sdelay $0x3  }
0x37: {  	[smem:$0x3FB0] =	sst s10  }
0x38: {  	s10 =	sld [smem:$0x3FB1]  }
0x39: {  	_ = 	snop;
	(pc) =	sbr.ind lr, $3  }
0x3a: {  	_ = 	snop  }
0x3b: {  	_ = 	snop  }
0x3c: {  	p2 =	seq.s32 s10, $0x1;
	s10 =	sld [smem:$0x3FB0]  }
0x3d: {  	_ =	shalt  }
0x3e: {  	_ =	shalt  }
0x3f: {  	_ =	shalt  }
0x40: {  	_ =	shalt  }
0x41: {  	_ =	shalt  }
0x42: {  	_ =	shalt  }
0x43: {  	_ =	shalt  }
0x44: {  	_ =	shalt  }
0x45: {  	_ =	shalt  }
0x46: {  	_ =	shalt  }
0x47: {  	_ =	shalt  }
0x48: {  	_ =	shalt  }
0x49: {  	_ =	shalt  }
0x4a: {  	_ =	shalt  }
0x4b: {  	_ =	shalt  }
0x4c: {  	_ =	shalt  }
0x4d: {  	_ =	shalt  }
0x4e: {  	_ =	shalt  }
0x4f: {  	_ =	shalt  }
0x50: {  	_ =	shalt  }
0x51: {  	_ =	shalt  }
0x52: {  	_ =	shalt  }
0x53: {  	_ =	shalt  }
0x54: {  	_ =	shalt  }
0x55: {  	_ =	shalt  }
0x56: {  	_ =	shalt  }
0x57: {  	_ =	shalt  }
0x58: {  	_ =	shalt  }
0x59: {  	_ =	shalt  }
0x5a: {  	_ =	shalt  }
0x5b: {  	_ =	shalt  }
0x5c: {  	_ =	shalt  }
0x5d: {  	_ =	shalt  }
0x5e: {  	_ =	shalt  }
0x5f: {  	_ =	shalt  }
0x60: {  	_ =	shalt  }
0x61: {  	_ =	shalt  }
0x62: {  	_ =	shalt  }
0x63: {  	_ =	shalt  }
0x64: {  	_ =	shalt  }
0x65: {  	_ =	shalt  }
0x66: {  	_ =	shalt  }
0x67: {  	_ =	shalt  }
0x68: {  	_ =	shalt  }
0x69: {  	_ =	shalt  }
0x6a: {  	_ =	shalt  }
0x6b: {  	_ =	shalt  }
0x6c: {  	_ =	shalt  }
0x6d: {  	_ =	shalt  }
0x6e: {  	_ =	shalt  }
0x6f: {  	_ =	shalt  }
0x70: {  	_ =	shalt  }
0x71: {  	_ =	shalt  }
0x72: {  	_ =	shalt  }
0x73: {  	_ =	shalt  }
0x74: {  	_ =	shalt  }
0x75: {  	_ =	shalt  }
0x76: {  	_ =	shalt  }
0x77: {  	_ =	shalt  }
0x78: {  	_ =	shalt  }
0x79: {  	_ =	shalt  }
0x7a: {  	_ =	shalt  }
0x7b: {  	_ =	shalt  }
0x7c: {  	_ =	shalt  }
0x7d: {  	_ =	shalt  }
0x7e: {  	_ =	shalt  }
0x7f: {  	_ =	shalt  }
0x80: {  	_ =	shalt  }
0x81: {  	_ =	shalt  }
0x82: {  	_ =	shalt  }
0x83: {  	_ =	shalt  }
0x84: {  	_ =	shalt  }
0x85: {  	_ =	shalt  }
0x86: {  	_ =	shalt  }
0x87: {  	_ =	shalt  }
.Lfunc_end0:
.L_simem_size_0:
called_computation_lowered:
.L_overlay_start_0:
0x88: {  	s2 =	sld [smem:$0x3FD9]  }
0x89: {  	s3 =	sld [smem:$0x3FFE];
	_ =	sdelay $0x1  }
0x8a: {  	s1 =	srdreg.scid  }
0x8b: {  	s0 =	sand.u32 $0x1, s1  }
0x8c: {  	s17 =	sshll.u32 s0, $0xA;
	s2 =	sadd.s32 s3, s2  }
0x8d: {  	s2 =	sadd.s32 s2, s17  }
0x8e: {  	[smem:$0x3FBC] =	sst s2  }
0x8f: {  	_ = 	snop  }
0x90: {  	s2 =	sld [smem:$0x3FC9]  }
0x91: {  	s18 =	sld [smem:$0x3FC8]  }
0x92: {  	s4 =	sld [smem:$0x3FC7]  }
0x93: {  	s5 =	sld [smem:$0x3FC6]  }
0x94: {  	s6 =	sld [smem:$0x3FC5]  }
0x95: {  	s7 =	sld [smem:$0x3FC4];
	(tm) =	ssettm $0x1  }
0x96: {  	s8 =	sld [smem:$0x3FFB];
	_ =	sdelay $0x3  }
0x97: {  	_ =	strace s8  }
0x98: {  	s8 =	sld [smem:$0x3FFC];
	_ =	sdelay $0x3  }
0x99: {  	_ =	strace s8  }
0x9a: {  	s8 =	sld [smem:$0x3FFD];
	_ =	sdelay $0x3  }
0x9b: {  	_ =	strace s8  }
0x9c: {  	_ =	strace $0x8FFFFFFF  }
0x9d: {  	s19 =	sld [smem:$0x3FDB];
	_ =	sdelay $0x1  }
0x9e: {  	s9 =	simm.s32 $_scs_section_size  }
0x9f: {  	s10 =	simm.s32 $_size__tile_overlayer_lowered;
	s11 =	simm.s32 $_tile_overlayer_lowered  }
0xa0: {  	s22 =	simm.s32 $0x1BFF;
	s21 =	sshll.u32 s11, $0x1;
	s8 =	sadd.s32 s9, s19  }
0xa1: {  	s12 =	simm.s32 $0x0;
	s20 =	sshll.u32 s10, $0x1;
	s10 =	sadd.s32 s21, s8  }
0xa2: {  	[timem:s12], [sflag:s22] =	dma.local [hbm:s10], s20  }
0xa3: {  	_ =	swait.ge [sflag:s22], s20  }
0xa4: {  	s9 =	ssub.s32 $0x0, s20;
	[sflag:s22] =	ssyncset.done $0x0  }
0xa5: {  	[sflag:s22] =	ssyncadd.s32 s9;
	_ =	sdelay $0x1  }
0xa6: {  	s23 =	simm.s32 $0x1B8B  }
0xa7: {  	_ =	swait.ge [sflag:s23], $0x1  }
0xa8: {  	[sflag:s23] =	ssyncset.done $0x0  }
0xa9: {  	s25 =	simm.s32 $0x1B8E;
	s24 =	sld [smem:$0x3FFE];
	[sflag:s23] =	ssyncadd.s32 $0xFFFFFFFF  }
0xaa: {  	s26 =	simm.s32 $execute0_lowered;
	[smem:$0x3FD2] =	sst s25  }
0xab: {  	s10 =	sshll.u32 s26, $0x1;
	_ =	strace $0x80000046;
	[dreg:$0x1] =	wrdreg $0xFFFFFFFF  }
0xac: {  	s28 =	simm.s32 $_size_execute0_lowered;
	s8 =	sadd.s32 s8, s10;
	[dreg:$0x0] =	wrdreg $0x0  }
0xad: {  	s10 =	sshll.u32 s28, $0x1;
	[dreg:$0x2] =	wrdreg s8  }
0xae: {  	[dreg:$0x3] =	wrdreg s10  }
0xaf: {  	[dreg:$0x4] =	wrdreg $0xC0  }
0xb0: {  	_ =	task [dreg:s12], $0x5FFFF  }
0xb1: {  	[dreg:$0x1] =	wrdreg $0xFFFFFFFF  }
0xb2: {  	[dreg:$0x0] =	wrdreg $0x60  }
0xb3: {  	[dreg:$0x2] =	wrdreg s2  }
0xb4: {  	[dreg:$0x3] =	wrdreg s18  }
0xb5: {  	[dreg:$0x4] =	wrdreg s4  }
0xb6: {  	[dreg:$0x5] =	wrdreg s5  }
0xb7: {  	[dreg:$0x6] =	wrdreg s6  }
0xb8: {  	[dreg:$0x7] =	wrdreg s7  }
0xb9: {  	[dreg:$0x8] =	wrdreg s24  }
0xba: {  	[dreg:$0x9] =	wrdreg $0x9  }
0xbb: {  	_ =	task.clear_ibuf [dreg:s12], $0xAFFFF;
	_ =	strace $0x90000046  }
0xbc: {  	s29 =	simm.s32 $0x9;
	_ =	strace $0x80000048  }
0xbd: {  	_ =	swait.ge [sflag:s29], $0x1  }
0xbe: {  	[sflag:s29] =	ssyncadd.s32 $0xFFFFFFFF  }
0xbf: {  	_ =	strace $0x90000048  }
0xc0: {  	_ =	sfence  }
0xc1: {  	s30 =	sld [smem:$0x0];
	_ =	sdelay $0x2  }
0xc2: {  	s31 =	sshll.u32 s1, $0xD;
	s1 =	sshrl.u32 s1, $0x2  }
0xc3: {  	s3 =	sand.u32 $0x4000, s31;
	s1 =	sadd.s32 s1, s30  }
0xc4: {  	s0 =	sor.u32 s3, s0;
	s1 =	sshll.u32 s1, $0x11  }
0xc5: {  	s0 =	sor.u32 s1, s0  }
0xc6: {  	s0 =	sadd.s32 $0x8F2B, s0  }
0xc7: {  	[sflag:s0] =	ssyncadd.remote.s32 $0x1  }
0xc8: {  	_ =	sfence.sel $0xFFFF  }
0xc9: {  	[dreg:$0x0] =	wrdreg $0xFFFFFFFF;
	(pc) =	sbr.abs _section_cstart, $3  }
0xca: {  	[dreg:$0x1] =	wrdreg $0xFFFFFFFF  }
0xcb: {  	_ =	task.clear_ibuf [dreg:s12], $0x2FFFF;
	_ =	strace $0x9FFFFFFF  }
0xcc: {  	(tm) =	ssettm $0x7FFFFFFF  }
0xcd: {  	_ =	shalt  }
tec
execute0_lowered:
.L_overlay_start_1:
0x0: {  	(tag) =	ssettag $0x1  }
0x1: {  	s12 =	rddreg [dreg:$0x0]  }
0x2: {  	s13 =	rddreg [dreg:$0x1]  }
0x3: {  	s1 =	rddreg [dreg:$0x2]  }
0x4: {  	s2 =	rddreg [dreg:$0x3]  }
0x5: {  	s3 =	rddreg [dreg:$0x4]  }
0x6: {  	s4 =	rddreg [dreg:$0x5]  }
0x7: {  	s11 =	rddreg [dreg:$0x6];
	s5 =	simm.s32 $0x0  }
0x8: {  	s9 =	srdreg.scid;
	s0 =	stileid.u32;
	s17 =	simm.s32 $0x0  }
0x9: {  	[smem:$0x7FF] =	sst s5;
	s7 =	sadd.s32 $0x1C00, s11;
	s9 =	sand.u32 $0x1, s9  }
0xa: {  	s8 =	sadd.s32 $0x11C00, s11;
	s10 =	sshll.u32 s0, $0xA;
	s15 =	sshll.u32 s9, $0x9  }
0xb: {  	_ =	strace $0x80000047;
	s14 =	ssub.s32 $0x2, s9;
	s10 =	sor.u32 s15, s10  }
0xc: {  	s9 =	sadd.s32 $0x21C00, s11;
	s16 =	sshrl.u32 s14, $0x1;
	s15 =	sshrl.u32 s10, $0x3  }
0xd: {  	s11 =	sadd.s32 $0x31C00, s11;
	s14 =	ssub.s32 s14, s16;
	s12 =	sadd.s32 s12, s15  }
0xe: {  	s13 =	sadd.s32 s13, s15;
	s14 =	smax.u32 s14, $0x1;
	s15 =	simm.s32 $0x7  }
.LBB2_1:
0xf: {  	[tilespmem:s5], [sflag:$0x7] =	stream.linear.gather [hbm4b:s12+s5], $0x200, $0x38;
	[tilespmem:$0x1C400] =	vst v63  }
0x10: {  	_ =	swait.ge [sflag:s15], $0x200  }
0x11: {  	[sflag:s15] =	ssyncset.done $0x0  }
0x12: {  	s0 =	simm.s32 $0x200;
	[sflag:s15] =	ssyncadd.s32 $0xFFFFFE00  }
0x13: {  	[tilespmem:s0], [sflag:$0x7] =	stream.linear.gather [hbm4b:s13+s5], $0x200, $0x38;
	[tilespmem:$0x1C400] =	vst v63  }
0x14: {  	_ =	swait.ge [sflag:s15], $0x200  }
0x15: {  	[sflag:s15] =	ssyncset.done $0x0  }
0x16: {  	s18 =	simm.s32 $0x0;
	s19 =	simm.s32 $0x0;
	[sflag:s15] =	ssyncadd.s32 $0xFFFFFE00  }
.LBB2_2:
0x17: {  	s22 =	sadd.s32 $0xFFFFFFFA, s18  }
0x18: {  	p0 =	sgt.u32 s22, $0x1FF  }
0x19: {  	s20 =	simm.s32 @!p0 $0x1  }
0x1a: {  	_ =	swait.ge @!p0 [sflag:s20], $0x1000  }
0x1b: {  	[sflag:s20] =	ssyncset.done @!p0 $0x0  }
0x1c: {  	[sflag:s20] =	ssyncadd.s32 @!p0 $0xFFFFF000  }
0x1d: {  	_ =	swait.ge @!p0 [sflag:s20], $0x1000  }
0x1e: {  	v0 =	vmov @!p0 s22;
	[sflag:s20] =	ssyncset.done @!p0 $0x0  }
0x1f: {  	v0 =	vand.u32 @!p0 $0xFFFFFFFE, v0;
	[sflag:s20] =	ssyncadd.s32 @!p0 $0xFFFFF000  }
0x20: {  	v0 =	vbroadcast @!p0 v0, $0x0;
	_ =	swait.ge @!p0 [sflag:s20], $0x1000  }
0x21: {  	[sflag:s20] =	ssyncset.done @!p0 $0x0  }
0x22: {  	[sflag:s20] =	ssyncadd.s32 @!p0 $0xFFFFF000  }
0x23: {  	_ =	swait.ge @!p0 [sflag:s20], $0x1000  }
0x24: {  	[sflag:s20] =	ssyncset.done @!p0 $0x0  }
0x25: {  	[sflag:s20] =	ssyncadd.s32 @!p0 $0xFFFFF000;
	s20 =	simm.s32 @!p0 $0x0  }
0x26: {  	v1 =	vld.idx.msk @!p0 [tilespmem:v0+s20+$0x0], $0xffff;
	_ =	sdelay $0x2  }
0x27: {  	v2 =	vlaneseq.u32 @!p0  }
0x28: {  	v2 =	vmul.u32 @!p0 $0x80, v2  }
0x29: {  	v1 =	vand.u32 @!p0 $0x7F, v1  }
0x2a: {  	s21 =	simm.s32 @!p0 $0x200;
	v4 =	vor.u32 @!p0 $0x800, v2;
	v3 =	vor.u32 @!p0 v2, v1  }
0x2b: {  	v0 =	vld.idx.msk @!p0 [tilespmem:v0+s21+$0x0], $0xffff;
	v1 =	vor.u32 @!p0 v4, v1;
	_ =	sdelay $0x2  }
0x2c: {  	s22 =	sand.u32 @!p0 $0x7E, s22;
	s23 =	simm.s32 @!p0 $0x400  }
0x2d: {  	v6 =	vor.u32 @!p0 s22, v2;
	v5 =	vld.idx.msk @!p0 [tilespmem:v3+s23+$0x0], $0xffff  }
0x2e: {  	v8 =	vor.u32 @!p0 s22, v4;
	v0 =	vand.u32 @!p0 $0x7F, v0;
	v7 =	vld.idx.msk @!p0 [tilespmem:v1+s23+$0x0], $0xffff  }
0x2f: {  	v9 =	vor.u32 @!p0 v2, v0  }
0x30: {  	v0 =	vor.u32 @!p0 v4, v0  }
0x31: {  	s24 =	simm.s32 @!p0 $0x18400  }
0x32: {  	[tilespmem:v6+s24+$0x0] =	vst.idx.msk @!p0 $0xffff, v5  }
0x33: {  	s22 =	simm.s32 @!p0 $0x1400;
	[tilespmem:v8+s24+$0x0] =	vst.idx.msk @!p0 $0xffff, v7  }
0x34: {  	v5 =	vld.idx.msk @!p0 [tilespmem:v9+s22+$0x0], $0xffff  }
0x35: {  	v7 =	vld.idx.msk @!p0 [tilespmem:v0+s22+$0x0], $0xffff;
	_ =	sdelay $0x2  }
0x36: {  	s25 =	simm.s32 @!p0 $0x19400  }
0x37: {  	[tilespmem:v6+s25+$0x0] =	vst.idx.msk @!p0 $0xffff, v5  }
0x38: {  	s22 =	simm.s32 @!p0 $0x2400;
	[tilespmem:v8+s25+$0x0] =	vst.idx.msk @!p0 $0xffff, v7  }
0x39: {  	v3 =	vld.idx.msk @!p0 [tilespmem:v3+s22+$0x0], $0xffff  }
0x3a: {  	v1 =	vld.idx.msk @!p0 [tilespmem:v1+s22+$0x0], $0xffff;
	_ =	sdelay $0x2  }
0x3b: {  	s26 =	simm.s32 @!p0 $0x1A400  }
0x3c: {  	p1 =	seq.s32 s18, $0x204;
	[tilespmem:v6+s26+$0x0] =	vst.idx.msk @!p0 $0xffff, v3  }
0x3d: {  	s22 =	simm.s32 @!p0 $0x3400;
	[tilespmem:v8+s26+$0x0] =	vst.idx.msk @!p0 $0xffff, v1;
	v1 =	vmov @!p1 s18  }
0x3e: {  	v3 =	vld.idx.msk @!p0 [tilespmem:v9+s22+$0x0], $0xffff;
	v1 =	vand.u32 @!p1 $0xFFFFFFFE, v1  }
0x3f: {  	v0 =	vld.idx.msk @!p0 [tilespmem:v0+s22+$0x0], $0xffff;
	v1 =	vbroadcast @!p1 v1, $0x0;
	_ =	sdelay $0x2  }
0x40: {  	s28 =	simm.s32 @!p0 $0x1B400  }
0x41: {  	[tilespmem:v6+s28+$0x0] =	vst.idx.msk @!p0 $0xffff, v3  }
0x42: {  	s29 =	simm.s32 @!p1 $0x0;
	[tilespmem:v8+s28+$0x0] =	vst.idx.msk @!p0 $0xffff, v0  }
0x43: {  	s30 =	simm.s32 @!p1 $0x200;
	v0 =	vld.idx.msk @!p1 [tilespmem:v1+s29+$0x0], $0xffff  }
0x44: {  	v1 =	vld.idx.msk @!p1 [tilespmem:v1+s30+$0x0], $0xffff;
	_ =	sdelay $0x3  }
0x45: {  	v0 =	vxor.u32 @!p1 $0x80000000, v0  }
0x46: {  	(xrf0) =	vmax.scan.msk.u32 @!p1 $0xffff, v0;
	v0 =	vxor.u32 @!p1 $0x80000000, v1  }
0x47: {  	(xrf0) =	vmax.scan.msk.u32 @!p1 $0xffff, v0;
	_ =	sdelay $0x4  }
0x48: {  	v0, _, _ =	vpop @!p1 (xrf0)  }
0x49: {  	(v2sf) =	vpush @!p1 v0, $0xF;
	v0, _, _ =	vpop @!p1 (xrf0)  }
0x4a: {  	(v2sf) =	vpush @!p1 v0, $0xF;
	_ =	sdelay $0xd  }
0x4b: {  	s22 =	spop @!p1 (v2sf)  }
0x4c: {  	s23 =	simm.s32 @!p1 $0x400;
	s31 =	sand.u32 @!p1 $0x1FFFFF80, s22;
	s0 =	spop @!p1 (v2sf)  }
0x4d: {  	s22 =	simm.s32 @!p1 $0x7A1400;
	s6 =	sadd.s32 @!p1 s1, s31;
	s0 =	sand.u32 @!p1 $0x1FFFFF80, s0  }
0x4e: {  	[tilespmem:s23], [sflag:$0x1] =	stream.strided.gather @!p1 [hbm4b:s6+s23], $0x1000, s22, s23, $0x38;
	[tilespmem:$0x1C400] =	vst v63  }
0x4f: {  	s16 =	simm.s32 @!p1 $0x1400;
	s6 =	sadd.s32 @!p1 s2, s0  }
0x50: {  	[tilespmem:s16], [sflag:$0x1] =	stream.strided.gather @!p1 [hbm4b:s6+s23], $0x1000, s22, s23, $0x38;
	[tilespmem:$0x1C400] =	vst v63  }
0x51: {  	s6 =	sadd.s32 @!p1 s3, s31;
	s16 =	simm.s32 @!p1 $0x2400  }
0x52: {  	[tilespmem:s16], [sflag:$0x1] =	stream.strided.gather @!p1 [hbm4b:s6+s23], $0x1000, s22, s23, $0x38;
	[tilespmem:$0x1C400] =	vst v63  }
0x53: {  	s0 =	sadd.s32 @!p1 s4, s0;
	s6 =	simm.s32 @!p1 $0x3400  }
0x54: {  	[tilespmem:s6], [sflag:$0x1] =	stream.strided.gather @!p1 [hbm4b:s0+s23], $0x1000, s22, s23, $0x38;
	[tilespmem:$0x1C400] =	vst v63  }
0x55: {  	s0 =	simm.s32 @!p0 $0x2  }
0x56: {  	_ =	swait.ge @!p0 [sflag:s0], $0x1000  }
0x57: {  	[sflag:s0] =	ssyncset.done @!p0 $0x0  }
0x58: {  	[sflag:s0] =	ssyncadd.s32 @!p0 $0xFFFFF000  }
0x59: {  	_ =	swait.ge @!p0 [sflag:s0], $0x1000  }
0x5a: {  	[sflag:s0] =	ssyncset.done @!p0 $0x0  }
0x5b: {  	[sflag:s0] =	ssyncadd.s32 @!p0 $0xFFFFF000  }
0x5c: {  	s31 =	sadd.s32 $0xFFFFFFFB, s18;
	_ =	swait.ge @!p0 [sflag:s0], $0x1000  }
0x5d: {  	v0 =	vmov @!p0 s31;
	[sflag:s0] =	ssyncset.done @!p0 $0x0  }
0x5e: {  	[sflag:s0] =	ssyncadd.s32 @!p0 $0xFFFFF000  }
0x5f: {  	_ =	swait.ge @!p0 [sflag:s0], $0x1000  }
0x60: {  	[sflag:s0] =	ssyncset.done @!p0 $0x0  }
0x61: {  	[sflag:s0] =	ssyncadd.s32 @!p0 $0xFFFFF000  }
0x62: {  	v1 =	vld.idx.msk @!p0 [tilespmem:v0+s20+$0x0], $0xffff;
	_ =	sdelay $0x4  }
0x63: {  	v1 =	vand.u32 @!p0 $0x7F, v1  }
0x64: {  	v3 =	vor.u32 @!p0 v2, v1  }
0x65: {  	v0 =	vld.idx.msk @!p0 [tilespmem:v0+s21+$0x0], $0xffff;
	v1 =	vor.u32 @!p0 v4, v1;
	_ =	sdelay $0x2  }
0x66: {  	s6 =	simm.s32 @!p0 $0x4400;
	s0 =	sand.u32 @!p0 $0x7F, s31  }
0x67: {  	v6 =	vor.u32 @!p0 s0, v2;
	v5 =	vld.idx.msk @!p0 [tilespmem:v3+s6+$0x0], $0xffff  }
0x68: {  	v8 =	vor.u32 @!p0 s0, v4;
	v0 =	vand.u32 @!p0 $0x7F, v0;
	v7 =	vld.idx.msk @!p0 [tilespmem:v1+s6+$0x0], $0xffff  }
0x69: {  	v2 =	vor.u32 @!p0 v2, v0  }
0x6a: {  	v0 =	vor.u32 @!p0 v4, v0;
	_ =	sdelay $0x1  }
0x6b: {  	[tilespmem:v6+s24+$0x0] =	vst.idx.msk @!p0 $0xffff, v5  }
0x6c: {  	s0 =	simm.s32 @!p0 $0x5400;
	[tilespmem:v8+s24+$0x0] =	vst.idx.msk @!p0 $0xffff, v7  }
0x6d: {  	v4 =	vld.idx.msk @!p0 [tilespmem:v2+s0+$0x0], $0xffff  }
0x6e: {  	v5 =	vld.idx.msk @!p0 [tilespmem:v0+s0+$0x0], $0xffff;
	_ =	sdelay $0x3  }
0x6f: {  	[tilespmem:v6+s25+$0x0] =	vst.idx.msk @!p0 $0xffff, v4  }
0x70: {  	s0 =	simm.s32 @!p0 $0x6400;
	[tilespmem:v8+s25+$0x0] =	vst.idx.msk @!p0 $0xffff, v5  }
0x71: {  	v3 =	vld.idx.msk @!p0 [tilespmem:v3+s0+$0x0], $0xffff  }
0x72: {  	v1 =	vld.idx.msk @!p0 [tilespmem:v1+s0+$0x0], $0xffff;
	_ =	sdelay $0x3  }
0x73: {  	[tilespmem:v6+s26+$0x0] =	vst.idx.msk @!p0 $0xffff, v3  }
0x74: {  	s0 =	simm.s32 @!p0 $0x7400;
	[tilespmem:v8+s26+$0x0] =	vst.idx.msk @!p0 $0xffff, v1  }
0x75: {  	v1 =	vld.idx.msk @!p0 [tilespmem:v2+s0+$0x0], $0xffff  }
0x76: {  	s6 =	sadd.s32 $0x1, s18;
	v0 =	vld.idx.msk @!p0 [tilespmem:v0+s0+$0x0], $0xffff  }
0x77: {  	v2 =	vmov @!p1 s6;
	_ =	sdelay $0x2  }
0x78: {  	[tilespmem:v6+s28+$0x0] =	vst.idx.msk @!p0 $0xffff, v1  }
0x79: {  	[tilespmem:v8+s28+$0x0] =	vst.idx.msk @!p0 $0xffff, v0  }
0x7a: {  	v0 =	vld.idx.msk @!p1 [tilespmem:v2+s29+$0x0], $0xffff  }
0x7b: {  	v1 =	vld.idx.msk @!p1 [tilespmem:v2+s30+$0x0], $0xffff;
	_ =	sdelay $0x3  }
0x7c: {  	v0 =	vxor.u32 @!p1 $0x80000000, v0  }
0x7d: {  	(xrf0) =	vmax.scan.msk.u32 @!p1 $0xffff, v0;
	v0 =	vxor.u32 @!p1 $0x80000000, v1  }
0x7e: {  	(xrf0) =	vmax.scan.msk.u32 @!p1 $0xffff, v0;
	_ =	sdelay $0x4  }
0x7f: {  	v0, _, _ =	vpop @!p1 (xrf0)  }
0x80: {  	(v2sf) =	vpush @!p1 v0, $0xF;
	v0, _, _ =	vpop @!p1 (xrf0)  }
0x81: {  	(v2sf) =	vpush @!p1 v0, $0xF;
	_ =	sdelay $0xd  }
0x82: {  	s0 =	spop @!p1 (v2sf)  }
0x83: {  	s0 =	sand.u32 @!p1 $0x1FFFFF80, s0;
	s6 =	spop @!p1 (v2sf)  }
0x84: {  	s20 =	simm.s32 @!p1 $0x4400;
	s16 =	sadd.s32 @!p1 s1, s0;
	s6 =	sand.u32 @!p1 $0x1FFFFF80, s6  }
0x85: {  	[tilespmem:s20], [sflag:$0x2] =	stream.strided.gather @!p1 [hbm4b:s16+s23], $0x1000, s22, s23, $0x38;
	[tilespmem:$0x1C400] =	vst v63  }
0x86: {  	s16 =	sadd.s32 @!p1 s2, s6;
	s20 =	simm.s32 @!p1 $0x5400  }
0x87: {  	[tilespmem:s20], [sflag:$0x2] =	stream.strided.gather @!p1 [hbm4b:s16+s23], $0x1000, s22, s23, $0x38;
	[tilespmem:$0x1C400] =	vst v63  }
0x88: {  	s29 =	sand.u32 $0xFFFFFE7F, s31;
	s0 =	sadd.s32 @!p1 s3, s0;
	s16 =	simm.s32 @!p1 $0x6400  }
0x89: {  	[tilespmem:s16], [sflag:$0x2] =	stream.strided.gather @!p1 [hbm4b:s0+s23], $0x1000, s22, s23, $0x38;
	[tilespmem:$0x1C400] =	vst v63  }
0x8a: {  	p0 =	sne.s32 s29, $0x7F;
	s0 =	sadd.s32 @!p1 s4, s6;
	s6 =	simm.s32 @!p1 $0x7400  }
0x8b: {  	[tilespmem:s6], [sflag:$0x2] =	stream.strided.gather @!p1 [hbm4b:s0+s23], $0x1000, s22, s23, $0x38;
	[tilespmem:$0x1C400] =	vst v63  }
0x8c: {  	s0 =	sadd.s32 @!p0 s18, s10  }
0x8d: {  	s0 =	sadd.s32 @!p0 $0xFFFFF7C, s0  }
0x8e: {  	s21 =	simm.s32 @!p0 $0x18400;
	s0 =	sand.u32 @!p0 $0xFFFFF80, s0  }
0x8f: {  	s20 =	simm.s32 @!p0 $0x20000;
	s16 =	simm.s32 @!p0 $0x400;
	s6 =	sadd.s32 @!p0 s7, s0  }
0x90: {  	[hbm4b:s6+s16] =	stream.strided.scatter @!p0 [tilespmem:s21], [sflag:$0x8], $0x1000, s20, s16, $0x38;
	[tilespmem:$0x1C400] =	vst v63  }
0x91: {  	s6 =	simm.s32 @!p0 $0x8  }
0x92: {  	_ =	swait.ge @!p0 [sflag:s6], $0x1000  }
0x93: {  	[sflag:s6] =	ssyncset.done @!p0 $0x0  }
0x94: {  	s22 =	simm.s32 @!p0 $0x19400;
	s21 =	sadd.s32 @!p0 s8, s0;
	[sflag:s6] =	ssyncadd.s32 @!p0 $0xFFFFF000  }
0x95: {  	[hbm4b:s21+s16] =	stream.strided.scatter @!p0 [tilespmem:s22], [sflag:$0x8], $0x1000, s20, s16, $0x38;
	[tilespmem:$0x1C400] =	vst v63  }
0x96: {  	_ =	swait.ge @!p0 [sflag:s6], $0x1000  }
0x97: {  	[sflag:s6] =	ssyncset.done @!p0 $0x0  }
0x98: {  	s21 =	sadd.s32 @!p0 s9, s0;
	s22 =	simm.s32 @!p0 $0x1A400;
	[sflag:s6] =	ssyncadd.s32 @!p0 $0xFFFFF000  }
0x99: {  	[hbm4b:s21+s16] =	stream.strided.scatter @!p0 [tilespmem:s22], [sflag:$0x8], $0x1000, s20, s16, $0x38;
	[tilespmem:$0x1C400] =	vst v63  }
0x9a: {  	_ =	swait.ge @!p0 [sflag:s6], $0x1000  }
0x9b: {  	[sflag:s6] =	ssyncset.done @!p0 $0x0  }
0x9c: {  	s0 =	sadd.s32 @!p0 s11, s0;
	s21 =	simm.s32 @!p0 $0x1B400;
	[sflag:s6] =	ssyncadd.s32 @!p0 $0xFFFFF000  }
0x9d: {  	[hbm4b:s0+s16] =	stream.strided.scatter @!p0 [tilespmem:s21], [sflag:$0x8], $0x1000, s20, s16, $0x38;
	[tilespmem:$0x1C400] =	vst v63  }
0x9e: {  	s0 =	sadd.s32 $0xFFFFFFFC, s18;
	_ =	swait.ge @!p0 [sflag:s6], $0x1000  }
0x9f: {  	p1 =	sgt.u32 s0, $0x1FF;
	[sflag:s6] =	ssyncset.done @!p0 $0x0  }
0xa0: {  	[sflag:s6] =	ssyncadd.s32 @!p0 $0xFFFFF000;
	s6 =	simm.s32 @!p1 $0x3  }
0xa1: {  	_ =	swait.ge @!p1 [sflag:s6], $0x1000  }
0xa2: {  	[sflag:s6] =	ssyncset.done @!p1 $0x0  }
0xa3: {  	[sflag:s6] =	ssyncadd.s32 @!p1 $0xFFFFF000  }
0xa4: {  	_ =	swait.ge @!p1 [sflag:s6], $0x1000  }
0xa5: {  	v0 =	vmov @!p1 s0;
	[sflag:s6] =	ssyncset.done @!p1 $0x0  }
0xa6: {  	v0 =	vand.u32 @!p1 $0xFFFFFFFE, v0;
	[sflag:s6] =	ssyncadd.s32 @!p1 $0xFFFFF000  }
0xa7: {  	v0 =	vbroadcast @!p1 v0, $0x0;
	_ =	swait.ge @!p1 [sflag:s6], $0x1000  }
0xa8: {  	[sflag:s6] =	ssyncset.done @!p1 $0x0  }
0xa9: {  	[sflag:s6] =	ssyncadd.s32 @!p1 $0xFFFFF000  }
0xaa: {  	_ =	swait.ge @!p1 [sflag:s6], $0x1000  }
0xab: {  	[sflag:s6] =	ssyncset.done @!p1 $0x0  }
0xac: {  	s24 =	simm.s32 @!p1 $0x0;
	[sflag:s6] =	ssyncadd.s32 @!p1 $0xFFFFF000  }
0xad: {  	v1 =	vld.idx.msk @!p1 [tilespmem:v0+s24+$0x0], $0xffff;
	_ =	sdelay $0x2  }
0xae: {  	v2 =	vlaneseq.u32 @!p1  }
0xaf: {  	v2 =	vmul.u32 @!p1 $0x80, v2  }
0xb0: {  	v1 =	vand.u32 @!p1 $0x7F, v1  }
0xb1: {  	s25 =	simm.s32 @!p1 $0x200;
	v4 =	vor.u32 @!p1 $0x800, v2;
	v3 =	vor.u32 @!p1 v2, v1  }
0xb2: {  	v0 =	vld.idx.msk @!p1 [tilespmem:v0+s25+$0x0], $0xffff;
	v1 =	vor.u32 @!p1 v4, v1;
	_ =	sdelay $0x2  }
0xb3: {  	s0 =	sand.u32 @!p1 $0x7E, s0;
	s6 =	simm.s32 @!p1 $0x8400  }
0xb4: {  	v6 =	vor.u32 @!p1 s0, v2;
	v5 =	vld.idx.msk @!p1 [tilespmem:v3+s6+$0x0], $0xffff  }
0xb5: {  	v8 =	vor.u32 @!p1 s0, v4;
	v0 =	vand.u32 @!p1 $0x7F, v0;
	v7 =	vld.idx.msk @!p1 [tilespmem:v1+s6+$0x0], $0xffff  }
0xb6: {  	v9 =	vor.u32 @!p1 v2, v0  }
0xb7: {  	v0 =	vor.u32 @!p1 v4, v0  }
0xb8: {  	s26 =	simm.s32 @!p1 $0x18400  }
0xb9: {  	[tilespmem:v6+s26+$0x0] =	vst.idx.msk @!p1 $0xffff, v5  }
0xba: {  	s0 =	simm.s32 @!p1 $0x9400;
	[tilespmem:v8+s26+$0x0] =	vst.idx.msk @!p1 $0xffff, v7  }
0xbb: {  	v5 =	vld.idx.msk @!p1 [tilespmem:v9+s0+$0x0], $0xffff  }
0xbc: {  	v7 =	vld.idx.msk @!p1 [tilespmem:v0+s0+$0x0], $0xffff;
	_ =	sdelay $0x2  }
0xbd: {  	s28 =	simm.s32 @!p1 $0x19400  }
0xbe: {  	[tilespmem:v6+s28+$0x0] =	vst.idx.msk @!p1 $0xffff, v5  }
0xbf: {  	s0 =	simm.s32 @!p1 $0xA400;
	[tilespmem:v8+s28+$0x0] =	vst.idx.msk @!p1 $0xffff, v7  }
0xc0: {  	v3 =	vld.idx.msk @!p1 [tilespmem:v3+s0+$0x0], $0xffff  }
0xc1: {  	v1 =	vld.idx.msk @!p1 [tilespmem:v1+s0+$0x0], $0xffff;
	_ =	sdelay $0x2  }
0xc2: {  	s29 =	simm.s32 @!p1 $0x1A400  }
0xc3: {  	p0 =	sgt.u32 s19, $0x54;
	s0 =	sadd.s32 $0x2, s18;
	[tilespmem:v6+s29+$0x0] =	vst.idx.msk @!p1 $0xffff, v3  }
0xc4: {  	s6 =	simm.s32 @!p1 $0xB400;
	[tilespmem:v8+s29+$0x0] =	vst.idx.msk @!p1 $0xffff, v1;
	v1 =	vmov @!p0 s0  }
0xc5: {  	v3 =	vld.idx.msk @!p1 [tilespmem:v9+s6+$0x0], $0xffff;
	v1 =	vand.u32 @!p0 $0xFFFFFFFE, v1  }
0xc6: {  	v0 =	vld.idx.msk @!p1 [tilespmem:v0+s6+$0x0], $0xffff;
	v1 =	vbroadcast @!p0 v1, $0x0;
	_ =	sdelay $0x2  }
0xc7: {  	s30 =	simm.s32 @!p1 $0x1B400  }
0xc8: {  	[tilespmem:v6+s30+$0x0] =	vst.idx.msk @!p1 $0xffff, v3  }
0xc9: {  	s22 =	simm.s32 @!p0 $0x0;
	[tilespmem:v8+s30+$0x0] =	vst.idx.msk @!p1 $0xffff, v0  }
0xca: {  	s23 =	simm.s32 @!p0 $0x200;
	v0 =	vld.idx.msk @!p0 [tilespmem:v1+s22+$0x0], $0xffff  }
0xcb: {  	v1 =	vld.idx.msk @!p0 [tilespmem:v1+s23+$0x0], $0xffff;
	_ =	sdelay $0x3  }
0xcc: {  	v0 =	vxor.u32 @!p0 $0x80000000, v0  }
0xcd: {  	(xrf0) =	vmax.scan.msk.u32 @!p0 $0xffff, v0;
	v0 =	vxor.u32 @!p0 $0x80000000, v1  }
0xce: {  	(xrf0) =	vmax.scan.msk.u32 @!p0 $0xffff, v0;
	_ =	sdelay $0x4  }
0xcf: {  	v0, _, _ =	vpop @!p0 (xrf0)  }
0xd0: {  	(v2sf) =	vpush @!p0 v0, $0xF;
	v0, _, _ =	vpop @!p0 (xrf0)  }
0xd1: {  	(v2sf) =	vpush @!p0 v0, $0xF;
	_ =	sdelay $0xd  }
0xd2: {  	s20 =	simm.s32 @!p0 $0x400;
	s0 =	spop @!p0 (v2sf)  }
0xd3: {  	s21 =	simm.s32 @!p0 $0x7A1400;
	s0 =	sand.u32 @!p0 $0x1FFFFF80, s0;
	s6 =	spop @!p0 (v2sf)  }
0xd4: {  	s31 =	simm.s32 @!p0 $0x8400;
	s16 =	sadd.s32 @!p0 s1, s0;
	s6 =	sand.u32 @!p0 $0x1FFFFF80, s6  }
0xd5: {  	[tilespmem:s31], [sflag:$0x3] =	stream.strided.gather @!p0 [hbm4b:s16+s20], $0x1000, s21, s20, $0x38;
	[tilespmem:$0x1C400] =	vst v63  }
0xd6: {  	s16 =	sadd.s32 @!p0 s2, s6;
	s31 =	simm.s32 @!p0 $0x9400  }
0xd7: {  	[tilespmem:s31], [sflag:$0x3] =	stream.strided.gather @!p0 [hbm4b:s16+s20], $0x1000, s21, s20, $0x38;
	[tilespmem:$0x1C400] =	vst v63  }
0xd8: {  	s0 =	sadd.s32 @!p0 s3, s0;
	s16 =	simm.s32 @!p0 $0xA400  }
0xd9: {  	[tilespmem:s16], [sflag:$0x3] =	stream.strided.gather @!p0 [hbm4b:s0+s20], $0x1000, s21, s20, $0x38;
	[tilespmem:$0x1C400] =	vst v63  }
0xda: {  	s0 =	sadd.s32 @!p0 s4, s6;
	s6 =	simm.s32 @!p0 $0xB400  }
0xdb: {  	[tilespmem:s6], [sflag:$0x3] =	stream.strided.gather @!p0 [hbm4b:s0+s20], $0x1000, s21, s20, $0x38;
	[tilespmem:$0x1C400] =	vst v63  }
0xdc: {  	s0 =	simm.s32 @!p1 $0x4  }
0xdd: {  	_ =	swait.ge @!p1 [sflag:s0], $0x1000  }
0xde: {  	[sflag:s0] =	ssyncset.done @!p1 $0x0  }
0xdf: {  	[sflag:s0] =	ssyncadd.s32 @!p1 $0xFFFFF000  }
0xe0: {  	_ =	swait.ge @!p1 [sflag:s0], $0x1000  }
0xe1: {  	[sflag:s0] =	ssyncset.done @!p1 $0x0  }
0xe2: {  	[sflag:s0] =	ssyncadd.s32 @!p1 $0xFFFFF000  }
0xe3: {  	s31 =	sadd.s32 $0xFFFFFFFD, s18;
	_ =	swait.ge @!p1 [sflag:s0], $0x1000  }
0xe4: {  	v0 =	vmov @!p1 s31;
	[sflag:s0] =	ssyncset.done @!p1 $0x0  }
0xe5: {  	[sflag:s0] =	ssyncadd.s32 @!p1 $0xFFFFF000  }
0xe6: {  	_ =	swait.ge @!p1 [sflag:s0], $0x1000  }
0xe7: {  	[sflag:s0] =	ssyncset.done @!p1 $0x0  }
0xe8: {  	[sflag:s0] =	ssyncadd.s32 @!p1 $0xFFFFF000  }
0xe9: {  	v1 =	vld.idx.msk @!p1 [tilespmem:v0+s24+$0x0], $0xffff;
	_ =	sdelay $0x4  }
0xea: {  	v1 =	vand.u32 @!p1 $0x7F, v1  }
0xeb: {  	v3 =	vor.u32 @!p1 v2, v1  }
0xec: {  	v0 =	vld.idx.msk @!p1 [tilespmem:v0+s25+$0x0], $0xffff;
	v1 =	vor.u32 @!p1 v4, v1;
	_ =	sdelay $0x2  }
0xed: {  	s6 =	simm.s32 @!p1 $0xC400;
	s0 =	sand.u32 @!p1 $0x7F, s31  }
0xee: {  	v6 =	vor.u32 @!p1 s0, v2;
	v5 =	vld.idx.msk @!p1 [tilespmem:v3+s6+$0x0], $0xffff  }
0xef: {  	v8 =	vor.u32 @!p1 s0, v4;
	v0 =	vand.u32 @!p1 $0x7F, v0;
	v7 =	vld.idx.msk @!p1 [tilespmem:v1+s6+$0x0], $0xffff  }
0xf0: {  	v2 =	vor.u32 @!p1 v2, v0  }
0xf1: {  	v0 =	vor.u32 @!p1 v4, v0;
	_ =	sdelay $0x1  }
0xf2: {  	[tilespmem:v6+s26+$0x0] =	vst.idx.msk @!p1 $0xffff, v5  }
0xf3: {  	s0 =	simm.s32 @!p1 $0xD400;
	[tilespmem:v8+s26+$0x0] =	vst.idx.msk @!p1 $0xffff, v7  }
0xf4: {  	v4 =	vld.idx.msk @!p1 [tilespmem:v2+s0+$0x0], $0xffff  }
0xf5: {  	v5 =	vld.idx.msk @!p1 [tilespmem:v0+s0+$0x0], $0xffff;
	_ =	sdelay $0x3  }
0xf6: {  	[tilespmem:v6+s28+$0x0] =	vst.idx.msk @!p1 $0xffff, v4  }
0xf7: {  	s0 =	simm.s32 @!p1 $0xE400;
	[tilespmem:v8+s28+$0x0] =	vst.idx.msk @!p1 $0xffff, v5  }
0xf8: {  	v3 =	vld.idx.msk @!p1 [tilespmem:v3+s0+$0x0], $0xffff  }
0xf9: {  	v1 =	vld.idx.msk @!p1 [tilespmem:v1+s0+$0x0], $0xffff;
	_ =	sdelay $0x3  }
0xfa: {  	[tilespmem:v6+s29+$0x0] =	vst.idx.msk @!p1 $0xffff, v3  }
0xfb: {  	s0 =	simm.s32 @!p1 $0xF400;
	[tilespmem:v8+s29+$0x0] =	vst.idx.msk @!p1 $0xffff, v1  }
0xfc: {  	v1 =	vld.idx.msk @!p1 [tilespmem:v2+s0+$0x0], $0xffff  }
0xfd: {  	s6 =	sadd.s32 $0x3, s18;
	v0 =	vld.idx.msk @!p1 [tilespmem:v0+s0+$0x0], $0xffff  }
0xfe: {  	v2 =	vmov @!p0 s6;
	_ =	sdelay $0x2  }
0xff: {  	[tilespmem:v6+s30+$0x0] =	vst.idx.msk @!p1 $0xffff, v1  }
0x100: {  	[tilespmem:v8+s30+$0x0] =	vst.idx.msk @!p1 $0xffff, v0  }
0x101: {  	v0 =	vld.idx.msk @!p0 [tilespmem:v2+s22+$0x0], $0xffff  }
0x102: {  	v1 =	vld.idx.msk @!p0 [tilespmem:v2+s23+$0x0], $0xffff;
	_ =	sdelay $0x3  }
0x103: {  	v0 =	vxor.u32 @!p0 $0x80000000, v0  }
0x104: {  	(xrf0) =	vmax.scan.msk.u32 @!p0 $0xffff, v0;
	v0 =	vxor.u32 @!p0 $0x80000000, v1  }
0x105: {  	(xrf0) =	vmax.scan.msk.u32 @!p0 $0xffff, v0;
	_ =	sdelay $0x4  }
0x106: {  	v0, _, _ =	vpop @!p0 (xrf0)  }
0x107: {  	(v2sf) =	vpush @!p0 v0, $0xF;
	v0, _, _ =	vpop @!p0 (xrf0)  }
0x108: {  	(v2sf) =	vpush @!p0 v0, $0xF;
	_ =	sdelay $0xd  }
0x109: {  	s0 =	spop @!p0 (v2sf)  }
0x10a: {  	s0 =	sand.u32 @!p0 $0x1FFFFF80, s0;
	s6 =	spop @!p0 (v2sf)  }
0x10b: {  	s24 =	simm.s32 @!p0 $0xC400;
	s16 =	sadd.s32 @!p0 s1, s0;
	s6 =	sand.u32 @!p0 $0x1FFFFF80, s6  }
0x10c: {  	[tilespmem:s24], [sflag:$0x4] =	stream.strided.gather @!p0 [hbm4b:s16+s20], $0x1000, s21, s20, $0x38;
	[tilespmem:$0x1C400] =	vst v63  }
0x10d: {  	s16 =	sadd.s32 @!p0 s2, s6;
	s24 =	simm.s32 @!p0 $0xD400  }
0x10e: {  	[tilespmem:s24], [sflag:$0x4] =	stream.strided.gather @!p0 [hbm4b:s16+s20], $0x1000, s21, s20, $0x38;
	[tilespmem:$0x1C400] =	vst v63  }
0x10f: {  	s30 =	sand.u32 $0xFFFFFE7F, s31;
	s0 =	sadd.s32 @!p0 s3, s0;
	s16 =	simm.s32 @!p0 $0xE400  }
0x110: {  	[tilespmem:s16], [sflag:$0x4] =	stream.strided.gather @!p0 [hbm4b:s0+s20], $0x1000, s21, s20, $0x38;
	[tilespmem:$0x1C400] =	vst v63  }
0x111: {  	p2 =	sne.s32 s30, $0x7F;
	s0 =	sadd.s32 @!p0 s4, s6;
	s6 =	simm.s32 @!p0 $0xF400  }
0x112: {  	[tilespmem:s6], [sflag:$0x4] =	stream.strided.gather @!p0 [hbm4b:s0+s20], $0x1000, s21, s20, $0x38;
	[tilespmem:$0x1C400] =	vst v63  }
0x113: {  	s0 =	sadd.s32 @!p2 s18, s10  }
0x114: {  	s0 =	sadd.s32 @!p2 $0xFFFFF7E, s0  }
0x115: {  	s25 =	simm.s32 @!p2 $0x18400;
	s0 =	sand.u32 @!p2 $0xFFFFF80, s0  }
0x116: {  	s24 =	simm.s32 @!p2 $0x20000;
	s16 =	simm.s32 @!p2 $0x400;
	s6 =	sadd.s32 @!p2 s7, s0  }
0x117: {  	[hbm4b:s6+s16] =	stream.strided.scatter @!p2 [tilespmem:s25], [sflag:$0x8], $0x1000, s24, s16, $0x38;
	[tilespmem:$0x1C400] =	vst v63  }
0x118: {  	s6 =	simm.s32 @!p2 $0x8  }
0x119: {  	_ =	swait.ge @!p2 [sflag:s6], $0x1000  }
0x11a: {  	[sflag:s6] =	ssyncset.done @!p2 $0x0  }
0x11b: {  	s26 =	simm.s32 @!p2 $0x19400;
	s25 =	sadd.s32 @!p2 s8, s0;
	[sflag:s6] =	ssyncadd.s32 @!p2 $0xFFFFF000  }
0x11c: {  	[hbm4b:s25+s16] =	stream.strided.scatter @!p2 [tilespmem:s26], [sflag:$0x8], $0x1000, s24, s16, $0x38;
	[tilespmem:$0x1C400] =	vst v63  }
0x11d: {  	_ =	swait.ge @!p2 [sflag:s6], $0x1000  }
0x11e: {  	[sflag:s6] =	ssyncset.done @!p2 $0x0  }
0x11f: {  	s25 =	sadd.s32 @!p2 s9, s0;
	s26 =	simm.s32 @!p2 $0x1A400;
	[sflag:s6] =	ssyncadd.s32 @!p2 $0xFFFFF000  }
0x120: {  	[hbm4b:s25+s16] =	stream.strided.scatter @!p2 [tilespmem:s26], [sflag:$0x8], $0x1000, s24, s16, $0x38;
	[tilespmem:$0x1C400] =	vst v63  }
0x121: {  	_ =	swait.ge @!p2 [sflag:s6], $0x1000  }
0x122: {  	[sflag:s6] =	ssyncset.done @!p2 $0x0  }
0x123: {  	s0 =	sadd.s32 @!p2 s11, s0;
	s25 =	simm.s32 @!p2 $0x1B400;
	[sflag:s6] =	ssyncadd.s32 @!p2 $0xFFFFF000  }
0x124: {  	[hbm4b:s0+s16] =	stream.strided.scatter @!p2 [tilespmem:s25], [sflag:$0x8], $0x1000, s24, s16, $0x38;
	[tilespmem:$0x1C400] =	vst v63  }
0x125: {  	s0 =	sadd.s32 $0xFFFFFFFE, s18;
	_ =	swait.ge @!p2 [sflag:s6], $0x1000  }
0x126: {  	p1 =	sgt.u32 s0, $0x1FF;
	[sflag:s6] =	ssyncset.done @!p2 $0x0  }
0x127: {  	[sflag:s6] =	ssyncadd.s32 @!p2 $0xFFFFF000;
	s6 =	simm.s32 @!p1 $0x5  }
0x128: {  	_ =	swait.ge @!p1 [sflag:s6], $0x1000  }
0x129: {  	[sflag:s6] =	ssyncset.done @!p1 $0x0  }
0x12a: {  	[sflag:s6] =	ssyncadd.s32 @!p1 $0xFFFFF000  }
0x12b: {  	_ =	swait.ge @!p1 [sflag:s6], $0x1000  }
0x12c: {  	v0 =	vmov @!p1 s0;
	[sflag:s6] =	ssyncset.done @!p1 $0x0  }
0x12d: {  	v0 =	vand.u32 @!p1 $0xFFFFFFFE, v0;
	[sflag:s6] =	ssyncadd.s32 @!p1 $0xFFFFF000  }
0x12e: {  	v0 =	vbroadcast @!p1 v0, $0x0;
	_ =	swait.ge @!p1 [sflag:s6], $0x1000  }
0x12f: {  	[sflag:s6] =	ssyncset.done @!p1 $0x0  }
0x130: {  	[sflag:s6] =	ssyncadd.s32 @!p1 $0xFFFFF000  }
0x131: {  	_ =	swait.ge @!p1 [sflag:s6], $0x1000  }
0x132: {  	[sflag:s6] =	ssyncset.done @!p1 $0x0  }
0x133: {  	s24 =	simm.s32 @!p1 $0x0;
	[sflag:s6] =	ssyncadd.s32 @!p1 $0xFFFFF000  }
0x134: {  	v1 =	vld.idx.msk @!p1 [tilespmem:v0+s24+$0x0], $0xffff;
	_ =	sdelay $0x2  }
0x135: {  	v2 =	vlaneseq.u32 @!p1  }
0x136: {  	v2 =	vmul.u32 @!p1 $0x80, v2  }
0x137: {  	v1 =	vand.u32 @!p1 $0x7F, v1  }
0x138: {  	s25 =	simm.s32 @!p1 $0x200;
	v4 =	vor.u32 @!p1 $0x800, v2;
	v3 =	vor.u32 @!p1 v2, v1  }
0x139: {  	v0 =	vld.idx.msk @!p1 [tilespmem:v0+s25+$0x0], $0xffff;
	v1 =	vor.u32 @!p1 v4, v1;
	_ =	sdelay $0x2  }
0x13a: {  	s0 =	sand.u32 @!p1 $0x7E, s0;
	s6 =	simm.s32 @!p1 $0x10400  }
0x13b: {  	v6 =	vor.u32 @!p1 s0, v2;
	v5 =	vld.idx.msk @!p1 [tilespmem:v3+s6+$0x0], $0xffff  }
0x13c: {  	v8 =	vor.u32 @!p1 s0, v4;
	v0 =	vand.u32 @!p1 $0x7F, v0;
	v7 =	vld.idx.msk @!p1 [tilespmem:v1+s6+$0x0], $0xffff  }
0x13d: {  	v9 =	vor.u32 @!p1 v2, v0  }
0x13e: {  	v0 =	vor.u32 @!p1 v4, v0  }
0x13f: {  	s26 =	simm.s32 @!p1 $0x18400  }
0x140: {  	[tilespmem:v6+s26+$0x0] =	vst.idx.msk @!p1 $0xffff, v5  }
0x141: {  	s0 =	simm.s32 @!p1 $0x11400;
	[tilespmem:v8+s26+$0x0] =	vst.idx.msk @!p1 $0xffff, v7  }
0x142: {  	v5 =	vld.idx.msk @!p1 [tilespmem:v9+s0+$0x0], $0xffff  }
0x143: {  	v7 =	vld.idx.msk @!p1 [tilespmem:v0+s0+$0x0], $0xffff;
	_ =	sdelay $0x2  }
0x144: {  	s28 =	simm.s32 @!p1 $0x19400  }
0x145: {  	[tilespmem:v6+s28+$0x0] =	vst.idx.msk @!p1 $0xffff, v5  }
0x146: {  	s0 =	simm.s32 @!p1 $0x12400;
	[tilespmem:v8+s28+$0x0] =	vst.idx.msk @!p1 $0xffff, v7  }
0x147: {  	v3 =	vld.idx.msk @!p1 [tilespmem:v3+s0+$0x0], $0xffff  }
0x148: {  	v1 =	vld.idx.msk @!p1 [tilespmem:v1+s0+$0x0], $0xffff;
	_ =	sdelay $0x2  }
0x149: {  	s29 =	simm.s32 @!p1 $0x1A400  }
0x14a: {  	s0 =	sadd.s32 $0x4, s18;
	[tilespmem:v6+s29+$0x0] =	vst.idx.msk @!p1 $0xffff, v3  }
0x14b: {  	s6 =	simm.s32 @!p1 $0x13400;
	[tilespmem:v8+s29+$0x0] =	vst.idx.msk @!p1 $0xffff, v1;
	v1 =	vmov @!p0 s0  }
0x14c: {  	v3 =	vld.idx.msk @!p1 [tilespmem:v9+s6+$0x0], $0xffff;
	v1 =	vand.u32 @!p0 $0xFFFFFFFE, v1  }
0x14d: {  	v0 =	vld.idx.msk @!p1 [tilespmem:v0+s6+$0x0], $0xffff;
	v1 =	vbroadcast @!p0 v1, $0x0;
	_ =	sdelay $0x2  }
0x14e: {  	s30 =	simm.s32 @!p1 $0x1B400  }
0x14f: {  	[tilespmem:v6+s30+$0x0] =	vst.idx.msk @!p1 $0xffff, v3  }
0x150: {  	[tilespmem:v8+s30+$0x0] =	vst.idx.msk @!p1 $0xffff, v0  }
0x151: {  	v0 =	vld.idx.msk @!p0 [tilespmem:v1+s22+$0x0], $0xffff  }
0x152: {  	v1 =	vld.idx.msk @!p0 [tilespmem:v1+s23+$0x0], $0xffff;
	_ =	sdelay $0x3  }
0x153: {  	v0 =	vxor.u32 @!p0 $0x80000000, v0  }
0x154: {  	(xrf0) =	vmax.scan.msk.u32 @!p0 $0xffff, v0;
	v0 =	vxor.u32 @!p0 $0x80000000, v1  }
0x155: {  	(xrf0) =	vmax.scan.msk.u32 @!p0 $0xffff, v0;
	_ =	sdelay $0x4  }
0x156: {  	v0, _, _ =	vpop @!p0 (xrf0)  }
0x157: {  	(v2sf) =	vpush @!p0 v0, $0xF;
	v0, _, _ =	vpop @!p0 (xrf0)  }
0x158: {  	(v2sf) =	vpush @!p0 v0, $0xF;
	_ =	sdelay $0xd  }
0x159: {  	s0 =	spop @!p0 (v2sf)  }
0x15a: {  	s0 =	sand.u32 @!p0 $0x1FFFFF80, s0;
	s6 =	spop @!p0 (v2sf)  }
0x15b: {  	s31 =	simm.s32 @!p0 $0x10400;
	s16 =	sadd.s32 @!p0 s1, s0;
	s6 =	sand.u32 @!p0 $0x1FFFFF80, s6  }
0x15c: {  	[tilespmem:s31], [sflag:$0x5] =	stream.strided.gather @!p0 [hbm4b:s16+s20], $0x1000, s21, s20, $0x38;
	[tilespmem:$0x1C400] =	vst v63  }
0x15d: {  	s16 =	sadd.s32 @!p0 s2, s6;
	s31 =	simm.s32 @!p0 $0x11400  }
0x15e: {  	[tilespmem:s31], [sflag:$0x5] =	stream.strided.gather @!p0 [hbm4b:s16+s20], $0x1000, s21, s20, $0x38;
	[tilespmem:$0x1C400] =	vst v63  }
0x15f: {  	s0 =	sadd.s32 @!p0 s3, s0;
	s16 =	simm.s32 @!p0 $0x12400  }
0x160: {  	[tilespmem:s16], [sflag:$0x5] =	stream.strided.gather @!p0 [hbm4b:s0+s20], $0x1000, s21, s20, $0x38;
	[tilespmem:$0x1C400] =	vst v63  }
0x161: {  	s0 =	sadd.s32 @!p0 s4, s6;
	s6 =	simm.s32 @!p0 $0x13400  }
0x162: {  	[tilespmem:s6], [sflag:$0x5] =	stream.strided.gather @!p0 [hbm4b:s0+s20], $0x1000, s21, s20, $0x38;
	[tilespmem:$0x1C400] =	vst v63  }
0x163: {  	s0 =	simm.s32 @!p1 $0x6  }
0x164: {  	_ =	swait.ge @!p1 [sflag:s0], $0x1000  }
0x165: {  	[sflag:s0] =	ssyncset.done @!p1 $0x0  }
0x166: {  	[sflag:s0] =	ssyncadd.s32 @!p1 $0xFFFFF000  }
0x167: {  	_ =	swait.ge @!p1 [sflag:s0], $0x1000  }
0x168: {  	[sflag:s0] =	ssyncset.done @!p1 $0x0  }
0x169: {  	[sflag:s0] =	ssyncadd.s32 @!p1 $0xFFFFF000  }
0x16a: {  	s31 =	sadd.s32 $0xFFFFFFFF, s18;
	_ =	swait.ge @!p1 [sflag:s0], $0x1000  }
0x16b: {  	v0 =	vmov @!p1 s31;
	[sflag:s0] =	ssyncset.done @!p1 $0x0  }
0x16c: {  	[sflag:s0] =	ssyncadd.s32 @!p1 $0xFFFFF000  }
0x16d: {  	_ =	swait.ge @!p1 [sflag:s0], $0x1000  }
0x16e: {  	[sflag:s0] =	ssyncset.done @!p1 $0x0  }
0x16f: {  	[sflag:s0] =	ssyncadd.s32 @!p1 $0xFFFFF000  }
0x170: {  	v1 =	vld.idx.msk @!p1 [tilespmem:v0+s24+$0x0], $0xffff;
	_ =	sdelay $0x4  }
0x171: {  	v1 =	vand.u32 @!p1 $0x7F, v1  }
0x172: {  	v3 =	vor.u32 @!p1 v2, v1  }
0x173: {  	v0 =	vld.idx.msk @!p1 [tilespmem:v0+s25+$0x0], $0xffff;
	v1 =	vor.u32 @!p1 v4, v1;
	_ =	sdelay $0x2  }
0x174: {  	s6 =	simm.s32 @!p1 $0x14400;
	s0 =	sand.u32 @!p1 $0x7F, s31  }
0x175: {  	v6 =	vor.u32 @!p1 s0, v2;
	v5 =	vld.idx.msk @!p1 [tilespmem:v3+s6+$0x0], $0xffff  }
0x176: {  	v8 =	vor.u32 @!p1 s0, v4;
	v0 =	vand.u32 @!p1 $0x7F, v0;
	v7 =	vld.idx.msk @!p1 [tilespmem:v1+s6+$0x0], $0xffff  }
0x177: {  	v2 =	vor.u32 @!p1 v2, v0  }
0x178: {  	v0 =	vor.u32 @!p1 v4, v0;
	_ =	sdelay $0x1  }
0x179: {  	[tilespmem:v6+s26+$0x0] =	vst.idx.msk @!p1 $0xffff, v5  }
0x17a: {  	s0 =	simm.s32 @!p1 $0x15400;
	[tilespmem:v8+s26+$0x0] =	vst.idx.msk @!p1 $0xffff, v7  }
0x17b: {  	v4 =	vld.idx.msk @!p1 [tilespmem:v2+s0+$0x0], $0xffff  }
0x17c: {  	v5 =	vld.idx.msk @!p1 [tilespmem:v0+s0+$0x0], $0xffff;
	_ =	sdelay $0x3  }
0x17d: {  	[tilespmem:v6+s28+$0x0] =	vst.idx.msk @!p1 $0xffff, v4  }
0x17e: {  	s0 =	simm.s32 @!p1 $0x16400;
	[tilespmem:v8+s28+$0x0] =	vst.idx.msk @!p1 $0xffff, v5  }
0x17f: {  	v3 =	vld.idx.msk @!p1 [tilespmem:v3+s0+$0x0], $0xffff  }
0x180: {  	v1 =	vld.idx.msk @!p1 [tilespmem:v1+s0+$0x0], $0xffff;
	_ =	sdelay $0x3  }
0x181: {  	[tilespmem:v6+s29+$0x0] =	vst.idx.msk @!p1 $0xffff, v3  }
0x182: {  	s0 =	simm.s32 @!p1 $0x17400;
	[tilespmem:v8+s29+$0x0] =	vst.idx.msk @!p1 $0xffff, v1  }
0x183: {  	v1 =	vld.idx.msk @!p1 [tilespmem:v2+s0+$0x0], $0xffff  }
0x184: {  	s6 =	sadd.s32 $0x5, s18;
	v0 =	vld.idx.msk @!p1 [tilespmem:v0+s0+$0x0], $0xffff  }
0x185: {  	v2 =	vmov @!p0 s6;
	_ =	sdelay $0x2  }
0x186: {  	[tilespmem:v6+s30+$0x0] =	vst.idx.msk @!p1 $0xffff, v1  }
0x187: {  	[tilespmem:v8+s30+$0x0] =	vst.idx.msk @!p1 $0xffff, v0  }
0x188: {  	v0 =	vld.idx.msk @!p0 [tilespmem:v2+s22+$0x0], $0xffff  }
0x189: {  	v1 =	vld.idx.msk @!p0 [tilespmem:v2+s23+$0x0], $0xffff;
	_ =	sdelay $0x3  }
0x18a: {  	v0 =	vxor.u32 @!p0 $0x80000000, v0  }
0x18b: {  	(xrf0) =	vmax.scan.msk.u32 @!p0 $0xffff, v0;
	v0 =	vxor.u32 @!p0 $0x80000000, v1  }
0x18c: {  	(xrf0) =	vmax.scan.msk.u32 @!p0 $0xffff, v0;
	_ =	sdelay $0x4  }
0x18d: {  	v0, _, _ =	vpop @!p0 (xrf0)  }
0x18e: {  	(v2sf) =	vpush @!p0 v0, $0xF;
	v0, _, _ =	vpop @!p0 (xrf0)  }
0x18f: {  	(v2sf) =	vpush @!p0 v0, $0xF;
	_ =	sdelay $0xd  }
0x190: {  	s0 =	spop @!p0 (v2sf)  }
0x191: {  	s0 =	sand.u32 @!p0 $0x1FFFFF80, s0;
	s6 =	spop @!p0 (v2sf)  }
0x192: {  	s22 =	simm.s32 @!p0 $0x14400;
	s16 =	sadd.s32 @!p0 s1, s0;
	s6 =	sand.u32 @!p0 $0x1FFFFF80, s6  }
0x193: {  	[tilespmem:s22], [sflag:$0x6] =	stream.strided.gather @!p0 [hbm4b:s16+s20], $0x1000, s21, s20, $0x38;
	[tilespmem:$0x1C400] =	vst v63  }
0x194: {  	s16 =	sadd.s32 @!p0 s2, s6;
	s22 =	simm.s32 @!p0 $0x15400  }
0x195: {  	[tilespmem:s22], [sflag:$0x6] =	stream.strided.gather @!p0 [hbm4b:s16+s20], $0x1000, s21, s20, $0x38;
	[tilespmem:$0x1C400] =	vst v63  }
0x196: {  	s0 =	sadd.s32 @!p0 s3, s0;
	s16 =	simm.s32 @!p0 $0x16400  }
0x197: {  	[tilespmem:s16], [sflag:$0x6] =	stream.strided.gather @!p0 [hbm4b:s0+s20], $0x1000, s21, s20, $0x38;
	[tilespmem:$0x1C400] =	vst v63  }
0x198: {  	s31 =	sand.u32 $0xFFFFFE7F, s31;
	s0 =	sadd.s32 @!p0 s4, s6;
	s6 =	simm.s32 @!p0 $0x17400  }
0x199: {  	[tilespmem:s6], [sflag:$0x6] =	stream.strided.gather @!p0 [hbm4b:s0+s20], $0x1000, s21, s20, $0x38;
	[tilespmem:$0x1C400] =	vst v63  }
0x19a: {  	p0 =	sne.s32 s31, $0x7F  }
0x19b: {  	s0 =	sadd.s32 @!p0 s18, s10  }
0x19c: {  	s0 =	sadd.s32 @!p0 $0xFFFFF80, s0  }
0x19d: {  	s16 =	simm.s32 @!p0 $0x400;
	s0 =	sand.u32 @!p0 $0xFFFFF80, s0  }
0x19e: {  	s20 =	simm.s32 @!p0 $0x20000;
	s21 =	simm.s32 @!p0 $0x18400;
	s6 =	sadd.s32 @!p0 s7, s0  }
0x19f: {  	[hbm4b:s6+s16] =	stream.strided.scatter @!p0 [tilespmem:s21], [sflag:$0x8], $0x1000, s20, s16, $0x38;
	[tilespmem:$0x1C400] =	vst v63  }
0x1a0: {  	s6 =	simm.s32 @!p0 $0x8  }
0x1a1: {  	_ =	swait.ge @!p0 [sflag:s6], $0x1000  }
0x1a2: {  	[sflag:s6] =	ssyncset.done @!p0 $0x0  }
0x1a3: {  	s22 =	simm.s32 @!p0 $0x19400;
	s21 =	sadd.s32 @!p0 s8, s0;
	[sflag:s6] =	ssyncadd.s32 @!p0 $0xFFFFF000  }
0x1a4: {  	[hbm4b:s21+s16] =	stream.strided.scatter @!p0 [tilespmem:s22], [sflag:$0x8], $0x1000, s20, s16, $0x38;
	[tilespmem:$0x1C400] =	vst v63  }
0x1a5: {  	_ =	swait.ge @!p0 [sflag:s6], $0x1000  }
0x1a6: {  	[sflag:s6] =	ssyncset.done @!p0 $0x0  }
0x1a7: {  	s21 =	sadd.s32 @!p0 s9, s0;
	s22 =	simm.s32 @!p0 $0x1A400;
	[sflag:s6] =	ssyncadd.s32 @!p0 $0xFFFFF000  }
0x1a8: {  	[hbm4b:s21+s16] =	stream.strided.scatter @!p0 [tilespmem:s22], [sflag:$0x8], $0x1000, s20, s16, $0x38;
	[tilespmem:$0x1C400] =	vst v63  }
0x1a9: {  	s18 =	sadd.s32 $0x6, s18;
	_ =	swait.ge @!p0 [sflag:s6], $0x1000  }
0x1aa: {  	p1 =	sne.s32 s18, $0x20A;
	[sflag:s6] =	ssyncset.done @!p0 $0x0  }
0x1ab: {  	s0 =	sadd.s32 @!p0 s11, s0;
	[sflag:s6] =	ssyncadd.s32 @!p0 $0xFFFFF000;
	s6 =	simm.s32 @!p0 $0x1B400  }
0x1ac: {  	[hbm4b:s0+s16] =	stream.strided.scatter @!p0 [tilespmem:s6], [sflag:$0x7], $0x1000, s20, s16, $0x38;
	[tilespmem:$0x1C400] =	vst v63  }
.Ltmp0:
0x1ad: {  	_ = 	snop;
	(pc) =	sbr.rel @p1 .LBB2_2-.Ltmp0, $4  }
0x1ae: {  	s0 =	simm.s32 @!p0 $0x7  }
0x1af: {  	_ =	swait.ge @!p0 [sflag:s0], $0x1000  }
0x1b0: {  	[sflag:s0] =	ssyncset.done @!p0 $0x0  }
0x1b1: {  	s19 =	sadd.s32 $0x1, s19;
	[sflag:s0] =	ssyncadd.s32 @!p0 $0xFFFFF000  }
0x1b2: {  	s17 =	sadd.s32 $0x1, s17  }
0x1b3: {  	p0 =	sne.s32 s17, s14  }
.Ltmp1:
0x1b4: {  	_ = 	snop;
	(pc) =	sbr.rel @p0 .LBB2_1-.Ltmp1, $1  }
0x1b5: {  	_ =	sdelay $0x3  }
0x1b6: {  	_ =	sfence.sel $0x180000  }
0x1b7: {  	[bflag:$0x0] =	sbarrier.arrive $0xFFFF  }
0x1b8: {  	_ =	strace $0x90000047  }
0x1b9: {  	s0 =	stileid.u32;
	[bflag:$0x2] =	sbarrier.arrive $0xFFFF  }
0x1ba: {  	p0 =	sne.s32 s0, $0x0;
	s0 =	rddreg [dreg:$0x7]  }
0x1bb: {  	s0 =	sadd.s32 @!p0 $0x100000, s0  }
0x1bc: {  	[sflag:s0] =	ssyncadd.tile.s32 @!p0 $0x1;
	_ =	shalt  }
.Lfunc_end2:
_tile_overlayer_lowered:
.L_overlay_start_2:
0x1bd: {  	(tag) =	ssettag $0x2  }
0x1be: {  	s0 =	rddreg [dreg:$0x0];
	s2 =	stileid.u32  }
0x1bf: {  	s1 =	rddreg [dreg:$0x1];
	p0 =	sne.s32 s2, $0x0  }
0x1c0: {  	s3 =	rddreg [dreg:$0x2];
	[bflag:$0x3] =	sbarrier.arrive $0xFFFF;
	s2 =	simm.s32 @!p0 $0x1C07  }
0x1c1: {  	[timem:s3], [sflag:s2] =	dma.local @!p0 [hbm:s0], s1  }
0x1c2: {  	s0 =	simm.s32 @!p0 $0x7  }
0x1c3: {  	_ =	swait.ge @!p0 [sflag:s0], s1  }
0x1c4: {  	s1 =	ssub.s32 @!p0 $0x0, s1;
	[sflag:s0] =	ssyncset.done @!p0 $0x0  }
0x1c5: {  	[sflag:s0] =	ssyncadd.s32 @!p0 s1  }
0x1c6: {  	[bflag:$0x3] =	sbarrier.arrive $0xFFFF  }
0x1c7: {  	_ =	shalt  }

</sc_bundles>
